<compile_context>
chip_gen: v7x
topology: tpu7x:2x2x1
jax: 0.10.2.dev20260603
libtpu: 0.0.44.dev20260713+nightly
codegen_flags: <defaults>
</compile_context>

<pallas_src>
import functools

import jax
import jax.numpy as jnp
from jax import lax
from jax.experimental import pallas as pl
from jax.experimental.pallas import tpu as pltpu
from jax.experimental.pallas import tpu_sc as plsc

_NUM_CLASSES = 21
_N = 1048576
_NW = 32
_CHUNK = 2048
_NCHUNKS = 10
_N_SC = _NW * _CHUNK * _NCHUNKS
_GROUPS = _CHUNK // 16
_HIST_PAD = 448
_BT = 16384
_TC_BLOCKS = (_N - _N_SC) // _BT
_TC_OFF = _N_SC // _BT


def _argmax16(chunk_ref, r0):
    nodes = []
    for c in range(_NUM_CLASSES):
        v = chunk_ref[c, pl.ds(r0, 16)]
        nodes.append((v, jnp.full((16,), c, jnp.int32)))
    while len(nodes) > 1:
        nxt = []
        for i in range(0, len(nodes) - 1, 2):
            (va, ia), (vb, ib) = nodes[i], nodes[i + 1]
            m = vb > va
            nxt.append((jnp.where(m, vb, va), jnp.where(m, ib, ia)))
        if len(nodes) % 2:
            nxt.append(nodes[-1])
        nodes = nxt
    return nodes[0][1]


def _cm_body(out_hbm, tgt_hbm, part_hbm, chunk0, chunk1, tgt0, tgt1,
             hist_v, res_v, sem0, sem1):
    s_id = lax.axis_index("s")
    wid = lax.axis_index("c") * 16 + s_id
    lanes = lax.broadcasted_iota(jnp.int32, (16,), 0)
    zeros_f = jnp.zeros((16,), jnp.float32)
    ones_f = jnp.ones((16,), jnp.float32)
    chunks = (chunk0, chunk1)
    tgts = (tgt0, tgt1)
    sems = (sem0, sem1)

    def zero_body(i, carry):
        hist_v[pl.ds(i * 16, 16)] = zeros_f
        return carry

    lax.fori_loop(0, (16 * _HIST_PAD) // 16, zero_body, 0)

    def start(ci, buf):
        base = (wid * _NCHUNKS + ci) * _CHUNK
        a = pltpu.async_copy(
            out_hbm.at[:, pl.ds(base, _CHUNK)], chunks[buf], sems[buf])
        b = pltpu.async_copy(
            tgt_hbm.at[pl.ds(base, _CHUNK)], tgts[buf], sems[buf])
        return a, b

    pending = start(0, 0)
    for ci in range(_NCHUNKS):
        buf = ci % 2
        for d in pending:
            d.wait()
        if ci + 1 < _NCHUNKS:
            pending = start(ci + 1, buf ^ 1)
        chunk_v, tgt_v = chunks[buf], tgts[buf]

        def group_body(g, inner):
            r0 = g * 16
            arg = _argmax16(chunk_v, r0)
            t = tgt_v[pl.ds(r0, 16)]
            flat = lanes * _HIST_PAD + t * _NUM_CLASSES + arg
            plsc.addupdate_scatter(hist_v, [flat], ones_f)
            return inner

        lax.fori_loop(0, _GROUPS, group_body, 0)

    def red_body(b, carry):
        acc = zeros_f
        for l in range(16):
            acc = acc + hist_v[pl.ds(l * _HIST_PAD + b * 16, 16)]
        res_v[pl.ds(b * 16, 16)] = acc
        return carry

    lax.fori_loop(0, _HIST_PAD // 16, red_body, 0)
    pltpu.sync_copy(res_v, part_hbm.at[pl.ds(wid * _HIST_PAD, _HIST_PAD)])


def _tc_body(x_ref, t_ref, o_ref):
    x = x_ref[...]
    cls = lax.broadcasted_iota(jnp.int32, (_NUM_CLASSES, _BT), 0)
    maxv = jnp.max(x, axis=0)
    am = jnp.min(jnp.where(x == maxv[None, :], cls, _NUM_CLASSES), axis=0)
    ohp = (cls == am[None, :]).astype(jnp.float32)
    oht = (cls == t_ref[...]).astype(jnp.float32)
    cm = lax.dot_general(oht, ohp, (((1,), (1,)), ((), ())),
                         preferred_element_type=jnp.float32)

    @pl.when(pl.program_id(0) == 0)
    def _():
        o_ref[...] = jnp.zeros_like(o_ref)

    o_ref[...] += cm


@jax.jit
def kernel(output, target):
    out_t = output.T
    mesh = plsc.VectorSubcoreMesh(core_axis_name="c", subcore_axis_name="s")
    run = functools.partial(
        pl.kernel,
        mesh=mesh,
        out_type=jax.ShapeDtypeStruct((_NW * _HIST_PAD,), jnp.float32),
        scratch_types=[
            pltpu.VMEM((_NUM_CLASSES, _CHUNK), jnp.float32),
            pltpu.VMEM((_NUM_CLASSES, _CHUNK), jnp.float32),
            pltpu.VMEM((_CHUNK,), jnp.int32),
            pltpu.VMEM((_CHUNK,), jnp.int32),
            pltpu.VMEM((16 * _HIST_PAD,), jnp.float32),
            pltpu.VMEM((_HIST_PAD,), jnp.float32),
            pltpu.SemaphoreType.DMA,
            pltpu.SemaphoreType.DMA,
        ],
        compiler_params=pltpu.CompilerParams(
            needs_layout_passes=False, use_tc_tiling_on_sc=True),
    )(_cm_body)
    parts = run(out_t, target)

    tc_cm = pl.pallas_call(
        _tc_body,
        grid=(_TC_BLOCKS,),
        in_specs=[
            pl.BlockSpec((_NUM_CLASSES, _BT), lambda i: (0, _TC_OFF + i)),
            pl.BlockSpec((1, _BT), lambda i: (0, _TC_OFF + i)),
        ],
        out_specs=pl.BlockSpec((_NUM_CLASSES, _NUM_CLASSES), lambda i: (0, 0)),
        out_shape=jax.ShapeDtypeStruct((_NUM_CLASSES, _NUM_CLASSES),
                                       jnp.float32),
    )(out_t, target.reshape(1, _N))

    sc_cm = parts.reshape(_NW, _HIST_PAD).sum(axis=0)[
        : _NUM_CLASSES * _NUM_CLASSES].reshape(_NUM_CLASSES, _NUM_CLASSES)
    return sc_cm + tc_cm

# --- scband reference (transcript-rebuilt; emitter-appended) ---
"""Pipeline reference for scband-running-confusion-matrix-4363686772807 (READ-ONLY COPY).

The authoritative reference and input builder live on the scoring server;
editing this copy changes nothing except your own understanding.
"""

import jax, jax.numpy as jnp
import numpy as np

NUM_CLASSES = 21
N = 1048576

def setup_inputs(seed: int = 0) -> dict:
    key = jax.random.key(seed)
    k1, k2 = jax.random.split(key)
    output = jax.random.normal(k1, (N, NUM_CLASSES), dtype=jnp.float32)
    target = jax.random.randint(k2, (N,), 0, NUM_CLASSES, dtype=jnp.int32)
    return {"output": output, "target": target}

def reference(output, target):
    # Faithful translation of RunningConfusionMatrix.forward with matrix=None
    # (first call): prediction = output.argmax(1); confusion_matrix(target, pred, labels)
    # confusion_matrix[i, j] = count of samples with true label i and predicted label j.
    prediction = jnp.argmax(output, axis=1).astype(jnp.int32)
    flat_idx = target * NUM_CLASSES + prediction
    cm = jnp.bincount(flat_idx, length=NUM_CLASSES * NUM_CLASSES)
    cm = cm.reshape(NUM_CLASSES, NUM_CLASSES).astype(jnp.float32)
    return cm

if __name__ == "__main__":
    import jax
    _d = setup_inputs()
    print(jax.jit(kernel)(*tuple(_d.values())))

</pallas_src>

<mosaic_0001>
#map = affine_map<(d0, d1) -> (0, 0)>
#map1 = affine_map<(d0, d1) -> (0)>
module attributes {stable_mosaic.version = 14 : i64} {
  func.func @_cm_body(%arg0: i32, %arg1: i32, %arg2: memref<21x1048576xf32, #tpu.memory_space<hbm>>, %arg3: memref<1048576xi32, #tpu.memory_space<hbm>>, %arg4: memref<14336xf32, #tpu.memory_space<hbm>>, %arg5: memref<21x2048xf32, #tpu.memory_space<vmem>>, %arg6: memref<21x2048xf32, #tpu.memory_space<vmem>>, %arg7: memref<2048xi32, #tpu.memory_space<vmem>>, %arg8: memref<2048xi32, #tpu.memory_space<vmem>>, %arg9: memref<7168xf32, #tpu.memory_space<vmem>>, %arg10: memref<448xf32, #tpu.memory_space<vmem>>, %arg11: memref<!tpu.dma_semaphore, #tpu.memory_space<semaphore_mem>>, %arg12: memref<!tpu.dma_semaphore, #tpu.memory_space<semaphore_mem>>) attributes {dimension_semantics = [#tpu.dimension_semantics<core_parallel>, #tpu.dimension_semantics<subcore_parallel>], iteration_bounds = array<i64: 2, 16>, scalar_prefetch = 0 : i64, scratch_operands = 8 : i64, tpu.core_type = #tpu.core_type<sc_vector_subcore>, window_params = [{transform_indices = #map}, {transform_indices = #map1}, {transform_indices = #map1}]} {
    %mul3A = arith.constant 16 : i32
    %mul3A_0 = arith.muli %arg0, %mul3A : i32
    %add3A = arith.addi %mul3A_0, %arg1 : i32
    %iota3A = tpu.iota {dimensions = array<i32: 0>} : vector<16xi32>
    %broadcast_in_dim3A = arith.constant 0.000000e+00 : f32
    %broadcast_in_dim3A_1 = vector.broadcast %broadcast_in_dim3A : f32 to vector<16xf32>
    %broadcast_in_dim3A_2 = arith.constant 1.000000e+00 : f32
    %broadcast_in_dim3A_3 = vector.broadcast %broadcast_in_dim3A_2 : f32 to vector<16xf32>
    %scan3A = arith.constant 0 : i32
    %scan3A_4 = arith.constant 0 : i32
    %scan3A_5 = arith.constant 448 : i32
    %scan3A_6 = arith.addi %scan3A_4, %scan3A_5 : i32
    %scan3A_7 = arith.constant 1 : i32
    scf.for %scan3A_255 = %scan3A_4 to %scan3A_6 step %scan3A_7  : i32 {
      %mul3A_256 = arith.constant 16 : i32
      %mul3A_257 = arith.muli %scan3A_255, %mul3A_256 : i32
      %swap3A = arith.index_cast %mul3A_257 : i32 to index
      %swap3A_258 = tpu.vector_load %arg9[%swap3A] {strides = array<i32>} : memref<7168xf32, #tpu.memory_space<vmem>>, vector<16xf32>,
      tpu.vector_store %arg9[%swap3A], %broadcast_in_dim3A_1 {strides = array<i32>} : memref<7168xf32, #tpu.memory_space<vmem>>, vector<16xf32>,
    }
    %scan3A_8 = arith.constant 448 : i32
    %mul3A_9 = arith.constant 10 : i32
    %mul3A_10 = arith.muli %add3A, %mul3A_9 : i32
    %add3A_11 = arith.constant 0 : i32
    %add3A_12 = arith.addi %mul3A_10, %add3A_11 : i32
    %mul3A_13 = arith.constant 2048 : i32
    %mul3A_14 = arith.muli %add3A_12, %mul3A_13 : i32
    %dma_start3A = arith.constant 0 : i32
    %dma_start3A_15 = tpu.memref_slice %arg2[%dma_start3A, %mul3A_14] : memref<21x1048576xf32, #tpu.memory_space<hbm>> -> memref<21x2048xf32, #tpu.memory_space<hbm>>
    %dma_start3A_16 = arith.constant 0 : i32
    %dma_start3A_17 = tpu.memref_slice %arg2[%dma_start3A_16, %mul3A_14] : memref<21x1048576xf32, #tpu.memory_space<hbm>> -> memref<21x2048xf32, #tpu.memory_space<hbm>>
    tpu.enqueue_dma source(%dma_start3A_17 : memref<21x2048xf32, #tpu.memory_space<hbm>>) target(%arg5 : memref<21x2048xf32, #tpu.memory_space<vmem>>) target_semaphore(%arg11 : memref<!tpu.dma_semaphore, #tpu.memory_space<semaphore_mem>>)
    %dma_start3A_18 = tpu.memref_slice %arg3[%mul3A_14] : memref<1048576xi32, #tpu.memory_space<hbm>> -> memref<2048xi32, #tpu.memory_space<hbm>>
    %dma_start3A_19 = tpu.memref_slice %arg3[%mul3A_14] : memref<1048576xi32, #tpu.memory_space<hbm>> -> memref<2048xi32, #tpu.memory_space<hbm>>
    tpu.enqueue_dma source(%dma_start3A_19 : memref<2048xi32, #tpu.memory_space<hbm>>) target(%arg7 : memref<2048xi32, #tpu.memory_space<vmem>>) target_semaphore(%arg11 : memref<!tpu.dma_semaphore, #tpu.memory_space<semaphore_mem>>)
    %dma_wait3A = arith.constant 0 : i32
    %dma_wait3A_20 = tpu.memref_slice %arg2[%dma_wait3A, %mul3A_14] : memref<21x1048576xf32, #tpu.memory_space<hbm>> -> memref<21x2048xf32, #tpu.memory_space<hbm>>
    %dma_wait3A_21 = arith.constant 0 : i32
    %dma_wait3A_22 = tpu.memref_slice %arg2[%dma_wait3A_21, %mul3A_14] : memref<21x1048576xf32, #tpu.memory_space<hbm>> -> memref<21x2048xf32, #tpu.memory_space<hbm>>
    tpu.wait_dma2 semaphore(%arg11 : memref<!tpu.dma_semaphore, #tpu.memory_space<semaphore_mem>>) src(%dma_wait3A_22 : memref<21x2048xf32, #tpu.memory_space<hbm>>) dst(%arg5 : memref<21x2048xf32, #tpu.memory_space<vmem>>)
    %dma_wait3A_23 = tpu.memref_slice %arg3[%mul3A_14] : memref<1048576xi32, #tpu.memory_space<hbm>> -> memref<2048xi32, #tpu.memory_space<hbm>>
    %dma_wait3A_24 = tpu.memref_slice %arg3[%mul3A_14] : memref<1048576xi32, #tpu.memory_space<hbm>> -> memref<2048xi32, #tpu.memory_space<hbm>>
    tpu.wait_dma2 semaphore(%arg11 : memref<!tpu.dma_semaphore, #tpu.memory_space<semaphore_mem>>) src(%dma_wait3A_24 : memref<2048xi32, #tpu.memory_space<hbm>>) dst(%arg7 : memref<2048xi32, #tpu.memory_space<vmem>>)
    %mul3A_25 = arith.constant 10 : i32
    %mul3A_26 = arith.muli %add3A, %mul3A_25 : i32
    %add3A_27 = arith.constant 1 : i32
    %add3A_28 = arith.addi %mul3A_26, %add3A_27 : i32
    %mul3A_29 = arith.constant 2048 : i32
    %mul3A_30 = arith.muli %add3A_28, %mul3A_29 : i32
    %dma_start3A_31 = arith.constant 0 : i32
    %dma_start3A_32 = tpu.memref_slice %arg2[%dma_start3A_31, %mul3A_30] : memref<21x1048576xf32, #tpu.memory_space<hbm>> -> memref<21x2048xf32, #tpu.memory_space<hbm>>
    %dma_start3A_33 = arith.constant 0 : i32
    %dma_start3A_34 = tpu.memref_slice %arg2[%dma_start3A_33, %mul3A_30] : memref<21x1048576xf32, #tpu.memory_space<hbm>> -> memref<21x2048xf32, #tpu.memory_space<hbm>>
    tpu.enqueue_dma source(%dma_start3A_34 : memref<21x2048xf32, #tpu.memory_space<hbm>>) target(%arg6 : memref<21x2048xf32, #tpu.memory_space<vmem>>) target_semaphore(%arg12 : memref<!tpu.dma_semaphore, #tpu.memory_space<semaphore_mem>>)
    %dma_start3A_35 = tpu.memref_slice %arg3[%mul3A_30] : memref<1048576xi32, #tpu.memory_space<hbm>> -> memref<2048xi32, #tpu.memory_space<hbm>>
    %dma_start3A_36 = tpu.memref_slice %arg3[%mul3A_30] : memref<1048576xi32, #tpu.memory_space<hbm>> -> memref<2048xi32, #tpu.memory_space<hbm>>
    tpu.enqueue_dma source(%dma_start3A_36 : memref<2048xi32, #tpu.memory_space<hbm>>) target(%arg8 : memref<2048xi32, #tpu.memory_space<vmem>>) target_semaphore(%arg12 : memref<!tpu.dma_semaphore, #tpu.memory_space<semaphore_mem>>)
    %scan3A_37 = arith.constant 0 : i32
    %scan3A_38 = arith.constant 0 : i32
    %scan3A_39 = arith.constant 128 : i32
    %scan3A_40 = arith.addi %scan3A_38, %scan3A_39 : i32
    %scan3A_41 = arith.constant 1 : i32
    scf.for %scan3A_255 = %scan3A_38 to %scan3A_40 step %scan3A_41  : i32 {
      %mul3A_256 = arith.constant 16 : i32
      %mul3A_257 = arith.muli %scan3A_255, %mul3A_256 : i32
      %get3A = arith.constant 0 : i32
      %get3A_258 = arith.index_cast %get3A : i32 to index
      %get3A_259 = arith.index_cast %mul3A_257 : i32 to index
      %get3A_260 = tpu.vector_load %arg5[%get3A_258, %get3A_259] {strides = array<i32>} : memref<21x2048xf32, #tpu.memory_space<vmem>>, vector<16xf32>,
      %broadcast_in_dim3A_261 = arith.constant 0 : i32
      %broadcast_in_dim3A_262 = vector.broadcast %broadcast_in_dim3A_261 : i32 to vector<16xi32>
      %get3A_263 = arith.constant 1 : i32
      %get3A_264 = arith.index_cast %get3A_263 : i32 to index
      %get3A_265 = arith.index_cast %mul3A_257 : i32 to index
      %get3A_266 = tpu.vector_load %arg5[%get3A_264, %get3A_265] {strides = array<i32>} : memref<21x2048xf32, #tpu.memory_space<vmem>>, vector<16xf32>,
      %broadcast_in_dim3A_267 = arith.constant 1 : i32
      %broadcast_in_dim3A_268 = vector.broadcast %broadcast_in_dim3A_267 : i32 to vector<16xi32>
      %get3A_269 = arith.constant 2 : i32
      %get3A_270 = arith.index_cast %get3A_269 : i32 to index
      %get3A_271 = arith.index_cast %mul3A_257 : i32 to index
      %get3A_272 = tpu.vector_load %arg5[%get3A_270, %get3A_271] {strides = array<i32>} : memref<21x2048xf32, #tpu.memory_space<vmem>>, vector<16xf32>,
      %broadcast_in_dim3A_273 = arith.constant 2 : i32
      %broadcast_in_dim3A_274 = vector.broadcast %broadcast_in_dim3A_273 : i32 to vector<16xi32>
      %get3A_275 = arith.constant 3 : i32
      %get3A_276 = arith.index_cast %get3A_275 : i32 to index
      %get3A_277 = arith.index_cast %mul3A_257 : i32 to index
      %get3A_278 = tpu.vector_load %arg5[%get3A_276, %get3A_277] {strides = array<i32>} : memref<21x2048xf32, #tpu.memory_space<vmem>>, vector<16xf32>,
      %broadcast_in_dim3A_279 = arith.constant 3 : i32
      %broadcast_in_dim3A_280 = vector.broadcast %broadcast_in_dim3A_279 : i32 to vector<16xi32>
      %get3A_281 = arith.constant 4 : i32
      %get3A_282 = arith.index_cast %get3A_281 : i32 to index
      %get3A_283 = arith.index_cast %mul3A_257 : i32 to index
      %get3A_284 = tpu.vector_load %arg5[%get3A_282, %get3A_283] {strides = array<i32>} : memref<21x2048xf32, #tpu.memory_space<vmem>>, vector<16xf32>,
      %broadcast_in_dim3A_285 = arith.constant 4 : i32
      %broadcast_in_dim3A_286 = vector.broadcast %broadcast_in_dim3A_285 : i32 to vector<16xi32>
      %get3A_287 = arith.constant 5 : i32
      %get3A_288 = arith.index_cast %get3A_287 : i32 to index
      %get3A_289 = arith.index_cast %mul3A_257 : i32 to index
      %get3A_290 = tpu.vector_load %arg5[%get3A_288, %get3A_289] {strides = array<i32>} : memref<21x2048xf32, #tpu.memory_space<vmem>>, vector<16xf32>,
      %broadcast_in_dim3A_291 = arith.constant 5 : i32
      %broadcast_in_dim3A_292 = vector.broadcast %broadcast_in_dim3A_291 : i32 to vector<16xi32>
      %get3A_293 = arith.constant 6 : i32
      %get3A_294 = arith.index_cast %get3A_293 : i32 to index
      %get3A_295 = arith.index_cast %mul3A_257 : i32 to index
      %get3A_296 = tpu.vector_load %arg5[%get3A_294, %get3A_295] {strides = array<i32>} : memref<21x2048xf32, #tpu.memory_space<vmem>>, vector<16xf32>,
      %broadcast_in_dim3A_297 = arith.constant 6 : i32
      %broadcast_in_dim3A_298 = vector.broadcast %broadcast_in_dim3A_297 : i32 to vector<16xi32>
      %get3A_299 = arith.constant 7 : i32
      %get3A_300 = arith.index_cast %get3A_299 : i32 to index
      %get3A_301 = arith.index_cast %mul3A_257 : i32 to index
      %get3A_302 = tpu.vector_load %arg5[%get3A_300, %get3A_301] {strides = array<i32>} : memref<21x2048xf32, #tpu.memory_space<vmem>>, vector<16xf32>,
      %broadcast_in_dim3A_303 = arith.constant 7 : i32
      %broadcast_in_dim3A_304 = vector.broadcast %broadcast_in_dim3A_303 : i32 to vector<16xi32>
      %get3A_305 = arith.constant 8 : i32
      %get3A_306 = arith.index_cast %get3A_305 : i32 to index
      %get3A_307 = arith.index_cast %mul3A_257 : i32 to index
      %get3A_308 = tpu.vector_load %arg5[%get3A_306, %get3A_307] {strides = array<i32>} : memref<21x2048xf32, #tpu.memory_space<vmem>>, vector<16xf32>,
      %broadcast_in_dim3A_309 = arith.constant 8 : i32
      %broadcast_in_dim3A_310 = vector.broadcast %broadcast_in_dim3A_309 : i32 to vector<16xi32>
      %get3A_311 = arith.constant 9 : i32
      %get3A_312 = arith.index_cast %get3A_311 : i32 to index
      %get3A_313 = arith.index_cast %mul3A_257 : i32 to index
      %get3A_314 = tpu.vector_load %arg5[%get3A_312, %get3A_313] {strides = array<i32>} : memref<21x2048xf32, #tpu.memory_space<vmem>>, vector<16xf32>,
      %broadcast_in_dim3A_315 = arith.constant 9 : i32
      %broadcast_in_dim3A_316 = vector.broadcast %broadcast_in_dim3A_315 : i32 to vector<16xi32>
      %get3A_317 = arith.constant 10 : i32
      %get3A_318 = arith.index_cast %get3A_317 : i32 to index
      %get3A_319 = arith.index_cast %mul3A_257 : i32 to index
      %get3A_320 = tpu.vector_load %arg5[%get3A_318, %get3A_319] {strides = array<i32>} : memref<21x2048xf32, #tpu.memory_space<vmem>>, vector<16xf32>,
      %broadcast_in_dim3A_321 = arith.constant 10 : i32
      %broadcast_in_dim3A_322 = vector.broadcast %broadcast_in_dim3A_321 : i32 to vector<16xi32>
      %get3A_323 = arith.constant 11 : i32
      %get3A_324 = arith.index_cast %get3A_323 : i32 to index
      %get3A_325 = arith.index_cast %mul3A_257 : i32 to index
      %get3A_326 = tpu.vector_load %arg5[%get3A_324, %get3A_325] {strides = array<i32>} : memref<21x2048xf32, #tpu.memory_space<vmem>>, vector<16xf32>,
      %broadcast_in_dim3A_327 = arith.constant 11 : i32
      %broadcast_in_dim3A_328 = vector.broadcast %broadcast_in_dim3A_327 : i32 to vector<16xi32>
      %get3A_329 = arith.constant 12 : i32
      %get3A_330 = arith.index_cast %get3A_329 : i32 to index
      %get3A_331 = arith.index_cast %mul3A_257 : i32 to index
      %get3A_332 = tpu.vector_load %arg5[%get3A_330, %get3A_331] {strides = array<i32>} : memref<21x2048xf32, #tpu.memory_space<vmem>>, vector<16xf32>,
      %broadcast_in_dim3A_333 = arith.constant 12 : i32
      %broadcast_in_dim3A_334 = vector.broadcast %broadcast_in_dim3A_333 : i32 to vector<16xi32>
      %get3A_335 = arith.constant 13 : i32
      %get3A_336 = arith.index_cast %get3A_335 : i32 to index
      %get3A_337 = arith.index_cast %mul3A_257 : i32 to index
      %get3A_338 = tpu.vector_load %arg5[%get3A_336, %get3A_337] {strides = array<i32>} : memref<21x2048xf32, #tpu.memory_space<vmem>>, vector<16xf32>,
      %broadcast_in_dim3A_339 = arith.constant 13 : i32
      %broadcast_in_dim3A_340 = vector.broadcast %broadcast_in_dim3A_339 : i32 to vector<16xi32>
      %get3A_341 = arith.constant 14 : i32
      %get3A_342 = arith.index_cast %get3A_341 : i32 to index
      %get3A_343 = arith.index_cast %mul3A_257 : i32 to index
      %get3A_344 = tpu.vector_load %arg5[%get3A_342, %get3A_343] {strides = array<i32>} : memref<21x2048xf32, #tpu.memory_space<vmem>>, vector<16xf32>,
      %broadcast_in_dim3A_345 = arith.constant 14 : i32
      %broadcast_in_dim3A_346 = vector.broadcast %broadcast_in_dim3A_345 : i32 to vector<16xi32>
      %get3A_347 = arith.constant 15 : i32
      %get3A_348 = arith.index_cast %get3A_347 : i32 to index
      %get3A_349 = arith.index_cast %mul3A_257 : i32 to index
      %get3A_350 = tpu.vector_load %arg5[%get3A_348, %get3A_349] {strides = array<i32>} : memref<21x2048xf32, #tpu.memory_space<vmem>>, vector<16xf32>,
      %broadcast_in_dim3A_351 = arith.constant 15 : i32
      %broadcast_in_dim3A_352 = vector.broadcast %broadcast_in_dim3A_351 : i32 to vector<16xi32>
      %get3A_353 = arith.constant 16 : i32
      %get3A_354 = arith.index_cast %get3A_353 : i32 to index
      %get3A_355 = arith.index_cast %mul3A_257 : i32 to index
      %get3A_356 = tpu.vector_load %arg5[%get3A_354, %get3A_355] {strides = array<i32>} : memref<21x2048xf32, #tpu.memory_space<vmem>>, vector<16xf32>,
      %broadcast_in_dim3A_357 = arith.constant 16 : i32
      %broadcast_in_dim3A_358 = vector.broadcast %broadcast_in_dim3A_357 : i32 to vector<16xi32>
      %get3A_359 = arith.constant 17 : i32
      %get3A_360 = arith.index_cast %get3A_359 : i32 to index
      %get3A_361 = arith.index_cast %mul3A_257 : i32 to index
      %get3A_362 = tpu.vector_load %arg5[%get3A_360, %get3A_361] {strides = array<i32>} : memref<21x2048xf32, #tpu.memory_space<vmem>>, vector<16xf32>,
      %broadcast_in_dim3A_363 = arith.constant 17 : i32
      %broadcast_in_dim3A_364 = vector.broadcast %broadcast_in_dim3A_363 : i32 to vector<16xi32>
      %get3A_365 = arith.constant 18 : i32
      %get3A_366 = arith.index_cast %get3A_365 : i32 to index
      %get3A_367 = arith.index_cast %mul3A_257 : i32 to index
      %get3A_368 = tpu.vector_load %arg5[%get3A_366, %get3A_367] {strides = array<i32>} : memref<21x2048xf32, #tpu.memory_space<vmem>>, vector<16xf32>,
      %broadcast_in_dim3A_369 = arith.constant 18 : i32
      %broadcast_in_dim3A_370 = vector.broadcast %broadcast_in_dim3A_369 : i32 to vector<16xi32>
      %get3A_371 = arith.constant 19 : i32
      %get3A_372 = arith.index_cast %get3A_371 : i32 to index
      %get3A_373 = arith.index_cast %mul3A_257 : i32 to index
      %get3A_374 = tpu.vector_load %arg5[%get3A_372, %get3A_373] {strides = array<i32>} : memref<21x2048xf32, #tpu.memory_space<vmem>>, vector<16xf32>,
      %broadcast_in_dim3A_375 = arith.constant 19 : i32
      %broadcast_in_dim3A_376 = vector.broadcast %broadcast_in_dim3A_375 : i32 to vector<16xi32>
      %get3A_377 = arith.constant 20 : i32
      %get3A_378 = arith.index_cast %get3A_377 : i32 to index
      %get3A_379 = arith.index_cast %mul3A_257 : i32 to index
      %get3A_380 = tpu.vector_load %arg5[%get3A_378, %get3A_379] {strides = array<i32>} : memref<21x2048xf32, #tpu.memory_space<vmem>>, vector<16xf32>,
      %broadcast_in_dim3A_381 = arith.constant 20 : i32
      %broadcast_in_dim3A_382 = vector.broadcast %broadcast_in_dim3A_381 : i32 to vector<16xi32>
      %gt3A = arith.cmpf ogt, %get3A_266, %get3A_260 : vector<16xf32>
      %select_n3A = arith.select %gt3A, %get3A_266, %get3A_260 : vector<16xi1>, vector<16xf32>
      %select_n3A_383 = arith.select %gt3A, %broadcast_in_dim3A_268, %broadcast_in_dim3A_262 : vector<16xi1>, vector<16xi32>
      %gt3A_384 = arith.cmpf ogt, %get3A_278, %get3A_272 : vector<16xf32>
      %select_n3A_385 = arith.select %gt3A_384, %get3A_278, %get3A_272 : vector<16xi1>, vector<16xf32>
      %select_n3A_386 = arith.select %gt3A_384, %broadcast_in_dim3A_280, %broadcast_in_dim3A_274 : vector<16xi1>, vector<16xi32>
      %gt3A_387 = arith.cmpf ogt, %get3A_290, %get3A_284 : vector<16xf32>
      %select_n3A_388 = arith.select %gt3A_387, %get3A_290, %get3A_284 : vector<16xi1>, vector<16xf32>
      %select_n3A_389 = arith.select %gt3A_387, %broadcast_in_dim3A_292, %broadcast_in_dim3A_286 : vector<16xi1>, vector<16xi32>
      %gt3A_390 = arith.cmpf ogt, %get3A_302, %get3A_296 : vector<16xf32>
      %select_n3A_391 = arith.select %gt3A_390, %get3A_302, %get3A_296 : vector<16xi1>, vector<16xf32>
      %select_n3A_392 = arith.select %gt3A_390, %broadcast_in_dim3A_304, %broadcast_in_dim3A_298 : vector<16xi1>, vector<16xi32>
      %gt3A_393 = arith.cmpf ogt, %get3A_314, %get3A_308 : vector<16xf32>
      %select_n3A_394 = arith.select %gt3A_393, %get3A_314, %get3A_308 : vector<16xi1>, vector<16xf32>
      %select_n3A_395 = arith.select %gt3A_393, %broadcast_in_dim3A_316, %broadcast_in_dim3A_310 : vector<16xi1>, vector<16xi32>
      %gt3A_396 = arith.cmpf ogt, %get3A_326, %get3A_320 : vector<16xf32>
      %select_n3A_397 = arith.select %gt3A_396, %get3A_326, %get3A_320 : vector<16xi1>, vector<16xf32>
      %select_n3A_398 = arith.select %gt3A_396, %broadcast_in_dim3A_328, %broadcast_in_dim3A_322 : vector<16xi1>, vector<16xi32>
      %gt3A_399 = arith.cmpf ogt, %get3A_338, %get3A_332 : vector<16xf32>
      %select_n3A_400 = arith.select %gt3A_399, %get3A_338, %get3A_332 : vector<16xi1>, vector<16xf32>
      %select_n3A_401 = arith.select %gt3A_399, %broadcast_in_dim3A_340, %broadcast_in_dim3A_334 : vector<16xi1>, vector<16xi32>
      %gt3A_402 = arith.cmpf ogt, %get3A_350, %get3A_344 : vector<16xf32>
      %select_n3A_403 = arith.select %gt3A_402, %get3A_350, %get3A_344 : vector<16xi1>, vector<16xf32>
      %select_n3A_404 = arith.select %gt3A_402, %broadcast_in_dim3A_352, %broadcast_in_dim3A_346 : vector<16xi1>, vector<16xi32>
      %gt3A_405 = arith.cmpf ogt, %get3A_362, %get3A_356 : vector<16xf32>
      %select_n3A_406 = arith.select %gt3A_405, %get3A_362, %get3A_356 : vector<16xi1>, vector<16xf32>
      %select_n3A_407 = arith.select %gt3A_405, %broadcast_in_dim3A_364, %broadcast_in_dim3A_358 : vector<16xi1>, vector<16xi32>
      %gt3A_408 = arith.cmpf ogt, %get3A_374, %get3A_368 : vector<16xf32>
      %select_n3A_409 = arith.select %gt3A_408, %get3A_374, %get3A_368 : vector<16xi1>, vector<16xf32>
      %select_n3A_410 = arith.select %gt3A_408, %broadcast_in_dim3A_376, %broadcast_in_dim3A_370 : vector<16xi1>, vector<16xi32>
      %gt3A_411 = arith.cmpf ogt, %select_n3A_385, %select_n3A : vector<16xf32>
      %select_n3A_412 = arith.select %gt3A_411, %select_n3A_385, %select_n3A : vector<16xi1>, vector<16xf32>
      %select_n3A_413 = arith.select %gt3A_411, %select_n3A_386, %select_n3A_383 : vector<16xi1>, vector<16xi32>
      %gt3A_414 = arith.cmpf ogt, %select_n3A_391, %select_n3A_388 : vector<16xf32>
      %select_n3A_415 = arith.select %gt3A_414, %select_n3A_391, %select_n3A_388 : vector<16xi1>, vector<16xf32>
      %select_n3A_416 = arith.select %gt3A_414, %select_n3A_392, %select_n3A_389 : vector<16xi1>, vector<16xi32>
      %gt3A_417 = arith.cmpf ogt, %select_n3A_397, %select_n3A_394 : vector<16xf32>
      %select_n3A_418 = arith.select %gt3A_417, %select_n3A_397, %select_n3A_394 : vector<16xi1>, vector<16xf32>
      %select_n3A_419 = arith.select %gt3A_417, %select_n3A_398, %select_n3A_395 : vector<16xi1>, vector<16xi32>
      %gt3A_420 = arith.cmpf ogt, %select_n3A_403, %select_n3A_400 : vector<16xf32>
      %select_n3A_421 = arith.select %gt3A_420, %select_n3A_403, %select_n3A_400 : vector<16xi1>, vector<16xf32>
      %select_n3A_422 = arith.select %gt3A_420, %select_n3A_404, %select_n3A_401 : vector<16xi1>, vector<16xi32>
      %gt3A_423 = arith.cmpf ogt, %select_n3A_409, %select_n3A_406 : vector<16xf32>
      %select_n3A_424 = arith.select %gt3A_423, %select_n3A_409, %select_n3A_406 : vector<16xi1>, vector<16xf32>
      %select_n3A_425 = arith.select %gt3A_423, %select_n3A_410, %select_n3A_407 : vector<16xi1>, vector<16xi32>
      %gt3A_426 = arith.cmpf ogt, %select_n3A_415, %select_n3A_412 : vector<16xf32>
      %select_n3A_427 = arith.select %gt3A_426, %select_n3A_415, %select_n3A_412 : vector<16xi1>, vector<16xf32>
      %select_n3A_428 = arith.select %gt3A_426, %select_n3A_416, %select_n3A_413 : vector<16xi1>, vector<16xi32>
      %gt3A_429 = arith.cmpf ogt, %select_n3A_421, %select_n3A_418 : vector<16xf32>
      %select_n3A_430 = arith.select %gt3A_429, %select_n3A_421, %select_n3A_418 : vector<16xi1>, vector<16xf32>
      %select_n3A_431 = arith.select %gt3A_429, %select_n3A_422, %select_n3A_419 : vector<16xi1>, vector<16xi32>
      %gt3A_432 = arith.cmpf ogt, %get3A_380, %select_n3A_424 : vector<16xf32>
      %select_n3A_433 = arith.select %gt3A_432, %get3A_380, %select_n3A_424 : vector<16xi1>, vector<16xf32>
      %select_n3A_434 = arith.select %gt3A_432, %broadcast_in_dim3A_382, %select_n3A_425 : vector<16xi1>, vector<16xi32>
      %gt3A_435 = arith.cmpf ogt, %select_n3A_430, %select_n3A_427 : vector<16xf32>
      %select_n3A_436 = arith.select %gt3A_435, %select_n3A_430, %select_n3A_427 : vector<16xi1>, vector<16xf32>
      %select_n3A_437 = arith.select %gt3A_435, %select_n3A_431, %select_n3A_428 : vector<16xi1>, vector<16xi32>
      %gt3A_438 = arith.cmpf ogt, %select_n3A_433, %select_n3A_436 : vector<16xf32>
      %select_n3A_439 = arith.select %gt3A_438, %select_n3A_433, %select_n3A_436 : vector<16xi1>, vector<16xf32>
      %select_n3A_440 = arith.select %gt3A_438, %select_n3A_434, %select_n3A_437 : vector<16xi1>, vector<16xi32>
      %get3A_441 = arith.index_cast %mul3A_257 : i32 to index
      %get3A_442 = tpu.vector_load %arg7[%get3A_441] {strides = array<i32>} : memref<2048xi32, #tpu.memory_space<vmem>>, vector<16xi32>,
      %mul3A_443 = arith.constant 448 : i32
      %mul3A_444 = vector.broadcast %mul3A_443 : i32 to vector<16xi32>
      %mul3A_445 = arith.muli %iota3A, %mul3A_444 : vector<16xi32>
      %mul3A_446 = arith.constant 21 : i32
      %mul3A_447 = vector.broadcast %mul3A_446 : i32 to vector<16xi32>
      %mul3A_448 = arith.muli %get3A_442, %mul3A_447 : vector<16xi32>
      %add3A_449 = arith.addi %mul3A_445, %mul3A_448 : vector<16xi32>
      %add3A_450 = arith.addi %add3A_449, %select_n3A_440 : vector<16xi32>
      tpu.vector_store_idx %arg9[%add3A_450], %broadcast_in_dim3A_3 {add = true} : memref<7168xf32, #tpu.memory_space<vmem>>[vector<16xi32>], vector<16xf32>,
    }
    %scan3A_42 = arith.constant 128 : i32
    %dma_wait3A_43 = arith.constant 0 : i32
    %dma_wait3A_44 = tpu.memref_slice %arg2[%dma_wait3A_43, %mul3A_30] : memref<21x1048576xf32, #tpu.memory_space<hbm>> -> memref<21x2048xf32, #tpu.memory_space<hbm>>
    %dma_wait3A_45 = arith.constant 0 : i32
    %dma_wait3A_46 = tpu.memref_slice %arg2[%dma_wait3A_45, %mul3A_30] : memref<21x1048576xf32, #tpu.memory_space<hbm>> -> memref<21x2048xf32, #tpu.memory_space<hbm>>
    tpu.wait_dma2 semaphore(%arg12 : memref<!tpu.dma_semaphore, #tpu.memory_space<semaphore_mem>>) src(%dma_wait3A_46 : memref<21x2048xf32, #tpu.memory_space<hbm>>) dst(%arg6 : memref<21x2048xf32, #tpu.memory_space<vmem>>)
    %dma_wait3A_47 = tpu.memref_slice %arg3[%mul3A_30] : memref<1048576xi32, #tpu.memory_space<hbm>> -> memref<2048xi32, #tpu.memory_space<hbm>>
    %dma_wait3A_48 = tpu.memref_slice %arg3[%mul3A_30] : memref<1048576xi32, #tpu.memory_space<hbm>> -> memref<2048xi32, #tpu.memory_space<hbm>>
    tpu.wait_dma2 semaphore(%arg12 : memref<!tpu.dma_semaphore, #tpu.memory_space<semaphore_mem>>) src(%dma_wait3A_48 : memref<2048xi32, #tpu.memory_space<hbm>>) dst(%arg8 : memref<2048xi32, #tpu.memory_space<vmem>>)
    %mul3A_49 = arith.constant 10 : i32
    %mul3A_50 = arith.muli %add3A, %mul3A_49 : i32
    %add3A_51 = arith.constant 2 : i32
    %add3A_52 = arith.addi %mul3A_50, %add3A_51 : i32
    %mul3A_53 = arith.constant 2048 : i32
    %mul3A_54 = arith.muli %add3A_52, %mul3A_53 : i32
    %dma_start3A_55 = arith.constant 0 : i32
    %dma_start3A_56 = tpu.memref_slice %arg2[%dma_start3A_55, %mul3A_54] : memref<21x1048576xf32, #tpu.memory_space<hbm>> -> memref<21x2048xf32, #tpu.memory_space<hbm>>
    %dma_start3A_57 = arith.constant 0 : i32
    %dma_start3A_58 = tpu.memref_slice %arg2[%dma_start3A_57, %mul3A_54] : memref<21x1048576xf32, #tpu.memory_space<hbm>> -> memref<21x2048xf32, #tpu.memory_space<hbm>>
    tpu.enqueue_dma source(%dma_start3A_58 : memref<21x2048xf32, #tpu.memory_space<hbm>>) target(%arg5 : memref<21x2048xf32, #tpu.memory_space<vmem>>) target_semaphore(%arg11 : memref<!tpu.dma_semaphore, #tpu.memory_space<semaphore_mem>>)
    %dma_start3A_59 = tpu.memref_slice %arg3[%mul3A_54] : memref<1048576xi32, #tpu.memory_space<hbm>> -> memref<2048xi32, #tpu.memory_space<hbm>>
    %dma_start3A_60 = tpu.memref_slice %arg3[%mul3A_54] : memref<1048576xi32, #tpu.memory_space<hbm>> -> memref<2048xi32, #tpu.memory_space<hbm>>
    tpu.enqueue_dma source(%dma_start3A_60 : memref<2048xi32, #tpu.memory_space<hbm>>) target(%arg7 : memref<2048xi32, #tpu.memory_space<vmem>>) target_semaphore(%arg11 : memref<!tpu.dma_semaphore, #tpu.memory_space<semaphore_mem>>)
    %scan3A_61 = arith.constant 0 : i32
    %scan3A_62 = arith.constant 0 : i32
    %scan3A_63 = arith.constant 128 : i32
    %scan3A_64 = arith.addi %scan3A_62, %scan3A_63 : i32
    %scan3A_65 = arith.constant 1 : i32
    scf.for %scan3A_255 = %scan3A_62 to %scan3A_64 step %scan3A_65  : i32 {
      %mul3A_256 = arith.constant 16 : i32
      %mul3A_257 = arith.muli %scan3A_255, %mul3A_256 : i32
      %get3A = arith.constant 0 : i32
      %get3A_258 = arith.index_cast %get3A : i32 to index
      %get3A_259 = arith.index_cast %mul3A_257 : i32 to index
      %get3A_260 = tpu.vector_load %arg6[%get3A_258, %get3A_259] {strides = array<i32>} : memref<21x2048xf32, #tpu.memory_space<vmem>>, vector<16xf32>,
      %broadcast_in_dim3A_261 = arith.constant 0 : i32
      %broadcast_in_dim3A_262 = vector.broadcast %broadcast_in_dim3A_261 : i32 to vector<16xi32>
      %get3A_263 = arith.constant 1 : i32
      %get3A_264 = arith.index_cast %get3A_263 : i32 to index
      %get3A_265 = arith.index_cast %mul3A_257 : i32 to index
      %get3A_266 = tpu.vector_load %arg6[%get3A_264, %get3A_265] {strides = array<i32>} : memref<21x2048xf32, #tpu.memory_space<vmem>>, vector<16xf32>,
      %broadcast_in_dim3A_267 = arith.constant 1 : i32
      %broadcast_in_dim3A_268 = vector.broadcast %broadcast_in_dim3A_267 : i32 to vector<16xi32>
      %get3A_269 = arith.constant 2 : i32
      %get3A_270 = arith.index_cast %get3A_269 : i32 to index
      %get3A_271 = arith.index_cast %mul3A_257 : i32 to index
      %get3A_272 = tpu.vector_load %arg6[%get3A_270, %get3A_271] {strides = array<i32>} : memref<21x2048xf32, #tpu.memory_space<vmem>>, vector<16xf32>,
      %broadcast_in_dim3A_273 = arith.constant 2 : i32
      %broadcast_in_dim3A_274 = vector.broadcast %broadcast_in_dim3A_273 : i32 to vector<16xi32>
      %get3A_275 = arith.constant 3 : i32
      %get3A_276 = arith.index_cast %get3A_275 : i32 to index
      %get3A_277 = arith.index_cast %mul3A_257 : i32 to index
      %get3A_278 = tpu.vector_load %arg6[%get3A_276, %get3A_277] {strides = array<i32>} : memref<21x2048xf32, #tpu.memory_space<vmem>>, vector<16xf32>,
      %broadcast_in_dim3A_279 = arith.constant 3 : i32
      %broadcast_in_dim3A_280 = vector.broadcast %broadcast_in_dim3A_279 : i32 to vector<16xi32>
      %get3A_281 = arith.constant 4 : i32
      %get3A_282 = arith.index_cast %get3A_281 : i32 to index
      %get3A_283 = arith.index_cast %mul3A_257 : i32 to index
      %get3A_284 = tpu.vector_load %arg6[%get3A_282, %get3A_283] {strides = array<i32>} : memref<21x2048xf32, #tpu.memory_space<vmem>>, vector<16xf32>,
      %broadcast_in_dim3A_285 = arith.constant 4 : i32
      %broadcast_in_dim3A_286 = vector.broadcast %broadcast_in_dim3A_285 : i32 to vector<16xi32>
      %get3A_287 = arith.constant 5 : i32
      %get3A_288 = arith.index_cast %get3A_287 : i32 to index
      %get3A_289 = arith.index_cast %mul3A_257 : i32 to index
      %get3A_290 = tpu.vector_load %arg6[%get3A_288, %get3A_289] {strides = array<i32>} : memref<21x2048xf32, #tpu.memory_space<vmem>>, vector<16xf32>,
      %broadcast_in_dim3A_291 = arith.constant 5 : i32
      %broadcast_in_dim3A_292 = vector.broadcast %broadcast_in_dim3A_291 : i32 to vector<16xi32>
      %get3A_293 = arith.constant 6 : i32
      %get3A_294 = arith.index_cast %get3A_293 : i32 to index
      %get3A_295 = arith.index_cast %mul3A_257 : i32 to index
      %get3A_296 = tpu.vector_load %arg6[%get3A_294, %get3A_295] {strides = array<i32>} : memref<21x2048xf32, #tpu.memory_space<vmem>>, vector<16xf32>,
      %broadcast_in_dim3A_297 = arith.constant 6 : i32
      %broadcast_in_dim3A_298 = vector.broadcast %broadcast_in_dim3A_297 : i32 to vector<16xi32>
      %get3A_299 = arith.constant 7 : i32
      %get3A_300 = arith.index_cast %get3A_299 : i32 to index
      %get3A_301 = arith.index_cast %mul3A_257 : i32 to index
      %get3A_302 = tpu.vector_load %arg6[%get3A_300, %get3A_301] {strides = array<i32>} : memref<21x2048xf32, #tpu.memory_space<vmem>>, vector<16xf32>,
      %broadcast_in_dim3A_303 = arith.constant 7 : i32
      %broadcast_in_dim3A_304 = vector.broadcast %broadcast_in_dim3A_303 : i32 to vector<16xi32>
      %get3A_305 = arith.constant 8 : i32
      %get3A_306 = arith.index_cast %get3A_305 : i32 to index
      %get3A_307 = arith.index_cast %mul3A_257 : i32 to index
      %get3A_308 = tpu.vector_load %arg6[%get3A_306, %get3A_307] {strides = array<i32>} : memref<21x2048xf32, #tpu.memory_space<vmem>>, vector<16xf32>,
      %broadcast_in_dim3A_309 = arith.constant 8 : i32
      %broadcast_in_dim3A_310 = vector.broadcast %broadcast_in_dim3A_309 : i32 to vector<16xi32>
      %get3A_311 = arith.constant 9 : i32
      %get3A_312 = arith.index_cast %get3A_311 : i32 to index
      %get3A_313 = arith.index_cast %mul3A_257 : i32 to index
      %get3A_314 = tpu.vector_load %arg6[%get3A_312, %get3A_313] {strides = array<i32>} : memref<21x2048xf32, #tpu.memory_space<vmem>>, vector<16xf32>,
      %broadcast_in_dim3A_315 = arith.constant 9 : i32
      %broadcast_in_dim3A_316 = vector.broadcast %broadcast_in_dim3A_315 : i32 to vector<16xi32>
      %get3A_317 = arith.constant 10 : i32
      %get3A_318 = arith.index_cast %get3A_317 : i32 to index
      %get3A_319 = arith.index_cast %mul3A_257 : i32 to index
      %get3A_320 = tpu.vector_load %arg6[%get3A_318, %get3A_319] {strides = array<i32>} : memref<21x2048xf32, #tpu.memory_space<vmem>>, vector<16xf32>,
      %broadcast_in_dim3A_321 = arith.constant 10 : i32
      %broadcast_in_dim3A_322 = vector.broadcast %broadcast_in_dim3A_321 : i32 to vector<16xi32>
      %get3A_323 = arith.constant 11 : i32
      %get3A_324 = arith.index_cast %get3A_323 : i32 to index
      %get3A_325 = arith.index_cast %mul3A_257 : i32 to index
      %get3A_326 = tpu.vector_load %arg6[%get3A_324, %get3A_325] {strides = array<i32>} : memref<21x2048xf32, #tpu.memory_space<vmem>>, vector<16xf32>,
      %broadcast_in_dim3A_327 = arith.constant 11 : i32
      %broadcast_in_dim3A_328 = vector.broadcast %broadcast_in_dim3A_327 : i32 to vector<16xi32>
      %get3A_329 = arith.constant 12 : i32
      %get3A_330 = arith.index_cast %get3A_329 : i32 to index
      %get3A_331 = arith.index_cast %mul3A_257 : i32 to index
      %get3A_332 = tpu.vector_load %arg6[%get3A_330, %get3A_331] {strides = array<i32>} : memref<21x2048xf32, #tpu.memory_space<vmem>>, vector<16xf32>,
      %broadcast_in_dim3A_333 = arith.constant 12 : i32
      %broadcast_in_dim3A_334 = vector.broadcast %broadcast_in_dim3A_333 : i32 to vector<16xi32>
      %get3A_335 = arith.constant 13 : i32
      %get3A_336 = arith.index_cast %get3A_335 : i32 to index
      %get3A_337 = arith.index_cast %mul3A_257 : i32 to index
      %get3A_338 = tpu.vector_load %arg6[%get3A_336, %get3A_337] {strides = array<i32>} : memref<21x2048xf32, #tpu.memory_space<vmem>>, vector<16xf32>,
      %broadcast_in_dim3A_339 = arith.constant 13 : i32
      %broadcast_in_dim3A_340 = vector.broadcast %broadcast_in_dim3A_339 : i32 to vector<16xi32>
      %get3A_341 = arith.constant 14 : i32
      %get3A_342 = arith.index_cast %get3A_341 : i32 to index
      %get3A_343 = arith.index_cast %mul3A_257 : i32 to index
      %get3A_344 = tpu.vector_load %arg6[%get3A_342, %get3A_343] {strides = array<i32>} : memref<21x2048xf32, #tpu.memory_space<vmem>>, vector<16xf32>,
      %broadcast_in_dim3A_345 = arith.constant 14 : i32
      %broadcast_in_dim3A_346 = vector.broadcast %broadcast_in_dim3A_345 : i32 to vector<16xi32>
      %get3A_347 = arith.constant 15 : i32
      %get3A_348 = arith.index_cast %get3A_347 : i32 to index
      %get3A_349 = arith.index_cast %mul3A_257 : i32 to index
      %get3A_350 = tpu.vector_load %arg6[%get3A_348, %get3A_349] {strides = array<i32>} : memref<21x2048xf32, #tpu.memory_space<vmem>>, vector<16xf32>,
      %broadcast_in_dim3A_351 = arith.constant 15 : i32
      %broadcast_in_dim3A_352 = vector.broadcast %broadcast_in_dim3A_351 : i32 to vector<16xi32>
      %get3A_353 = arith.constant 16 : i32
      %get3A_354 = arith.index_cast %get3A_353 : i32 to index
      %get3A_355 = arith.index_cast %mul3A_257 : i32 to index
      %get3A_356 = tpu.vector_load %arg6[%get3A_354, %get3A_355] {strides = array<i32>} : memref<21x2048xf32, #tpu.memory_space<vmem>>, vector<16xf32>,
      %broadcast_in_dim3A_357 = arith.constant 16 : i32
      %broadcast_in_dim3A_358 = vector.broadcast %broadcast_in_dim3A_357 : i32 to vector<16xi32>
      %get3A_359 = arith.constant 17 : i32
      %get3A_360 = arith.index_cast %get3A_359 : i32 to index
      %get3A_361 = arith.index_cast %mul3A_257 : i32 to index
      %get3A_362 = tpu.vector_load %arg6[%get3A_360, %get3A_361] {strides = array<i32>} : memref<21x2048xf32, #tpu.memory_space<vmem>>, vector<16xf32>,
      %broadcast_in_dim3A_363 = arith.constant 17 : i32
      %broadcast_in_dim3A_364 = vector.broadcast %broadcast_in_dim3A_363 : i32 to vector<16xi32>
      %get3A_365 = arith.constant 18 : i32
      %get3A_366 = arith.index_cast %get3A_365 : i32 to index
      %get3A_367 = arith.index_cast %mul3A_257 : i32 to index
      %get3A_368 = tpu.vector_load %arg6[%get3A_366, %get3A_367] {strides = array<i32>} : memref<21x2048xf32, #tpu.memory_space<vmem>>, vector<16xf32>,
      %broadcast_in_dim3A_369 = arith.constant 18 : i32
      %broadcast_in_dim3A_370 = vector.broadcast %broadcast_in_dim3A_369 : i32 to vector<16xi32>
      %get3A_371 = arith.constant 19 : i32
      %get3A_372 = arith.index_cast %get3A_371 : i32 to index
      %get3A_373 = arith.index_cast %mul3A_257 : i32 to index
      %get3A_374 = tpu.vector_load %arg6[%get3A_372, %get3A_373] {strides = array<i32>} : memref<21x2048xf32, #tpu.memory_space<vmem>>, vector<16xf32>,
      %broadcast_in_dim3A_375 = arith.constant 19 : i32
      %broadcast_in_dim3A_376 = vector.broadcast %broadcast_in_dim3A_375 : i32 to vector<16xi32>
      %get3A_377 = arith.constant 20 : i32
      %get3A_378 = arith.index_cast %get3A_377 : i32 to index
      %get3A_379 = arith.index_cast %mul3A_257 : i32 to index
      %get3A_380 = tpu.vector_load %arg6[%get3A_378, %get3A_379] {strides = array<i32>} : memref<21x2048xf32, #tpu.memory_space<vmem>>, vector<16xf32>,
      %broadcast_in_dim3A_381 = arith.constant 20 : i32
      %broadcast_in_dim3A_382 = vector.broadcast %broadcast_in_dim3A_381 : i32 to vector<16xi32>
      %gt3A = arith.cmpf ogt, %get3A_266, %get3A_260 : vector<16xf32>
      %select_n3A = arith.select %gt3A, %get3A_266, %get3A_260 : vector<16xi1>, vector<16xf32>
      %select_n3A_383 = arith.select %gt3A, %broadcast_in_dim3A_268, %broadcast_in_dim3A_262 : vector<16xi1>, vector<16xi32>
      %gt3A_384 = arith.cmpf ogt, %get3A_278, %get3A_272 : vector<16xf32>
      %select_n3A_385 = arith.select %gt3A_384, %get3A_278, %get3A_272 : vector<16xi1>, vector<16xf32>
      %select_n3A_386 = arith.select %gt3A_384, %broadcast_in_dim3A_280, %broadcast_in_dim3A_274 : vector<16xi1>, vector<16xi32>
      %gt3A_387 = arith.cmpf ogt, %get3A_290, %get3A_284 : vector<16xf32>
      %select_n3A_388 = arith.select %gt3A_387, %get3A_290, %get3A_284 : vector<16xi1>, vector<16xf32>
      %select_n3A_389 = arith.select %gt3A_387, %broadcast_in_dim3A_292, %broadcast_in_dim3A_286 : vector<16xi1>, vector<16xi32>
      %gt3A_390 = arith.cmpf ogt, %get3A_302, %get3A_296 : vector<16xf32>
      %select_n3A_391 = arith.select %gt3A_390, %get3A_302, %get3A_296 : vector<16xi1>, vector<16xf32>
      %select_n3A_392 = arith.select %gt3A_390, %broadcast_in_dim3A_304, %broadcast_in_dim3A_298 : vector<16xi1>, vector<16xi32>
      %gt3A_393 = arith.cmpf ogt, %get3A_314, %get3A_308 : vector<16xf32>
      %select_n3A_394 = arith.select %gt3A_393, %get3A_314, %get3A_308 : vector<16xi1>, vector<16xf32>
      %select_n3A_395 = arith.select %gt3A_393, %broadcast_in_dim3A_316, %broadcast_in_dim3A_310 : vector<16xi1>, vector<16xi32>
      %gt3A_396 = arith.cmpf ogt, %get3A_326, %get3A_320 : vector<16xf32>
      %select_n3A_397 = arith.select %gt3A_396, %get3A_326, %get3A_320 : vector<16xi1>, vector<16xf32>
      %select_n3A_398 = arith.select %gt3A_396, %broadcast_in_dim3A_328, %broadcast_in_dim3A_322 : vector<16xi1>, vector<16xi32>
      %gt3A_399 = arith.cmpf ogt, %get3A_338, %get3A_332 : vector<16xf32>
      %select_n3A_400 = arith.select %gt3A_399, %get3A_338, %get3A_332 : vector<16xi1>, vector<16xf32>
      %select_n3A_401 = arith.select %gt3A_399, %broadcast_in_dim3A_340, %broadcast_in_dim3A_334 : vector<16xi1>, vector<16xi32>
      %gt3A_402 = arith.cmpf ogt, %get3A_350, %get3A_344 : vector<16xf32>
      %select_n3A_403 = arith.select %gt3A_402, %get3A_350, %get3A_344 : vector<16xi1>, vector<16xf32>
      %select_n3A_404 = arith.select %gt3A_402, %broadcast_in_dim3A_352, %broadcast_in_dim3A_346 : vector<16xi1>, vector<16xi32>
      %gt3A_405 = arith.cmpf ogt, %get3A_362, %get3A_356 : vector<16xf32>
      %select_n3A_406 = arith.select %gt3A_405, %get3A_362, %get3A_356 : vector<16xi1>, vector<16xf32>
      %select_n3A_407 = arith.select %gt3A_405, %broadcast_in_dim3A_364, %broadcast_in_dim3A_358 : vector<16xi1>, vector<16xi32>
      %gt3A_408 = arith.cmpf ogt, %get3A_374, %get3A_368 : vector<16xf32>
      %select_n3A_409 = arith.select %gt3A_408, %get3A_374, %get3A_368 : vector<16xi1>, vector<16xf32>
      %select_n3A_410 = arith.select %gt3A_408, %broadcast_in_dim3A_376, %broadcast_in_dim3A_370 : vector<16xi1>, vector<16xi32>
      %gt3A_411 = arith.cmpf ogt, %select_n3A_385, %select_n3A : vector<16xf32>
      %select_n3A_412 = arith.select %gt3A_411, %select_n3A_385, %select_n3A : vector<16xi1>, vector<16xf32>
      %select_n3A_413 = arith.select %gt3A_411, %select_n3A_386, %select_n3A_383 : vector<16xi1>, vector<16xi32>
      %gt3A_414 = arith.cmpf ogt, %select_n3A_391, %select_n3A_388 : vector<16xf32>
      %select_n3A_415 = arith.select %gt3A_414, %select_n3A_391, %select_n3A_388 : vector<16xi1>, vector<16xf32>
      %select_n3A_416 = arith.select %gt3A_414, %select_n3A_392, %select_n3A_389 : vector<16xi1>, vector<16xi32>
      %gt3A_417 = arith.cmpf ogt, %select_n3A_397, %select_n3A_394 : vector<16xf32>
      %select_n3A_418 = arith.select %gt3A_417, %select_n3A_397, %select_n3A_394 : vector<16xi1>, vector<16xf32>
      %select_n3A_419 = arith.select %gt3A_417, %select_n3A_398, %select_n3A_395 : vector<16xi1>, vector<16xi32>
      %gt3A_420 = arith.cmpf ogt, %select_n3A_403, %select_n3A_400 : vector<16xf32>
      %select_n3A_421 = arith.select %gt3A_420, %select_n3A_403, %select_n3A_400 : vector<16xi1>, vector<16xf32>
      %select_n3A_422 = arith.select %gt3A_420, %select_n3A_404, %select_n3A_401 : vector<16xi1>, vector<16xi32>
      %gt3A_423 = arith.cmpf ogt, %select_n3A_409, %select_n3A_406 : vector<16xf32>
      %select_n3A_424 = arith.select %gt3A_423, %select_n3A_409, %select_n3A_406 : vector<16xi1>, vector<16xf32>
      %select_n3A_425 = arith.select %gt3A_423, %select_n3A_410, %select_n3A_407 : vector<16xi1>, vector<16xi32>
      %gt3A_426 = arith.cmpf ogt, %select_n3A_415, %select_n3A_412 : vector<16xf32>
      %select_n3A_427 = arith.select %gt3A_426, %select_n3A_415, %select_n3A_412 : vector<16xi1>, vector<16xf32>
      %select_n3A_428 = arith.select %gt3A_426, %select_n3A_416, %select_n3A_413 : vector<16xi1>, vector<16xi32>
      %gt3A_429 = arith.cmpf ogt, %select_n3A_421, %select_n3A_418 : vector<16xf32>
      %select_n3A_430 = arith.select %gt3A_429, %select_n3A_421, %select_n3A_418 : vector<16xi1>, vector<16xf32>
      %select_n3A_431 = arith.select %gt3A_429, %select_n3A_422, %select_n3A_419 : vector<16xi1>, vector<16xi32>
      %gt3A_432 = arith.cmpf ogt, %get3A_380, %select_n3A_424 : vector<16xf32>
      %select_n3A_433 = arith.select %gt3A_432, %get3A_380, %select_n3A_424 : vector<16xi1>, vector<16xf32>
      %select_n3A_434 = arith.select %gt3A_432, %broadcast_in_dim3A_382, %select_n3A_425 : vector<16xi1>, vector<16xi32>
      %gt3A_435 = arith.cmpf ogt, %select_n3A_430, %select_n3A_427 : vector<16xf32>
      %select_n3A_436 = arith.select %gt3A_435, %select_n3A_430, %select_n3A_427 : vector<16xi1>, vector<16xf32>
      %select_n3A_437 = arith.select %gt3A_435, %select_n3A_431, %select_n3A_428 : vector<16xi1>, vector<16xi32>
      %gt3A_438 = arith.cmpf ogt, %select_n3A_433, %select_n3A_436 : vector<16xf32>
      %select_n3A_439 = arith.select %gt3A_438, %select_n3A_433, %select_n3A_436 : vector<16xi1>, vector<16xf32>
      %select_n3A_440 = arith.select %gt3A_438, %select_n3A_434, %select_n3A_437 : vector<16xi1>, vector<16xi32>
      %get3A_441 = arith.index_cast %mul3A_257 : i32 to index
      %get3A_442 = tpu.vector_load %arg8[%get3A_441] {strides = array<i32>} : memref<2048xi32, #tpu.memory_space<vmem>>, vector<16xi32>,
      %mul3A_443 = arith.constant 448 : i32
      %mul3A_444 = vector.broadcast %mul3A_443 : i32 to vector<16xi32>
      %mul3A_445 = arith.muli %iota3A, %mul3A_444 : vector<16xi32>
      %mul3A_446 = arith.constant 21 : i32
      %mul3A_447 = vector.broadcast %mul3A_446 : i32 to vector<16xi32>
      %mul3A_448 = arith.muli %get3A_442, %mul3A_447 : vector<16xi32>
      %add3A_449 = arith.addi %mul3A_445, %mul3A_448 : vector<16xi32>
      %add3A_450 = arith.addi %add3A_449, %select_n3A_440 : vector<16xi32>
      tpu.vector_store_idx %arg9[%add3A_450], %broadcast_in_dim3A_3 {add = true} : memref<7168xf32, #tpu.memory_space<vmem>>[vector<16xi32>], vector<16xf32>,
    }
    %scan3A_66 = arith.constant 128 : i32
    %dma_wait3A_67 = arith.constant 0 : i32
    %dma_wait3A_68 = tpu.memref_slice %arg2[%dma_wait3A_67, %mul3A_54] : memref<21x1048576xf32, #tpu.memory_space<hbm>> -> memref<21x2048xf32, #tpu.memory_space<hbm>>
    %dma_wait3A_69 = arith.constant 0 : i32
    %dma_wait3A_70 = tpu.memref_slice %arg2[%dma_wait3A_69, %mul3A_54] : memref<21x1048576xf32, #tpu.memory_space<hbm>> -> memref<21x2048xf32, #tpu.memory_space<hbm>>
    tpu.wait_dma2 semaphore(%arg11 : memref<!tpu.dma_semaphore, #tpu.memory_space<semaphore_mem>>) src(%dma_wait3A_70 : memref<21x2048xf32, #tpu.memory_space<hbm>>) dst(%arg5 : memref<21x2048xf32, #tpu.memory_space<vmem>>)
    %dma_wait3A_71 = tpu.memref_slice %arg3[%mul3A_54] : memref<1048576xi32, #tpu.memory_space<hbm>> -> memref<2048xi32, #tpu.memory_space<hbm>>
    %dma_wait3A_72 = tpu.memref_slice %arg3[%mul3A_54] : memref<1048576xi32, #tpu.memory_space<hbm>> -> memref<2048xi32, #tpu.memory_space<hbm>>
    tpu.wait_dma2 semaphore(%arg11 : memref<!tpu.dma_semaphore, #tpu.memory_space<semaphore_mem>>) src(%dma_wait3A_72 : memref<2048xi32, #tpu.memory_space<hbm>>) dst(%arg7 : memref<2048xi32, #tpu.memory_space<vmem>>)
    %mul3A_73 = arith.constant 10 : i32
    %mul3A_74 = arith.muli %add3A, %mul3A_73 : i32
    %add3A_75 = arith.constant 3 : i32
    %add3A_76 = arith.addi %mul3A_74, %add3A_75 : i32
    %mul3A_77 = arith.constant 2048 : i32
    %mul3A_78 = arith.muli %add3A_76, %mul3A_77 : i32
    %dma_start3A_79 = arith.constant 0 : i32
    %dma_start3A_80 = tpu.memref_slice %arg2[%dma_start3A_79, %mul3A_78] : memref<21x1048576xf32, #tpu.memory_space<hbm>> -> memref<21x2048xf32, #tpu.memory_space<hbm>>
    %dma_start3A_81 = arith.constant 0 : i32
    %dma_start3A_82 = tpu.memref_slice %arg2[%dma_start3A_81, %mul3A_78] : memref<21x1048576xf32, #tpu.memory_space<hbm>> -> memref<21x2048xf32, #tpu.memory_space<hbm>>
    tpu.enqueue_dma source(%dma_start3A_82 : memref<21x2048xf32, #tpu.memory_space<hbm>>) target(%arg6 : memref<21x2048xf32, #tpu.memory_space<vmem>>) target_semaphore(%arg12 : memref<!tpu.dma_semaphore, #tpu.memory_space<semaphore_mem>>)
    %dma_start3A_83 = tpu.memref_slice %arg3[%mul3A_78] : memref<1048576xi32, #tpu.memory_space<hbm>> -> memref<2048xi32, #tpu.memory_space<hbm>>
    %dma_start3A_84 = tpu.memref_slice %arg3[%mul3A_78] : memref<1048576xi32, #tpu.memory_space<hbm>> -> memref<2048xi32, #tpu.memory_space<hbm>>
    tpu.enqueue_dma source(%dma_start3A_84 : memref<2048xi32, #tpu.memory_space<hbm>>) target(%arg8 : memref<2048xi32, #tpu.memory_space<vmem>>) target_semaphore(%arg12 : memref<!tpu.dma_semaphore, #tpu.memory_space<semaphore_mem>>)
    %scan3A_85 = arith.constant 0 : i32
    %scan3A_86 = arith.constant 0 : i32
    %scan3A_87 = arith.constant 128 : i32
    %scan3A_88 = arith.addi %scan3A_86, %scan3A_87 : i32
    %scan3A_89 = arith.constant 1 : i32
    scf.for %scan3A_255 = %scan3A_86 to %scan3A_88 step %scan3A_89  : i32 {
      %mul3A_256 = arith.constant 16 : i32
      %mul3A_257 = arith.muli %scan3A_255, %mul3A_256 : i32
      %get3A = arith.constant 0 : i32
      %get3A_258 = arith.index_cast %get3A : i32 to index
      %get3A_259 = arith.index_cast %mul3A_257 : i32 to index
      %get3A_260 = tpu.vector_load %arg5[%get3A_258, %get3A_259] {strides = array<i32>} : memref<21x2048xf32, #tpu.memory_space<vmem>>, vector<16xf32>,
      %broadcast_in_dim3A_261 = arith.constant 0 : i32
      %broadcast_in_dim3A_262 = vector.broadcast %broadcast_in_dim3A_261 : i32 to vector<16xi32>
      %get3A_263 = arith.constant 1 : i32
      %get3A_264 = arith.index_cast %get3A_263 : i32 to index
      %get3A_265 = arith.index_cast %mul3A_257 : i32 to index
      %get3A_266 = tpu.vector_load %arg5[%get3A_264, %get3A_265] {strides = array<i32>} : memref<21x2048xf32, #tpu.memory_space<vmem>>, vector<16xf32>,
      %broadcast_in_dim3A_267 = arith.constant 1 : i32
      %broadcast_in_dim3A_268 = vector.broadcast %broadcast_in_dim3A_267 : i32 to vector<16xi32>
      %get3A_269 = arith.constant 2 : i32
      %get3A_270 = arith.index_cast %get3A_269 : i32 to index
      %get3A_271 = arith.index_cast %mul3A_257 : i32 to index
      %get3A_272 = tpu.vector_load %arg5[%get3A_270, %get3A_271] {strides = array<i32>} : memref<21x2048xf32, #tpu.memory_space<vmem>>, vector<16xf32>,
      %broadcast_in_dim3A_273 = arith.constant 2 : i32
      %broadcast_in_dim3A_274 = vector.broadcast %broadcast_in_dim3A_273 : i32 to vector<16xi32>
      %get3A_275 = arith.constant 3 : i32
      %get3A_276 = arith.index_cast %get3A_275 : i32 to index
      %get3A_277 = arith.index_cast %mul3A_257 : i32 to index
      %get3A_278 = tpu.vector_load %arg5[%get3A_276, %get3A_277] {strides = array<i32>} : memref<21x2048xf32, #tpu.memory_space<vmem>>, vector<16xf32>,
      %broadcast_in_dim3A_279 = arith.constant 3 : i32
      %broadcast_in_dim3A_280 = vector.broadcast %broadcast_in_dim3A_279 : i32 to vector<16xi32>
      %get3A_281 = arith.constant 4 : i32
      %get3A_282 = arith.index_cast %get3A_281 : i32 to index
      %get3A_283 = arith.index_cast %mul3A_257 : i32 to index
      %get3A_284 = tpu.vector_load %arg5[%get3A_282, %get3A_283] {strides = array<i32>} : memref<21x2048xf32, #tpu.memory_space<vmem>>, vector<16xf32>,
      %broadcast_in_dim3A_285 = arith.constant 4 : i32
      %broadcast_in_dim3A_286 = vector.broadcast %broadcast_in_dim3A_285 : i32 to vector<16xi32>
      %get3A_287 = arith.constant 5 : i32
      %get3A_288 = arith.index_cast %get3A_287 : i32 to index
      %get3A_289 = arith.index_cast %mul3A_257 : i32 to index
      %get3A_290 = tpu.vector_load %arg5[%get3A_288, %get3A_289] {strides = array<i32>} : memref<21x2048xf32, #tpu.memory_space<vmem>>, vector<16xf32>,
      %broadcast_in_dim3A_291 = arith.constant 5 : i32
      %broadcast_in_dim3A_292 = vector.broadcast %broadcast_in_dim3A_291 : i32 to vector<16xi32>
      %get3A_293 = arith.constant 6 : i32
      %get3A_294 = arith.index_cast %get3A_293 : i32 to index
      %get3A_295 = arith.index_cast %mul3A_257 : i32 to index
      %get3A_296 = tpu.vector_load %arg5[%get3A_294, %get3A_295] {strides = array<i32>} : memref<21x2048xf32, #tpu.memory_space<vmem>>, vector<16xf32>,
      %broadcast_in_dim3A_297 = arith.constant 6 : i32
      %broadcast_in_dim3A_298 = vector.broadcast %broadcast_in_dim3A_297 : i32 to vector<16xi32>
      %get3A_299 = arith.constant 7 : i32
      %get3A_300 = arith.index_cast %get3A_299 : i32 to index
      %get3A_301 = arith.index_cast %mul3A_257 : i32 to index
      %get3A_302 = tpu.vector_load %arg5[%get3A_300, %get3A_301] {strides = array<i32>} : memref<21x2048xf32, #tpu.memory_space<vmem>>, vector<16xf32>,
      %broadcast_in_dim3A_303 = arith.constant 7 : i32
      %broadcast_in_dim3A_304 = vector.broadcast %broadcast_in_dim3A_303 : i32 to vector<16xi32>
      %get3A_305 = arith.constant 8 : i32
      %get3A_306 = arith.index_cast %get3A_305 : i32 to index
      %get3A_307 = arith.index_cast %mul3A_257 : i32 to index
      %get3A_308 = tpu.vector_load %arg5[%get3A_306, %get3A_307] {strides = array<i32>} : memref<21x2048xf32, #tpu.memory_space<vmem>>, vector<16xf32>,
      %broadcast_in_dim3A_309 = arith.constant 8 : i32
      %broadcast_in_dim3A_310 = vector.broadcast %broadcast_in_dim3A_309 : i32 to vector<16xi32>
      %get3A_311 = arith.constant 9 : i32
      %get3A_312 = arith.index_cast %get3A_311 : i32 to index
      %get3A_313 = arith.index_cast %mul3A_257 : i32 to index
      %get3A_314 = tpu.vector_load %arg5[%get3A_312, %get3A_313] {strides = array<i32>} : memref<21x2048xf32, #tpu.memory_space<vmem>>, vector<16xf32>,
      %broadcast_in_dim3A_315 = arith.constant 9 : i32
      %broadcast_in_dim3A_316 = vector.broadcast %broadcast_in_dim3A_315 : i32 to vector<16xi32>
      %get3A_317 = arith.constant 10 : i32
      %get3A_318 = arith.index_cast %get3A_317 : i32 to index
      %get3A_319 = arith.index_cast %mul3A_257 : i32 to index
      %get3A_320 = tpu.vector_load %arg5[%get3A_318, %get3A_319] {strides = array<i32>} : memref<21x2048xf32, #tpu.memory_space<vmem>>, vector<16xf32>,
      %broadcast_in_dim3A_321 = arith.constant 10 : i32
      %broadcast_in_dim3A_322 = vector.broadcast %broadcast_in_dim3A_321 : i32 to vector<16xi32>
      %get3A_323 = arith.constant 11 : i32
      %get3A_324 = arith.index_cast %get3A_323 : i32 to index
      %get3A_325 = arith.index_cast %mul3A_257 : i32 to index
      %get3A_326 = tpu.vector_load %arg5[%get3A_324, %get3A_325] {strides = array<i32>} : memref<21x2048xf32, #tpu.memory_space<vmem>>, vector<16xf32>,
      %broadcast_in_dim3A_327 = arith.constant 11 : i32
      %broadcast_in_dim3A_328 = vector.broadcast %broadcast_in_dim3A_327 : i32 to vector<16xi32>
      %get3A_329 = arith.constant 12 : i32
      %get3A_330 = arith.index_cast %get3A_329 : i32 to index
      %get3A_331 = arith.index_cast %mul3A_257 : i32 to index
      %get3A_332 = tpu.vector_load %arg5[%get3A_330, %get3A_331] {strides = array<i32>} : memref<21x2048xf32, #tpu.memory_space<vmem>>, vector<16xf32>,
      %broadcast_in_dim3A_333 = arith.constant 12 : i32
      %broadcast_in_dim3A_334 = vector.broadcast %broadcast_in_dim3A_333 : i32 to vector<16xi32>
      %get3A_335 = arith.constant 13 : i32
      %get3A_336 = arith.index_cast %get3A_335 : i32 to index
      %get3A_337 = arith.index_cast %mul3A_257 : i32 to index
      %get3A_338 = tpu.vector_load %arg5[%get3A_336, %get3A_337] {strides = array<i32>} : memref<21x2048xf32, #tpu.memory_space<vmem>>, vector<16xf32>,
      %broadcast_in_dim3A_339 = arith.constant 13 : i32
      %broadcast_in_dim3A_340 = vector.broadcast %broadcast_in_dim3A_339 : i32 to vector<16xi32>
      %get3A_341 = arith.constant 14 : i32
      %get3A_342 = arith.index_cast %get3A_341 : i32 to index
      %get3A_343 = arith.index_cast %mul3A_257 : i32 to index
      %get3A_344 = tpu.vector_load %arg5[%get3A_342, %get3A_343] {strides = array<i32>} : memref<21x2048xf32, #tpu.memory_space<vmem>>, vector<16xf32>,
      %broadcast_in_dim3A_345 = arith.constant 14 : i32
      %broadcast_in_dim3A_346 = vector.broadcast %broadcast_in_dim3A_345 : i32 to vector<16xi32>
      %get3A_347 = arith.constant 15 : i32
      %get3A_348 = arith.index_cast %get3A_347 : i32 to index
      %get3A_349 = arith.index_cast %mul3A_257 : i32 to index
      %get3A_350 = tpu.vector_load %arg5[%get3A_348, %get3A_349] {strides = array<i32>} : memref<21x2048xf32, #tpu.memory_space<vmem>>, vector<16xf32>,
      %broadcast_in_dim3A_351 = arith.constant 15 : i32
      %broadcast_in_dim3A_352 = vector.broadcast %broadcast_in_dim3A_351 : i32 to vector<16xi32>
      %get3A_353 = arith.constant 16 : i32
      %get3A_354 = arith.index_cast %get3A_353 : i32 to index
      %get3A_355 = arith.index_cast %mul3A_257 : i32 to index
      %get3A_356 = tpu.vector_load %arg5[%get3A_354, %get3A_355] {strides = array<i32>} : memref<21x2048xf32, #tpu.memory_space<vmem>>, vector<16xf32>,
      %broadcast_in_dim3A_357 = arith.constant 16 : i32
      %broadcast_in_dim3A_358 = vector.broadcast %broadcast_in_dim3A_357 : i32 to vector<16xi32>
      %get3A_359 = arith.constant 17 : i32
      %get3A_360 = arith.index_cast %get3A_359 : i32 to index
      %get3A_361 = arith.index_cast %mul3A_257 : i32 to index
      %get3A_362 = tpu.vector_load %arg5[%get3A_360, %get3A_361] {strides = array<i32>} : memref<21x2048xf32, #tpu.memory_space<vmem>>, vector<16xf32>,
      %broadcast_in_dim3A_363 = arith.constant 17 : i32
      %broadcast_in_dim3A_364 = vector.broadcast %broadcast_in_dim3A_363 : i32 to vector<16xi32>
      %get3A_365 = arith.constant 18 : i32
      %get3A_366 = arith.index_cast %get3A_365 : i32 to index
      %get3A_367 = arith.index_cast %mul3A_257 : i32 to index
      %get3A_368 = tpu.vector_load %arg5[%get3A_366, %get3A_367] {strides = array<i32>} : memref<21x2048xf32, #tpu.memory_space<vmem>>, vector<16xf32>,
      %broadcast_in_dim3A_369 = arith.constant 18 : i32
      %broadcast_in_dim3A_370 = vector.broadcast %broadcast_in_dim3A_369 : i32 to vector<16xi32>
      %get3A_371 = arith.constant 19 : i32
      %get3A_372 = arith.index_cast %get3A_371 : i32 to index
      %get3A_373 = arith.index_cast %mul3A_257 : i32 to index
      %get3A_374 = tpu.vector_load %arg5[%get3A_372, %get3A_373] {strides = array<i32>} : memref<21x2048xf32, #tpu.memory_space<vmem>>, vector<16xf32>,
      %broadcast_in_dim3A_375 = arith.constant 19 : i32
      %broadcast_in_dim3A_376 = vector.broadcast %broadcast_in_dim3A_375 : i32 to vector<16xi32>
      %get3A_377 = arith.constant 20 : i32
      %get3A_378 = arith.index_cast %get3A_377 : i32 to index
      %get3A_379 = arith.index_cast %mul3A_257 : i32 to index
      %get3A_380 = tpu.vector_load %arg5[%get3A_378, %get3A_379] {strides = array<i32>} : memref<21x2048xf32, #tpu.memory_space<vmem>>, vector<16xf32>,
      %broadcast_in_dim3A_381 = arith.constant 20 : i32
      %broadcast_in_dim3A_382 = vector.broadcast %broadcast_in_dim3A_381 : i32 to vector<16xi32>
      %gt3A = arith.cmpf ogt, %get3A_266, %get3A_260 : vector<16xf32>
      %select_n3A = arith.select %gt3A, %get3A_266, %get3A_260 : vector<16xi1>, vector<16xf32>
      %select_n3A_383 = arith.select %gt3A, %broadcast_in_dim3A_268, %broadcast_in_dim3A_262 : vector<16xi1>, vector<16xi32>
      %gt3A_384 = arith.cmpf ogt, %get3A_278, %get3A_272 : vector<16xf32>
      %select_n3A_385 = arith.select %gt3A_384, %get3A_278, %get3A_272 : vector<16xi1>, vector<16xf32>
      %select_n3A_386 = arith.select %gt3A_384, %broadcast_in_dim3A_280, %broadcast_in_dim3A_274 : vector<16xi1>, vector<16xi32>
      %gt3A_387 = arith.cmpf ogt, %get3A_290, %get3A_284 : vector<16xf32>
      %select_n3A_388 = arith.select %gt3A_387, %get3A_290, %get3A_284 : vector<16xi1>, vector<16xf32>
      %select_n3A_389 = arith.select %gt3A_387, %broadcast_in_dim3A_292, %broadcast_in_dim3A_286 : vector<16xi1>, vector<16xi32>
      %gt3A_390 = arith.cmpf ogt, %get3A_302, %get3A_296 : vector<16xf32>
      %select_n3A_391 = arith.select %gt3A_390, %get3A_302, %get3A_296 : vector<16xi1>, vector<16xf32>
      %select_n3A_392 = arith.select %gt3A_390, %broadcast_in_dim3A_304, %broadcast_in_dim3A_298 : vector<16xi1>, vector<16xi32>
      %gt3A_393 = arith.cmpf ogt, %get3A_314, %get3A_308 : vector<16xf32>
      %select_n3A_394 = arith.select %gt3A_393, %get3A_314, %get3A_308 : vector<16xi1>, vector<16xf32>
      %select_n3A_395 = arith.select %gt3A_393, %broadcast_in_dim3A_316, %broadcast_in_dim3A_310 : vector<16xi1>, vector<16xi32>
      %gt3A_396 = arith.cmpf ogt, %get3A_326, %get3A_320 : vector<16xf32>
      %select_n3A_397 = arith.select %gt3A_396, %get3A_326, %get3A_320 : vector<16xi1>, vector<16xf32>
      %select_n3A_398 = arith.select %gt3A_396, %broadcast_in_dim3A_328, %broadcast_in_dim3A_322 : vector<16xi1>, vector<16xi32>
      %gt3A_399 = arith.cmpf ogt, %get3A_338, %get3A_332 : vector<16xf32>
      %select_n3A_400 = arith.select %gt3A_399, %get3A_338, %get3A_332 : vector<16xi1>, vector<16xf32>
      %select_n3A_401 = arith.select %gt3A_399, %broadcast_in_dim3A_340, %broadcast_in_dim3A_334 : vector<16xi1>, vector<16xi32>
      %gt3A_402 = arith.cmpf ogt, %get3A_350, %get3A_344 : vector<16xf32>
      %select_n3A_403 = arith.select %gt3A_402, %get3A_350, %get3A_344 : vector<16xi1>, vector<16xf32>
      %select_n3A_404 = arith.select %gt3A_402, %broadcast_in_dim3A_352, %broadcast_in_dim3A_346 : vector<16xi1>, vector<16xi32>
      %gt3A_405 = arith.cmpf ogt, %get3A_362, %get3A_356 : vector<16xf32>
      %select_n3A_406 = arith.select %gt3A_405, %get3A_362, %get3A_356 : vector<16xi1>, vector<16xf32>
      %select_n3A_407 = arith.select %gt3A_405, %broadcast_in_dim3A_364, %broadcast_in_dim3A_358 : vector<16xi1>, vector<16xi32>
      %gt3A_408 = arith.cmpf ogt, %get3A_374, %get3A_368 : vector<16xf32>
      %select_n3A_409 = arith.select %gt3A_408, %get3A_374, %get3A_368 : vector<16xi1>, vector<16xf32>
      %select_n3A_410 = arith.select %gt3A_408, %broadcast_in_dim3A_376, %broadcast_in_dim3A_370 : vector<16xi1>, vector<16xi32>
      %gt3A_411 = arith.cmpf ogt, %select_n3A_385, %select_n3A : vector<16xf32>
      %select_n3A_412 = arith.select %gt3A_411, %select_n3A_385, %select_n3A : vector<16xi1>, vector<16xf32>
      %select_n3A_413 = arith.select %gt3A_411, %select_n3A_386, %select_n3A_383 : vector<16xi1>, vector<16xi32>
      %gt3A_414 = arith.cmpf ogt, %select_n3A_391, %select_n3A_388 : vector<16xf32>
      %select_n3A_415 = arith.select %gt3A_414, %select_n3A_391, %select_n3A_388 : vector<16xi1>, vector<16xf32>
      %select_n3A_416 = arith.select %gt3A_414, %select_n3A_392, %select_n3A_389 : vector<16xi1>, vector<16xi32>
      %gt3A_417 = arith.cmpf ogt, %select_n3A_397, %select_n3A_394 : vector<16xf32>
      %select_n3A_418 = arith.select %gt3A_417, %select_n3A_397, %select_n3A_394 : vector<16xi1>, vector<16xf32>
      %select_n3A_419 = arith.select %gt3A_417, %select_n3A_398, %select_n3A_395 : vector<16xi1>, vector<16xi32>
      %gt3A_420 = arith.cmpf ogt, %select_n3A_403, %select_n3A_400 : vector<16xf32>
      %select_n3A_421 = arith.select %gt3A_420, %select_n3A_403, %select_n3A_400 : vector<16xi1>, vector<16xf32>
      %select_n3A_422 = arith.select %gt3A_420, %select_n3A_404, %select_n3A_401 : vector<16xi1>, vector<16xi32>
      %gt3A_423 = arith.cmpf ogt, %select_n3A_409, %select_n3A_406 : vector<16xf32>
      %select_n3A_424 = arith.select %gt3A_423, %select_n3A_409, %select_n3A_406 : vector<16xi1>, vector<16xf32>
      %select_n3A_425 = arith.select %gt3A_423, %select_n3A_410, %select_n3A_407 : vector<16xi1>, vector<16xi32>
      %gt3A_426 = arith.cmpf ogt, %select_n3A_415, %select_n3A_412 : vector<16xf32>
      %select_n3A_427 = arith.select %gt3A_426, %select_n3A_415, %select_n3A_412 : vector<16xi1>, vector<16xf32>
      %select_n3A_428 = arith.select %gt3A_426, %select_n3A_416, %select_n3A_413 : vector<16xi1>, vector<16xi32>
      %gt3A_429 = arith.cmpf ogt, %select_n3A_421, %select_n3A_418 : vector<16xf32>
      %select_n3A_430 = arith.select %gt3A_429, %select_n3A_421, %select_n3A_418 : vector<16xi1>, vector<16xf32>
      %select_n3A_431 = arith.select %gt3A_429, %select_n3A_422, %select_n3A_419 : vector<16xi1>, vector<16xi32>
      %gt3A_432 = arith.cmpf ogt, %get3A_380, %select_n3A_424 : vector<16xf32>
      %select_n3A_433 = arith.select %gt3A_432, %get3A_380, %select_n3A_424 : vector<16xi1>, vector<16xf32>
      %select_n3A_434 = arith.select %gt3A_432, %broadcast_in_dim3A_382, %select_n3A_425 : vector<16xi1>, vector<16xi32>
      %gt3A_435 = arith.cmpf ogt, %select_n3A_430, %select_n3A_427 : vector<16xf32>
      %select_n3A_436 = arith.select %gt3A_435, %select_n3A_430, %select_n3A_427 : vector<16xi1>, vector<16xf32>
      %select_n3A_437 = arith.select %gt3A_435, %select_n3A_431, %select_n3A_428 : vector<16xi1>, vector<16xi32>
      %gt3A_438 = arith.cmpf ogt, %select_n3A_433, %select_n3A_436 : vector<16xf32>
      %select_n3A_439 = arith.select %gt3A_438, %select_n3A_433, %select_n3A_436 : vector<16xi1>, vector<16xf32>
      %select_n3A_440 = arith.select %gt3A_438, %select_n3A_434, %select_n3A_437 : vector<16xi1>, vector<16xi32>
      %get3A_441 = arith.index_cast %mul3A_257 : i32 to index
      %get3A_442 = tpu.vector_load %arg7[%get3A_441] {strides = array<i32>} : memref<2048xi32, #tpu.memory_space<vmem>>, vector<16xi32>,
      %mul3A_443 = arith.constant 448 : i32
      %mul3A_444 = vector.broadcast %mul3A_443 : i32 to vector<16xi32>
      %mul3A_445 = arith.muli %iota3A, %mul3A_444 : vector<16xi32>
      %mul3A_446 = arith.constant 21 : i32
      %mul3A_447 = vector.broadcast %mul3A_446 : i32 to vector<16xi32>
      %mul3A_448 = arith.muli %get3A_442, %mul3A_447 : vector<16xi32>
      %add3A_449 = arith.addi %mul3A_445, %mul3A_448 : vector<16xi32>
      %add3A_450 = arith.addi %add3A_449, %select_n3A_440 : vector<16xi32>
      tpu.vector_store_idx %arg9[%add3A_450], %broadcast_in_dim3A_3 {add = true} : memref<7168xf32, #tpu.memory_space<vmem>>[vector<16xi32>], vector<16xf32>,
    }
    %scan3A_90 = arith.constant 128 : i32
    %dma_wait3A_91 = arith.constant 0 : i32
    %dma_wait3A_92 = tpu.memref_slice %arg2[%dma_wait3A_91, %mul3A_78] : memref<21x1048576xf32, #tpu.memory_space<hbm>> -> memref<21x2048xf32, #tpu.memory_space<hbm>>
    %dma_wait3A_93 = arith.constant 0 : i32
    %dma_wait3A_94 = tpu.memref_slice %arg2[%dma_wait3A_93, %mul3A_78] : memref<21x1048576xf32, #tpu.memory_space<hbm>> -> memref<21x2048xf32, #tpu.memory_space<hbm>>
    tpu.wait_dma2 semaphore(%arg12 : memref<!tpu.dma_semaphore, #tpu.memory_space<semaphore_mem>>) src(%dma_wait3A_94 : memref<21x2048xf32, #tpu.memory_space<hbm>>) dst(%arg6 : memref<21x2048xf32, #tpu.memory_space<vmem>>)
    %dma_wait3A_95 = tpu.memref_slice %arg3[%mul3A_78] : memref<1048576xi32, #tpu.memory_space<hbm>> -> memref<2048xi32, #tpu.memory_space<hbm>>
    %dma_wait3A_96 = tpu.memref_slice %arg3[%mul3A_78] : memref<1048576xi32, #tpu.memory_space<hbm>> -> memref<2048xi32, #tpu.memory_space<hbm>>
    tpu.wait_dma2 semaphore(%arg12 : memref<!tpu.dma_semaphore, #tpu.memory_space<semaphore_mem>>) src(%dma_wait3A_96 : memref<2048xi32, #tpu.memory_space<hbm>>) dst(%arg8 : memref<2048xi32, #tpu.memory_space<vmem>>)
    %mul3A_97 = arith.constant 10 : i32
    %mul3A_98 = arith.muli %add3A, %mul3A_97 : i32
    %add3A_99 = arith.constant 4 : i32
    %add3A_100 = arith.addi %mul3A_98, %add3A_99 : i32
    %mul3A_101 = arith.constant 2048 : i32
    %mul3A_102 = arith.muli %add3A_100, %mul3A_101 : i32
    %dma_start3A_103 = arith.constant 0 : i32
    %dma_start3A_104 = tpu.memref_slice %arg2[%dma_start3A_103, %mul3A_102] : memref<21x1048576xf32, #tpu.memory_space<hbm>> -> memref<21x2048xf32, #tpu.memory_space<hbm>>
    %dma_start3A_105 = arith.constant 0 : i32
    %dma_start3A_106 = tpu.memref_slice %arg2[%dma_start3A_105, %mul3A_102] : memref<21x1048576xf32, #tpu.memory_space<hbm>> -> memref<21x2048xf32, #tpu.memory_space<hbm>>
    tpu.enqueue_dma source(%dma_start3A_106 : memref<21x2048xf32, #tpu.memory_space<hbm>>) target(%arg5 : memref<21x2048xf32, #tpu.memory_space<vmem>>) target_semaphore(%arg11 : memref<!tpu.dma_semaphore, #tpu.memory_space<semaphore_mem>>)
    %dma_start3A_107 = tpu.memref_slice %arg3[%mul3A_102] : memref<1048576xi32, #tpu.memory_space<hbm>> -> memref<2048xi32, #tpu.memory_space<hbm>>
    %dma_start3A_108 = tpu.memref_slice %arg3[%mul3A_102] : memref<1048576xi32, #tpu.memory_space<hbm>> -> memref<2048xi32, #tpu.memory_space<hbm>>
    tpu.enqueue_dma source(%dma_start3A_108 : memref<2048xi32, #tpu.memory_space<hbm>>) target(%arg7 : memref<2048xi32, #tpu.memory_space<vmem>>) target_semaphore(%arg11 : memref<!tpu.dma_semaphore, #tpu.memory_space<semaphore_mem>>)
    %scan3A_109 = arith.constant 0 : i32
    %scan3A_110 = arith.constant 0 : i32
    %scan3A_111 = arith.constant 128 : i32
    %scan3A_112 = arith.addi %scan3A_110, %scan3A_111 : i32
    %scan3A_113 = arith.constant 1 : i32
    scf.for %scan3A_255 = %scan3A_110 to %scan3A_112 step %scan3A_113  : i32 {
      %mul3A_256 = arith.constant 16 : i32
      %mul3A_257 = arith.muli %scan3A_255, %mul3A_256 : i32
      %get3A = arith.constant 0 : i32
      %get3A_258 = arith.index_cast %get3A : i32 to index
      %get3A_259 = arith.index_cast %mul3A_257 : i32 to index
      %get3A_260 = tpu.vector_load %arg6[%get3A_258, %get3A_259] {strides = array<i32>} : memref<21x2048xf32, #tpu.memory_space<vmem>>, vector<16xf32>,
      %broadcast_in_dim3A_261 = arith.constant 0 : i32
      %broadcast_in_dim3A_262 = vector.broadcast %broadcast_in_dim3A_261 : i32 to vector<16xi32>
      %get3A_263 = arith.constant 1 : i32
      %get3A_264 = arith.index_cast %get3A_263 : i32 to index
      %get3A_265 = arith.index_cast %mul3A_257 : i32 to index
      %get3A_266 = tpu.vector_load %arg6[%get3A_264, %get3A_265] {strides = array<i32>} : memref<21x2048xf32, #tpu.memory_space<vmem>>, vector<16xf32>,
      %broadcast_in_dim3A_267 = arith.constant 1 : i32
      %broadcast_in_dim3A_268 = vector.broadcast %broadcast_in_dim3A_267 : i32 to vector<16xi32>
      %get3A_269 = arith.constant 2 : i32
      %get3A_270 = arith.index_cast %get3A_269 : i32 to index
      %get3A_271 = arith.index_cast %mul3A_257 : i32 to index
      %get3A_272 = tpu.vector_load %arg6[%get3A_270, %get3A_271] {strides = array<i32>} : memref<21x2048xf32, #tpu.memory_space<vmem>>, vector<16xf32>,
      %broadcast_in_dim3A_273 = arith.constant 2 : i32
      %broadcast_in_dim3A_274 = vector.broadcast %broadcast_in_dim3A_273 : i32 to vector<16xi32>
      %get3A_275 = arith.constant 3 : i32
      %get3A_276 = arith.index_cast %get3A_275 : i32 to index
      %get3A_277 = arith.index_cast %mul3A_257 : i32 to index
      %get3A_278 = tpu.vector_load %arg6[%get3A_276, %get3A_277] {strides = array<i32>} : memref<21x2048xf32, #tpu.memory_space<vmem>>, vector<16xf32>,
      %broadcast_in_dim3A_279 = arith.constant 3 : i32
      %broadcast_in_dim3A_280 = vector.broadcast %broadcast_in_dim3A_279 : i32 to vector<16xi32>
      %get3A_281 = arith.constant 4 : i32
      %get3A_282 = arith.index_cast %get3A_281 : i32 to index
      %get3A_283 = arith.index_cast %mul3A_257 : i32 to index
      %get3A_284 = tpu.vector_load %arg6[%get3A_282, %get3A_283] {strides = array<i32>} : memref<21x2048xf32, #tpu.memory_space<vmem>>, vector<16xf32>,
      %broadcast_in_dim3A_285 = arith.constant 4 : i32
      %broadcast_in_dim3A_286 = vector.broadcast %broadcast_in_dim3A_285 : i32 to vector<16xi32>
      %get3A_287 = arith.constant 5 : i32
      %get3A_288 = arith.index_cast %get3A_287 : i32 to index
      %get3A_289 = arith.index_cast %mul3A_257 : i32 to index
      %get3A_290 = tpu.vector_load %arg6[%get3A_288, %get3A_289] {strides = array<i32>} : memref<21x2048xf32, #tpu.memory_space<vmem>>, vector<16xf32>,
      %broadcast_in_dim3A_291 = arith.constant 5 : i32
      %broadcast_in_dim3A_292 = vector.broadcast %broadcast_in_dim3A_291 : i32 to vector<16xi32>
      %get3A_293 = arith.constant 6 : i32
      %get3A_294 = arith.index_cast %get3A_293 : i32 to index
      %get3A_295 = arith.index_cast %mul3A_257 : i32 to index
      %get3A_296 = tpu.vector_load %arg6[%get3A_294, %get3A_295] {strides = array<i32>} : memref<21x2048xf32, #tpu.memory_space<vmem>>, vector<16xf32>,
      %broadcast_in_dim3A_297 = arith.constant 6 : i32
      %broadcast_in_dim3A_298 = vector.broadcast %broadcast_in_dim3A_297 : i32 to vector<16xi32>
      %get3A_299 = arith.constant 7 : i32
      %get3A_300 = arith.index_cast %get3A_299 : i32 to index
      %get3A_301 = arith.index_cast %mul3A_257 : i32 to index
      %get3A_302 = tpu.vector_load %arg6[%get3A_300, %get3A_301] {strides = array<i32>} : memref<21x2048xf32, #tpu.memory_space<vmem>>, vector<16xf32>,
      %broadcast_in_dim3A_303 = arith.constant 7 : i32
      %broadcast_in_dim3A_304 = vector.broadcast %broadcast_in_dim3A_303 : i32 to vector<16xi32>
      %get3A_305 = arith.constant 8 : i32
      %get3A_306 = arith.index_cast %get3A_305 : i32 to index
      %get3A_307 = arith.index_cast %mul3A_257 : i32 to index
      %get3A_308 = tpu.vector_load %arg6[%get3A_306, %get3A_307] {strides = array<i32>} : memref<21x2048xf32, #tpu.memory_space<vmem>>, vector<16xf32>,
      %broadcast_in_dim3A_309 = arith.constant 8 : i32
      %broadcast_in_dim3A_310 = vector.broadcast %broadcast_in_dim3A_309 : i32 to vector<16xi32>
      %get3A_311 = arith.constant 9 : i32
      %get3A_312 = arith.index_cast %get3A_311 : i32 to index
      %get3A_313 = arith.index_cast %mul3A_257 : i32 to index
      %get3A_314 = tpu.vector_load %arg6[%get3A_312, %get3A_313] {strides = array<i32>} : memref<21x2048xf32, #tpu.memory_space<vmem>>, vector<16xf32>,
      %broadcast_in_dim3A_315 = arith.constant 9 : i32
      %broadcast_in_dim3A_316 = vector.broadcast %broadcast_in_dim3A_315 : i32 to vector<16xi32>
      %get3A_317 = arith.constant 10 : i32
      %get3A_318 = arith.index_cast %get3A_317 : i32 to index
      %get3A_319 = arith.index_cast %mul3A_257 : i32 to index
      %get3A_320 = tpu.vector_load %arg6[%get3A_318, %get3A_319] {strides = array<i32>} : memref<21x2048xf32, #tpu.memory_space<vmem>>, vector<16xf32>,
      %broadcast_in_dim3A_321 = arith.constant 10 : i32
      %broadcast_in_dim3A_322 = vector.broadcast %broadcast_in_dim3A_321 : i32 to vector<16xi32>
      %get3A_323 = arith.constant 11 : i32
      %get3A_324 = arith.index_cast %get3A_323 : i32 to index
      %get3A_325 = arith.index_cast %mul3A_257 : i32 to index
      %get3A_326 = tpu.vector_load %arg6[%get3A_324, %get3A_325] {strides = array<i32>} : memref<21x2048xf32, #tpu.memory_space<vmem>>, vector<16xf32>,
      %broadcast_in_dim3A_327 = arith.constant 11 : i32
      %broadcast_in_dim3A_328 = vector.broadcast %broadcast_in_dim3A_327 : i32 to vector<16xi32>
      %get3A_329 = arith.constant 12 : i32
      %get3A_330 = arith.index_cast %get3A_329 : i32 to index
      %get3A_331 = arith.index_cast %mul3A_257 : i32 to index
      %get3A_332 = tpu.vector_load %arg6[%get3A_330, %get3A_331] {strides = array<i32>} : memref<21x2048xf32, #tpu.memory_space<vmem>>, vector<16xf32>,
      %broadcast_in_dim3A_333 = arith.constant 12 : i32
      %broadcast_in_dim3A_334 = vector.broadcast %broadcast_in_dim3A_333 : i32 to vector<16xi32>
      %get3A_335 = arith.constant 13 : i32
      %get3A_336 = arith.index_cast %get3A_335 : i32 to index
      %get3A_337 = arith.index_cast %mul3A_257 : i32 to index
      %get3A_338 = tpu.vector_load %arg6[%get3A_336, %get3A_337] {strides = array<i32>} : memref<21x2048xf32, #tpu.memory_space<vmem>>, vector<16xf32>,
      %broadcast_in_dim3A_339 = arith.constant 13 : i32
      %broadcast_in_dim3A_340 = vector.broadcast %broadcast_in_dim3A_339 : i32 to vector<16xi32>
      %get3A_341 = arith.constant 14 : i32
      %get3A_342 = arith.index_cast %get3A_341 : i32 to index
      %get3A_343 = arith.index_cast %mul3A_257 : i32 to index
      %get3A_344 = tpu.vector_load %arg6[%get3A_342, %get3A_343] {strides = array<i32>} : memref<21x2048xf32, #tpu.memory_space<vmem>>, vector<16xf32>,
      %broadcast_in_dim3A_345 = arith.constant 14 : i32
      %broadcast_in_dim3A_346 = vector.broadcast %broadcast_in_dim3A_345 : i32 to vector<16xi32>
      %get3A_347 = arith.constant 15 : i32
      %get3A_348 = arith.index_cast %get3A_347 : i32 to index
      %get3A_349 = arith.index_cast %mul3A_257 : i32 to index
      %get3A_350 = tpu.vector_load %arg6[%get3A_348, %get3A_349] {strides = array<i32>} : memref<21x2048xf32, #tpu.memory_space<vmem>>, vector<16xf32>,
      %broadcast_in_dim3A_351 = arith.constant 15 : i32
      %broadcast_in_dim3A_352 = vector.broadcast %broadcast_in_dim3A_351 : i32 to vector<16xi32>
      %get3A_353 = arith.constant 16 : i32
      %get3A_354 = arith.index_cast %get3A_353 : i32 to index
      %get3A_355 = arith.index_cast %mul3A_257 : i32 to index
      %get3A_356 = tpu.vector_load %arg6[%get3A_354, %get3A_355] {strides = array<i32>} : memref<21x2048xf32, #tpu.memory_space<vmem>>, vector<16xf32>,
      %broadcast_in_dim3A_357 = arith.constant 16 : i32
      %broadcast_in_dim3A_358 = vector.broadcast %broadcast_in_dim3A_357 : i32 to vector<16xi32>
      %get3A_359 = arith.constant 17 : i32
      %get3A_360 = arith.index_cast %get3A_359 : i32 to index
      %get3A_361 = arith.index_cast %mul3A_257 : i32 to index
      %get3A_362 = tpu.vector_load %arg6[%get3A_360, %get3A_361] {strides = array<i32>} : memref<21x2048xf32, #tpu.memory_space<vmem>>, vector<16xf32>,
      %broadcast_in_dim3A_363 = arith.constant 17 : i32
      %broadcast_in_dim3A_364 = vector.broadcast %broadcast_in_dim3A_363 : i32 to vector<16xi32>
      %get3A_365 = arith.constant 18 : i32
      %get3A_366 = arith.index_cast %get3A_365 : i32 to index
      %get3A_367 = arith.index_cast %mul3A_257 : i32 to index
      %get3A_368 = tpu.vector_load %arg6[%get3A_366, %get3A_367] {strides = array<i32>} : memref<21x2048xf32, #tpu.memory_space<vmem>>, vector<16xf32>,
      %broadcast_in_dim3A_369 = arith.constant 18 : i32
      %broadcast_in_dim3A_370 = vector.broadcast %broadcast_in_dim3A_369 : i32 to vector<16xi32>
      %get3A_371 = arith.constant 19 : i32
      %get3A_372 = arith.index_cast %get3A_371 : i32 to index
      %get3A_373 = arith.index_cast %mul3A_257 : i32 to index
      %get3A_374 = tpu.vector_load %arg6[%get3A_372, %get3A_373] {strides = array<i32>} : memref<21x2048xf32, #tpu.memory_space<vmem>>, vector<16xf32>,
      %broadcast_in_dim3A_375 = arith.constant 19 : i32
      %broadcast_in_dim3A_376 = vector.broadcast %broadcast_in_dim3A_375 : i32 to vector<16xi32>
      %get3A_377 = arith.constant 20 : i32
      %get3A_378 = arith.index_cast %get3A_377 : i32 to index
      %get3A_379 = arith.index_cast %mul3A_257 : i32 to index
      %get3A_380 = tpu.vector_load %arg6[%get3A_378, %get3A_379] {strides = array<i32>} : memref<21x2048xf32, #tpu.memory_space<vmem>>, vector<16xf32>,
      %broadcast_in_dim3A_381 = arith.constant 20 : i32
      %broadcast_in_dim3A_382 = vector.broadcast %broadcast_in_dim3A_381 : i32 to vector<16xi32>
      %gt3A = arith.cmpf ogt, %get3A_266, %get3A_260 : vector<16xf32>
      %select_n3A = arith.select %gt3A, %get3A_266, %get3A_260 : vector<16xi1>, vector<16xf32>
      %select_n3A_383 = arith.select %gt3A, %broadcast_in_dim3A_268, %broadcast_in_dim3A_262 : vector<16xi1>, vector<16xi32>
      %gt3A_384 = arith.cmpf ogt, %get3A_278, %get3A_272 : vector<16xf32>
      %select_n3A_385 = arith.select %gt3A_384, %get3A_278, %get3A_272 : vector<16xi1>, vector<16xf32>
      %select_n3A_386 = arith.select %gt3A_384, %broadcast_in_dim3A_280, %broadcast_in_dim3A_274 : vector<16xi1>, vector<16xi32>
      %gt3A_387 = arith.cmpf ogt, %get3A_290, %get3A_284 : vector<16xf32>
      %select_n3A_388 = arith.select %gt3A_387, %get3A_290, %get3A_284 : vector<16xi1>, vector<16xf32>
      %select_n3A_389 = arith.select %gt3A_387, %broadcast_in_dim3A_292, %broadcast_in_dim3A_286 : vector<16xi1>, vector<16xi32>
      %gt3A_390 = arith.cmpf ogt, %get3A_302, %get3A_296 : vector<16xf32>
      %select_n3A_391 = arith.select %gt3A_390, %get3A_302, %get3A_296 : vector<16xi1>, vector<16xf32>
      %select_n3A_392 = arith.select %gt3A_390, %broadcast_in_dim3A_304, %broadcast_in_dim3A_298 : vector<16xi1>, vector<16xi32>
      %gt3A_393 = arith.cmpf ogt, %get3A_314, %get3A_308 : vector<16xf32>
      %select_n3A_394 = arith.select %gt3A_393, %get3A_314, %get3A_308 : vector<16xi1>, vector<16xf32>
      %select_n3A_395 = arith.select %gt3A_393, %broadcast_in_dim3A_316, %broadcast_in_dim3A_310 : vector<16xi1>, vector<16xi32>
      %gt3A_396 = arith.cmpf ogt, %get3A_326, %get3A_320 : vector<16xf32>
      %select_n3A_397 = arith.select %gt3A_396, %get3A_326, %get3A_320 : vector<16xi1>, vector<16xf32>
      %select_n3A_398 = arith.select %gt3A_396, %broadcast_in_dim3A_328, %broadcast_in_dim3A_322 : vector<16xi1>, vector<16xi32>
      %gt3A_399 = arith.cmpf ogt, %get3A_338, %get3A_332 : vector<16xf32>
      %select_n3A_400 = arith.select %gt3A_399, %get3A_338, %get3A_332 : vector<16xi1>, vector<16xf32>
      %select_n3A_401 = arith.select %gt3A_399, %broadcast_in_dim3A_340, %broadcast_in_dim3A_334 : vector<16xi1>, vector<16xi32>
      %gt3A_402 = arith.cmpf ogt, %get3A_350, %get3A_344 : vector<16xf32>
      %select_n3A_403 = arith.select %gt3A_402, %get3A_350, %get3A_344 : vector<16xi1>, vector<16xf32>
      %select_n3A_404 = arith.select %gt3A_402, %broadcast_in_dim3A_352, %broadcast_in_dim3A_346 : vector<16xi1>, vector<16xi32>
      %gt3A_405 = arith.cmpf ogt, %get3A_362, %get3A_356 : vector<16xf32>
      %select_n3A_406 = arith.select %gt3A_405, %get3A_362, %get3A_356 : vector<16xi1>, vector<16xf32>
      %select_n3A_407 = arith.select %gt3A_405, %broadcast_in_dim3A_364, %broadcast_in_dim3A_358 : vector<16xi1>, vector<16xi32>
      %gt3A_408 = arith.cmpf ogt, %get3A_374, %get3A_368 : vector<16xf32>
      %select_n3A_409 = arith.select %gt3A_408, %get3A_374, %get3A_368 : vector<16xi1>, vector<16xf32>
      %select_n3A_410 = arith.select %gt3A_408, %broadcast_in_dim3A_376, %broadcast_in_dim3A_370 : vector<16xi1>, vector<16xi32>
      %gt3A_411 = arith.cmpf ogt, %select_n3A_385, %select_n3A : vector<16xf32>
      %select_n3A_412 = arith.select %gt3A_411, %select_n3A_385, %select_n3A : vector<16xi1>, vector<16xf32>
      %select_n3A_413 = arith.select %gt3A_411, %select_n3A_386, %select_n3A_383 : vector<16xi1>, vector<16xi32>
      %gt3A_414 = arith.cmpf ogt, %select_n3A_391, %select_n3A_388 : vector<16xf32>
      %select_n3A_415 = arith.select %gt3A_414, %select_n3A_391, %select_n3A_388 : vector<16xi1>, vector<16xf32>
      %select_n3A_416 = arith.select %gt3A_414, %select_n3A_392, %select_n3A_389 : vector<16xi1>, vector<16xi32>
      %gt3A_417 = arith.cmpf ogt, %select_n3A_397, %select_n3A_394 : vector<16xf32>
      %select_n3A_418 = arith.select %gt3A_417, %select_n3A_397, %select_n3A_394 : vector<16xi1>, vector<16xf32>
      %select_n3A_419 = arith.select %gt3A_417, %select_n3A_398, %select_n3A_395 : vector<16xi1>, vector<16xi32>
      %gt3A_420 = arith.cmpf ogt, %select_n3A_403, %select_n3A_400 : vector<16xf32>
      %select_n3A_421 = arith.select %gt3A_420, %select_n3A_403, %select_n3A_400 : vector<16xi1>, vector<16xf32>
      %select_n3A_422 = arith.select %gt3A_420, %select_n3A_404, %select_n3A_401 : vector<16xi1>, vector<16xi32>
      %gt3A_423 = arith.cmpf ogt, %select_n3A_409, %select_n3A_406 : vector<16xf32>
      %select_n3A_424 = arith.select %gt3A_423, %select_n3A_409, %select_n3A_406 : vector<16xi1>, vector<16xf32>
      %select_n3A_425 = arith.select %gt3A_423, %select_n3A_410, %select_n3A_407 : vector<16xi1>, vector<16xi32>
      %gt3A_426 = arith.cmpf ogt, %select_n3A_415, %select_n3A_412 : vector<16xf32>
      %select_n3A_427 = arith.select %gt3A_426, %select_n3A_415, %select_n3A_412 : vector<16xi1>, vector<16xf32>
      %select_n3A_428 = arith.select %gt3A_426, %select_n3A_416, %select_n3A_413 : vector<16xi1>, vector<16xi32>
      %gt3A_429 = arith.cmpf ogt, %select_n3A_421, %select_n3A_418 : vector<16xf32>
      %select_n3A_430 = arith.select %gt3A_429, %select_n3A_421, %select_n3A_418 : vector<16xi1>, vector<16xf32>
      %select_n3A_431 = arith.select %gt3A_429, %select_n3A_422, %select_n3A_419 : vector<16xi1>, vector<16xi32>
      %gt3A_432 = arith.cmpf ogt, %get3A_380, %select_n3A_424 : vector<16xf32>
      %select_n3A_433 = arith.select %gt3A_432, %get3A_380, %select_n3A_424 : vector<16xi1>, vector<16xf32>
      %select_n3A_434 = arith.select %gt3A_432, %broadcast_in_dim3A_382, %select_n3A_425 : vector<16xi1>, vector<16xi32>
      %gt3A_435 = arith.cmpf ogt, %select_n3A_430, %select_n3A_427 : vector<16xf32>
      %select_n3A_436 = arith.select %gt3A_435, %select_n3A_430, %select_n3A_427 : vector<16xi1>, vector<16xf32>
      %select_n3A_437 = arith.select %gt3A_435, %select_n3A_431, %select_n3A_428 : vector<16xi1>, vector<16xi32>
      %gt3A_438 = arith.cmpf ogt, %select_n3A_433, %select_n3A_436 : vector<16xf32>
      %select_n3A_439 = arith.select %gt3A_438, %select_n3A_433, %select_n3A_436 : vector<16xi1>, vector<16xf32>
      %select_n3A_440 = arith.select %gt3A_438, %select_n3A_434, %select_n3A_437 : vector<16xi1>, vector<16xi32>
      %get3A_441 = arith.index_cast %mul3A_257 : i32 to index
      %get3A_442 = tpu.vector_load %arg8[%get3A_441] {strides = array<i32>} : memref<2048xi32, #tpu.memory_space<vmem>>, vector<16xi32>,
      %mul3A_443 = arith.constant 448 : i32
      %mul3A_444 = vector.broadcast %mul3A_443 : i32 to vector<16xi32>
      %mul3A_445 = arith.muli %iota3A, %mul3A_444 : vector<16xi32>
      %mul3A_446 = arith.constant 21 : i32
      %mul3A_447 = vector.broadcast %mul3A_446 : i32 to vector<16xi32>
      %mul3A_448 = arith.muli %get3A_442, %mul3A_447 : vector<16xi32>
      %add3A_449 = arith.addi %mul3A_445, %mul3A_448 : vector<16xi32>
      %add3A_450 = arith.addi %add3A_449, %select_n3A_440 : vector<16xi32>
      tpu.vector_store_idx %arg9[%add3A_450], %broadcast_in_dim3A_3 {add = true} : memref<7168xf32, #tpu.memory_space<vmem>>[vector<16xi32>], vector<16xf32>,
    }
    %scan3A_114 = arith.constant 128 : i32
    %dma_wait3A_115 = arith.constant 0 : i32
    %dma_wait3A_116 = tpu.memref_slice %arg2[%dma_wait3A_115, %mul3A_102] : memref<21x1048576xf32, #tpu.memory_space<hbm>> -> memref<21x2048xf32, #tpu.memory_space<hbm>>
    %dma_wait3A_117 = arith.constant 0 : i32
    %dma_wait3A_118 = tpu.memref_slice %arg2[%dma_wait3A_117, %mul3A_102] : memref<21x1048576xf32, #tpu.memory_space<hbm>> -> memref<21x2048xf32, #tpu.memory_space<hbm>>
    tpu.wait_dma2 semaphore(%arg11 : memref<!tpu.dma_semaphore, #tpu.memory_space<semaphore_mem>>) src(%dma_wait3A_118 : memref<21x2048xf32, #tpu.memory_space<hbm>>) dst(%arg5 : memref<21x2048xf32, #tpu.memory_space<vmem>>)
    %dma_wait3A_119 = tpu.memref_slice %arg3[%mul3A_102] : memref<1048576xi32, #tpu.memory_space<hbm>> -> memref<2048xi32, #tpu.memory_space<hbm>>
    %dma_wait3A_120 = tpu.memref_slice %arg3[%mul3A_102] : memref<1048576xi32, #tpu.memory_space<hbm>> -> memref<2048xi32, #tpu.memory_space<hbm>>
    tpu.wait_dma2 semaphore(%arg11 : memref<!tpu.dma_semaphore, #tpu.memory_space<semaphore_mem>>) src(%dma_wait3A_120 : memref<2048xi32, #tpu.memory_space<hbm>>) dst(%arg7 : memref<2048xi32, #tpu.memory_space<vmem>>)
    %mul3A_121 = arith.constant 10 : i32
    %mul3A_122 = arith.muli %add3A, %mul3A_121 : i32
    %add3A_123 = arith.constant 5 : i32
    %add3A_124 = arith.addi %mul3A_122, %add3A_123 : i32
    %mul3A_125 = arith.constant 2048 : i32
    %mul3A_126 = arith.muli %add3A_124, %mul3A_125 : i32
    %dma_start3A_127 = arith.constant 0 : i32
    %dma_start3A_128 = tpu.memref_slice %arg2[%dma_start3A_127, %mul3A_126] : memref<21x1048576xf32, #tpu.memory_space<hbm>> -> memref<21x2048xf32, #tpu.memory_space<hbm>>
    %dma_start3A_129 = arith.constant 0 : i32
    %dma_start3A_130 = tpu.memref_slice %arg2[%dma_start3A_129, %mul3A_126] : memref<21x1048576xf32, #tpu.memory_space<hbm>> -> memref<21x2048xf32, #tpu.memory_space<hbm>>
    tpu.enqueue_dma source(%dma_start3A_130 : memref<21x2048xf32, #tpu.memory_space<hbm>>) target(%arg6 : memref<21x2048xf32, #tpu.memory_space<vmem>>) target_semaphore(%arg12 : memref<!tpu.dma_semaphore, #tpu.memory_space<semaphore_mem>>)
    %dma_start3A_131 = tpu.memref_slice %arg3[%mul3A_126] : memref<1048576xi32, #tpu.memory_space<hbm>> -> memref<2048xi32, #tpu.memory_space<hbm>>
    %dma_start3A_132 = tpu.memref_slice %arg3[%mul3A_126] : memref<1048576xi32, #tpu.memory_space<hbm>> -> memref<2048xi32, #tpu.memory_space<hbm>>
    tpu.enqueue_dma source(%dma_start3A_132 : memref<2048xi32, #tpu.memory_space<hbm>>) target(%arg8 : memref<2048xi32, #tpu.memory_space<vmem>>) target_semaphore(%arg12 : memref<!tpu.dma_semaphore, #tpu.memory_space<semaphore_mem>>)
    %scan3A_133 = arith.constant 0 : i32
    %scan3A_134 = arith.constant 0 : i32
    %scan3A_135 = arith.constant 128 : i32
    %scan3A_136 = arith.addi %scan3A_134, %scan3A_135 : i32
    %scan3A_137 = arith.constant 1 : i32
    scf.for %scan3A_255 = %scan3A_134 to %scan3A_136 step %scan3A_137  : i32 {
      %mul3A_256 = arith.constant 16 : i32
      %mul3A_257 = arith.muli %scan3A_255, %mul3A_256 : i32
      %get3A = arith.constant 0 : i32
      %get3A_258 = arith.index_cast %get3A : i32 to index
      %get3A_259 = arith.index_cast %mul3A_257 : i32 to index
      %get3A_260 = tpu.vector_load %arg5[%get3A_258, %get3A_259] {strides = array<i32>} : memref<21x2048xf32, #tpu.memory_space<vmem>>, vector<16xf32>,
      %broadcast_in_dim3A_261 = arith.constant 0 : i32
      %broadcast_in_dim3A_262 = vector.broadcast %broadcast_in_dim3A_261 : i32 to vector<16xi32>
      %get3A_263 = arith.constant 1 : i32
      %get3A_264 = arith.index_cast %get3A_263 : i32 to index
      %get3A_265 = arith.index_cast %mul3A_257 : i32 to index
      %get3A_266 = tpu.vector_load %arg5[%get3A_264, %get3A_265] {strides = array<i32>} : memref<21x2048xf32, #tpu.memory_space<vmem>>, vector<16xf32>,
      %broadcast_in_dim3A_267 = arith.constant 1 : i32
      %broadcast_in_dim3A_268 = vector.broadcast %broadcast_in_dim3A_267 : i32 to vector<16xi32>
      %get3A_269 = arith.constant 2 : i32
      %get3A_270 = arith.index_cast %get3A_269 : i32 to index
      %get3A_271 = arith.index_cast %mul3A_257 : i32 to index
      %get3A_272 = tpu.vector_load %arg5[%get3A_270, %get3A_271] {strides = array<i32>} : memref<21x2048xf32, #tpu.memory_space<vmem>>, vector<16xf32>,
      %broadcast_in_dim3A_273 = arith.constant 2 : i32
      %broadcast_in_dim3A_274 = vector.broadcast %broadcast_in_dim3A_273 : i32 to vector<16xi32>
      %get3A_275 = arith.constant 3 : i32
      %get3A_276 = arith.index_cast %get3A_275 : i32 to index
      %get3A_277 = arith.index_cast %mul3A_257 : i32 to index
      %get3A_278 = tpu.vector_load %arg5[%get3A_276, %get3A_277] {strides = array<i32>} : memref<21x2048xf32, #tpu.memory_space<vmem>>, vector<16xf32>,
      %broadcast_in_dim3A_279 = arith.constant 3 : i32
      %broadcast_in_dim3A_280 = vector.broadcast %broadcast_in_dim3A_279 : i32 to vector<16xi32>
      %get3A_281 = arith.constant 4 : i32
      %get3A_282 = arith.index_cast %get3A_281 : i32 to index
      %get3A_283 = arith.index_cast %mul3A_257 : i32 to index
      %get3A_284 = tpu.vector_load %arg5[%get3A_282, %get3A_283] {strides = array<i32>} : memref<21x2048xf32, #tpu.memory_space<vmem>>, vector<16xf32>,
      %broadcast_in_dim3A_285 = arith.constant 4 : i32
      %broadcast_in_dim3A_286 = vector.broadcast %broadcast_in_dim3A_285 : i32 to vector<16xi32>
      %get3A_287 = arith.constant 5 : i32
      %get3A_288 = arith.index_cast %get3A_287 : i32 to index
      %get3A_289 = arith.index_cast %mul3A_257 : i32 to index
      %get3A_290 = tpu.vector_load %arg5[%get3A_288, %get3A_289] {strides = array<i32>} : memref<21x2048xf32, #tpu.memory_space<vmem>>, vector<16xf32>,
      %broadcast_in_dim3A_291 = arith.constant 5 : i32
      %broadcast_in_dim3A_292 = vector.broadcast %broadcast_in_dim3A_291 : i32 to vector<16xi32>
      %get3A_293 = arith.constant 6 : i32
      %get3A_294 = arith.index_cast %get3A_293 : i32 to index
      %get3A_295 = arith.index_cast %mul3A_257 : i32 to index
      %get3A_296 = tpu.vector_load %arg5[%get3A_294, %get3A_295] {strides = array<i32>} : memref<21x2048xf32, #tpu.memory_space<vmem>>, vector<16xf32>,
      %broadcast_in_dim3A_297 = arith.constant 6 : i32
      %broadcast_in_dim3A_298 = vector.broadcast %broadcast_in_dim3A_297 : i32 to vector<16xi32>
      %get3A_299 = arith.constant 7 : i32
      %get3A_300 = arith.index_cast %get3A_299 : i32 to index
      %get3A_301 = arith.index_cast %mul3A_257 : i32 to index
      %get3A_302 = tpu.vector_load %arg5[%get3A_300, %get3A_301] {strides = array<i32>} : memref<21x2048xf32, #tpu.memory_space<vmem>>, vector<16xf32>,
      %broadcast_in_dim3A_303 = arith.constant 7 : i32
      %broadcast_in_dim3A_304 = vector.broadcast %broadcast_in_dim3A_303 : i32 to vector<16xi32>
      %get3A_305 = arith.constant 8 : i32
      %get3A_306 = arith.index_cast %get3A_305 : i32 to index
      %get3A_307 = arith.index_cast %mul3A_257 : i32 to index
      %get3A_308 = tpu.vector_load %arg5[%get3A_306, %get3A_307] {strides = array<i32>} : memref<21x2048xf32, #tpu.memory_space<vmem>>, vector<16xf32>,
      %broadcast_in_dim3A_309 = arith.constant 8 : i32
      %broadcast_in_dim3A_310 = vector.broadcast %broadcast_in_dim3A_309 : i32 to vector<16xi32>
      %get3A_311 = arith.constant 9 : i32
      %get3A_312 = arith.index_cast %get3A_311 : i32 to index
      %get3A_313 = arith.index_cast %mul3A_257 : i32 to index
      %get3A_314 = tpu.vector_load %arg5[%get3A_312, %get3A_313] {strides = array<i32>} : memref<21x2048xf32, #tpu.memory_space<vmem>>, vector<16xf32>,
      %broadcast_in_dim3A_315 = arith.constant 9 : i32
      %broadcast_in_dim3A_316 = vector.broadcast %broadcast_in_dim3A_315 : i32 to vector<16xi32>
      %get3A_317 = arith.constant 10 : i32
      %get3A_318 = arith.index_cast %get3A_317 : i32 to index
      %get3A_319 = arith.index_cast %mul3A_257 : i32 to index
      %get3A_320 = tpu.vector_load %arg5[%get3A_318, %get3A_319] {strides = array<i32>} : memref<21x2048xf32, #tpu.memory_space<vmem>>, vector<16xf32>,
      %broadcast_in_dim3A_321 = arith.constant 10 : i32
      %broadcast_in_dim3A_322 = vector.broadcast %broadcast_in_dim3A_321 : i32 to vector<16xi32>
      %get3A_323 = arith.constant 11 : i32
      %get3A_324 = arith.index_cast %get3A_323 : i32 to index
      %get3A_325 = arith.index_cast %mul3A_257 : i32 to index
      %get3A_326 = tpu.vector_load %arg5[%get3A_324, %get3A_325] {strides = array<i32>} : memref<21x2048xf32, #tpu.memory_space<vmem>>, vector<16xf32>,
      %broadcast_in_dim3A_327 = arith.constant 11 : i32
      %broadcast_in_dim3A_328 = vector.broadcast %broadcast_in_dim3A_327 : i32 to vector<16xi32>
      %get3A_329 = arith.constant 12 : i32
      %get3A_330 = arith.index_cast %get3A_329 : i32 to index
      %get3A_331 = arith.index_cast %mul3A_257 : i32 to index
      %get3A_332 = tpu.vector_load %arg5[%get3A_330, %get3A_331] {strides = array<i32>} : memref<21x2048xf32, #tpu.memory_space<vmem>>, vector<16xf32>,
      %broadcast_in_dim3A_333 = arith.constant 12 : i32
      %broadcast_in_dim3A_334 = vector.broadcast %broadcast_in_dim3A_333 : i32 to vector<16xi32>
      %get3A_335 = arith.constant 13 : i32
      %get3A_336 = arith.index_cast %get3A_335 : i32 to index
      %get3A_337 = arith.index_cast %mul3A_257 : i32 to index
      %get3A_338 = tpu.vector_load %arg5[%get3A_336, %get3A_337] {strides = array<i32>} : memref<21x2048xf32, #tpu.memory_space<vmem>>, vector<16xf32>,
      %broadcast_in_dim3A_339 = arith.constant 13 : i32
      %broadcast_in_dim3A_340 = vector.broadcast %broadcast_in_dim3A_339 : i32 to vector<16xi32>
      %get3A_341 = arith.constant 14 : i32
      %get3A_342 = arith.index_cast %get3A_341 : i32 to index
      %get3A_343 = arith.index_cast %mul3A_257 : i32 to index
      %get3A_344 = tpu.vector_load %arg5[%get3A_342, %get3A_343] {strides = array<i32>} : memref<21x2048xf32, #tpu.memory_space<vmem>>, vector<16xf32>,
      %broadcast_in_dim3A_345 = arith.constant 14 : i32
      %broadcast_in_dim3A_346 = vector.broadcast %broadcast_in_dim3A_345 : i32 to vector<16xi32>
      %get3A_347 = arith.constant 15 : i32
      %get3A_348 = arith.index_cast %get3A_347 : i32 to index
      %get3A_349 = arith.index_cast %mul3A_257 : i32 to index
      %get3A_350 = tpu.vector_load %arg5[%get3A_348, %get3A_349] {strides = array<i32>} : memref<21x2048xf32, #tpu.memory_space<vmem>>, vector<16xf32>,
      %broadcast_in_dim3A_351 = arith.constant 15 : i32
      %broadcast_in_dim3A_352 = vector.broadcast %broadcast_in_dim3A_351 : i32 to vector<16xi32>
      %get3A_353 = arith.constant 16 : i32
      %get3A_354 = arith.index_cast %get3A_353 : i32 to index
      %get3A_355 = arith.index_cast %mul3A_257 : i32 to index
      %get3A_356 = tpu.vector_load %arg5[%get3A_354, %get3A_355] {strides = array<i32>} : memref<21x2048xf32, #tpu.memory_space<vmem>>, vector<16xf32>,
      %broadcast_in_dim3A_357 = arith.constant 16 : i32
      %broadcast_in_dim3A_358 = vector.broadcast %broadcast_in_dim3A_357 : i32 to vector<16xi32>
      %get3A_359 = arith.constant 17 : i32
      %get3A_360 = arith.index_cast %get3A_359 : i32 to index
      %get3A_361 = arith.index_cast %mul3A_257 : i32 to index
      %get3A_362 = tpu.vector_load %arg5[%get3A_360, %get3A_361] {strides = array<i32>} : memref<21x2048xf32, #tpu.memory_space<vmem>>, vector<16xf32>,
      %broadcast_in_dim3A_363 = arith.constant 17 : i32
      %broadcast_in_dim3A_364 = vector.broadcast %broadcast_in_dim3A_363 : i32 to vector<16xi32>
      %get3A_365 = arith.constant 18 : i32
      %get3A_366 = arith.index_cast %get3A_365 : i32 to index
      %get3A_367 = arith.index_cast %mul3A_257 : i32 to index
      %get3A_368 = tpu.vector_load %arg5[%get3A_366, %get3A_367] {strides = array<i32>} : memref<21x2048xf32, #tpu.memory_space<vmem>>, vector<16xf32>,
      %broadcast_in_dim3A_369 = arith.constant 18 : i32
      %broadcast_in_dim3A_370 = vector.broadcast %broadcast_in_dim3A_369 : i32 to vector<16xi32>
      %get3A_371 = arith.constant 19 : i32
      %get3A_372 = arith.index_cast %get3A_371 : i32 to index
      %get3A_373 = arith.index_cast %mul3A_257 : i32 to index
      %get3A_374 = tpu.vector_load %arg5[%get3A_372, %get3A_373] {strides = array<i32>} : memref<21x2048xf32, #tpu.memory_space<vmem>>, vector<16xf32>,
      %broadcast_in_dim3A_375 = arith.constant 19 : i32
      %broadcast_in_dim3A_376 = vector.broadcast %broadcast_in_dim3A_375 : i32 to vector<16xi32>
      %get3A_377 = arith.constant 20 : i32
      %get3A_378 = arith.index_cast %get3A_377 : i32 to index
      %get3A_379 = arith.index_cast %mul3A_257 : i32 to index
      %get3A_380 = tpu.vector_load %arg5[%get3A_378, %get3A_379] {strides = array<i32>} : memref<21x2048xf32, #tpu.memory_space<vmem>>, vector<16xf32>,
      %broadcast_in_dim3A_381 = arith.constant 20 : i32
      %broadcast_in_dim3A_382 = vector.broadcast %broadcast_in_dim3A_381 : i32 to vector<16xi32>
      %gt3A = arith.cmpf ogt, %get3A_266, %get3A_260 : vector<16xf32>
      %select_n3A = arith.select %gt3A, %get3A_266, %get3A_260 : vector<16xi1>, vector<16xf32>
      %select_n3A_383 = arith.select %gt3A, %broadcast_in_dim3A_268, %broadcast_in_dim3A_262 : vector<16xi1>, vector<16xi32>
      %gt3A_384 = arith.cmpf ogt, %get3A_278, %get3A_272 : vector<16xf32>
      %select_n3A_385 = arith.select %gt3A_384, %get3A_278, %get3A_272 : vector<16xi1>, vector<16xf32>
      %select_n3A_386 = arith.select %gt3A_384, %broadcast_in_dim3A_280, %broadcast_in_dim3A_274 : vector<16xi1>, vector<16xi32>
      %gt3A_387 = arith.cmpf ogt, %get3A_290, %get3A_284 : vector<16xf32>
      %select_n3A_388 = arith.select %gt3A_387, %get3A_290, %get3A_284 : vector<16xi1>, vector<16xf32>
      %select_n3A_389 = arith.select %gt3A_387, %broadcast_in_dim3A_292, %broadcast_in_dim3A_286 : vector<16xi1>, vector<16xi32>
      %gt3A_390 = arith.cmpf ogt, %get3A_302, %get3A_296 : vector<16xf32>
      %select_n3A_391 = arith.select %gt3A_390, %get3A_302, %get3A_296 : vector<16xi1>, vector<16xf32>
      %select_n3A_392 = arith.select %gt3A_390, %broadcast_in_dim3A_304, %broadcast_in_dim3A_298 : vector<16xi1>, vector<16xi32>
      %gt3A_393 = arith.cmpf ogt, %get3A_314, %get3A_308 : vector<16xf32>
      %select_n3A_394 = arith.select %gt3A_393, %get3A_314, %get3A_308 : vector<16xi1>, vector<16xf32>
      %select_n3A_395 = arith.select %gt3A_393, %broadcast_in_dim3A_316, %broadcast_in_dim3A_310 : vector<16xi1>, vector<16xi32>
      %gt3A_396 = arith.cmpf ogt, %get3A_326, %get3A_320 : vector<16xf32>
      %select_n3A_397 = arith.select %gt3A_396, %get3A_326, %get3A_320 : vector<16xi1>, vector<16xf32>
      %select_n3A_398 = arith.select %gt3A_396, %broadcast_in_dim3A_328, %broadcast_in_dim3A_322 : vector<16xi1>, vector<16xi32>
      %gt3A_399 = arith.cmpf ogt, %get3A_338, %get3A_332 : vector<16xf32>
      %select_n3A_400 = arith.select %gt3A_399, %get3A_338, %get3A_332 : vector<16xi1>, vector<16xf32>
      %select_n3A_401 = arith.select %gt3A_399, %broadcast_in_dim3A_340, %broadcast_in_dim3A_334 : vector<16xi1>, vector<16xi32>
      %gt3A_402 = arith.cmpf ogt, %get3A_350, %get3A_344 : vector<16xf32>
      %select_n3A_403 = arith.select %gt3A_402, %get3A_350, %get3A_344 : vector<16xi1>, vector<16xf32>
      %select_n3A_404 = arith.select %gt3A_402, %broadcast_in_dim3A_352, %broadcast_in_dim3A_346 : vector<16xi1>, vector<16xi32>
      %gt3A_405 = arith.cmpf ogt, %get3A_362, %get3A_356 : vector<16xf32>
      %select_n3A_406 = arith.select %gt3A_405, %get3A_362, %get3A_356 : vector<16xi1>, vector<16xf32>
      %select_n3A_407 = arith.select %gt3A_405, %broadcast_in_dim3A_364, %broadcast_in_dim3A_358 : vector<16xi1>, vector<16xi32>
      %gt3A_408 = arith.cmpf ogt, %get3A_374, %get3A_368 : vector<16xf32>
      %select_n3A_409 = arith.select %gt3A_408, %get3A_374, %get3A_368 : vector<16xi1>, vector<16xf32>
      %select_n3A_410 = arith.select %gt3A_408, %broadcast_in_dim3A_376, %broadcast_in_dim3A_370 : vector<16xi1>, vector<16xi32>
      %gt3A_411 = arith.cmpf ogt, %select_n3A_385, %select_n3A : vector<16xf32>
      %select_n3A_412 = arith.select %gt3A_411, %select_n3A_385, %select_n3A : vector<16xi1>, vector<16xf32>
      %select_n3A_413 = arith.select %gt3A_411, %select_n3A_386, %select_n3A_383 : vector<16xi1>, vector<16xi32>
      %gt3A_414 = arith.cmpf ogt, %select_n3A_391, %select_n3A_388 : vector<16xf32>
      %select_n3A_415 = arith.select %gt3A_414, %select_n3A_391, %select_n3A_388 : vector<16xi1>, vector<16xf32>
      %select_n3A_416 = arith.select %gt3A_414, %select_n3A_392, %select_n3A_389 : vector<16xi1>, vector<16xi32>
      %gt3A_417 = arith.cmpf ogt, %select_n3A_397, %select_n3A_394 : vector<16xf32>
      %select_n3A_418 = arith.select %gt3A_417, %select_n3A_397, %select_n3A_394 : vector<16xi1>, vector<16xf32>
      %select_n3A_419 = arith.select %gt3A_417, %select_n3A_398, %select_n3A_395 : vector<16xi1>, vector<16xi32>
      %gt3A_420 = arith.cmpf ogt, %select_n3A_403, %select_n3A_400 : vector<16xf32>
      %select_n3A_421 = arith.select %gt3A_420, %select_n3A_403, %select_n3A_400 : vector<16xi1>, vector<16xf32>
      %select_n3A_422 = arith.select %gt3A_420, %select_n3A_404, %select_n3A_401 : vector<16xi1>, vector<16xi32>
      %gt3A_423 = arith.cmpf ogt, %select_n3A_409, %select_n3A_406 : vector<16xf32>
      %select_n3A_424 = arith.select %gt3A_423, %select_n3A_409, %select_n3A_406 : vector<16xi1>, vector<16xf32>
      %select_n3A_425 = arith.select %gt3A_423, %select_n3A_410, %select_n3A_407 : vector<16xi1>, vector<16xi32>
      %gt3A_426 = arith.cmpf ogt, %select_n3A_415, %select_n3A_412 : vector<16xf32>
      %select_n3A_427 = arith.select %gt3A_426, %select_n3A_415, %select_n3A_412 : vector<16xi1>, vector<16xf32>
      %select_n3A_428 = arith.select %gt3A_426, %select_n3A_416, %select_n3A_413 : vector<16xi1>, vector<16xi32>
      %gt3A_429 = arith.cmpf ogt, %select_n3A_421, %select_n3A_418 : vector<16xf32>
      %select_n3A_430 = arith.select %gt3A_429, %select_n3A_421, %select_n3A_418 : vector<16xi1>, vector<16xf32>
      %select_n3A_431 = arith.select %gt3A_429, %select_n3A_422, %select_n3A_419 : vector<16xi1>, vector<16xi32>
      %gt3A_432 = arith.cmpf ogt, %get3A_380, %select_n3A_424 : vector<16xf32>
      %select_n3A_433 = arith.select %gt3A_432, %get3A_380, %select_n3A_424 : vector<16xi1>, vector<16xf32>
      %select_n3A_434 = arith.select %gt3A_432, %broadcast_in_dim3A_382, %select_n3A_425 : vector<16xi1>, vector<16xi32>
      %gt3A_435 = arith.cmpf ogt, %select_n3A_430, %select_n3A_427 : vector<16xf32>
      %select_n3A_436 = arith.select %gt3A_435, %select_n3A_430, %select_n3A_427 : vector<16xi1>, vector<16xf32>
      %select_n3A_437 = arith.select %gt3A_435, %select_n3A_431, %select_n3A_428 : vector<16xi1>, vector<16xi32>
      %gt3A_438 = arith.cmpf ogt, %select_n3A_433, %select_n3A_436 : vector<16xf32>
      %select_n3A_439 = arith.select %gt3A_438, %select_n3A_433, %select_n3A_436 : vector<16xi1>, vector<16xf32>
      %select_n3A_440 = arith.select %gt3A_438, %select_n3A_434, %select_n3A_437 : vector<16xi1>, vector<16xi32>
      %get3A_441 = arith.index_cast %mul3A_257 : i32 to index
      %get3A_442 = tpu.vector_load %arg7[%get3A_441] {strides = array<i32>} : memref<2048xi32, #tpu.memory_space<vmem>>, vector<16xi32>,
      %mul3A_443 = arith.constant 448 : i32
      %mul3A_444 = vector.broadcast %mul3A_443 : i32 to vector<16xi32>
      %mul3A_445 = arith.muli %iota3A, %mul3A_444 : vector<16xi32>
      %mul3A_446 = arith.constant 21 : i32
      %mul3A_447 = vector.broadcast %mul3A_446 : i32 to vector<16xi32>
      %mul3A_448 = arith.muli %get3A_442, %mul3A_447 : vector<16xi32>
      %add3A_449 = arith.addi %mul3A_445, %mul3A_448 : vector<16xi32>
      %add3A_450 = arith.addi %add3A_449, %select_n3A_440 : vector<16xi32>
      tpu.vector_store_idx %arg9[%add3A_450], %broadcast_in_dim3A_3 {add = true} : memref<7168xf32, #tpu.memory_space<vmem>>[vector<16xi32>], vector<16xf32>,
    }
    %scan3A_138 = arith.constant 128 : i32
    %dma_wait3A_139 = arith.constant 0 : i32
    %dma_wait3A_140 = tpu.memref_slice %arg2[%dma_wait3A_139, %mul3A_126] : memref<21x1048576xf32, #tpu.memory_space<hbm>> -> memref<21x2048xf32, #tpu.memory_space<hbm>>
    %dma_wait3A_141 = arith.constant 0 : i32
    %dma_wait3A_142 = tpu.memref_slice %arg2[%dma_wait3A_141, %mul3A_126] : memref<21x1048576xf32, #tpu.memory_space<hbm>> -> memref<21x2048xf32, #tpu.memory_space<hbm>>
    tpu.wait_dma2 semaphore(%arg12 : memref<!tpu.dma_semaphore, #tpu.memory_space<semaphore_mem>>) src(%dma_wait3A_142 : memref<21x2048xf32, #tpu.memory_space<hbm>>) dst(%arg6 : memref<21x2048xf32, #tpu.memory_space<vmem>>)
    %dma_wait3A_143 = tpu.memref_slice %arg3[%mul3A_126] : memref<1048576xi32, #tpu.memory_space<hbm>> -> memref<2048xi32, #tpu.memory_space<hbm>>
    %dma_wait3A_144 = tpu.memref_slice %arg3[%mul3A_126] : memref<1048576xi32, #tpu.memory_space<hbm>> -> memref<2048xi32, #tpu.memory_space<hbm>>
    tpu.wait_dma2 semaphore(%arg12 : memref<!tpu.dma_semaphore, #tpu.memory_space<semaphore_mem>>) src(%dma_wait3A_144 : memref<2048xi32, #tpu.memory_space<hbm>>) dst(%arg8 : memref<2048xi32, #tpu.memory_space<vmem>>)
    %mul3A_145 = arith.constant 10 : i32
    %mul3A_146 = arith.muli %add3A, %mul3A_145 : i32
    %add3A_147 = arith.constant 6 : i32
    %add3A_148 = arith.addi %mul3A_146, %add3A_147 : i32
    %mul3A_149 = arith.constant 2048 : i32
    %mul3A_150 = arith.muli %add3A_148, %mul3A_149 : i32
    %dma_start3A_151 = arith.constant 0 : i32
    %dma_start3A_152 = tpu.memref_slice %arg2[%dma_start3A_151, %mul3A_150] : memref<21x1048576xf32, #tpu.memory_space<hbm>> -> memref<21x2048xf32, #tpu.memory_space<hbm>>
    %dma_start3A_153 = arith.constant 0 : i32
    %dma_start3A_154 = tpu.memref_slice %arg2[%dma_start3A_153, %mul3A_150] : memref<21x1048576xf32, #tpu.memory_space<hbm>> -> memref<21x2048xf32, #tpu.memory_space<hbm>>
    tpu.enqueue_dma source(%dma_start3A_154 : memref<21x2048xf32, #tpu.memory_space<hbm>>) target(%arg5 : memref<21x2048xf32, #tpu.memory_space<vmem>>) target_semaphore(%arg11 : memref<!tpu.dma_semaphore, #tpu.memory_space<semaphore_mem>>)
    %dma_start3A_155 = tpu.memref_slice %arg3[%mul3A_150] : memref<1048576xi32, #tpu.memory_space<hbm>> -> memref<2048xi32, #tpu.memory_space<hbm>>
    %dma_start3A_156 = tpu.memref_slice %arg3[%mul3A_150] : memref<1048576xi32, #tpu.memory_space<hbm>> -> memref<2048xi32, #tpu.memory_space<hbm>>
    tpu.enqueue_dma source(%dma_start3A_156 : memref<2048xi32, #tpu.memory_space<hbm>>) target(%arg7 : memref<2048xi32, #tpu.memory_space<vmem>>) target_semaphore(%arg11 : memref<!tpu.dma_semaphore, #tpu.memory_space<semaphore_mem>>)
    %scan3A_157 = arith.constant 0 : i32
    %scan3A_158 = arith.constant 0 : i32
    %scan3A_159 = arith.constant 128 : i32
    %scan3A_160 = arith.addi %scan3A_158, %scan3A_159 : i32
    %scan3A_161 = arith.constant 1 : i32
    scf.for %scan3A_255 = %scan3A_158 to %scan3A_160 step %scan3A_161  : i32 {
      %mul3A_256 = arith.constant 16 : i32
      %mul3A_257 = arith.muli %scan3A_255, %mul3A_256 : i32
      %get3A = arith.constant 0 : i32
      %get3A_258 = arith.index_cast %get3A : i32 to index
      %get3A_259 = arith.index_cast %mul3A_257 : i32 to index
      %get3A_260 = tpu.vector_load %arg6[%get3A_258, %get3A_259] {strides = array<i32>} : memref<21x2048xf32, #tpu.memory_space<vmem>>, vector<16xf32>,
      %broadcast_in_dim3A_261 = arith.constant 0 : i32
      %broadcast_in_dim3A_262 = vector.broadcast %broadcast_in_dim3A_261 : i32 to vector<16xi32>
      %get3A_263 = arith.constant 1 : i32
      %get3A_264 = arith.index_cast %get3A_263 : i32 to index
      %get3A_265 = arith.index_cast %mul3A_257 : i32 to index
      %get3A_266 = tpu.vector_load %arg6[%get3A_264, %get3A_265] {strides = array<i32>} : memref<21x2048xf32, #tpu.memory_space<vmem>>, vector<16xf32>,
      %broadcast_in_dim3A_267 = arith.constant 1 : i32
      %broadcast_in_dim3A_268 = vector.broadcast %broadcast_in_dim3A_267 : i32 to vector<16xi32>
      %get3A_269 = arith.constant 2 : i32
      %get3A_270 = arith.index_cast %get3A_269 : i32 to index
      %get3A_271 = arith.index_cast %mul3A_257 : i32 to index
      %get3A_272 = tpu.vector_load %arg6[%get3A_270, %get3A_271] {strides = array<i32>} : memref<21x2048xf32, #tpu.memory_space<vmem>>, vector<16xf32>,
      %broadcast_in_dim3A_273 = arith.constant 2 : i32
      %broadcast_in_dim3A_274 = vector.broadcast %broadcast_in_dim3A_273 : i32 to vector<16xi32>
      %get3A_275 = arith.constant 3 : i32
      %get3A_276 = arith.index_cast %get3A_275 : i32 to index
      %get3A_277 = arith.index_cast %mul3A_257 : i32 to index
      %get3A_278 = tpu.vector_load %arg6[%get3A_276, %get3A_277] {strides = array<i32>} : memref<21x2048xf32, #tpu.memory_space<vmem>>, vector<16xf32>,
      %broadcast_in_dim3A_279 = arith.constant 3 : i32
      %broadcast_in_dim3A_280 = vector.broadcast %broadcast_in_dim3A_279 : i32 to vector<16xi32>
      %get3A_281 = arith.constant 4 : i32
      %get3A_282 = arith.index_cast %get3A_281 : i32 to index
      %get3A_283 = arith.index_cast %mul3A_257 : i32 to index
      %get3A_284 = tpu.vector_load %arg6[%get3A_282, %get3A_283] {strides = array<i32>} : memref<21x2048xf32, #tpu.memory_space<vmem>>, vector<16xf32>,
      %broadcast_in_dim3A_285 = arith.constant 4 : i32
      %broadcast_in_dim3A_286 = vector.broadcast %broadcast_in_dim3A_285 : i32 to vector<16xi32>
      %get3A_287 = arith.constant 5 : i32
      %get3A_288 = arith.index_cast %get3A_287 : i32 to index
      %get3A_289 = arith.index_cast %mul3A_257 : i32 to index
      %get3A_290 = tpu.vector_load %arg6[%get3A_288, %get3A_289] {strides = array<i32>} : memref<21x2048xf32, #tpu.memory_space<vmem>>, vector<16xf32>,
      %broadcast_in_dim3A_291 = arith.constant 5 : i32
      %broadcast_in_dim3A_292 = vector.broadcast %broadcast_in_dim3A_291 : i32 to vector<16xi32>
      %get3A_293 = arith.constant 6 : i32
      %get3A_294 = arith.index_cast %get3A_293 : i32 to index
      %get3A_295 = arith.index_cast %mul3A_257 : i32 to index
      %get3A_296 = tpu.vector_load %arg6[%get3A_294, %get3A_295] {strides = array<i32>} : memref<21x2048xf32, #tpu.memory_space<vmem>>, vector<16xf32>,
      %broadcast_in_dim3A_297 = arith.constant 6 : i32
      %broadcast_in_dim3A_298 = vector.broadcast %broadcast_in_dim3A_297 : i32 to vector<16xi32>
      %get3A_299 = arith.constant 7 : i32
      %get3A_300 = arith.index_cast %get3A_299 : i32 to index
      %get3A_301 = arith.index_cast %mul3A_257 : i32 to index
      %get3A_302 = tpu.vector_load %arg6[%get3A_300, %get3A_301] {strides = array<i32>} : memref<21x2048xf32, #tpu.memory_space<vmem>>, vector<16xf32>,
      %broadcast_in_dim3A_303 = arith.constant 7 : i32
      %broadcast_in_dim3A_304 = vector.broadcast %broadcast_in_dim3A_303 : i32 to vector<16xi32>
      %get3A_305 = arith.constant 8 : i32
      %get3A_306 = arith.index_cast %get3A_305 : i32 to index
      %get3A_307 = arith.index_cast %mul3A_257 : i32 to index
      %get3A_308 = tpu.vector_load %arg6[%get3A_306, %get3A_307] {strides = array<i32>} : memref<21x2048xf32, #tpu.memory_space<vmem>>, vector<16xf32>,
      %broadcast_in_dim3A_309 = arith.constant 8 : i32
      %broadcast_in_dim3A_310 = vector.broadcast %broadcast_in_dim3A_309 : i32 to vector<16xi32>
      %get3A_311 = arith.constant 9 : i32
      %get3A_312 = arith.index_cast %get3A_311 : i32 to index
      %get3A_313 = arith.index_cast %mul3A_257 : i32 to index
      %get3A_314 = tpu.vector_load %arg6[%get3A_312, %get3A_313] {strides = array<i32>} : memref<21x2048xf32, #tpu.memory_space<vmem>>, vector<16xf32>,
      %broadcast_in_dim3A_315 = arith.constant 9 : i32
      %broadcast_in_dim3A_316 = vector.broadcast %broadcast_in_dim3A_315 : i32 to vector<16xi32>
      %get3A_317 = arith.constant 10 : i32
      %get3A_318 = arith.index_cast %get3A_317 : i32 to index
      %get3A_319 = arith.index_cast %mul3A_257 : i32 to index
      %get3A_320 = tpu.vector_load %arg6[%get3A_318, %get3A_319] {strides = array<i32>} : memref<21x2048xf32, #tpu.memory_space<vmem>>, vector<16xf32>,
      %broadcast_in_dim3A_321 = arith.constant 10 : i32
      %broadcast_in_dim3A_322 = vector.broadcast %broadcast_in_dim3A_321 : i32 to vector<16xi32>
      %get3A_323 = arith.constant 11 : i32
      %get3A_324 = arith.index_cast %get3A_323 : i32 to index
      %get3A_325 = arith.index_cast %mul3A_257 : i32 to index
      %get3A_326 = tpu.vector_load %arg6[%get3A_324, %get3A_325] {strides = array<i32>} : memref<21x2048xf32, #tpu.memory_space<vmem>>, vector<16xf32>,
      %broadcast_in_dim3A_327 = arith.constant 11 : i32
      %broadcast_in_dim3A_328 = vector.broadcast %broadcast_in_dim3A_327 : i32 to vector<16xi32>
      %get3A_329 = arith.constant 12 : i32
      %get3A_330 = arith.index_cast %get3A_329 : i32 to index
      %get3A_331 = arith.index_cast %mul3A_257 : i32 to index
      %get3A_332 = tpu.vector_load %arg6[%get3A_330, %get3A_331] {strides = array<i32>} : memref<21x2048xf32, #tpu.memory_space<vmem>>, vector<16xf32>,
      %broadcast_in_dim3A_333 = arith.constant 12 : i32
      %broadcast_in_dim3A_334 = vector.broadcast %broadcast_in_dim3A_333 : i32 to vector<16xi32>
      %get3A_335 = arith.constant 13 : i32
      %get3A_336 = arith.index_cast %get3A_335 : i32 to index
      %get3A_337 = arith.index_cast %mul3A_257 : i32 to index
      %get3A_338 = tpu.vector_load %arg6[%get3A_336, %get3A_337] {strides = array<i32>} : memref<21x2048xf32, #tpu.memory_space<vmem>>, vector<16xf32>,
      %broadcast_in_dim3A_339 = arith.constant 13 : i32
      %broadcast_in_dim3A_340 = vector.broadcast %broadcast_in_dim3A_339 : i32 to vector<16xi32>
      %get3A_341 = arith.constant 14 : i32
      %get3A_342 = arith.index_cast %get3A_341 : i32 to index
      %get3A_343 = arith.index_cast %mul3A_257 : i32 to index
      %get3A_344 = tpu.vector_load %arg6[%get3A_342, %get3A_343] {strides = array<i32>} : memref<21x2048xf32, #tpu.memory_space<vmem>>, vector<16xf32>,
      %broadcast_in_dim3A_345 = arith.constant 14 : i32
      %broadcast_in_dim3A_346 = vector.broadcast %broadcast_in_dim3A_345 : i32 to vector<16xi32>
      %get3A_347 = arith.constant 15 : i32
      %get3A_348 = arith.index_cast %get3A_347 : i32 to index
      %get3A_349 = arith.index_cast %mul3A_257 : i32 to index
      %get3A_350 = tpu.vector_load %arg6[%get3A_348, %get3A_349] {strides = array<i32>} : memref<21x2048xf32, #tpu.memory_space<vmem>>, vector<16xf32>,
      %broadcast_in_dim3A_351 = arith.constant 15 : i32
      %broadcast_in_dim3A_352 = vector.broadcast %broadcast_in_dim3A_351 : i32 to vector<16xi32>
      %get3A_353 = arith.constant 16 : i32
      %get3A_354 = arith.index_cast %get3A_353 : i32 to index
      %get3A_355 = arith.index_cast %mul3A_257 : i32 to index
      %get3A_356 = tpu.vector_load %arg6[%get3A_354, %get3A_355] {strides = array<i32>} : memref<21x2048xf32, #tpu.memory_space<vmem>>, vector<16xf32>,
      %broadcast_in_dim3A_357 = arith.constant 16 : i32
      %broadcast_in_dim3A_358 = vector.broadcast %broadcast_in_dim3A_357 : i32 to vector<16xi32>
      %get3A_359 = arith.constant 17 : i32
      %get3A_360 = arith.index_cast %get3A_359 : i32 to index
      %get3A_361 = arith.index_cast %mul3A_257 : i32 to index
      %get3A_362 = tpu.vector_load %arg6[%get3A_360, %get3A_361] {strides = array<i32>} : memref<21x2048xf32, #tpu.memory_space<vmem>>, vector<16xf32>,
      %broadcast_in_dim3A_363 = arith.constant 17 : i32
      %broadcast_in_dim3A_364 = vector.broadcast %broadcast_in_dim3A_363 : i32 to vector<16xi32>
      %get3A_365 = arith.constant 18 : i32
      %get3A_366 = arith.index_cast %get3A_365 : i32 to index
      %get3A_367 = arith.index_cast %mul3A_257 : i32 to index
      %get3A_368 = tpu.vector_load %arg6[%get3A_366, %get3A_367] {strides = array<i32>} : memref<21x2048xf32, #tpu.memory_space<vmem>>, vector<16xf32>,
      %broadcast_in_dim3A_369 = arith.constant 18 : i32
      %broadcast_in_dim3A_370 = vector.broadcast %broadcast_in_dim3A_369 : i32 to vector<16xi32>
      %get3A_371 = arith.constant 19 : i32
      %get3A_372 = arith.index_cast %get3A_371 : i32 to index
      %get3A_373 = arith.index_cast %mul3A_257 : i32 to index
      %get3A_374 = tpu.vector_load %arg6[%get3A_372, %get3A_373] {strides = array<i32>} : memref<21x2048xf32, #tpu.memory_space<vmem>>, vector<16xf32>,
      %broadcast_in_dim3A_375 = arith.constant 19 : i32
      %broadcast_in_dim3A_376 = vector.broadcast %broadcast_in_dim3A_375 : i32 to vector<16xi32>
      %get3A_377 = arith.constant 20 : i32
      %get3A_378 = arith.index_cast %get3A_377 : i32 to index
      %get3A_379 = arith.index_cast %mul3A_257 : i32 to index
      %get3A_380 = tpu.vector_load %arg6[%get3A_378, %get3A_379] {strides = array<i32>} : memref<21x2048xf32, #tpu.memory_space<vmem>>, vector<16xf32>,
      %broadcast_in_dim3A_381 = arith.constant 20 : i32
      %broadcast_in_dim3A_382 = vector.broadcast %broadcast_in_dim3A_381 : i32 to vector<16xi32>
      %gt3A = arith.cmpf ogt, %get3A_266, %get3A_260 : vector<16xf32>
      %select_n3A = arith.select %gt3A, %get3A_266, %get3A_260 : vector<16xi1>, vector<16xf32>
      %select_n3A_383 = arith.select %gt3A, %broadcast_in_dim3A_268, %broadcast_in_dim3A_262 : vector<16xi1>, vector<16xi32>
      %gt3A_384 = arith.cmpf ogt, %get3A_278, %get3A_272 : vector<16xf32>
      %select_n3A_385 = arith.select %gt3A_384, %get3A_278, %get3A_272 : vector<16xi1>, vector<16xf32>
      %select_n3A_386 = arith.select %gt3A_384, %broadcast_in_dim3A_280, %broadcast_in_dim3A_274 : vector<16xi1>, vector<16xi32>
      %gt3A_387 = arith.cmpf ogt, %get3A_290, %get3A_284 : vector<16xf32>
      %select_n3A_388 = arith.select %gt3A_387, %get3A_290, %get3A_284 : vector<16xi1>, vector<16xf32>
      %select_n3A_389 = arith.select %gt3A_387, %broadcast_in_dim3A_292, %broadcast_in_dim3A_286 : vector<16xi1>, vector<16xi32>
      %gt3A_390 = arith.cmpf ogt, %get3A_302, %get3A_296 : vector<16xf32>
      %select_n3A_391 = arith.select %gt3A_390, %get3A_302, %get3A_296 : vector<16xi1>, vector<16xf32>
      %select_n3A_392 = arith.select %gt3A_390, %broadcast_in_dim3A_304, %broadcast_in_dim3A_298 : vector<16xi1>, vector<16xi32>
      %gt3A_393 = arith.cmpf ogt, %get3A_314, %get3A_308 : vector<16xf32>
      %select_n3A_394 = arith.select %gt3A_393, %get3A_314, %get3A_308 : vector<16xi1>, vector<16xf32>
      %select_n3A_395 = arith.select %gt3A_393, %broadcast_in_dim3A_316, %broadcast_in_dim3A_310 : vector<16xi1>, vector<16xi32>
      %gt3A_396 = arith.cmpf ogt, %get3A_326, %get3A_320 : vector<16xf32>
      %select_n3A_397 = arith.select %gt3A_396, %get3A_326, %get3A_320 : vector<16xi1>, vector<16xf32>
      %select_n3A_398 = arith.select %gt3A_396, %broadcast_in_dim3A_328, %broadcast_in_dim3A_322 : vector<16xi1>, vector<16xi32>
      %gt3A_399 = arith.cmpf ogt, %get3A_338, %get3A_332 : vector<16xf32>
      %select_n3A_400 = arith.select %gt3A_399, %get3A_338, %get3A_332 : vector<16xi1>, vector<16xf32>
      %select_n3A_401 = arith.select %gt3A_399, %broadcast_in_dim3A_340, %broadcast_in_dim3A_334 : vector<16xi1>, vector<16xi32>
      %gt3A_402 = arith.cmpf ogt, %get3A_350, %get3A_344 : vector<16xf32>
      %select_n3A_403 = arith.select %gt3A_402, %get3A_350, %get3A_344 : vector<16xi1>, vector<16xf32>
      %select_n3A_404 = arith.select %gt3A_402, %broadcast_in_dim3A_352, %broadcast_in_dim3A_346 : vector<16xi1>, vector<16xi32>
      %gt3A_405 = arith.cmpf ogt, %get3A_362, %get3A_356 : vector<16xf32>
      %select_n3A_406 = arith.select %gt3A_405, %get3A_362, %get3A_356 : vector<16xi1>, vector<16xf32>
      %select_n3A_407 = arith.select %gt3A_405, %broadcast_in_dim3A_364, %broadcast_in_dim3A_358 : vector<16xi1>, vector<16xi32>
      %gt3A_408 = arith.cmpf ogt, %get3A_374, %get3A_368 : vector<16xf32>
      %select_n3A_409 = arith.select %gt3A_408, %get3A_374, %get3A_368 : vector<16xi1>, vector<16xf32>
      %select_n3A_410 = arith.select %gt3A_408, %broadcast_in_dim3A_376, %broadcast_in_dim3A_370 : vector<16xi1>, vector<16xi32>
      %gt3A_411 = arith.cmpf ogt, %select_n3A_385, %select_n3A : vector<16xf32>
      %select_n3A_412 = arith.select %gt3A_411, %select_n3A_385, %select_n3A : vector<16xi1>, vector<16xf32>
      %select_n3A_413 = arith.select %gt3A_411, %select_n3A_386, %select_n3A_383 : vector<16xi1>, vector<16xi32>
      %gt3A_414 = arith.cmpf ogt, %select_n3A_391, %select_n3A_388 : vector<16xf32>
      %select_n3A_415 = arith.select %gt3A_414, %select_n3A_391, %select_n3A_388 : vector<16xi1>, vector<16xf32>
      %select_n3A_416 = arith.select %gt3A_414, %select_n3A_392, %select_n3A_389 : vector<16xi1>, vector<16xi32>
      %gt3A_417 = arith.cmpf ogt, %select_n3A_397, %select_n3A_394 : vector<16xf32>
      %select_n3A_418 = arith.select %gt3A_417, %select_n3A_397, %select_n3A_394 : vector<16xi1>, vector<16xf32>
      %select_n3A_419 = arith.select %gt3A_417, %select_n3A_398, %select_n3A_395 : vector<16xi1>, vector<16xi32>
      %gt3A_420 = arith.cmpf ogt, %select_n3A_403, %select_n3A_400 : vector<16xf32>
      %select_n3A_421 = arith.select %gt3A_420, %select_n3A_403, %select_n3A_400 : vector<16xi1>, vector<16xf32>
      %select_n3A_422 = arith.select %gt3A_420, %select_n3A_404, %select_n3A_401 : vector<16xi1>, vector<16xi32>
      %gt3A_423 = arith.cmpf ogt, %select_n3A_409, %select_n3A_406 : vector<16xf32>
      %select_n3A_424 = arith.select %gt3A_423, %select_n3A_409, %select_n3A_406 : vector<16xi1>, vector<16xf32>
      %select_n3A_425 = arith.select %gt3A_423, %select_n3A_410, %select_n3A_407 : vector<16xi1>, vector<16xi32>
      %gt3A_426 = arith.cmpf ogt, %select_n3A_415, %select_n3A_412 : vector<16xf32>
      %select_n3A_427 = arith.select %gt3A_426, %select_n3A_415, %select_n3A_412 : vector<16xi1>, vector<16xf32>
      %select_n3A_428 = arith.select %gt3A_426, %select_n3A_416, %select_n3A_413 : vector<16xi1>, vector<16xi32>
      %gt3A_429 = arith.cmpf ogt, %select_n3A_421, %select_n3A_418 : vector<16xf32>
      %select_n3A_430 = arith.select %gt3A_429, %select_n3A_421, %select_n3A_418 : vector<16xi1>, vector<16xf32>
      %select_n3A_431 = arith.select %gt3A_429, %select_n3A_422, %select_n3A_419 : vector<16xi1>, vector<16xi32>
      %gt3A_432 = arith.cmpf ogt, %get3A_380, %select_n3A_424 : vector<16xf32>
      %select_n3A_433 = arith.select %gt3A_432, %get3A_380, %select_n3A_424 : vector<16xi1>, vector<16xf32>
      %select_n3A_434 = arith.select %gt3A_432, %broadcast_in_dim3A_382, %select_n3A_425 : vector<16xi1>, vector<16xi32>
      %gt3A_435 = arith.cmpf ogt, %select_n3A_430, %select_n3A_427 : vector<16xf32>
      %select_n3A_436 = arith.select %gt3A_435, %select_n3A_430, %select_n3A_427 : vector<16xi1>, vector<16xf32>
      %select_n3A_437 = arith.select %gt3A_435, %select_n3A_431, %select_n3A_428 : vector<16xi1>, vector<16xi32>
      %gt3A_438 = arith.cmpf ogt, %select_n3A_433, %select_n3A_436 : vector<16xf32>
      %select_n3A_439 = arith.select %gt3A_438, %select_n3A_433, %select_n3A_436 : vector<16xi1>, vector<16xf32>
      %select_n3A_440 = arith.select %gt3A_438, %select_n3A_434, %select_n3A_437 : vector<16xi1>, vector<16xi32>
      %get3A_441 = arith.index_cast %mul3A_257 : i32 to index
      %get3A_442 = tpu.vector_load %arg8[%get3A_441] {strides = array<i32>} : memref<2048xi32, #tpu.memory_space<vmem>>, vector<16xi32>,
      %mul3A_443 = arith.constant 448 : i32
      %mul3A_444 = vector.broadcast %mul3A_443 : i32 to vector<16xi32>
      %mul3A_445 = arith.muli %iota3A, %mul3A_444 : vector<16xi32>
      %mul3A_446 = arith.constant 21 : i32
      %mul3A_447 = vector.broadcast %mul3A_446 : i32 to vector<16xi32>
      %mul3A_448 = arith.muli %get3A_442, %mul3A_447 : vector<16xi32>
      %add3A_449 = arith.addi %mul3A_445, %mul3A_448 : vector<16xi32>
      %add3A_450 = arith.addi %add3A_449, %select_n3A_440 : vector<16xi32>
      tpu.vector_store_idx %arg9[%add3A_450], %broadcast_in_dim3A_3 {add = true} : memref<7168xf32, #tpu.memory_space<vmem>>[vector<16xi32>], vector<16xf32>,
    }
    %scan3A_162 = arith.constant 128 : i32
    %dma_wait3A_163 = arith.constant 0 : i32
    %dma_wait3A_164 = tpu.memref_slice %arg2[%dma_wait3A_163, %mul3A_150] : memref<21x1048576xf32, #tpu.memory_space<hbm>> -> memref<21x2048xf32, #tpu.memory_space<hbm>>
    %dma_wait3A_165 = arith.constant 0 : i32
    %dma_wait3A_166 = tpu.memref_slice %arg2[%dma_wait3A_165, %mul3A_150] : memref<21x1048576xf32, #tpu.memory_space<hbm>> -> memref<21x2048xf32, #tpu.memory_space<hbm>>
    tpu.wait_dma2 semaphore(%arg11 : memref<!tpu.dma_semaphore, #tpu.memory_space<semaphore_mem>>) src(%dma_wait3A_166 : memref<21x2048xf32, #tpu.memory_space<hbm>>) dst(%arg5 : memref<21x2048xf32, #tpu.memory_space<vmem>>)
    %dma_wait3A_167 = tpu.memref_slice %arg3[%mul3A_150] : memref<1048576xi32, #tpu.memory_space<hbm>> -> memref<2048xi32, #tpu.memory_space<hbm>>
    %dma_wait3A_168 = tpu.memref_slice %arg3[%mul3A_150] : memref<1048576xi32, #tpu.memory_space<hbm>> -> memref<2048xi32, #tpu.memory_space<hbm>>
    tpu.wait_dma2 semaphore(%arg11 : memref<!tpu.dma_semaphore, #tpu.memory_space<semaphore_mem>>) src(%dma_wait3A_168 : memref<2048xi32, #tpu.memory_space<hbm>>) dst(%arg7 : memref<2048xi32, #tpu.memory_space<vmem>>)
    %mul3A_169 = arith.constant 10 : i32
    %mul3A_170 = arith.muli %add3A, %mul3A_169 : i32
    %add3A_171 = arith.constant 7 : i32
    %add3A_172 = arith.addi %mul3A_170, %add3A_171 : i32
    %mul3A_173 = arith.constant 2048 : i32
    %mul3A_174 = arith.muli %add3A_172, %mul3A_173 : i32
    %dma_start3A_175 = arith.constant 0 : i32
    %dma_start3A_176 = tpu.memref_slice %arg2[%dma_start3A_175, %mul3A_174] : memref<21x1048576xf32, #tpu.memory_space<hbm>> -> memref<21x2048xf32, #tpu.memory_space<hbm>>
    %dma_start3A_177 = arith.constant 0 : i32
    %dma_start3A_178 = tpu.memref_slice %arg2[%dma_start3A_177, %mul3A_174] : memref<21x1048576xf32, #tpu.memory_space<hbm>> -> memref<21x2048xf32, #tpu.memory_space<hbm>>
    tpu.enqueue_dma source(%dma_start3A_178 : memref<21x2048xf32, #tpu.memory_space<hbm>>) target(%arg6 : memref<21x2048xf32, #tpu.memory_space<vmem>>) target_semaphore(%arg12 : memref<!tpu.dma_semaphore, #tpu.memory_space<semaphore_mem>>)
    %dma_start3A_179 = tpu.memref_slice %arg3[%mul3A_174] : memref<1048576xi32, #tpu.memory_space<hbm>> -> memref<2048xi32, #tpu.memory_space<hbm>>
    %dma_start3A_180 = tpu.memref_slice %arg3[%mul3A_174] : memref<1048576xi32, #tpu.memory_space<hbm>> -> memref<2048xi32, #tpu.memory_space<hbm>>
    tpu.enqueue_dma source(%dma_start3A_180 : memref<2048xi32, #tpu.memory_space<hbm>>) target(%arg8 : memref<2048xi32, #tpu.memory_space<vmem>>) target_semaphore(%arg12 : memref<!tpu.dma_semaphore, #tpu.memory_space<semaphore_mem>>)
    %scan3A_181 = arith.constant 0 : i32
    %scan3A_182 = arith.constant 0 : i32
    %scan3A_183 = arith.constant 128 : i32
    %scan3A_184 = arith.addi %scan3A_182, %scan3A_183 : i32
    %scan3A_185 = arith.constant 1 : i32
    scf.for %scan3A_255 = %scan3A_182 to %scan3A_184 step %scan3A_185  : i32 {
      %mul3A_256 = arith.constant 16 : i32
      %mul3A_257 = arith.muli %scan3A_255, %mul3A_256 : i32
      %get3A = arith.constant 0 : i32
      %get3A_258 = arith.index_cast %get3A : i32 to index
      %get3A_259 = arith.index_cast %mul3A_257 : i32 to index
      %get3A_260 = tpu.vector_load %arg5[%get3A_258, %get3A_259] {strides = array<i32>} : memref<21x2048xf32, #tpu.memory_space<vmem>>, vector<16xf32>,
      %broadcast_in_dim3A_261 = arith.constant 0 : i32
      %broadcast_in_dim3A_262 = vector.broadcast %broadcast_in_dim3A_261 : i32 to vector<16xi32>
      %get3A_263 = arith.constant 1 : i32
      %get3A_264 = arith.index_cast %get3A_263 : i32 to index
      %get3A_265 = arith.index_cast %mul3A_257 : i32 to index
      %get3A_266 = tpu.vector_load %arg5[%get3A_264, %get3A_265] {strides = array<i32>} : memref<21x2048xf32, #tpu.memory_space<vmem>>, vector<16xf32>,
      %broadcast_in_dim3A_267 = arith.constant 1 : i32
      %broadcast_in_dim3A_268 = vector.broadcast %broadcast_in_dim3A_267 : i32 to vector<16xi32>
      %get3A_269 = arith.constant 2 : i32
      %get3A_270 = arith.index_cast %get3A_269 : i32 to index
      %get3A_271 = arith.index_cast %mul3A_257 : i32 to index
      %get3A_272 = tpu.vector_load %arg5[%get3A_270, %get3A_271] {strides = array<i32>} : memref<21x2048xf32, #tpu.memory_space<vmem>>, vector<16xf32>,
      %broadcast_in_dim3A_273 = arith.constant 2 : i32
      %broadcast_in_dim3A_274 = vector.broadcast %broadcast_in_dim3A_273 : i32 to vector<16xi32>
      %get3A_275 = arith.constant 3 : i32
      %get3A_276 = arith.index_cast %get3A_275 : i32 to index
      %get3A_277 = arith.index_cast %mul3A_257 : i32 to index
      %get3A_278 = tpu.vector_load %arg5[%get3A_276, %get3A_277] {strides = array<i32>} : memref<21x2048xf32, #tpu.memory_space<vmem>>, vector<16xf32>,
      %broadcast_in_dim3A_279 = arith.constant 3 : i32
      %broadcast_in_dim3A_280 = vector.broadcast %broadcast_in_dim3A_279 : i32 to vector<16xi32>
      %get3A_281 = arith.constant 4 : i32
      %get3A_282 = arith.index_cast %get3A_281 : i32 to index
      %get3A_283 = arith.index_cast %mul3A_257 : i32 to index
      %get3A_284 = tpu.vector_load %arg5[%get3A_282, %get3A_283] {strides = array<i32>} : memref<21x2048xf32, #tpu.memory_space<vmem>>, vector<16xf32>,
      %broadcast_in_dim3A_285 = arith.constant 4 : i32
      %broadcast_in_dim3A_286 = vector.broadcast %broadcast_in_dim3A_285 : i32 to vector<16xi32>
      %get3A_287 = arith.constant 5 : i32
      %get3A_288 = arith.index_cast %get3A_287 : i32 to index
      %get3A_289 = arith.index_cast %mul3A_257 : i32 to index
      %get3A_290 = tpu.vector_load %arg5[%get3A_288, %get3A_289] {strides = array<i32>} : memref<21x2048xf32, #tpu.memory_space<vmem>>, vector<16xf32>,
      %broadcast_in_dim3A_291 = arith.constant 5 : i32
      %broadcast_in_dim3A_292 = vector.broadcast %broadcast_in_dim3A_291 : i32 to vector<16xi32>
      %get3A_293 = arith.constant 6 : i32
      %get3A_294 = arith.index_cast %get3A_293 : i32 to index
      %get3A_295 = arith.index_cast %mul3A_257 : i32 to index
      %get3A_296 = tpu.vector_load %arg5[%get3A_294, %get3A_295] {strides = array<i32>} : memref<21x2048xf32, #tpu.memory_space<vmem>>, vector<16xf32>,
      %broadcast_in_dim3A_297 = arith.constant 6 : i32
      %broadcast_in_dim3A_298 = vector.broadcast %broadcast_in_dim3A_297 : i32 to vector<16xi32>
      %get3A_299 = arith.constant 7 : i32
      %get3A_300 = arith.index_cast %get3A_299 : i32 to index
      %get3A_301 = arith.index_cast %mul3A_257 : i32 to index
      %get3A_302 = tpu.vector_load %arg5[%get3A_300, %get3A_301] {strides = array<i32>} : memref<21x2048xf32, #tpu.memory_space<vmem>>, vector<16xf32>,
      %broadcast_in_dim3A_303 = arith.constant 7 : i32
      %broadcast_in_dim3A_304 = vector.broadcast %broadcast_in_dim3A_303 : i32 to vector<16xi32>
      %get3A_305 = arith.constant 8 : i32
      %get3A_306 = arith.index_cast %get3A_305 : i32 to index
      %get3A_307 = arith.index_cast %mul3A_257 : i32 to index
      %get3A_308 = tpu.vector_load %arg5[%get3A_306, %get3A_307] {strides = array<i32>} : memref<21x2048xf32, #tpu.memory_space<vmem>>, vector<16xf32>,
      %broadcast_in_dim3A_309 = arith.constant 8 : i32
      %broadcast_in_dim3A_310 = vector.broadcast %broadcast_in_dim3A_309 : i32 to vector<16xi32>
      %get3A_311 = arith.constant 9 : i32
      %get3A_312 = arith.index_cast %get3A_311 : i32 to index
      %get3A_313 = arith.index_cast %mul3A_257 : i32 to index
      %get3A_314 = tpu.vector_load %arg5[%get3A_312, %get3A_313] {strides = array<i32>} : memref<21x2048xf32, #tpu.memory_space<vmem>>, vector<16xf32>,
      %broadcast_in_dim3A_315 = arith.constant 9 : i32
      %broadcast_in_dim3A_316 = vector.broadcast %broadcast_in_dim3A_315 : i32 to vector<16xi32>
      %get3A_317 = arith.constant 10 : i32
      %get3A_318 = arith.index_cast %get3A_317 : i32 to index
      %get3A_319 = arith.index_cast %mul3A_257 : i32 to index
      %get3A_320 = tpu.vector_load %arg5[%get3A_318, %get3A_319] {strides = array<i32>} : memref<21x2048xf32, #tpu.memory_space<vmem>>, vector<16xf32>,
      %broadcast_in_dim3A_321 = arith.constant 10 : i32
      %broadcast_in_dim3A_322 = vector.broadcast %broadcast_in_dim3A_321 : i32 to vector<16xi32>
      %get3A_323 = arith.constant 11 : i32
      %get3A_324 = arith.index_cast %get3A_323 : i32 to index
      %get3A_325 = arith.index_cast %mul3A_257 : i32 to index
      %get3A_326 = tpu.vector_load %arg5[%get3A_324, %get3A_325] {strides = array<i32>} : memref<21x2048xf32, #tpu.memory_space<vmem>>, vector<16xf32>,
      %broadcast_in_dim3A_327 = arith.constant 11 : i32
      %broadcast_in_dim3A_328 = vector.broadcast %broadcast_in_dim3A_327 : i32 to vector<16xi32>
      %get3A_329 = arith.constant 12 : i32
      %get3A_330 = arith.index_cast %get3A_329 : i32 to index
      %get3A_331 = arith.index_cast %mul3A_257 : i32 to index
      %get3A_332 = tpu.vector_load %arg5[%get3A_330, %get3A_331] {strides = array<i32>} : memref<21x2048xf32, #tpu.memory_space<vmem>>, vector<16xf32>,
      %broadcast_in_dim3A_333 = arith.constant 12 : i32
      %broadcast_in_dim3A_334 = vector.broadcast %broadcast_in_dim3A_333 : i32 to vector<16xi32>
      %get3A_335 = arith.constant 13 : i32
      %get3A_336 = arith.index_cast %get3A_335 : i32 to index
      %get3A_337 = arith.index_cast %mul3A_257 : i32 to index
      %get3A_338 = tpu.vector_load %arg5[%get3A_336, %get3A_337] {strides = array<i32>} : memref<21x2048xf32, #tpu.memory_space<vmem>>, vector<16xf32>,
      %broadcast_in_dim3A_339 = arith.constant 13 : i32
      %broadcast_in_dim3A_340 = vector.broadcast %broadcast_in_dim3A_339 : i32 to vector<16xi32>
      %get3A_341 = arith.constant 14 : i32
      %get3A_342 = arith.index_cast %get3A_341 : i32 to index
      %get3A_343 = arith.index_cast %mul3A_257 : i32 to index
      %get3A_344 = tpu.vector_load %arg5[%get3A_342, %get3A_343] {strides = array<i32>} : memref<21x2048xf32, #tpu.memory_space<vmem>>, vector<16xf32>,
      %broadcast_in_dim3A_345 = arith.constant 14 : i32
      %broadcast_in_dim3A_346 = vector.broadcast %broadcast_in_dim3A_345 : i32 to vector<16xi32>
      %get3A_347 = arith.constant 15 : i32
      %get3A_348 = arith.index_cast %get3A_347 : i32 to index
      %get3A_349 = arith.index_cast %mul3A_257 : i32 to index
      %get3A_350 = tpu.vector_load %arg5[%get3A_348, %get3A_349] {strides = array<i32>} : memref<21x2048xf32, #tpu.memory_space<vmem>>, vector<16xf32>,
      %broadcast_in_dim3A_351 = arith.constant 15 : i32
      %broadcast_in_dim3A_352 = vector.broadcast %broadcast_in_dim3A_351 : i32 to vector<16xi32>
      %get3A_353 = arith.constant 16 : i32
      %get3A_354 = arith.index_cast %get3A_353 : i32 to index
      %get3A_355 = arith.index_cast %mul3A_257 : i32 to index
      %get3A_356 = tpu.vector_load %arg5[%get3A_354, %get3A_355] {strides = array<i32>} : memref<21x2048xf32, #tpu.memory_space<vmem>>, vector<16xf32>,
      %broadcast_in_dim3A_357 = arith.constant 16 : i32
      %broadcast_in_dim3A_358 = vector.broadcast %broadcast_in_dim3A_357 : i32 to vector<16xi32>
      %get3A_359 = arith.constant 17 : i32
      %get3A_360 = arith.index_cast %get3A_359 : i32 to index
      %get3A_361 = arith.index_cast %mul3A_257 : i32 to index
      %get3A_362 = tpu.vector_load %arg5[%get3A_360, %get3A_361] {strides = array<i32>} : memref<21x2048xf32, #tpu.memory_space<vmem>>, vector<16xf32>,
      %broadcast_in_dim3A_363 = arith.constant 17 : i32
      %broadcast_in_dim3A_364 = vector.broadcast %broadcast_in_dim3A_363 : i32 to vector<16xi32>
      %get3A_365 = arith.constant 18 : i32
      %get3A_366 = arith.index_cast %get3A_365 : i32 to index
      %get3A_367 = arith.index_cast %mul3A_257 : i32 to index
      %get3A_368 = tpu.vector_load %arg5[%get3A_366, %get3A_367] {strides = array<i32>} : memref<21x2048xf32, #tpu.memory_space<vmem>>, vector<16xf32>,
      %broadcast_in_dim3A_369 = arith.constant 18 : i32
      %broadcast_in_dim3A_370 = vector.broadcast %broadcast_in_dim3A_369 : i32 to vector<16xi32>
      %get3A_371 = arith.constant 19 : i32
      %get3A_372 = arith.index_cast %get3A_371 : i32 to index
      %get3A_373 = arith.index_cast %mul3A_257 : i32 to index
      %get3A_374 = tpu.vector_load %arg5[%get3A_372, %get3A_373] {strides = array<i32>} : memref<21x2048xf32, #tpu.memory_space<vmem>>, vector<16xf32>,
      %broadcast_in_dim3A_375 = arith.constant 19 : i32
      %broadcast_in_dim3A_376 = vector.broadcast %broadcast_in_dim3A_375 : i32 to vector<16xi32>
      %get3A_377 = arith.constant 20 : i32
      %get3A_378 = arith.index_cast %get3A_377 : i32 to index
      %get3A_379 = arith.index_cast %mul3A_257 : i32 to index
      %get3A_380 = tpu.vector_load %arg5[%get3A_378, %get3A_379] {strides = array<i32>} : memref<21x2048xf32, #tpu.memory_space<vmem>>, vector<16xf32>,
      %broadcast_in_dim3A_381 = arith.constant 20 : i32
      %broadcast_in_dim3A_382 = vector.broadcast %broadcast_in_dim3A_381 : i32 to vector<16xi32>
      %gt3A = arith.cmpf ogt, %get3A_266, %get3A_260 : vector<16xf32>
      %select_n3A = arith.select %gt3A, %get3A_266, %get3A_260 : vector<16xi1>, vector<16xf32>
      %select_n3A_383 = arith.select %gt3A, %broadcast_in_dim3A_268, %broadcast_in_dim3A_262 : vector<16xi1>, vector<16xi32>
      %gt3A_384 = arith.cmpf ogt, %get3A_278, %get3A_272 : vector<16xf32>
      %select_n3A_385 = arith.select %gt3A_384, %get3A_278, %get3A_272 : vector<16xi1>, vector<16xf32>
      %select_n3A_386 = arith.select %gt3A_384, %broadcast_in_dim3A_280, %broadcast_in_dim3A_274 : vector<16xi1>, vector<16xi32>
      %gt3A_387 = arith.cmpf ogt, %get3A_290, %get3A_284 : vector<16xf32>
      %select_n3A_388 = arith.select %gt3A_387, %get3A_290, %get3A_284 : vector<16xi1>, vector<16xf32>
      %select_n3A_389 = arith.select %gt3A_387, %broadcast_in_dim3A_292, %broadcast_in_dim3A_286 : vector<16xi1>, vector<16xi32>
      %gt3A_390 = arith.cmpf ogt, %get3A_302, %get3A_296 : vector<16xf32>
      %select_n3A_391 = arith.select %gt3A_390, %get3A_302, %get3A_296 : vector<16xi1>, vector<16xf32>
      %select_n3A_392 = arith.select %gt3A_390, %broadcast_in_dim3A_304, %broadcast_in_dim3A_298 : vector<16xi1>, vector<16xi32>
      %gt3A_393 = arith.cmpf ogt, %get3A_314, %get3A_308 : vector<16xf32>
      %select_n3A_394 = arith.select %gt3A_393, %get3A_314, %get3A_308 : vector<16xi1>, vector<16xf32>
      %select_n3A_395 = arith.select %gt3A_393, %broadcast_in_dim3A_316, %broadcast_in_dim3A_310 : vector<16xi1>, vector<16xi32>
      %gt3A_396 = arith.cmpf ogt, %get3A_326, %get3A_320 : vector<16xf32>
      %select_n3A_397 = arith.select %gt3A_396, %get3A_326, %get3A_320 : vector<16xi1>, vector<16xf32>
      %select_n3A_398 = arith.select %gt3A_396, %broadcast_in_dim3A_328, %broadcast_in_dim3A_322 : vector<16xi1>, vector<16xi32>
      %gt3A_399 = arith.cmpf ogt, %get3A_338, %get3A_332 : vector<16xf32>
      %select_n3A_400 = arith.select %gt3A_399, %get3A_338, %get3A_332 : vector<16xi1>, vector<16xf32>
      %select_n3A_401 = arith.select %gt3A_399, %broadcast_in_dim3A_340, %broadcast_in_dim3A_334 : vector<16xi1>, vector<16xi32>
      %gt3A_402 = arith.cmpf ogt, %get3A_350, %get3A_344 : vector<16xf32>
      %select_n3A_403 = arith.select %gt3A_402, %get3A_350, %get3A_344 : vector<16xi1>, vector<16xf32>
      %select_n3A_404 = arith.select %gt3A_402, %broadcast_in_dim3A_352, %broadcast_in_dim3A_346 : vector<16xi1>, vector<16xi32>
      %gt3A_405 = arith.cmpf ogt, %get3A_362, %get3A_356 : vector<16xf32>
      %select_n3A_406 = arith.select %gt3A_405, %get3A_362, %get3A_356 : vector<16xi1>, vector<16xf32>
      %select_n3A_407 = arith.select %gt3A_405, %broadcast_in_dim3A_364, %broadcast_in_dim3A_358 : vector<16xi1>, vector<16xi32>
      %gt3A_408 = arith.cmpf ogt, %get3A_374, %get3A_368 : vector<16xf32>
      %select_n3A_409 = arith.select %gt3A_408, %get3A_374, %get3A_368 : vector<16xi1>, vector<16xf32>
      %select_n3A_410 = arith.select %gt3A_408, %broadcast_in_dim3A_376, %broadcast_in_dim3A_370 : vector<16xi1>, vector<16xi32>
      %gt3A_411 = arith.cmpf ogt, %select_n3A_385, %select_n3A : vector<16xf32>
      %select_n3A_412 = arith.select %gt3A_411, %select_n3A_385, %select_n3A : vector<16xi1>, vector<16xf32>
      %select_n3A_413 = arith.select %gt3A_411, %select_n3A_386, %select_n3A_383 : vector<16xi1>, vector<16xi32>
      %gt3A_414 = arith.cmpf ogt, %select_n3A_391, %select_n3A_388 : vector<16xf32>
      %select_n3A_415 = arith.select %gt3A_414, %select_n3A_391, %select_n3A_388 : vector<16xi1>, vector<16xf32>
      %select_n3A_416 = arith.select %gt3A_414, %select_n3A_392, %select_n3A_389 : vector<16xi1>, vector<16xi32>
      %gt3A_417 = arith.cmpf ogt, %select_n3A_397, %select_n3A_394 : vector<16xf32>
      %select_n3A_418 = arith.select %gt3A_417, %select_n3A_397, %select_n3A_394 : vector<16xi1>, vector<16xf32>
      %select_n3A_419 = arith.select %gt3A_417, %select_n3A_398, %select_n3A_395 : vector<16xi1>, vector<16xi32>
      %gt3A_420 = arith.cmpf ogt, %select_n3A_403, %select_n3A_400 : vector<16xf32>
      %select_n3A_421 = arith.select %gt3A_420, %select_n3A_403, %select_n3A_400 : vector<16xi1>, vector<16xf32>
      %select_n3A_422 = arith.select %gt3A_420, %select_n3A_404, %select_n3A_401 : vector<16xi1>, vector<16xi32>
      %gt3A_423 = arith.cmpf ogt, %select_n3A_409, %select_n3A_406 : vector<16xf32>
      %select_n3A_424 = arith.select %gt3A_423, %select_n3A_409, %select_n3A_406 : vector<16xi1>, vector<16xf32>
      %select_n3A_425 = arith.select %gt3A_423, %select_n3A_410, %select_n3A_407 : vector<16xi1>, vector<16xi32>
      %gt3A_426 = arith.cmpf ogt, %select_n3A_415, %select_n3A_412 : vector<16xf32>
      %select_n3A_427 = arith.select %gt3A_426, %select_n3A_415, %select_n3A_412 : vector<16xi1>, vector<16xf32>
      %select_n3A_428 = arith.select %gt3A_426, %select_n3A_416, %select_n3A_413 : vector<16xi1>, vector<16xi32>
      %gt3A_429 = arith.cmpf ogt, %select_n3A_421, %select_n3A_418 : vector<16xf32>
      %select_n3A_430 = arith.select %gt3A_429, %select_n3A_421, %select_n3A_418 : vector<16xi1>, vector<16xf32>
      %select_n3A_431 = arith.select %gt3A_429, %select_n3A_422, %select_n3A_419 : vector<16xi1>, vector<16xi32>
      %gt3A_432 = arith.cmpf ogt, %get3A_380, %select_n3A_424 : vector<16xf32>
      %select_n3A_433 = arith.select %gt3A_432, %get3A_380, %select_n3A_424 : vector<16xi1>, vector<16xf32>
      %select_n3A_434 = arith.select %gt3A_432, %broadcast_in_dim3A_382, %select_n3A_425 : vector<16xi1>, vector<16xi32>
      %gt3A_435 = arith.cmpf ogt, %select_n3A_430, %select_n3A_427 : vector<16xf32>
      %select_n3A_436 = arith.select %gt3A_435, %select_n3A_430, %select_n3A_427 : vector<16xi1>, vector<16xf32>
      %select_n3A_437 = arith.select %gt3A_435, %select_n3A_431, %select_n3A_428 : vector<16xi1>, vector<16xi32>
      %gt3A_438 = arith.cmpf ogt, %select_n3A_433, %select_n3A_436 : vector<16xf32>
      %select_n3A_439 = arith.select %gt3A_438, %select_n3A_433, %select_n3A_436 : vector<16xi1>, vector<16xf32>
      %select_n3A_440 = arith.select %gt3A_438, %select_n3A_434, %select_n3A_437 : vector<16xi1>, vector<16xi32>
      %get3A_441 = arith.index_cast %mul3A_257 : i32 to index
      %get3A_442 = tpu.vector_load %arg7[%get3A_441] {strides = array<i32>} : memref<2048xi32, #tpu.memory_space<vmem>>, vector<16xi32>,
      %mul3A_443 = arith.constant 448 : i32
      %mul3A_444 = vector.broadcast %mul3A_443 : i32 to vector<16xi32>
      %mul3A_445 = arith.muli %iota3A, %mul3A_444 : vector<16xi32>
      %mul3A_446 = arith.constant 21 : i32
      %mul3A_447 = vector.broadcast %mul3A_446 : i32 to vector<16xi32>
      %mul3A_448 = arith.muli %get3A_442, %mul3A_447 : vector<16xi32>
      %add3A_449 = arith.addi %mul3A_445, %mul3A_448 : vector<16xi32>
      %add3A_450 = arith.addi %add3A_449, %select_n3A_440 : vector<16xi32>
      tpu.vector_store_idx %arg9[%add3A_450], %broadcast_in_dim3A_3 {add = true} : memref<7168xf32, #tpu.memory_space<vmem>>[vector<16xi32>], vector<16xf32>,
    }
    %scan3A_186 = arith.constant 128 : i32
    %dma_wait3A_187 = arith.constant 0 : i32
    %dma_wait3A_188 = tpu.memref_slice %arg2[%dma_wait3A_187, %mul3A_174] : memref<21x1048576xf32, #tpu.memory_space<hbm>> -> memref<21x2048xf32, #tpu.memory_space<hbm>>
    %dma_wait3A_189 = arith.constant 0 : i32
    %dma_wait3A_190 = tpu.memref_slice %arg2[%dma_wait3A_189, %mul3A_174] : memref<21x1048576xf32, #tpu.memory_space<hbm>> -> memref<21x2048xf32, #tpu.memory_space<hbm>>
    tpu.wait_dma2 semaphore(%arg12 : memref<!tpu.dma_semaphore, #tpu.memory_space<semaphore_mem>>) src(%dma_wait3A_190 : memref<21x2048xf32, #tpu.memory_space<hbm>>) dst(%arg6 : memref<21x2048xf32, #tpu.memory_space<vmem>>)
    %dma_wait3A_191 = tpu.memref_slice %arg3[%mul3A_174] : memref<1048576xi32, #tpu.memory_space<hbm>> -> memref<2048xi32, #tpu.memory_space<hbm>>
    %dma_wait3A_192 = tpu.memref_slice %arg3[%mul3A_174] : memref<1048576xi32, #tpu.memory_space<hbm>> -> memref<2048xi32, #tpu.memory_space<hbm>>
    tpu.wait_dma2 semaphore(%arg12 : memref<!tpu.dma_semaphore, #tpu.memory_space<semaphore_mem>>) src(%dma_wait3A_192 : memref<2048xi32, #tpu.memory_space<hbm>>) dst(%arg8 : memref<2048xi32, #tpu.memory_space<vmem>>)
    %mul3A_193 = arith.constant 10 : i32
    %mul3A_194 = arith.muli %add3A, %mul3A_193 : i32
    %add3A_195 = arith.constant 8 : i32
    %add3A_196 = arith.addi %mul3A_194, %add3A_195 : i32
    %mul3A_197 = arith.constant 2048 : i32
    %mul3A_198 = arith.muli %add3A_196, %mul3A_197 : i32
    %dma_start3A_199 = arith.constant 0 : i32
    %dma_start3A_200 = tpu.memref_slice %arg2[%dma_start3A_199, %mul3A_198] : memref<21x1048576xf32, #tpu.memory_space<hbm>> -> memref<21x2048xf32, #tpu.memory_space<hbm>>
    %dma_start3A_201 = arith.constant 0 : i32
    %dma_start3A_202 = tpu.memref_slice %arg2[%dma_start3A_201, %mul3A_198] : memref<21x1048576xf32, #tpu.memory_space<hbm>> -> memref<21x2048xf32, #tpu.memory_space<hbm>>
    tpu.enqueue_dma source(%dma_start3A_202 : memref<21x2048xf32, #tpu.memory_space<hbm>>) target(%arg5 : memref<21x2048xf32, #tpu.memory_space<vmem>>) target_semaphore(%arg11 : memref<!tpu.dma_semaphore, #tpu.memory_space<semaphore_mem>>)
    %dma_start3A_203 = tpu.memref_slice %arg3[%mul3A_198] : memref<1048576xi32, #tpu.memory_space<hbm>> -> memref<2048xi32, #tpu.memory_space<hbm>>
    %dma_start3A_204 = tpu.memref_slice %arg3[%mul3A_198] : memref<1048576xi32, #tpu.memory_space<hbm>> -> memref<2048xi32, #tpu.memory_space<hbm>>
    tpu.enqueue_dma source(%dma_start3A_204 : memref<2048xi32, #tpu.memory_space<hbm>>) target(%arg7 : memref<2048xi32, #tpu.memory_space<vmem>>) target_semaphore(%arg11 : memref<!tpu.dma_semaphore, #tpu.memory_space<semaphore_mem>>)
    %scan3A_205 = arith.constant 0 : i32
    %scan3A_206 = arith.constant 0 : i32
    %scan3A_207 = arith.constant 128 : i32
    %scan3A_208 = arith.addi %scan3A_206, %scan3A_207 : i32
    %scan3A_209 = arith.constant 1 : i32
    scf.for %scan3A_255 = %scan3A_206 to %scan3A_208 step %scan3A_209  : i32 {
      %mul3A_256 = arith.constant 16 : i32
      %mul3A_257 = arith.muli %scan3A_255, %mul3A_256 : i32
      %get3A = arith.constant 0 : i32
      %get3A_258 = arith.index_cast %get3A : i32 to index
      %get3A_259 = arith.index_cast %mul3A_257 : i32 to index
      %get3A_260 = tpu.vector_load %arg6[%get3A_258, %get3A_259] {strides = array<i32>} : memref<21x2048xf32, #tpu.memory_space<vmem>>, vector<16xf32>,
      %broadcast_in_dim3A_261 = arith.constant 0 : i32
      %broadcast_in_dim3A_262 = vector.broadcast %broadcast_in_dim3A_261 : i32 to vector<16xi32>
      %get3A_263 = arith.constant 1 : i32
      %get3A_264 = arith.index_cast %get3A_263 : i32 to index
      %get3A_265 = arith.index_cast %mul3A_257 : i32 to index
      %get3A_266 = tpu.vector_load %arg6[%get3A_264, %get3A_265] {strides = array<i32>} : memref<21x2048xf32, #tpu.memory_space<vmem>>, vector<16xf32>,
      %broadcast_in_dim3A_267 = arith.constant 1 : i32
      %broadcast_in_dim3A_268 = vector.broadcast %broadcast_in_dim3A_267 : i32 to vector<16xi32>
      %get3A_269 = arith.constant 2 : i32
      %get3A_270 = arith.index_cast %get3A_269 : i32 to index
      %get3A_271 = arith.index_cast %mul3A_257 : i32 to index
      %get3A_272 = tpu.vector_load %arg6[%get3A_270, %get3A_271] {strides = array<i32>} : memref<21x2048xf32, #tpu.memory_space<vmem>>, vector<16xf32>,
      %broadcast_in_dim3A_273 = arith.constant 2 : i32
      %broadcast_in_dim3A_274 = vector.broadcast %broadcast_in_dim3A_273 : i32 to vector<16xi32>
      %get3A_275 = arith.constant 3 : i32
      %get3A_276 = arith.index_cast %get3A_275 : i32 to index
      %get3A_277 = arith.index_cast %mul3A_257 : i32 to index
      %get3A_278 = tpu.vector_load %arg6[%get3A_276, %get3A_277] {strides = array<i32>} : memref<21x2048xf32, #tpu.memory_space<vmem>>, vector<16xf32>,
      %broadcast_in_dim3A_279 = arith.constant 3 : i32
      %broadcast_in_dim3A_280 = vector.broadcast %broadcast_in_dim3A_279 : i32 to vector<16xi32>
      %get3A_281 = arith.constant 4 : i32
      %get3A_282 = arith.index_cast %get3A_281 : i32 to index
      %get3A_283 = arith.index_cast %mul3A_257 : i32 to index
      %get3A_284 = tpu.vector_load %arg6[%get3A_282, %get3A_283] {strides = array<i32>} : memref<21x2048xf32, #tpu.memory_space<vmem>>, vector<16xf32>,
      %broadcast_in_dim3A_285 = arith.constant 4 : i32
      %broadcast_in_dim3A_286 = vector.broadcast %broadcast_in_dim3A_285 : i32 to vector<16xi32>
      %get3A_287 = arith.constant 5 : i32
      %get3A_288 = arith.index_cast %get3A_287 : i32 to index
      %get3A_289 = arith.index_cast %mul3A_257 : i32 to index
      %get3A_290 = tpu.vector_load %arg6[%get3A_288, %get3A_289] {strides = array<i32>} : memref<21x2048xf32, #tpu.memory_space<vmem>>, vector<16xf32>,
      %broadcast_in_dim3A_291 = arith.constant 5 : i32
      %broadcast_in_dim3A_292 = vector.broadcast %broadcast_in_dim3A_291 : i32 to vector<16xi32>
      %get3A_293 = arith.constant 6 : i32
      %get3A_294 = arith.index_cast %get3A_293 : i32 to index
      %get3A_295 = arith.index_cast %mul3A_257 : i32 to index
      %get3A_296 = tpu.vector_load %arg6[%get3A_294, %get3A_295] {strides = array<i32>} : memref<21x2048xf32, #tpu.memory_space<vmem>>, vector<16xf32>,
      %broadcast_in_dim3A_297 = arith.constant 6 : i32
      %broadcast_in_dim3A_298 = vector.broadcast %broadcast_in_dim3A_297 : i32 to vector<16xi32>
      %get3A_299 = arith.constant 7 : i32
      %get3A_300 = arith.index_cast %get3A_299 : i32 to index
      %get3A_301 = arith.index_cast %mul3A_257 : i32 to index
      %get3A_302 = tpu.vector_load %arg6[%get3A_300, %get3A_301] {strides = array<i32>} : memref<21x2048xf32, #tpu.memory_space<vmem>>, vector<16xf32>,
      %broadcast_in_dim3A_303 = arith.constant 7 : i32
      %broadcast_in_dim3A_304 = vector.broadcast %broadcast_in_dim3A_303 : i32 to vector<16xi32>
      %get3A_305 = arith.constant 8 : i32
      %get3A_306 = arith.index_cast %get3A_305 : i32 to index
      %get3A_307 = arith.index_cast %mul3A_257 : i32 to index
      %get3A_308 = tpu.vector_load %arg6[%get3A_306, %get3A_307] {strides = array<i32>} : memref<21x2048xf32, #tpu.memory_space<vmem>>, vector<16xf32>,
      %broadcast_in_dim3A_309 = arith.constant 8 : i32
      %broadcast_in_dim3A_310 = vector.broadcast %broadcast_in_dim3A_309 : i32 to vector<16xi32>
      %get3A_311 = arith.constant 9 : i32
      %get3A_312 = arith.index_cast %get3A_311 : i32 to index
      %get3A_313 = arith.index_cast %mul3A_257 : i32 to index
      %get3A_314 = tpu.vector_load %arg6[%get3A_312, %get3A_313] {strides = array<i32>} : memref<21x2048xf32, #tpu.memory_space<vmem>>, vector<16xf32>,
      %broadcast_in_dim3A_315 = arith.constant 9 : i32
      %broadcast_in_dim3A_316 = vector.broadcast %broadcast_in_dim3A_315 : i32 to vector<16xi32>
      %get3A_317 = arith.constant 10 : i32
      %get3A_318 = arith.index_cast %get3A_317 : i32 to index
      %get3A_319 = arith.index_cast %mul3A_257 : i32 to index
      %get3A_320 = tpu.vector_load %arg6[%get3A_318, %get3A_319] {strides = array<i32>} : memref<21x2048xf32, #tpu.memory_space<vmem>>, vector<16xf32>,
      %broadcast_in_dim3A_321 = arith.constant 10 : i32
      %broadcast_in_dim3A_322 = vector.broadcast %broadcast_in_dim3A_321 : i32 to vector<16xi32>
      %get3A_323 = arith.constant 11 : i32
      %get3A_324 = arith.index_cast %get3A_323 : i32 to index
      %get3A_325 = arith.index_cast %mul3A_257 : i32 to index
      %get3A_326 = tpu.vector_load %arg6[%get3A_324, %get3A_325] {strides = array<i32>} : memref<21x2048xf32, #tpu.memory_space<vmem>>, vector<16xf32>,
      %broadcast_in_dim3A_327 = arith.constant 11 : i32
      %broadcast_in_dim3A_328 = vector.broadcast %broadcast_in_dim3A_327 : i32 to vector<16xi32>
      %get3A_329 = arith.constant 12 : i32
      %get3A_330 = arith.index_cast %get3A_329 : i32 to index
      %get3A_331 = arith.index_cast %mul3A_257 : i32 to index
      %get3A_332 = tpu.vector_load %arg6[%get3A_330, %get3A_331] {strides = array<i32>} : memref<21x2048xf32, #tpu.memory_space<vmem>>, vector<16xf32>,
      %broadcast_in_dim3A_333 = arith.constant 12 : i32
      %broadcast_in_dim3A_334 = vector.broadcast %broadcast_in_dim3A_333 : i32 to vector<16xi32>
      %get3A_335 = arith.constant 13 : i32
      %get3A_336 = arith.index_cast %get3A_335 : i32 to index
      %get3A_337 = arith.index_cast %mul3A_257 : i32 to index
      %get3A_338 = tpu.vector_load %arg6[%get3A_336, %get3A_337] {strides = array<i32>} : memref<21x2048xf32, #tpu.memory_space<vmem>>, vector<16xf32>,
      %broadcast_in_dim3A_339 = arith.constant 13 : i32
      %broadcast_in_dim3A_340 = vector.broadcast %broadcast_in_dim3A_339 : i32 to vector<16xi32>
      %get3A_341 = arith.constant 14 : i32
      %get3A_342 = arith.index_cast %get3A_341 : i32 to index
      %get3A_343 = arith.index_cast %mul3A_257 : i32 to index
      %get3A_344 = tpu.vector_load %arg6[%get3A_342, %get3A_343] {strides = array<i32>} : memref<21x2048xf32, #tpu.memory_space<vmem>>, vector<16xf32>,
      %broadcast_in_dim3A_345 = arith.constant 14 : i32
      %broadcast_in_dim3A_346 = vector.broadcast %broadcast_in_dim3A_345 : i32 to vector<16xi32>
      %get3A_347 = arith.constant 15 : i32
      %get3A_348 = arith.index_cast %get3A_347 : i32 to index
      %get3A_349 = arith.index_cast %mul3A_257 : i32 to index
      %get3A_350 = tpu.vector_load %arg6[%get3A_348, %get3A_349] {strides = array<i32>} : memref<21x2048xf32, #tpu.memory_space<vmem>>, vector<16xf32>,
      %broadcast_in_dim3A_351 = arith.constant 15 : i32
      %broadcast_in_dim3A_352 = vector.broadcast %broadcast_in_dim3A_351 : i32 to vector<16xi32>
      %get3A_353 = arith.constant 16 : i32
      %get3A_354 = arith.index_cast %get3A_353 : i32 to index
      %get3A_355 = arith.index_cast %mul3A_257 : i32 to index
      %get3A_356 = tpu.vector_load %arg6[%get3A_354, %get3A_355] {strides = array<i32>} : memref<21x2048xf32, #tpu.memory_space<vmem>>, vector<16xf32>,
      %broadcast_in_dim3A_357 = arith.constant 16 : i32
      %broadcast_in_dim3A_358 = vector.broadcast %broadcast_in_dim3A_357 : i32 to vector<16xi32>
      %get3A_359 = arith.constant 17 : i32
      %get3A_360 = arith.index_cast %get3A_359 : i32 to index
      %get3A_361 = arith.index_cast %mul3A_257 : i32 to index
      %get3A_362 = tpu.vector_load %arg6[%get3A_360, %get3A_361] {strides = array<i32>} : memref<21x2048xf32, #tpu.memory_space<vmem>>, vector<16xf32>,
      %broadcast_in_dim3A_363 = arith.constant 17 : i32
      %broadcast_in_dim3A_364 = vector.broadcast %broadcast_in_dim3A_363 : i32 to vector<16xi32>
      %get3A_365 = arith.constant 18 : i32
      %get3A_366 = arith.index_cast %get3A_365 : i32 to index
      %get3A_367 = arith.index_cast %mul3A_257 : i32 to index
      %get3A_368 = tpu.vector_load %arg6[%get3A_366, %get3A_367] {strides = array<i32>} : memref<21x2048xf32, #tpu.memory_space<vmem>>, vector<16xf32>,
      %broadcast_in_dim3A_369 = arith.constant 18 : i32
      %broadcast_in_dim3A_370 = vector.broadcast %broadcast_in_dim3A_369 : i32 to vector<16xi32>
      %get3A_371 = arith.constant 19 : i32
      %get3A_372 = arith.index_cast %get3A_371 : i32 to index
      %get3A_373 = arith.index_cast %mul3A_257 : i32 to index
      %get3A_374 = tpu.vector_load %arg6[%get3A_372, %get3A_373] {strides = array<i32>} : memref<21x2048xf32, #tpu.memory_space<vmem>>, vector<16xf32>,
      %broadcast_in_dim3A_375 = arith.constant 19 : i32
      %broadcast_in_dim3A_376 = vector.broadcast %broadcast_in_dim3A_375 : i32 to vector<16xi32>
      %get3A_377 = arith.constant 20 : i32
      %get3A_378 = arith.index_cast %get3A_377 : i32 to index
      %get3A_379 = arith.index_cast %mul3A_257 : i32 to index
      %get3A_380 = tpu.vector_load %arg6[%get3A_378, %get3A_379] {strides = array<i32>} : memref<21x2048xf32, #tpu.memory_space<vmem>>, vector<16xf32>,
      %broadcast_in_dim3A_381 = arith.constant 20 : i32
      %broadcast_in_dim3A_382 = vector.broadcast %broadcast_in_dim3A_381 : i32 to vector<16xi32>
      %gt3A = arith.cmpf ogt, %get3A_266, %get3A_260 : vector<16xf32>
      %select_n3A = arith.select %gt3A, %get3A_266, %get3A_260 : vector<16xi1>, vector<16xf32>
      %select_n3A_383 = arith.select %gt3A, %broadcast_in_dim3A_268, %broadcast_in_dim3A_262 : vector<16xi1>, vector<16xi32>
      %gt3A_384 = arith.cmpf ogt, %get3A_278, %get3A_272 : vector<16xf32>
      %select_n3A_385 = arith.select %gt3A_384, %get3A_278, %get3A_272 : vector<16xi1>, vector<16xf32>
      %select_n3A_386 = arith.select %gt3A_384, %broadcast_in_dim3A_280, %broadcast_in_dim3A_274 : vector<16xi1>, vector<16xi32>
      %gt3A_387 = arith.cmpf ogt, %get3A_290, %get3A_284 : vector<16xf32>
      %select_n3A_388 = arith.select %gt3A_387, %get3A_290, %get3A_284 : vector<16xi1>, vector<16xf32>
      %select_n3A_389 = arith.select %gt3A_387, %broadcast_in_dim3A_292, %broadcast_in_dim3A_286 : vector<16xi1>, vector<16xi32>
      %gt3A_390 = arith.cmpf ogt, %get3A_302, %get3A_296 : vector<16xf32>
      %select_n3A_391 = arith.select %gt3A_390, %get3A_302, %get3A_296 : vector<16xi1>, vector<16xf32>
      %select_n3A_392 = arith.select %gt3A_390, %broadcast_in_dim3A_304, %broadcast_in_dim3A_298 : vector<16xi1>, vector<16xi32>
      %gt3A_393 = arith.cmpf ogt, %get3A_314, %get3A_308 : vector<16xf32>
      %select_n3A_394 = arith.select %gt3A_393, %get3A_314, %get3A_308 : vector<16xi1>, vector<16xf32>
      %select_n3A_395 = arith.select %gt3A_393, %broadcast_in_dim3A_316, %broadcast_in_dim3A_310 : vector<16xi1>, vector<16xi32>
      %gt3A_396 = arith.cmpf ogt, %get3A_326, %get3A_320 : vector<16xf32>
      %select_n3A_397 = arith.select %gt3A_396, %get3A_326, %get3A_320 : vector<16xi1>, vector<16xf32>
      %select_n3A_398 = arith.select %gt3A_396, %broadcast_in_dim3A_328, %broadcast_in_dim3A_322 : vector<16xi1>, vector<16xi32>
      %gt3A_399 = arith.cmpf ogt, %get3A_338, %get3A_332 : vector<16xf32>
      %select_n3A_400 = arith.select %gt3A_399, %get3A_338, %get3A_332 : vector<16xi1>, vector<16xf32>
      %select_n3A_401 = arith.select %gt3A_399, %broadcast_in_dim3A_340, %broadcast_in_dim3A_334 : vector<16xi1>, vector<16xi32>
      %gt3A_402 = arith.cmpf ogt, %get3A_350, %get3A_344 : vector<16xf32>
      %select_n3A_403 = arith.select %gt3A_402, %get3A_350, %get3A_344 : vector<16xi1>, vector<16xf32>
      %select_n3A_404 = arith.select %gt3A_402, %broadcast_in_dim3A_352, %broadcast_in_dim3A_346 : vector<16xi1>, vector<16xi32>
      %gt3A_405 = arith.cmpf ogt, %get3A_362, %get3A_356 : vector<16xf32>
      %select_n3A_406 = arith.select %gt3A_405, %get3A_362, %get3A_356 : vector<16xi1>, vector<16xf32>
      %select_n3A_407 = arith.select %gt3A_405, %broadcast_in_dim3A_364, %broadcast_in_dim3A_358 : vector<16xi1>, vector<16xi32>
      %gt3A_408 = arith.cmpf ogt, %get3A_374, %get3A_368 : vector<16xf32>
      %select_n3A_409 = arith.select %gt3A_408, %get3A_374, %get3A_368 : vector<16xi1>, vector<16xf32>
      %select_n3A_410 = arith.select %gt3A_408, %broadcast_in_dim3A_376, %broadcast_in_dim3A_370 : vector<16xi1>, vector<16xi32>
      %gt3A_411 = arith.cmpf ogt, %select_n3A_385, %select_n3A : vector<16xf32>
      %select_n3A_412 = arith.select %gt3A_411, %select_n3A_385, %select_n3A : vector<16xi1>, vector<16xf32>
      %select_n3A_413 = arith.select %gt3A_411, %select_n3A_386, %select_n3A_383 : vector<16xi1>, vector<16xi32>
      %gt3A_414 = arith.cmpf ogt, %select_n3A_391, %select_n3A_388 : vector<16xf32>
      %select_n3A_415 = arith.select %gt3A_414, %select_n3A_391, %select_n3A_388 : vector<16xi1>, vector<16xf32>
      %select_n3A_416 = arith.select %gt3A_414, %select_n3A_392, %select_n3A_389 : vector<16xi1>, vector<16xi32>
      %gt3A_417 = arith.cmpf ogt, %select_n3A_397, %select_n3A_394 : vector<16xf32>
      %select_n3A_418 = arith.select %gt3A_417, %select_n3A_397, %select_n3A_394 : vector<16xi1>, vector<16xf32>
      %select_n3A_419 = arith.select %gt3A_417, %select_n3A_398, %select_n3A_395 : vector<16xi1>, vector<16xi32>
      %gt3A_420 = arith.cmpf ogt, %select_n3A_403, %select_n3A_400 : vector<16xf32>
      %select_n3A_421 = arith.select %gt3A_420, %select_n3A_403, %select_n3A_400 : vector<16xi1>, vector<16xf32>
      %select_n3A_422 = arith.select %gt3A_420, %select_n3A_404, %select_n3A_401 : vector<16xi1>, vector<16xi32>
      %gt3A_423 = arith.cmpf ogt, %select_n3A_409, %select_n3A_406 : vector<16xf32>
      %select_n3A_424 = arith.select %gt3A_423, %select_n3A_409, %select_n3A_406 : vector<16xi1>, vector<16xf32>
      %select_n3A_425 = arith.select %gt3A_423, %select_n3A_410, %select_n3A_407 : vector<16xi1>, vector<16xi32>
      %gt3A_426 = arith.cmpf ogt, %select_n3A_415, %select_n3A_412 : vector<16xf32>
      %select_n3A_427 = arith.select %gt3A_426, %select_n3A_415, %select_n3A_412 : vector<16xi1>, vector<16xf32>
      %select_n3A_428 = arith.select %gt3A_426, %select_n3A_416, %select_n3A_413 : vector<16xi1>, vector<16xi32>
      %gt3A_429 = arith.cmpf ogt, %select_n3A_421, %select_n3A_418 : vector<16xf32>
      %select_n3A_430 = arith.select %gt3A_429, %select_n3A_421, %select_n3A_418 : vector<16xi1>, vector<16xf32>
      %select_n3A_431 = arith.select %gt3A_429, %select_n3A_422, %select_n3A_419 : vector<16xi1>, vector<16xi32>
      %gt3A_432 = arith.cmpf ogt, %get3A_380, %select_n3A_424 : vector<16xf32>
      %select_n3A_433 = arith.select %gt3A_432, %get3A_380, %select_n3A_424 : vector<16xi1>, vector<16xf32>
      %select_n3A_434 = arith.select %gt3A_432, %broadcast_in_dim3A_382, %select_n3A_425 : vector<16xi1>, vector<16xi32>
      %gt3A_435 = arith.cmpf ogt, %select_n3A_430, %select_n3A_427 : vector<16xf32>
      %select_n3A_436 = arith.select %gt3A_435, %select_n3A_430, %select_n3A_427 : vector<16xi1>, vector<16xf32>
      %select_n3A_437 = arith.select %gt3A_435, %select_n3A_431, %select_n3A_428 : vector<16xi1>, vector<16xi32>
      %gt3A_438 = arith.cmpf ogt, %select_n3A_433, %select_n3A_436 : vector<16xf32>
      %select_n3A_439 = arith.select %gt3A_438, %select_n3A_433, %select_n3A_436 : vector<16xi1>, vector<16xf32>
      %select_n3A_440 = arith.select %gt3A_438, %select_n3A_434, %select_n3A_437 : vector<16xi1>, vector<16xi32>
      %get3A_441 = arith.index_cast %mul3A_257 : i32 to index
      %get3A_442 = tpu.vector_load %arg8[%get3A_441] {strides = array<i32>} : memref<2048xi32, #tpu.memory_space<vmem>>, vector<16xi32>,
      %mul3A_443 = arith.constant 448 : i32
      %mul3A_444 = vector.broadcast %mul3A_443 : i32 to vector<16xi32>
      %mul3A_445 = arith.muli %iota3A, %mul3A_444 : vector<16xi32>
      %mul3A_446 = arith.constant 21 : i32
      %mul3A_447 = vector.broadcast %mul3A_446 : i32 to vector<16xi32>
      %mul3A_448 = arith.muli %get3A_442, %mul3A_447 : vector<16xi32>
      %add3A_449 = arith.addi %mul3A_445, %mul3A_448 : vector<16xi32>
      %add3A_450 = arith.addi %add3A_449, %select_n3A_440 : vector<16xi32>
      tpu.vector_store_idx %arg9[%add3A_450], %broadcast_in_dim3A_3 {add = true} : memref<7168xf32, #tpu.memory_space<vmem>>[vector<16xi32>], vector<16xf32>,
    }
    %scan3A_210 = arith.constant 128 : i32
    %dma_wait3A_211 = arith.constant 0 : i32
    %dma_wait3A_212 = tpu.memref_slice %arg2[%dma_wait3A_211, %mul3A_198] : memref<21x1048576xf32, #tpu.memory_space<hbm>> -> memref<21x2048xf32, #tpu.memory_space<hbm>>
    %dma_wait3A_213 = arith.constant 0 : i32
    %dma_wait3A_214 = tpu.memref_slice %arg2[%dma_wait3A_213, %mul3A_198] : memref<21x1048576xf32, #tpu.memory_space<hbm>> -> memref<21x2048xf32, #tpu.memory_space<hbm>>
    tpu.wait_dma2 semaphore(%arg11 : memref<!tpu.dma_semaphore, #tpu.memory_space<semaphore_mem>>) src(%dma_wait3A_214 : memref<21x2048xf32, #tpu.memory_space<hbm>>) dst(%arg5 : memref<21x2048xf32, #tpu.memory_space<vmem>>)
    %dma_wait3A_215 = tpu.memref_slice %arg3[%mul3A_198] : memref<1048576xi32, #tpu.memory_space<hbm>> -> memref<2048xi32, #tpu.memory_space<hbm>>
    %dma_wait3A_216 = tpu.memref_slice %arg3[%mul3A_198] : memref<1048576xi32, #tpu.memory_space<hbm>> -> memref<2048xi32, #tpu.memory_space<hbm>>
    tpu.wait_dma2 semaphore(%arg11 : memref<!tpu.dma_semaphore, #tpu.memory_space<semaphore_mem>>) src(%dma_wait3A_216 : memref<2048xi32, #tpu.memory_space<hbm>>) dst(%arg7 : memref<2048xi32, #tpu.memory_space<vmem>>)
    %mul3A_217 = arith.constant 10 : i32
    %mul3A_218 = arith.muli %add3A, %mul3A_217 : i32
    %add3A_219 = arith.constant 9 : i32
    %add3A_220 = arith.addi %mul3A_218, %add3A_219 : i32
    %mul3A_221 = arith.constant 2048 : i32
    %mul3A_222 = arith.muli %add3A_220, %mul3A_221 : i32
    %dma_start3A_223 = arith.constant 0 : i32
    %dma_start3A_224 = tpu.memref_slice %arg2[%dma_start3A_223, %mul3A_222] : memref<21x1048576xf32, #tpu.memory_space<hbm>> -> memref<21x2048xf32, #tpu.memory_space<hbm>>
    %dma_start3A_225 = arith.constant 0 : i32
    %dma_start3A_226 = tpu.memref_slice %arg2[%dma_start3A_225, %mul3A_222] : memref<21x1048576xf32, #tpu.memory_space<hbm>> -> memref<21x2048xf32, #tpu.memory_space<hbm>>
    tpu.enqueue_dma source(%dma_start3A_226 : memref<21x2048xf32, #tpu.memory_space<hbm>>) target(%arg6 : memref<21x2048xf32, #tpu.memory_space<vmem>>) target_semaphore(%arg12 : memref<!tpu.dma_semaphore, #tpu.memory_space<semaphore_mem>>)
    %dma_start3A_227 = tpu.memref_slice %arg3[%mul3A_222] : memref<1048576xi32, #tpu.memory_space<hbm>> -> memref<2048xi32, #tpu.memory_space<hbm>>
    %dma_start3A_228 = tpu.memref_slice %arg3[%mul3A_222] : memref<1048576xi32, #tpu.memory_space<hbm>> -> memref<2048xi32, #tpu.memory_space<hbm>>
    tpu.enqueue_dma source(%dma_start3A_228 : memref<2048xi32, #tpu.memory_space<hbm>>) target(%arg8 : memref<2048xi32, #tpu.memory_space<vmem>>) target_semaphore(%arg12 : memref<!tpu.dma_semaphore, #tpu.memory_space<semaphore_mem>>)
    %scan3A_229 = arith.constant 0 : i32
    %scan3A_230 = arith.constant 0 : i32
    %scan3A_231 = arith.constant 128 : i32
    %scan3A_232 = arith.addi %scan3A_230, %scan3A_231 : i32
    %scan3A_233 = arith.constant 1 : i32
    scf.for %scan3A_255 = %scan3A_230 to %scan3A_232 step %scan3A_233  : i32 {
      %mul3A_256 = arith.constant 16 : i32
      %mul3A_257 = arith.muli %scan3A_255, %mul3A_256 : i32
      %get3A = arith.constant 0 : i32
      %get3A_258 = arith.index_cast %get3A : i32 to index
      %get3A_259 = arith.index_cast %mul3A_257 : i32 to index
      %get3A_260 = tpu.vector_load %arg5[%get3A_258, %get3A_259] {strides = array<i32>} : memref<21x2048xf32, #tpu.memory_space<vmem>>, vector<16xf32>,
      %broadcast_in_dim3A_261 = arith.constant 0 : i32
      %broadcast_in_dim3A_262 = vector.broadcast %broadcast_in_dim3A_261 : i32 to vector<16xi32>
      %get3A_263 = arith.constant 1 : i32
      %get3A_264 = arith.index_cast %get3A_263 : i32 to index
      %get3A_265 = arith.index_cast %mul3A_257 : i32 to index
      %get3A_266 = tpu.vector_load %arg5[%get3A_264, %get3A_265] {strides = array<i32>} : memref<21x2048xf32, #tpu.memory_space<vmem>>, vector<16xf32>,
      %broadcast_in_dim3A_267 = arith.constant 1 : i32
      %broadcast_in_dim3A_268 = vector.broadcast %broadcast_in_dim3A_267 : i32 to vector<16xi32>
      %get3A_269 = arith.constant 2 : i32
      %get3A_270 = arith.index_cast %get3A_269 : i32 to index
      %get3A_271 = arith.index_cast %mul3A_257 : i32 to index
      %get3A_272 = tpu.vector_load %arg5[%get3A_270, %get3A_271] {strides = array<i32>} : memref<21x2048xf32, #tpu.memory_space<vmem>>, vector<16xf32>,
      %broadcast_in_dim3A_273 = arith.constant 2 : i32
      %broadcast_in_dim3A_274 = vector.broadcast %broadcast_in_dim3A_273 : i32 to vector<16xi32>
      %get3A_275 = arith.constant 3 : i32
      %get3A_276 = arith.index_cast %get3A_275 : i32 to index
      %get3A_277 = arith.index_cast %mul3A_257 : i32 to index
      %get3A_278 = tpu.vector_load %arg5[%get3A_276, %get3A_277] {strides = array<i32>} : memref<21x2048xf32, #tpu.memory_space<vmem>>, vector<16xf32>,
      %broadcast_in_dim3A_279 = arith.constant 3 : i32
      %broadcast_in_dim3A_280 = vector.broadcast %broadcast_in_dim3A_279 : i32 to vector<16xi32>
      %get3A_281 = arith.constant 4 : i32
      %get3A_282 = arith.index_cast %get3A_281 : i32 to index
      %get3A_283 = arith.index_cast %mul3A_257 : i32 to index
      %get3A_284 = tpu.vector_load %arg5[%get3A_282, %get3A_283] {strides = array<i32>} : memref<21x2048xf32, #tpu.memory_space<vmem>>, vector<16xf32>,
      %broadcast_in_dim3A_285 = arith.constant 4 : i32
      %broadcast_in_dim3A_286 = vector.broadcast %broadcast_in_dim3A_285 : i32 to vector<16xi32>
      %get3A_287 = arith.constant 5 : i32
      %get3A_288 = arith.index_cast %get3A_287 : i32 to index
      %get3A_289 = arith.index_cast %mul3A_257 : i32 to index
      %get3A_290 = tpu.vector_load %arg5[%get3A_288, %get3A_289] {strides = array<i32>} : memref<21x2048xf32, #tpu.memory_space<vmem>>, vector<16xf32>,
      %broadcast_in_dim3A_291 = arith.constant 5 : i32
      %broadcast_in_dim3A_292 = vector.broadcast %broadcast_in_dim3A_291 : i32 to vector<16xi32>
      %get3A_293 = arith.constant 6 : i32
      %get3A_294 = arith.index_cast %get3A_293 : i32 to index
      %get3A_295 = arith.index_cast %mul3A_257 : i32 to index
      %get3A_296 = tpu.vector_load %arg5[%get3A_294, %get3A_295] {strides = array<i32>} : memref<21x2048xf32, #tpu.memory_space<vmem>>, vector<16xf32>,
      %broadcast_in_dim3A_297 = arith.constant 6 : i32
      %broadcast_in_dim3A_298 = vector.broadcast %broadcast_in_dim3A_297 : i32 to vector<16xi32>
      %get3A_299 = arith.constant 7 : i32
      %get3A_300 = arith.index_cast %get3A_299 : i32 to index
      %get3A_301 = arith.index_cast %mul3A_257 : i32 to index
      %get3A_302 = tpu.vector_load %arg5[%get3A_300, %get3A_301] {strides = array<i32>} : memref<21x2048xf32, #tpu.memory_space<vmem>>, vector<16xf32>,
      %broadcast_in_dim3A_303 = arith.constant 7 : i32
      %broadcast_in_dim3A_304 = vector.broadcast %broadcast_in_dim3A_303 : i32 to vector<16xi32>
      %get3A_305 = arith.constant 8 : i32
      %get3A_306 = arith.index_cast %get3A_305 : i32 to index
      %get3A_307 = arith.index_cast %mul3A_257 : i32 to index
      %get3A_308 = tpu.vector_load %arg5[%get3A_306, %get3A_307] {strides = array<i32>} : memref<21x2048xf32, #tpu.memory_space<vmem>>, vector<16xf32>,
      %broadcast_in_dim3A_309 = arith.constant 8 : i32
      %broadcast_in_dim3A_310 = vector.broadcast %broadcast_in_dim3A_309 : i32 to vector<16xi32>
      %get3A_311 = arith.constant 9 : i32
      %get3A_312 = arith.index_cast %get3A_311 : i32 to index
      %get3A_313 = arith.index_cast %mul3A_257 : i32 to index
      %get3A_314 = tpu.vector_load %arg5[%get3A_312, %get3A_313] {strides = array<i32>} : memref<21x2048xf32, #tpu.memory_space<vmem>>, vector<16xf32>,
      %broadcast_in_dim3A_315 = arith.constant 9 : i32
      %broadcast_in_dim3A_316 = vector.broadcast %broadcast_in_dim3A_315 : i32 to vector<16xi32>
      %get3A_317 = arith.constant 10 : i32
      %get3A_318 = arith.index_cast %get3A_317 : i32 to index
      %get3A_319 = arith.index_cast %mul3A_257 : i32 to index
      %get3A_320 = tpu.vector_load %arg5[%get3A_318, %get3A_319] {strides = array<i32>} : memref<21x2048xf32, #tpu.memory_space<vmem>>, vector<16xf32>,
      %broadcast_in_dim3A_321 = arith.constant 10 : i32
      %broadcast_in_dim3A_322 = vector.broadcast %broadcast_in_dim3A_321 : i32 to vector<16xi32>
      %get3A_323 = arith.constant 11 : i32
      %get3A_324 = arith.index_cast %get3A_323 : i32 to index
      %get3A_325 = arith.index_cast %mul3A_257 : i32 to index
      %get3A_326 = tpu.vector_load %arg5[%get3A_324, %get3A_325] {strides = array<i32>} : memref<21x2048xf32, #tpu.memory_space<vmem>>, vector<16xf32>,
      %broadcast_in_dim3A_327 = arith.constant 11 : i32
      %broadcast_in_dim3A_328 = vector.broadcast %broadcast_in_dim3A_327 : i32 to vector<16xi32>
      %get3A_329 = arith.constant 12 : i32
      %get3A_330 = arith.index_cast %get3A_329 : i32 to index
      %get3A_331 = arith.index_cast %mul3A_257 : i32 to index
      %get3A_332 = tpu.vector_load %arg5[%get3A_330, %get3A_331] {strides = array<i32>} : memref<21x2048xf32, #tpu.memory_space<vmem>>, vector<16xf32>,
      %broadcast_in_dim3A_333 = arith.constant 12 : i32
      %broadcast_in_dim3A_334 = vector.broadcast %broadcast_in_dim3A_333 : i32 to vector<16xi32>
      %get3A_335 = arith.constant 13 : i32
      %get3A_336 = arith.index_cast %get3A_335 : i32 to index
      %get3A_337 = arith.index_cast %mul3A_257 : i32 to index
      %get3A_338 = tpu.vector_load %arg5[%get3A_336, %get3A_337] {strides = array<i32>} : memref<21x2048xf32, #tpu.memory_space<vmem>>, vector<16xf32>,
      %broadcast_in_dim3A_339 = arith.constant 13 : i32
      %broadcast_in_dim3A_340 = vector.broadcast %broadcast_in_dim3A_339 : i32 to vector<16xi32>
      %get3A_341 = arith.constant 14 : i32
      %get3A_342 = arith.index_cast %get3A_341 : i32 to index
      %get3A_343 = arith.index_cast %mul3A_257 : i32 to index
      %get3A_344 = tpu.vector_load %arg5[%get3A_342, %get3A_343] {strides = array<i32>} : memref<21x2048xf32, #tpu.memory_space<vmem>>, vector<16xf32>,
      %broadcast_in_dim3A_345 = arith.constant 14 : i32
      %broadcast_in_dim3A_346 = vector.broadcast %broadcast_in_dim3A_345 : i32 to vector<16xi32>
      %get3A_347 = arith.constant 15 : i32
      %get3A_348 = arith.index_cast %get3A_347 : i32 to index
      %get3A_349 = arith.index_cast %mul3A_257 : i32 to index
      %get3A_350 = tpu.vector_load %arg5[%get3A_348, %get3A_349] {strides = array<i32>} : memref<21x2048xf32, #tpu.memory_space<vmem>>, vector<16xf32>,
      %broadcast_in_dim3A_351 = arith.constant 15 : i32
      %broadcast_in_dim3A_352 = vector.broadcast %broadcast_in_dim3A_351 : i32 to vector<16xi32>
      %get3A_353 = arith.constant 16 : i32
      %get3A_354 = arith.index_cast %get3A_353 : i32 to index
      %get3A_355 = arith.index_cast %mul3A_257 : i32 to index
      %get3A_356 = tpu.vector_load %arg5[%get3A_354, %get3A_355] {strides = array<i32>} : memref<21x2048xf32, #tpu.memory_space<vmem>>, vector<16xf32>,
      %broadcast_in_dim3A_357 = arith.constant 16 : i32
      %broadcast_in_dim3A_358 = vector.broadcast %broadcast_in_dim3A_357 : i32 to vector<16xi32>
      %get3A_359 = arith.constant 17 : i32
      %get3A_360 = arith.index_cast %get3A_359 : i32 to index
      %get3A_361 = arith.index_cast %mul3A_257 : i32 to index
      %get3A_362 = tpu.vector_load %arg5[%get3A_360, %get3A_361] {strides = array<i32>} : memref<21x2048xf32, #tpu.memory_space<vmem>>, vector<16xf32>,
      %broadcast_in_dim3A_363 = arith.constant 17 : i32
      %broadcast_in_dim3A_364 = vector.broadcast %broadcast_in_dim3A_363 : i32 to vector<16xi32>
      %get3A_365 = arith.constant 18 : i32
      %get3A_366 = arith.index_cast %get3A_365 : i32 to index
      %get3A_367 = arith.index_cast %mul3A_257 : i32 to index
      %get3A_368 = tpu.vector_load %arg5[%get3A_366, %get3A_367] {strides = array<i32>} : memref<21x2048xf32, #tpu.memory_space<vmem>>, vector<16xf32>,
      %broadcast_in_dim3A_369 = arith.constant 18 : i32
      %broadcast_in_dim3A_370 = vector.broadcast %broadcast_in_dim3A_369 : i32 to vector<16xi32>
      %get3A_371 = arith.constant 19 : i32
      %get3A_372 = arith.index_cast %get3A_371 : i32 to index
      %get3A_373 = arith.index_cast %mul3A_257 : i32 to index
      %get3A_374 = tpu.vector_load %arg5[%get3A_372, %get3A_373] {strides = array<i32>} : memref<21x2048xf32, #tpu.memory_space<vmem>>, vector<16xf32>,
      %broadcast_in_dim3A_375 = arith.constant 19 : i32
      %broadcast_in_dim3A_376 = vector.broadcast %broadcast_in_dim3A_375 : i32 to vector<16xi32>
      %get3A_377 = arith.constant 20 : i32
      %get3A_378 = arith.index_cast %get3A_377 : i32 to index
      %get3A_379 = arith.index_cast %mul3A_257 : i32 to index
      %get3A_380 = tpu.vector_load %arg5[%get3A_378, %get3A_379] {strides = array<i32>} : memref<21x2048xf32, #tpu.memory_space<vmem>>, vector<16xf32>,
      %broadcast_in_dim3A_381 = arith.constant 20 : i32
      %broadcast_in_dim3A_382 = vector.broadcast %broadcast_in_dim3A_381 : i32 to vector<16xi32>
      %gt3A = arith.cmpf ogt, %get3A_266, %get3A_260 : vector<16xf32>
      %select_n3A = arith.select %gt3A, %get3A_266, %get3A_260 : vector<16xi1>, vector<16xf32>
      %select_n3A_383 = arith.select %gt3A, %broadcast_in_dim3A_268, %broadcast_in_dim3A_262 : vector<16xi1>, vector<16xi32>
      %gt3A_384 = arith.cmpf ogt, %get3A_278, %get3A_272 : vector<16xf32>
      %select_n3A_385 = arith.select %gt3A_384, %get3A_278, %get3A_272 : vector<16xi1>, vector<16xf32>
      %select_n3A_386 = arith.select %gt3A_384, %broadcast_in_dim3A_280, %broadcast_in_dim3A_274 : vector<16xi1>, vector<16xi32>
      %gt3A_387 = arith.cmpf ogt, %get3A_290, %get3A_284 : vector<16xf32>
      %select_n3A_388 = arith.select %gt3A_387, %get3A_290, %get3A_284 : vector<16xi1>, vector<16xf32>
      %select_n3A_389 = arith.select %gt3A_387, %broadcast_in_dim3A_292, %broadcast_in_dim3A_286 : vector<16xi1>, vector<16xi32>
      %gt3A_390 = arith.cmpf ogt, %get3A_302, %get3A_296 : vector<16xf32>
      %select_n3A_391 = arith.select %gt3A_390, %get3A_302, %get3A_296 : vector<16xi1>, vector<16xf32>
      %select_n3A_392 = arith.select %gt3A_390, %broadcast_in_dim3A_304, %broadcast_in_dim3A_298 : vector<16xi1>, vector<16xi32>
      %gt3A_393 = arith.cmpf ogt, %get3A_314, %get3A_308 : vector<16xf32>
      %select_n3A_394 = arith.select %gt3A_393, %get3A_314, %get3A_308 : vector<16xi1>, vector<16xf32>
      %select_n3A_395 = arith.select %gt3A_393, %broadcast_in_dim3A_316, %broadcast_in_dim3A_310 : vector<16xi1>, vector<16xi32>
      %gt3A_396 = arith.cmpf ogt, %get3A_326, %get3A_320 : vector<16xf32>
      %select_n3A_397 = arith.select %gt3A_396, %get3A_326, %get3A_320 : vector<16xi1>, vector<16xf32>
      %select_n3A_398 = arith.select %gt3A_396, %broadcast_in_dim3A_328, %broadcast_in_dim3A_322 : vector<16xi1>, vector<16xi32>
      %gt3A_399 = arith.cmpf ogt, %get3A_338, %get3A_332 : vector<16xf32>
      %select_n3A_400 = arith.select %gt3A_399, %get3A_338, %get3A_332 : vector<16xi1>, vector<16xf32>
      %select_n3A_401 = arith.select %gt3A_399, %broadcast_in_dim3A_340, %broadcast_in_dim3A_334 : vector<16xi1>, vector<16xi32>
      %gt3A_402 = arith.cmpf ogt, %get3A_350, %get3A_344 : vector<16xf32>
      %select_n3A_403 = arith.select %gt3A_402, %get3A_350, %get3A_344 : vector<16xi1>, vector<16xf32>
      %select_n3A_404 = arith.select %gt3A_402, %broadcast_in_dim3A_352, %broadcast_in_dim3A_346 : vector<16xi1>, vector<16xi32>
      %gt3A_405 = arith.cmpf ogt, %get3A_362, %get3A_356 : vector<16xf32>
      %select_n3A_406 = arith.select %gt3A_405, %get3A_362, %get3A_356 : vector<16xi1>, vector<16xf32>
      %select_n3A_407 = arith.select %gt3A_405, %broadcast_in_dim3A_364, %broadcast_in_dim3A_358 : vector<16xi1>, vector<16xi32>
      %gt3A_408 = arith.cmpf ogt, %get3A_374, %get3A_368 : vector<16xf32>
      %select_n3A_409 = arith.select %gt3A_408, %get3A_374, %get3A_368 : vector<16xi1>, vector<16xf32>
      %select_n3A_410 = arith.select %gt3A_408, %broadcast_in_dim3A_376, %broadcast_in_dim3A_370 : vector<16xi1>, vector<16xi32>
      %gt3A_411 = arith.cmpf ogt, %select_n3A_385, %select_n3A : vector<16xf32>
      %select_n3A_412 = arith.select %gt3A_411, %select_n3A_385, %select_n3A : vector<16xi1>, vector<16xf32>
      %select_n3A_413 = arith.select %gt3A_411, %select_n3A_386, %select_n3A_383 : vector<16xi1>, vector<16xi32>
      %gt3A_414 = arith.cmpf ogt, %select_n3A_391, %select_n3A_388 : vector<16xf32>
      %select_n3A_415 = arith.select %gt3A_414, %select_n3A_391, %select_n3A_388 : vector<16xi1>, vector<16xf32>
      %select_n3A_416 = arith.select %gt3A_414, %select_n3A_392, %select_n3A_389 : vector<16xi1>, vector<16xi32>
      %gt3A_417 = arith.cmpf ogt, %select_n3A_397, %select_n3A_394 : vector<16xf32>
      %select_n3A_418 = arith.select %gt3A_417, %select_n3A_397, %select_n3A_394 : vector<16xi1>, vector<16xf32>
      %select_n3A_419 = arith.select %gt3A_417, %select_n3A_398, %select_n3A_395 : vector<16xi1>, vector<16xi32>
      %gt3A_420 = arith.cmpf ogt, %select_n3A_403, %select_n3A_400 : vector<16xf32>
      %select_n3A_421 = arith.select %gt3A_420, %select_n3A_403, %select_n3A_400 : vector<16xi1>, vector<16xf32>
      %select_n3A_422 = arith.select %gt3A_420, %select_n3A_404, %select_n3A_401 : vector<16xi1>, vector<16xi32>
      %gt3A_423 = arith.cmpf ogt, %select_n3A_409, %select_n3A_406 : vector<16xf32>
      %select_n3A_424 = arith.select %gt3A_423, %select_n3A_409, %select_n3A_406 : vector<16xi1>, vector<16xf32>
      %select_n3A_425 = arith.select %gt3A_423, %select_n3A_410, %select_n3A_407 : vector<16xi1>, vector<16xi32>
      %gt3A_426 = arith.cmpf ogt, %select_n3A_415, %select_n3A_412 : vector<16xf32>
      %select_n3A_427 = arith.select %gt3A_426, %select_n3A_415, %select_n3A_412 : vector<16xi1>, vector<16xf32>
      %select_n3A_428 = arith.select %gt3A_426, %select_n3A_416, %select_n3A_413 : vector<16xi1>, vector<16xi32>
      %gt3A_429 = arith.cmpf ogt, %select_n3A_421, %select_n3A_418 : vector<16xf32>
      %select_n3A_430 = arith.select %gt3A_429, %select_n3A_421, %select_n3A_418 : vector<16xi1>, vector<16xf32>
      %select_n3A_431 = arith.select %gt3A_429, %select_n3A_422, %select_n3A_419 : vector<16xi1>, vector<16xi32>
      %gt3A_432 = arith.cmpf ogt, %get3A_380, %select_n3A_424 : vector<16xf32>
      %select_n3A_433 = arith.select %gt3A_432, %get3A_380, %select_n3A_424 : vector<16xi1>, vector<16xf32>
      %select_n3A_434 = arith.select %gt3A_432, %broadcast_in_dim3A_382, %select_n3A_425 : vector<16xi1>, vector<16xi32>
      %gt3A_435 = arith.cmpf ogt, %select_n3A_430, %select_n3A_427 : vector<16xf32>
      %select_n3A_436 = arith.select %gt3A_435, %select_n3A_430, %select_n3A_427 : vector<16xi1>, vector<16xf32>
      %select_n3A_437 = arith.select %gt3A_435, %select_n3A_431, %select_n3A_428 : vector<16xi1>, vector<16xi32>
      %gt3A_438 = arith.cmpf ogt, %select_n3A_433, %select_n3A_436 : vector<16xf32>
      %select_n3A_439 = arith.select %gt3A_438, %select_n3A_433, %select_n3A_436 : vector<16xi1>, vector<16xf32>
      %select_n3A_440 = arith.select %gt3A_438, %select_n3A_434, %select_n3A_437 : vector<16xi1>, vector<16xi32>
      %get3A_441 = arith.index_cast %mul3A_257 : i32 to index
      %get3A_442 = tpu.vector_load %arg7[%get3A_441] {strides = array<i32>} : memref<2048xi32, #tpu.memory_space<vmem>>, vector<16xi32>,
      %mul3A_443 = arith.constant 448 : i32
      %mul3A_444 = vector.broadcast %mul3A_443 : i32 to vector<16xi32>
      %mul3A_445 = arith.muli %iota3A, %mul3A_444 : vector<16xi32>
      %mul3A_446 = arith.constant 21 : i32
      %mul3A_447 = vector.broadcast %mul3A_446 : i32 to vector<16xi32>
      %mul3A_448 = arith.muli %get3A_442, %mul3A_447 : vector<16xi32>
      %add3A_449 = arith.addi %mul3A_445, %mul3A_448 : vector<16xi32>
      %add3A_450 = arith.addi %add3A_449, %select_n3A_440 : vector<16xi32>
      tpu.vector_store_idx %arg9[%add3A_450], %broadcast_in_dim3A_3 {add = true} : memref<7168xf32, #tpu.memory_space<vmem>>[vector<16xi32>], vector<16xf32>,
    }
    %scan3A_234 = arith.constant 128 : i32
    %dma_wait3A_235 = arith.constant 0 : i32
    %dma_wait3A_236 = tpu.memref_slice %arg2[%dma_wait3A_235, %mul3A_222] : memref<21x1048576xf32, #tpu.memory_space<hbm>> -> memref<21x2048xf32, #tpu.memory_space<hbm>>
    %dma_wait3A_237 = arith.constant 0 : i32
    %dma_wait3A_238 = tpu.memref_slice %arg2[%dma_wait3A_237, %mul3A_222] : memref<21x1048576xf32, #tpu.memory_space<hbm>> -> memref<21x2048xf32, #tpu.memory_space<hbm>>
    tpu.wait_dma2 semaphore(%arg12 : memref<!tpu.dma_semaphore, #tpu.memory_space<semaphore_mem>>) src(%dma_wait3A_238 : memref<21x2048xf32, #tpu.memory_space<hbm>>) dst(%arg6 : memref<21x2048xf32, #tpu.memory_space<vmem>>)
    %dma_wait3A_239 = tpu.memref_slice %arg3[%mul3A_222] : memref<1048576xi32, #tpu.memory_space<hbm>> -> memref<2048xi32, #tpu.memory_space<hbm>>
    %dma_wait3A_240 = tpu.memref_slice %arg3[%mul3A_222] : memref<1048576xi32, #tpu.memory_space<hbm>> -> memref<2048xi32, #tpu.memory_space<hbm>>
    tpu.wait_dma2 semaphore(%arg12 : memref<!tpu.dma_semaphore, #tpu.memory_space<semaphore_mem>>) src(%dma_wait3A_240 : memref<2048xi32, #tpu.memory_space<hbm>>) dst(%arg8 : memref<2048xi32, #tpu.memory_space<vmem>>)
    %scan3A_241 = arith.constant 0 : i32
    %scan3A_242 = arith.constant 0 : i32
    %scan3A_243 = arith.constant 128 : i32
    %scan3A_244 = arith.addi %scan3A_242, %scan3A_243 : i32
    %scan3A_245 = arith.constant 1 : i32
    scf.for %scan3A_255 = %scan3A_242 to %scan3A_244 step %scan3A_245  : i32 {
      %mul3A_256 = arith.constant 16 : i32
      %mul3A_257 = arith.muli %scan3A_255, %mul3A_256 : i32
      %get3A = arith.constant 0 : i32
      %get3A_258 = arith.index_cast %get3A : i32 to index
      %get3A_259 = arith.index_cast %mul3A_257 : i32 to index
      %get3A_260 = tpu.vector_load %arg6[%get3A_258, %get3A_259] {strides = array<i32>} : memref<21x2048xf32, #tpu.memory_space<vmem>>, vector<16xf32>,
      %broadcast_in_dim3A_261 = arith.constant 0 : i32
      %broadcast_in_dim3A_262 = vector.broadcast %broadcast_in_dim3A_261 : i32 to vector<16xi32>
      %get3A_263 = arith.constant 1 : i32
      %get3A_264 = arith.index_cast %get3A_263 : i32 to index
      %get3A_265 = arith.index_cast %mul3A_257 : i32 to index
      %get3A_266 = tpu.vector_load %arg6[%get3A_264, %get3A_265] {strides = array<i32>} : memref<21x2048xf32, #tpu.memory_space<vmem>>, vector<16xf32>,
      %broadcast_in_dim3A_267 = arith.constant 1 : i32
      %broadcast_in_dim3A_268 = vector.broadcast %broadcast_in_dim3A_267 : i32 to vector<16xi32>
      %get3A_269 = arith.constant 2 : i32
      %get3A_270 = arith.index_cast %get3A_269 : i32 to index
      %get3A_271 = arith.index_cast %mul3A_257 : i32 to index
      %get3A_272 = tpu.vector_load %arg6[%get3A_270, %get3A_271] {strides = array<i32>} : memref<21x2048xf32, #tpu.memory_space<vmem>>, vector<16xf32>,
      %broadcast_in_dim3A_273 = arith.constant 2 : i32
      %broadcast_in_dim3A_274 = vector.broadcast %broadcast_in_dim3A_273 : i32 to vector<16xi32>
      %get3A_275 = arith.constant 3 : i32
      %get3A_276 = arith.index_cast %get3A_275 : i32 to index
      %get3A_277 = arith.index_cast %mul3A_257 : i32 to index
      %get3A_278 = tpu.vector_load %arg6[%get3A_276, %get3A_277] {strides = array<i32>} : memref<21x2048xf32, #tpu.memory_space<vmem>>, vector<16xf32>,
      %broadcast_in_dim3A_279 = arith.constant 3 : i32
      %broadcast_in_dim3A_280 = vector.broadcast %broadcast_in_dim3A_279 : i32 to vector<16xi32>
      %get3A_281 = arith.constant 4 : i32
      %get3A_282 = arith.index_cast %get3A_281 : i32 to index
      %get3A_283 = arith.index_cast %mul3A_257 : i32 to index
      %get3A_284 = tpu.vector_load %arg6[%get3A_282, %get3A_283] {strides = array<i32>} : memref<21x2048xf32, #tpu.memory_space<vmem>>, vector<16xf32>,
      %broadcast_in_dim3A_285 = arith.constant 4 : i32
      %broadcast_in_dim3A_286 = vector.broadcast %broadcast_in_dim3A_285 : i32 to vector<16xi32>
      %get3A_287 = arith.constant 5 : i32
      %get3A_288 = arith.index_cast %get3A_287 : i32 to index
      %get3A_289 = arith.index_cast %mul3A_257 : i32 to index
      %get3A_290 = tpu.vector_load %arg6[%get3A_288, %get3A_289] {strides = array<i32>} : memref<21x2048xf32, #tpu.memory_space<vmem>>, vector<16xf32>,
      %broadcast_in_dim3A_291 = arith.constant 5 : i32
      %broadcast_in_dim3A_292 = vector.broadcast %broadcast_in_dim3A_291 : i32 to vector<16xi32>
      %get3A_293 = arith.constant 6 : i32
      %get3A_294 = arith.index_cast %get3A_293 : i32 to index
      %get3A_295 = arith.index_cast %mul3A_257 : i32 to index
      %get3A_296 = tpu.vector_load %arg6[%get3A_294, %get3A_295] {strides = array<i32>} : memref<21x2048xf32, #tpu.memory_space<vmem>>, vector<16xf32>,
      %broadcast_in_dim3A_297 = arith.constant 6 : i32
      %broadcast_in_dim3A_298 = vector.broadcast %broadcast_in_dim3A_297 : i32 to vector<16xi32>
      %get3A_299 = arith.constant 7 : i32
      %get3A_300 = arith.index_cast %get3A_299 : i32 to index
      %get3A_301 = arith.index_cast %mul3A_257 : i32 to index
      %get3A_302 = tpu.vector_load %arg6[%get3A_300, %get3A_301] {strides = array<i32>} : memref<21x2048xf32, #tpu.memory_space<vmem>>, vector<16xf32>,
      %broadcast_in_dim3A_303 = arith.constant 7 : i32
      %broadcast_in_dim3A_304 = vector.broadcast %broadcast_in_dim3A_303 : i32 to vector<16xi32>
      %get3A_305 = arith.constant 8 : i32
      %get3A_306 = arith.index_cast %get3A_305 : i32 to index
      %get3A_307 = arith.index_cast %mul3A_257 : i32 to index
      %get3A_308 = tpu.vector_load %arg6[%get3A_306, %get3A_307] {strides = array<i32>} : memref<21x2048xf32, #tpu.memory_space<vmem>>, vector<16xf32>,
      %broadcast_in_dim3A_309 = arith.constant 8 : i32
      %broadcast_in_dim3A_310 = vector.broadcast %broadcast_in_dim3A_309 : i32 to vector<16xi32>
      %get3A_311 = arith.constant 9 : i32
      %get3A_312 = arith.index_cast %get3A_311 : i32 to index
      %get3A_313 = arith.index_cast %mul3A_257 : i32 to index
      %get3A_314 = tpu.vector_load %arg6[%get3A_312, %get3A_313] {strides = array<i32>} : memref<21x2048xf32, #tpu.memory_space<vmem>>, vector<16xf32>,
      %broadcast_in_dim3A_315 = arith.constant 9 : i32
      %broadcast_in_dim3A_316 = vector.broadcast %broadcast_in_dim3A_315 : i32 to vector<16xi32>
      %get3A_317 = arith.constant 10 : i32
      %get3A_318 = arith.index_cast %get3A_317 : i32 to index
      %get3A_319 = arith.index_cast %mul3A_257 : i32 to index
      %get3A_320 = tpu.vector_load %arg6[%get3A_318, %get3A_319] {strides = array<i32>} : memref<21x2048xf32, #tpu.memory_space<vmem>>, vector<16xf32>,
      %broadcast_in_dim3A_321 = arith.constant 10 : i32
      %broadcast_in_dim3A_322 = vector.broadcast %broadcast_in_dim3A_321 : i32 to vector<16xi32>
      %get3A_323 = arith.constant 11 : i32
      %get3A_324 = arith.index_cast %get3A_323 : i32 to index
      %get3A_325 = arith.index_cast %mul3A_257 : i32 to index
      %get3A_326 = tpu.vector_load %arg6[%get3A_324, %get3A_325] {strides = array<i32>} : memref<21x2048xf32, #tpu.memory_space<vmem>>, vector<16xf32>,
      %broadcast_in_dim3A_327 = arith.constant 11 : i32
      %broadcast_in_dim3A_328 = vector.broadcast %broadcast_in_dim3A_327 : i32 to vector<16xi32>
      %get3A_329 = arith.constant 12 : i32
      %get3A_330 = arith.index_cast %get3A_329 : i32 to index
      %get3A_331 = arith.index_cast %mul3A_257 : i32 to index
      %get3A_332 = tpu.vector_load %arg6[%get3A_330, %get3A_331] {strides = array<i32>} : memref<21x2048xf32, #tpu.memory_space<vmem>>, vector<16xf32>,
      %broadcast_in_dim3A_333 = arith.constant 12 : i32
      %broadcast_in_dim3A_334 = vector.broadcast %broadcast_in_dim3A_333 : i32 to vector<16xi32>
      %get3A_335 = arith.constant 13 : i32
      %get3A_336 = arith.index_cast %get3A_335 : i32 to index
      %get3A_337 = arith.index_cast %mul3A_257 : i32 to index
      %get3A_338 = tpu.vector_load %arg6[%get3A_336, %get3A_337] {strides = array<i32>} : memref<21x2048xf32, #tpu.memory_space<vmem>>, vector<16xf32>,
      %broadcast_in_dim3A_339 = arith.constant 13 : i32
      %broadcast_in_dim3A_340 = vector.broadcast %broadcast_in_dim3A_339 : i32 to vector<16xi32>
      %get3A_341 = arith.constant 14 : i32
      %get3A_342 = arith.index_cast %get3A_341 : i32 to index
      %get3A_343 = arith.index_cast %mul3A_257 : i32 to index
      %get3A_344 = tpu.vector_load %arg6[%get3A_342, %get3A_343] {strides = array<i32>} : memref<21x2048xf32, #tpu.memory_space<vmem>>, vector<16xf32>,
      %broadcast_in_dim3A_345 = arith.constant 14 : i32
      %broadcast_in_dim3A_346 = vector.broadcast %broadcast_in_dim3A_345 : i32 to vector<16xi32>
      %get3A_347 = arith.constant 15 : i32
      %get3A_348 = arith.index_cast %get3A_347 : i32 to index
      %get3A_349 = arith.index_cast %mul3A_257 : i32 to index
      %get3A_350 = tpu.vector_load %arg6[%get3A_348, %get3A_349] {strides = array<i32>} : memref<21x2048xf32, #tpu.memory_space<vmem>>, vector<16xf32>,
      %broadcast_in_dim3A_351 = arith.constant 15 : i32
      %broadcast_in_dim3A_352 = vector.broadcast %broadcast_in_dim3A_351 : i32 to vector<16xi32>
      %get3A_353 = arith.constant 16 : i32
      %get3A_354 = arith.index_cast %get3A_353 : i32 to index
      %get3A_355 = arith.index_cast %mul3A_257 : i32 to index
      %get3A_356 = tpu.vector_load %arg6[%get3A_354, %get3A_355] {strides = array<i32>} : memref<21x2048xf32, #tpu.memory_space<vmem>>, vector<16xf32>,
      %broadcast_in_dim3A_357 = arith.constant 16 : i32
      %broadcast_in_dim3A_358 = vector.broadcast %broadcast_in_dim3A_357 : i32 to vector<16xi32>
      %get3A_359 = arith.constant 17 : i32
      %get3A_360 = arith.index_cast %get3A_359 : i32 to index
      %get3A_361 = arith.index_cast %mul3A_257 : i32 to index
      %get3A_362 = tpu.vector_load %arg6[%get3A_360, %get3A_361] {strides = array<i32>} : memref<21x2048xf32, #tpu.memory_space<vmem>>, vector<16xf32>,
      %broadcast_in_dim3A_363 = arith.constant 17 : i32
      %broadcast_in_dim3A_364 = vector.broadcast %broadcast_in_dim3A_363 : i32 to vector<16xi32>
      %get3A_365 = arith.constant 18 : i32
      %get3A_366 = arith.index_cast %get3A_365 : i32 to index
      %get3A_367 = arith.index_cast %mul3A_257 : i32 to index
      %get3A_368 = tpu.vector_load %arg6[%get3A_366, %get3A_367] {strides = array<i32>} : memref<21x2048xf32, #tpu.memory_space<vmem>>, vector<16xf32>,
      %broadcast_in_dim3A_369 = arith.constant 18 : i32
      %broadcast_in_dim3A_370 = vector.broadcast %broadcast_in_dim3A_369 : i32 to vector<16xi32>
      %get3A_371 = arith.constant 19 : i32
      %get3A_372 = arith.index_cast %get3A_371 : i32 to index
      %get3A_373 = arith.index_cast %mul3A_257 : i32 to index
      %get3A_374 = tpu.vector_load %arg6[%get3A_372, %get3A_373] {strides = array<i32>} : memref<21x2048xf32, #tpu.memory_space<vmem>>, vector<16xf32>,
      %broadcast_in_dim3A_375 = arith.constant 19 : i32
      %broadcast_in_dim3A_376 = vector.broadcast %broadcast_in_dim3A_375 : i32 to vector<16xi32>
      %get3A_377 = arith.constant 20 : i32
      %get3A_378 = arith.index_cast %get3A_377 : i32 to index
      %get3A_379 = arith.index_cast %mul3A_257 : i32 to index
      %get3A_380 = tpu.vector_load %arg6[%get3A_378, %get3A_379] {strides = array<i32>} : memref<21x2048xf32, #tpu.memory_space<vmem>>, vector<16xf32>,
      %broadcast_in_dim3A_381 = arith.constant 20 : i32
      %broadcast_in_dim3A_382 = vector.broadcast %broadcast_in_dim3A_381 : i32 to vector<16xi32>
      %gt3A = arith.cmpf ogt, %get3A_266, %get3A_260 : vector<16xf32>
      %select_n3A = arith.select %gt3A, %get3A_266, %get3A_260 : vector<16xi1>, vector<16xf32>
      %select_n3A_383 = arith.select %gt3A, %broadcast_in_dim3A_268, %broadcast_in_dim3A_262 : vector<16xi1>, vector<16xi32>
      %gt3A_384 = arith.cmpf ogt, %get3A_278, %get3A_272 : vector<16xf32>
      %select_n3A_385 = arith.select %gt3A_384, %get3A_278, %get3A_272 : vector<16xi1>, vector<16xf32>
      %select_n3A_386 = arith.select %gt3A_384, %broadcast_in_dim3A_280, %broadcast_in_dim3A_274 : vector<16xi1>, vector<16xi32>
      %gt3A_387 = arith.cmpf ogt, %get3A_290, %get3A_284 : vector<16xf32>
      %select_n3A_388 = arith.select %gt3A_387, %get3A_290, %get3A_284 : vector<16xi1>, vector<16xf32>
      %select_n3A_389 = arith.select %gt3A_387, %broadcast_in_dim3A_292, %broadcast_in_dim3A_286 : vector<16xi1>, vector<16xi32>
      %gt3A_390 = arith.cmpf ogt, %get3A_302, %get3A_296 : vector<16xf32>
      %select_n3A_391 = arith.select %gt3A_390, %get3A_302, %get3A_296 : vector<16xi1>, vector<16xf32>
      %select_n3A_392 = arith.select %gt3A_390, %broadcast_in_dim3A_304, %broadcast_in_dim3A_298 : vector<16xi1>, vector<16xi32>
      %gt3A_393 = arith.cmpf ogt, %get3A_314, %get3A_308 : vector<16xf32>
      %select_n3A_394 = arith.select %gt3A_393, %get3A_314, %get3A_308 : vector<16xi1>, vector<16xf32>
      %select_n3A_395 = arith.select %gt3A_393, %broadcast_in_dim3A_316, %broadcast_in_dim3A_310 : vector<16xi1>, vector<16xi32>
      %gt3A_396 = arith.cmpf ogt, %get3A_326, %get3A_320 : vector<16xf32>
      %select_n3A_397 = arith.select %gt3A_396, %get3A_326, %get3A_320 : vector<16xi1>, vector<16xf32>
      %select_n3A_398 = arith.select %gt3A_396, %broadcast_in_dim3A_328, %broadcast_in_dim3A_322 : vector<16xi1>, vector<16xi32>
      %gt3A_399 = arith.cmpf ogt, %get3A_338, %get3A_332 : vector<16xf32>
      %select_n3A_400 = arith.select %gt3A_399, %get3A_338, %get3A_332 : vector<16xi1>, vector<16xf32>
      %select_n3A_401 = arith.select %gt3A_399, %broadcast_in_dim3A_340, %broadcast_in_dim3A_334 : vector<16xi1>, vector<16xi32>
      %gt3A_402 = arith.cmpf ogt, %get3A_350, %get3A_344 : vector<16xf32>
      %select_n3A_403 = arith.select %gt3A_402, %get3A_350, %get3A_344 : vector<16xi1>, vector<16xf32>
      %select_n3A_404 = arith.select %gt3A_402, %broadcast_in_dim3A_352, %broadcast_in_dim3A_346 : vector<16xi1>, vector<16xi32>
      %gt3A_405 = arith.cmpf ogt, %get3A_362, %get3A_356 : vector<16xf32>
      %select_n3A_406 = arith.select %gt3A_405, %get3A_362, %get3A_356 : vector<16xi1>, vector<16xf32>
      %select_n3A_407 = arith.select %gt3A_405, %broadcast_in_dim3A_364, %broadcast_in_dim3A_358 : vector<16xi1>, vector<16xi32>
      %gt3A_408 = arith.cmpf ogt, %get3A_374, %get3A_368 : vector<16xf32>
      %select_n3A_409 = arith.select %gt3A_408, %get3A_374, %get3A_368 : vector<16xi1>, vector<16xf32>
      %select_n3A_410 = arith.select %gt3A_408, %broadcast_in_dim3A_376, %broadcast_in_dim3A_370 : vector<16xi1>, vector<16xi32>
      %gt3A_411 = arith.cmpf ogt, %select_n3A_385, %select_n3A : vector<16xf32>
      %select_n3A_412 = arith.select %gt3A_411, %select_n3A_385, %select_n3A : vector<16xi1>, vector<16xf32>
      %select_n3A_413 = arith.select %gt3A_411, %select_n3A_386, %select_n3A_383 : vector<16xi1>, vector<16xi32>
      %gt3A_414 = arith.cmpf ogt, %select_n3A_391, %select_n3A_388 : vector<16xf32>
      %select_n3A_415 = arith.select %gt3A_414, %select_n3A_391, %select_n3A_388 : vector<16xi1>, vector<16xf32>
      %select_n3A_416 = arith.select %gt3A_414, %select_n3A_392, %select_n3A_389 : vector<16xi1>, vector<16xi32>
      %gt3A_417 = arith.cmpf ogt, %select_n3A_397, %select_n3A_394 : vector<16xf32>
      %select_n3A_418 = arith.select %gt3A_417, %select_n3A_397, %select_n3A_394 : vector<16xi1>, vector<16xf32>
      %select_n3A_419 = arith.select %gt3A_417, %select_n3A_398, %select_n3A_395 : vector<16xi1>, vector<16xi32>
      %gt3A_420 = arith.cmpf ogt, %select_n3A_403, %select_n3A_400 : vector<16xf32>
      %select_n3A_421 = arith.select %gt3A_420, %select_n3A_403, %select_n3A_400 : vector<16xi1>, vector<16xf32>
      %select_n3A_422 = arith.select %gt3A_420, %select_n3A_404, %select_n3A_401 : vector<16xi1>, vector<16xi32>
      %gt3A_423 = arith.cmpf ogt, %select_n3A_409, %select_n3A_406 : vector<16xf32>
      %select_n3A_424 = arith.select %gt3A_423, %select_n3A_409, %select_n3A_406 : vector<16xi1>, vector<16xf32>
      %select_n3A_425 = arith.select %gt3A_423, %select_n3A_410, %select_n3A_407 : vector<16xi1>, vector<16xi32>
      %gt3A_426 = arith.cmpf ogt, %select_n3A_415, %select_n3A_412 : vector<16xf32>
      %select_n3A_427 = arith.select %gt3A_426, %select_n3A_415, %select_n3A_412 : vector<16xi1>, vector<16xf32>
      %select_n3A_428 = arith.select %gt3A_426, %select_n3A_416, %select_n3A_413 : vector<16xi1>, vector<16xi32>
      %gt3A_429 = arith.cmpf ogt, %select_n3A_421, %select_n3A_418 : vector<16xf32>
      %select_n3A_430 = arith.select %gt3A_429, %select_n3A_421, %select_n3A_418 : vector<16xi1>, vector<16xf32>
      %select_n3A_431 = arith.select %gt3A_429, %select_n3A_422, %select_n3A_419 : vector<16xi1>, vector<16xi32>
      %gt3A_432 = arith.cmpf ogt, %get3A_380, %select_n3A_424 : vector<16xf32>
      %select_n3A_433 = arith.select %gt3A_432, %get3A_380, %select_n3A_424 : vector<16xi1>, vector<16xf32>
      %select_n3A_434 = arith.select %gt3A_432, %broadcast_in_dim3A_382, %select_n3A_425 : vector<16xi1>, vector<16xi32>
      %gt3A_435 = arith.cmpf ogt, %select_n3A_430, %select_n3A_427 : vector<16xf32>
      %select_n3A_436 = arith.select %gt3A_435, %select_n3A_430, %select_n3A_427 : vector<16xi1>, vector<16xf32>
      %select_n3A_437 = arith.select %gt3A_435, %select_n3A_431, %select_n3A_428 : vector<16xi1>, vector<16xi32>
      %gt3A_438 = arith.cmpf ogt, %select_n3A_433, %select_n3A_436 : vector<16xf32>
      %select_n3A_439 = arith.select %gt3A_438, %select_n3A_433, %select_n3A_436 : vector<16xi1>, vector<16xf32>
      %select_n3A_440 = arith.select %gt3A_438, %select_n3A_434, %select_n3A_437 : vector<16xi1>, vector<16xi32>
      %get3A_441 = arith.index_cast %mul3A_257 : i32 to index
      %get3A_442 = tpu.vector_load %arg8[%get3A_441] {strides = array<i32>} : memref<2048xi32, #tpu.memory_space<vmem>>, vector<16xi32>,
      %mul3A_443 = arith.constant 448 : i32
      %mul3A_444 = vector.broadcast %mul3A_443 : i32 to vector<16xi32>
      %mul3A_445 = arith.muli %iota3A, %mul3A_444 : vector<16xi32>
      %mul3A_446 = arith.constant 21 : i32
      %mul3A_447 = vector.broadcast %mul3A_446 : i32 to vector<16xi32>
      %mul3A_448 = arith.muli %get3A_442, %mul3A_447 : vector<16xi32>
      %add3A_449 = arith.addi %mul3A_445, %mul3A_448 : vector<16xi32>
      %add3A_450 = arith.addi %add3A_449, %select_n3A_440 : vector<16xi32>
      tpu.vector_store_idx %arg9[%add3A_450], %broadcast_in_dim3A_3 {add = true} : memref<7168xf32, #tpu.memory_space<vmem>>[vector<16xi32>], vector<16xf32>,
    }
    %scan3A_246 = arith.constant 128 : i32
    %scan3A_247 = arith.constant 0 : i32
    %scan3A_248 = arith.constant 0 : i32
    %scan3A_249 = arith.constant 28 : i32
    %scan3A_250 = arith.addi %scan3A_248, %scan3A_249 : i32
    %scan3A_251 = arith.constant 1 : i32
    scf.for %scan3A_255 = %scan3A_248 to %scan3A_250 step %scan3A_251  : i32 {
      %mul3A_256 = arith.constant 16 : i32
      %mul3A_257 = arith.muli %scan3A_255, %mul3A_256 : i32
      %add3A_258 = arith.constant 0 : i32
      %add3A_259 = arith.addi %add3A_258, %mul3A_257 : i32
      %get3A = arith.index_cast %add3A_259 : i32 to index
      %get3A_260 = tpu.vector_load %arg9[%get3A] {strides = array<i32>} : memref<7168xf32, #tpu.memory_space<vmem>>, vector<16xf32>,
      %add3A_261 = arith.addf %broadcast_in_dim3A_1, %get3A_260 : vector<16xf32>
      %mul3A_262 = arith.constant 16 : i32
      %mul3A_263 = arith.muli %scan3A_255, %mul3A_262 : i32
      %add3A_264 = arith.constant 448 : i32
      %add3A_265 = arith.addi %add3A_264, %mul3A_263 : i32
      %get3A_266 = arith.index_cast %add3A_265 : i32 to index
      %get3A_267 = tpu.vector_load %arg9[%get3A_266] {strides = array<i32>} : memref<7168xf32, #tpu.memory_space<vmem>>, vector<16xf32>,
      %add3A_268 = arith.addf %add3A_261, %get3A_267 : vector<16xf32>
      %mul3A_269 = arith.constant 16 : i32
      %mul3A_270 = arith.muli %scan3A_255, %mul3A_269 : i32
      %add3A_271 = arith.constant 896 : i32
      %add3A_272 = arith.addi %add3A_271, %mul3A_270 : i32
      %get3A_273 = arith.index_cast %add3A_272 : i32 to index
      %get3A_274 = tpu.vector_load %arg9[%get3A_273] {strides = array<i32>} : memref<7168xf32, #tpu.memory_space<vmem>>, vector<16xf32>,
      %add3A_275 = arith.addf %add3A_268, %get3A_274 : vector<16xf32>
      %mul3A_276 = arith.constant 16 : i32
      %mul3A_277 = arith.muli %scan3A_255, %mul3A_276 : i32
      %add3A_278 = arith.constant 1344 : i32
      %add3A_279 = arith.addi %add3A_278, %mul3A_277 : i32
      %get3A_280 = arith.index_cast %add3A_279 : i32 to index
      %get3A_281 = tpu.vector_load %arg9[%get3A_280] {strides = array<i32>} : memref<7168xf32, #tpu.memory_space<vmem>>, vector<16xf32>,
      %add3A_282 = arith.addf %add3A_275, %get3A_281 : vector<16xf32>
      %mul3A_283 = arith.constant 16 : i32
      %mul3A_284 = arith.muli %scan3A_255, %mul3A_283 : i32
      %add3A_285 = arith.constant 1792 : i32
      %add3A_286 = arith.addi %add3A_285, %mul3A_284 : i32
      %get3A_287 = arith.index_cast %add3A_286 : i32 to index
      %get3A_288 = tpu.vector_load %arg9[%get3A_287] {strides = array<i32>} : memref<7168xf32, #tpu.memory_space<vmem>>, vector<16xf32>,
      %add3A_289 = arith.addf %add3A_282, %get3A_288 : vector<16xf32>
      %mul3A_290 = arith.constant 16 : i32
      %mul3A_291 = arith.muli %scan3A_255, %mul3A_290 : i32
      %add3A_292 = arith.constant 2240 : i32
      %add3A_293 = arith.addi %add3A_292, %mul3A_291 : i32
      %get3A_294 = arith.index_cast %add3A_293 : i32 to index
      %get3A_295 = tpu.vector_load %arg9[%get3A_294] {strides = array<i32>} : memref<7168xf32, #tpu.memory_space<vmem>>, vector<16xf32>,
      %add3A_296 = arith.addf %add3A_289, %get3A_295 : vector<16xf32>
      %mul3A_297 = arith.constant 16 : i32
      %mul3A_298 = arith.muli %scan3A_255, %mul3A_297 : i32
      %add3A_299 = arith.constant 2688 : i32
      %add3A_300 = arith.addi %add3A_299, %mul3A_298 : i32
      %get3A_301 = arith.index_cast %add3A_300 : i32 to index
      %get3A_302 = tpu.vector_load %arg9[%get3A_301] {strides = array<i32>} : memref<7168xf32, #tpu.memory_space<vmem>>, vector<16xf32>,
      %add3A_303 = arith.addf %add3A_296, %get3A_302 : vector<16xf32>
      %mul3A_304 = arith.constant 16 : i32
      %mul3A_305 = arith.muli %scan3A_255, %mul3A_304 : i32
      %add3A_306 = arith.constant 3136 : i32
      %add3A_307 = arith.addi %add3A_306, %mul3A_305 : i32
      %get3A_308 = arith.index_cast %add3A_307 : i32 to index
      %get3A_309 = tpu.vector_load %arg9[%get3A_308] {strides = array<i32>} : memref<7168xf32, #tpu.memory_space<vmem>>, vector<16xf32>,
      %add3A_310 = arith.addf %add3A_303, %get3A_309 : vector<16xf32>
      %mul3A_311 = arith.constant 16 : i32
      %mul3A_312 = arith.muli %scan3A_255, %mul3A_311 : i32
      %add3A_313 = arith.constant 3584 : i32
      %add3A_314 = arith.addi %add3A_313, %mul3A_312 : i32
      %get3A_315 = arith.index_cast %add3A_314 : i32 to index
      %get3A_316 = tpu.vector_load %arg9[%get3A_315] {strides = array<i32>} : memref<7168xf32, #tpu.memory_space<vmem>>, vector<16xf32>,
      %add3A_317 = arith.addf %add3A_310, %get3A_316 : vector<16xf32>
      %mul3A_318 = arith.constant 16 : i32
      %mul3A_319 = arith.muli %scan3A_255, %mul3A_318 : i32
      %add3A_320 = arith.constant 4032 : i32
      %add3A_321 = arith.addi %add3A_320, %mul3A_319 : i32
      %get3A_322 = arith.index_cast %add3A_321 : i32 to index
      %get3A_323 = tpu.vector_load %arg9[%get3A_322] {strides = array<i32>} : memref<7168xf32, #tpu.memory_space<vmem>>, vector<16xf32>,
      %add3A_324 = arith.addf %add3A_317, %get3A_323 : vector<16xf32>
      %mul3A_325 = arith.constant 16 : i32
      %mul3A_326 = arith.muli %scan3A_255, %mul3A_325 : i32
      %add3A_327 = arith.constant 4480 : i32
      %add3A_328 = arith.addi %add3A_327, %mul3A_326 : i32
      %get3A_329 = arith.index_cast %add3A_328 : i32 to index
      %get3A_330 = tpu.vector_load %arg9[%get3A_329] {strides = array<i32>} : memref<7168xf32, #tpu.memory_space<vmem>>, vector<16xf32>,
      %add3A_331 = arith.addf %add3A_324, %get3A_330 : vector<16xf32>
      %mul3A_332 = arith.constant 16 : i32
      %mul3A_333 = arith.muli %scan3A_255, %mul3A_332 : i32
      %add3A_334 = arith.constant 4928 : i32
      %add3A_335 = arith.addi %add3A_334, %mul3A_333 : i32
      %get3A_336 = arith.index_cast %add3A_335 : i32 to index
      %get3A_337 = tpu.vector_load %arg9[%get3A_336] {strides = array<i32>} : memref<7168xf32, #tpu.memory_space<vmem>>, vector<16xf32>,
      %add3A_338 = arith.addf %add3A_331, %get3A_337 : vector<16xf32>
      %mul3A_339 = arith.constant 16 : i32
      %mul3A_340 = arith.muli %scan3A_255, %mul3A_339 : i32
      %add3A_341 = arith.constant 5376 : i32
      %add3A_342 = arith.addi %add3A_341, %mul3A_340 : i32
      %get3A_343 = arith.index_cast %add3A_342 : i32 to index
      %get3A_344 = tpu.vector_load %arg9[%get3A_343] {strides = array<i32>} : memref<7168xf32, #tpu.memory_space<vmem>>, vector<16xf32>,
      %add3A_345 = arith.addf %add3A_338, %get3A_344 : vector<16xf32>
      %mul3A_346 = arith.constant 16 : i32
      %mul3A_347 = arith.muli %scan3A_255, %mul3A_346 : i32
      %add3A_348 = arith.constant 5824 : i32
      %add3A_349 = arith.addi %add3A_348, %mul3A_347 : i32
      %get3A_350 = arith.index_cast %add3A_349 : i32 to index
      %get3A_351 = tpu.vector_load %arg9[%get3A_350] {strides = array<i32>} : memref<7168xf32, #tpu.memory_space<vmem>>, vector<16xf32>,
      %add3A_352 = arith.addf %add3A_345, %get3A_351 : vector<16xf32>
      %mul3A_353 = arith.constant 16 : i32
      %mul3A_354 = arith.muli %scan3A_255, %mul3A_353 : i32
      %add3A_355 = arith.constant 6272 : i32
      %add3A_356 = arith.addi %add3A_355, %mul3A_354 : i32
      %get3A_357 = arith.index_cast %add3A_356 : i32 to index
      %get3A_358 = tpu.vector_load %arg9[%get3A_357] {strides = array<i32>} : memref<7168xf32, #tpu.memory_space<vmem>>, vector<16xf32>,
      %add3A_359 = arith.addf %add3A_352, %get3A_358 : vector<16xf32>
      %mul3A_360 = arith.constant 16 : i32
      %mul3A_361 = arith.muli %scan3A_255, %mul3A_360 : i32
      %add3A_362 = arith.constant 6720 : i32
      %add3A_363 = arith.addi %add3A_362, %mul3A_361 : i32
      %get3A_364 = arith.index_cast %add3A_363 : i32 to index
      %get3A_365 = tpu.vector_load %arg9[%get3A_364] {strides = array<i32>} : memref<7168xf32, #tpu.memory_space<vmem>>, vector<16xf32>,
      %add3A_366 = arith.addf %add3A_359, %get3A_365 : vector<16xf32>
      %mul3A_367 = arith.constant 16 : i32
      %mul3A_368 = arith.muli %scan3A_255, %mul3A_367 : i32
      %swap3A = arith.index_cast %mul3A_368 : i32 to index
      %swap3A_369 = tpu.vector_load %arg10[%swap3A] {strides = array<i32>} : memref<448xf32, #tpu.memory_space<vmem>>, vector<16xf32>,
      tpu.vector_store %arg10[%swap3A], %add3A_366 {strides = array<i32>} : memref<448xf32, #tpu.memory_space<vmem>>, vector<16xf32>,
    }
    %scan3A_252 = arith.constant 28 : i32
    %mul3A_253 = arith.constant 448 : i32
    %mul3A_254 = arith.muli %add3A, %mul3A_253 : i32
    "tpu.region"() ({
      %run_scoped3A = tpu.sem_alloc : memref<!tpu.dma_semaphore, #tpu.memory_space<semaphore_mem>>
      %dma_start3A_255 = tpu.memref_slice %arg4[%mul3A_254] : memref<14336xf32, #tpu.memory_space<hbm>> -> memref<448xf32, #tpu.memory_space<hbm>>
      %dma_start3A_256 = tpu.memref_slice %arg4[%mul3A_254] : memref<14336xf32, #tpu.memory_space<hbm>> -> memref<448xf32, #tpu.memory_space<hbm>>
      tpu.enqueue_dma source(%arg10 : memref<448xf32, #tpu.memory_space<vmem>>) target(%dma_start3A_256 : memref<448xf32, #tpu.memory_space<hbm>>) target_semaphore(%run_scoped3A : memref<!tpu.dma_semaphore, #tpu.memory_space<semaphore_mem>>)
      %dma_wait3A_257 = tpu.memref_slice %arg4[%mul3A_254] : memref<14336xf32, #tpu.memory_space<hbm>> -> memref<448xf32, #tpu.memory_space<hbm>>
      %dma_wait3A_258 = tpu.memref_slice %arg4[%mul3A_254] : memref<14336xf32, #tpu.memory_space<hbm>> -> memref<448xf32, #tpu.memory_space<hbm>>
      tpu.wait_dma2 semaphore(%run_scoped3A : memref<!tpu.dma_semaphore, #tpu.memory_space<semaphore_mem>>) src(%arg10 : memref<448xf32, #tpu.memory_space<vmem>>) dst(%dma_wait3A_258 : memref<448xf32, #tpu.memory_space<hbm>>)
      tpu.yield
    }) : () -> ()
    return
  }
}

module attributes {stable_mosaic.version = 14 : i64} {
  func.func @_tc_body(%arg0: i32, %arg1: memref<21x16384xf32, #tpu.memory_space<vmem>>, %arg2: memref<1x16384xi32, #tpu.memory_space<vmem>>, %arg3: memref<21x21xf32, #tpu.memory_space<vmem>>) attributes {dimension_semantics = [#tpu.dimension_semantics<arbitrary>], iteration_bounds = array<i64: 24>, scalar_prefetch = 0 : i64, scratch_operands = 0 : i64, tpu.core_type = #tpu.core_type<tc>, window_params = [{transform_indices = @transform_0, window_bounds = array<i64: 21, 16384>}, {transform_indices = @transform_1, window_bounds = array<i64: 1, 16384>}, {pipeline_mode = #tpu.pipeline_mode<synchronous>, transform_indices = @transform_2, window_bounds = array<i64: 21, 21>}]} {
    %get3A = arith.constant 0 : index
    %get3A_0 = arith.constant 0 : index
    %get3A_1 = vector.load %arg1[%get3A, %get3A_0] : memref<21x16384xf32, #tpu.memory_space<vmem>>, vector<21x16384xf32>
    %iota3A = tpu.iota {dimensions = array<i32: 0>} : vector<21x16384xi32>
    %reduce_max3A = arith.constant dense<0xFF800000> : vector<16384xf32>
    %reduce_max3A_2 = vector.multi_reduction <maximumf>, %get3A_1, %reduce_max3A [0] : vector<21x16384xf32> to vector<16384xf32>
    %broadcast_in_dim3A = vector.shape_cast %reduce_max3A_2 : vector<16384xf32> to vector<1x16384xf32>
    %eq3A = vector.broadcast %broadcast_in_dim3A : vector<1x16384xf32> to vector<21x16384xf32>
    %eq3A_3 = arith.cmpf oeq, %get3A_1, %eq3A : vector<21x16384xf32>
    %jit3A = arith.constant 21 : i32
    %broadcast_in_dim3A_4 = vector.broadcast %jit3A : i32 to vector<21x16384xi32>
    %select_n3A = arith.select %eq3A_3, %iota3A, %broadcast_in_dim3A_4 : vector<21x16384xi1>, vector<21x16384xi32>
    %reduce_min3A = arith.constant dense<2147483647> : vector<16384xi32>
    %reduce_min3A_5 = vector.multi_reduction <minsi>, %select_n3A, %reduce_min3A [0] : vector<21x16384xi32> to vector<16384xi32>
    %broadcast_in_dim3A_6 = vector.shape_cast %reduce_min3A_5 : vector<16384xi32> to vector<1x16384xi32>
    %eq3A_7 = vector.broadcast %broadcast_in_dim3A_6 : vector<1x16384xi32> to vector<21x16384xi32>
    %eq3A_8 = arith.cmpi eq, %iota3A, %eq3A_7 : vector<21x16384xi32>
    %convert_element_type3A = arith.extui %eq3A_8 : vector<21x16384xi1> to vector<21x16384xi32>
    %convert_element_type3A_9 = arith.sitofp %convert_element_type3A : vector<21x16384xi32> to vector<21x16384xf32>
    %get3A_10 = arith.constant 0 : index
    %get3A_11 = arith.constant 0 : index
    %get3A_12 = vector.load %arg2[%get3A_10, %get3A_11] : memref<1x16384xi32, #tpu.memory_space<vmem>>, vector<1x16384xi32>
    %eq3A_13 = vector.broadcast %get3A_12 : vector<1x16384xi32> to vector<21x16384xi32>
    %eq3A_14 = arith.cmpi eq, %iota3A, %eq3A_13 : vector<21x16384xi32>
    %convert_element_type3A_15 = arith.extui %eq3A_14 : vector<21x16384xi1> to vector<21x16384xi32>
    %convert_element_type3A_16 = arith.sitofp %convert_element_type3A_15 : vector<21x16384xi32> to vector<21x16384xf32>
    %dot_general3A = arith.constant dense<0.000000e+00> : vector<21x21xf32>
    %dot_general3A_17 = tpu.matmul %convert_element_type3A_16, %convert_element_type3A_9, %dot_general3A {dimension_numbers = #tpu.dot_dimension_numbers<[1], [1], [0], [0], [0, 0, 1, 0], [], []>, transpose_lhs_hint = false} : vector<21x16384xf32>, vector<21x16384xf32>, vector<21x21xf32> -> vector<21x21xf32>
    %eq3A_18 = arith.constant 0 : i32
    %eq3A_19 = arith.cmpi eq, %arg0, %eq3A_18 : i32
    %convert_element_type3A_20 = arith.extui %eq3A_19 : i1 to i32
    %cond3A = arith.constant 0 : i32
    %cond3A_21 = arith.cmpi ne, %convert_element_type3A_20, %cond3A : i32
    scf.if %cond3A_21 {
      %broadcast_in_dim3A_27 = arith.constant 0.000000e+00 : f32
      %broadcast_in_dim3A_28 = vector.broadcast %broadcast_in_dim3A_27 : f32 to vector<21x21xf32>
      %swap3A_29 = arith.constant 0 : index
      %swap3A_30 = arith.constant 0 : index
      %swap3A_31 = vector.load %arg3[%swap3A_29, %swap3A_30] : memref<21x21xf32, #tpu.memory_space<vmem>>, vector<21x21xf32>
      tpu.vector_store %arg3[%swap3A_29, %swap3A_30], %broadcast_in_dim3A_28 {strides = array<i32>} : memref<21x21xf32, #tpu.memory_space<vmem>>, vector<21x21xf32>,
    } else {
    }
    %get3A_22 = arith.constant 0 : index
    %get3A_23 = arith.constant 0 : index
    %get3A_24 = vector.load %arg3[%get3A_22, %get3A_23] : memref<21x21xf32, #tpu.memory_space<vmem>>, vector<21x21xf32>
    %add3A = arith.addf %get3A_24, %dot_general3A_17 : vector<21x21xf32>
    %swap3A = arith.constant 0 : index
    %swap3A_25 = arith.constant 0 : index
    %swap3A_26 = vector.load %arg3[%swap3A, %swap3A_25] : memref<21x21xf32, #tpu.memory_space<vmem>>, vector<21x21xf32>
    tpu.vector_store %arg3[%swap3A, %swap3A_25], %add3A {strides = array<i32>} : memref<21x21xf32, #tpu.memory_space<vmem>>, vector<21x21xf32>,
    return
  }
  func.func @transform_0(%arg0: i32) -> (i32, i32) {
    %add3A = arith.constant 40 : i32
    %add3A_0 = arith.addi %add3A, %arg0 : i32
    %c0_i32 = arith.constant 0 : i32
    %c0_i32_1 = arith.constant 0 : i32
    return %c0_i32, %add3A_0 : i32, i32
  }
  func.func @transform_1(%arg0: i32) -> (i32, i32) {
    %add3A = arith.constant 40 : i32
    %add3A_0 = arith.addi %add3A, %arg0 : i32
    %c0_i32 = arith.constant 0 : i32
    %c0_i32_1 = arith.constant 0 : i32
    return %c0_i32, %add3A_0 : i32, i32
  }
  func.func @transform_2(%arg0: i32) -> (i32, i32) {
    %c0_i32 = arith.constant 0 : i32
    %c0_i32_0 = arith.constant 0 : i32
    %c0_i32_1 = arith.constant 0 : i32
    return %c0_i32, %c0_i32_0 : i32, i32
  }
}

</mosaic_0001>

<sc_bundles>
// kernel: kernel.4.cloned.1.call-start
scs
__scs_entry_jumppad:
0x0: {  	(pc) =	sbr.rel $0x88, $3  }
0x1: {  	(tag) =	ssettag $0x0;
	lr =	simm.s32 $0x1  }
0x2: {  	[smem:$0x3F9F] =	sst lr;
	_ =	strace $0xD0000000  }
0x3: {  	_ = 	snop  }
0x4: {  	_ = 	snop  }
0x5: {  	_ = 	snop  }
0x6: {  	_ = 	snop  }
0x7: {  	_ = 	snop  }
__scs_overlays_trampoline_lowered:
0x8: {  	[smem:$0x3FAE] =	sst s0  }
0x9: {  	[smem:$0x3FAF] =	sst s1  }
0xa: {  	[smem:$0x3FB0] =	sst s2  }
0xb: {  	[smem:$0x3FB1] =	sst s3  }
0xc: {  	[smem:$0x3FB2] =	sst s4  }
0xd: {  	[smem:$0x3FB3] =	sst s5  }
0xe: {  	[smem:$0x3FB4] =	sst s6  }
0xf: {  	[smem:$0x3FB5] =	sst s7  }
0x10: {  	[smem:$0x3FB6] =	sst s8  }
0x11: {  	[smem:$0x3FB7] =	sst s9;
	s0 =	simm.s32 @!p0 $0x0  }
0x12: {  	s1 =	sld [smem:$0x3F9D];
	s0 =	simm.s32 @p0 $0x1  }
0x13: {  	[smem:$0x3FB8] =	sst s0;
	s0 =	simm.s32 @!p1 $0x0  }
0x14: {  	s2 =	sld [smem:$0x3F9C];
	s0 =	simm.s32 @p1 $0x1  }
0x15: {  	[smem:$0x3FB9] =	sst s0;
	s0 =	simm.s32 @!p2 $0x0  }
0x16: {  	s3 =	sld [smem:$0x3FDB];
	s0 =	simm.s32 @p2 $0x1  }
0x17: {  	s4 =	simm.s32 $0x1BF5;
	[smem:$0x3FBB] =	sst s0  }
0x18: {  	s0 =	sld [smem:$0x3F9E];
	_ =	swait.ge [sflag:s4], $0x0  }
0x19: {  	s7 =	sld [smem:$0x3F9F]  }
0x1a: {  	s8 =	sadd.s32 $0xFFFFE003, lr  }
0x1b: {  	s9 =	sadd.s32 $0xFFFFFEF7, lr;
	s5 =	simm.s32 $0xFFFFFFFF;
	p2 =	slt.u32 s8, $0xFFFFF086  }
0x1c: {  	p1 =	slt.u32 s9, $0xF7A;
	s5 =	simm.s32 @!p2 $0x0  }
0x1d: {  	s5 =	simm.s32 @p1 $0x1;
	p0 =	seq.s32 s7, s2  }
0x1e: {  	s7 =	smul.u32 @!p0 $0xF7A, s2;
	p2 =	seq.s32 @!p0 s5, $0x0  }
0x1f: {  	s9 =	smul.u32 $0xF7A, s1;
	s8 =	simm.s32 @!p0 $0x1BF5;
	p2 =	por !p2, p0  }
0x20: {  	[sflag:s8] =	ssyncset.s32 @!p0 $0xFFFFF086;
	s6 =	sadd.s32 @!p0 s3, s7;
	s7 =	simm.s32 @!p0 $0x108  }
0x21: {  	s3 =	sadd.s32 s3, s9;
	s6 =	sadd.s32 @!p0 $0x88, s6;
	s7 =	simm.s32 @p2 $0x1082  }
0x22: {  	[simem:s7], [sflag:s8] =	dma.local @!p0 [hbm:s6], $0xF7A  }
0x23: {  	s9 =	sor.u32 $0xD0000000, s2;
	s6 =	simm.s32 $0x108;
	_ =	swait.ge @!p0 [sflag:s8], $0x0  }
0x24: {  	s3 =	sadd.s32 $0x88, s3;
	s6 =	simm.s32 @!p1 $0x1082;
	[sflag:s4] =	ssyncset.s32 $0xFFFFF086  }
0x25: {  	[simem:s6], [sflag:s4] =	dma.local [hbm:s3], $0xF7A  }
0x26: {  	[smem:$0x3F9F] =	sst s1;
	(tag) =	ssettag s2;
	_ =	strace s9  }
0x27: {  	s1 =	sld [smem:$0x3FAF]  }
0x28: {  	s2 =	sld [smem:$0x3FB0]  }
0x29: {  	s4 =	sld [smem:$0x3FB2]  }
0x2a: {  	p0 =	seq.s32 s5, $0x0;
	s5 =	sld [smem:$0x3FB3]  }
0x2b: {  	s6 =	sld [smem:$0x3FB4]  }
0x2c: {  	s7 =	sld [smem:$0x3FB5]  }
0x2d: {  	s3 =	simm.s32 $0x108;
	s8 =	sld [smem:$0x3FB6]  }
0x2e: {  	s3 =	simm.s32 @!p0 $0x1082;
	s9 =	sld [smem:$0x3FB7]  }
0x2f: {  	lr =	sadd.s32 s0, s3;
	s0 =	sld [smem:$0x3FAE]  }
0x30: {  	s3 =	sld [smem:$0x3FB1]  }
0x31: {  	[smem:$0x3FBA] =	sst s10  }
0x32: {  	s10 =	sld [smem:$0x3FB8];
	_ =	sdelay $0x3  }
0x33: {  	p0 =	seq.s32 s10, $0x1;
	s10 =	sld [smem:$0x3FBA];
	_ =	sdelay $0x3  }
0x34: {  	[smem:$0x3FBA] =	sst s10  }
0x35: {  	s10 =	sld [smem:$0x3FB9];
	_ =	sdelay $0x3  }
0x36: {  	p1 =	seq.s32 s10, $0x1;
	s10 =	sld [smem:$0x3FBA];
	_ =	sdelay $0x3  }
0x37: {  	[smem:$0x3FBA] =	sst s10  }
0x38: {  	s10 =	sld [smem:$0x3FBB]  }
0x39: {  	_ = 	snop;
	(pc) =	sbr.ind lr, $3  }
0x3a: {  	_ = 	snop  }
0x3b: {  	_ = 	snop  }
0x3c: {  	p2 =	seq.s32 s10, $0x1;
	s10 =	sld [smem:$0x3FBA]  }
0x3d: {  	_ =	shalt  }
0x3e: {  	_ =	shalt  }
0x3f: {  	_ =	shalt  }
0x40: {  	_ =	shalt  }
0x41: {  	_ =	shalt  }
0x42: {  	_ =	shalt  }
0x43: {  	_ =	shalt  }
0x44: {  	_ =	shalt  }
0x45: {  	_ =	shalt  }
0x46: {  	_ =	shalt  }
0x47: {  	_ =	shalt  }
0x48: {  	_ =	shalt  }
0x49: {  	_ =	shalt  }
0x4a: {  	_ =	shalt  }
0x4b: {  	_ =	shalt  }
0x4c: {  	_ =	shalt  }
0x4d: {  	_ =	shalt  }
0x4e: {  	_ =	shalt  }
0x4f: {  	_ =	shalt  }
0x50: {  	_ =	shalt  }
0x51: {  	_ =	shalt  }
0x52: {  	_ =	shalt  }
0x53: {  	_ =	shalt  }
0x54: {  	_ =	shalt  }
0x55: {  	_ =	shalt  }
0x56: {  	_ =	shalt  }
0x57: {  	_ =	shalt  }
0x58: {  	_ =	shalt  }
0x59: {  	_ =	shalt  }
0x5a: {  	_ =	shalt  }
0x5b: {  	_ =	shalt  }
0x5c: {  	_ =	shalt  }
0x5d: {  	_ =	shalt  }
0x5e: {  	_ =	shalt  }
0x5f: {  	_ =	shalt  }
0x60: {  	_ =	shalt  }
0x61: {  	_ =	shalt  }
0x62: {  	_ =	shalt  }
0x63: {  	_ =	shalt  }
0x64: {  	_ =	shalt  }
0x65: {  	_ =	shalt  }
0x66: {  	_ =	shalt  }
0x67: {  	_ =	shalt  }
0x68: {  	_ =	shalt  }
0x69: {  	_ =	shalt  }
0x6a: {  	_ =	shalt  }
0x6b: {  	_ =	shalt  }
0x6c: {  	_ =	shalt  }
0x6d: {  	_ =	shalt  }
0x6e: {  	_ =	shalt  }
0x6f: {  	_ =	shalt  }
0x70: {  	_ =	shalt  }
0x71: {  	_ =	shalt  }
0x72: {  	_ =	shalt  }
0x73: {  	_ =	shalt  }
0x74: {  	_ =	shalt  }
0x75: {  	_ =	shalt  }
0x76: {  	_ =	shalt  }
0x77: {  	_ =	shalt  }
0x78: {  	_ =	shalt  }
0x79: {  	_ =	shalt  }
0x7a: {  	_ =	shalt  }
0x7b: {  	_ =	shalt  }
0x7c: {  	_ =	shalt  }
0x7d: {  	_ =	shalt  }
0x7e: {  	_ =	shalt  }
0x7f: {  	_ =	shalt  }
0x80: {  	_ =	shalt  }
0x81: {  	_ =	shalt  }
0x82: {  	_ =	shalt  }
0x83: {  	_ =	shalt  }
0x84: {  	_ =	shalt  }
0x85: {  	_ =	shalt  }
0x86: {  	_ =	shalt  }
0x87: {  	_ =	shalt  }
.Lfunc_end0:
.L_simem_size_0:
called_computation_lowered:
.L_overlay_start_0:
0x88: {  	s2 =	sld [smem:$0x3FD9]  }
0x89: {  	s3 =	sld [smem:$0x3FFE];
	_ =	sdelay $0x1  }
0x8a: {  	s1 =	srdreg.scid  }
0x8b: {  	s0 =	sand.u32 $0x1, s1  }
0x8c: {  	s17 =	sshll.u32 s0, $0xA;
	s2 =	sadd.s32 s3, s2  }
0x8d: {  	s2 =	sadd.s32 s2, s17  }
0x8e: {  	[smem:$0x3FC6] =	sst s2  }
0x8f: {  	_ = 	snop  }
0x90: {  	s2 =	sld [smem:$0x3FC9]  }
0x91: {  	s18 =	sld [smem:$0x3FC8];
	(tm) =	ssettm $0x1  }
0x92: {  	s4 =	sld [smem:$0x3FFB];
	_ =	sdelay $0x3  }
0x93: {  	_ =	strace s4  }
0x94: {  	s4 =	sld [smem:$0x3FFC];
	_ =	sdelay $0x3  }
0x95: {  	_ =	strace s4  }
0x96: {  	s4 =	sld [smem:$0x3FFD];
	_ =	sdelay $0x3  }
0x97: {  	_ =	strace s4  }
0x98: {  	_ =	strace $0x8FFFFFFF  }
0x99: {  	s19 =	sld [smem:$0x3FDB];
	_ =	sdelay $0x1  }
0x9a: {  	s5 =	simm.s32 $_scs_section_size  }
0x9b: {  	s6 =	simm.s32 $_size__tile_overlayer_lowered;
	s7 =	simm.s32 $_tile_overlayer_lowered  }
0x9c: {  	s22 =	simm.s32 $0x1BFF;
	s21 =	sshll.u32 s7, $0x1;
	s4 =	sadd.s32 s5, s19  }
0x9d: {  	s8 =	simm.s32 $0x0;
	s20 =	sshll.u32 s6, $0x1;
	s6 =	sadd.s32 s21, s4  }
0x9e: {  	[timem:s8], [sflag:s22] =	dma.local [hbm:s6], s20  }
0x9f: {  	_ =	swait.ge [sflag:s22], s20  }
0xa0: {  	s5 =	ssub.s32 $0x0, s20;
	[sflag:s22] =	ssyncset.done $0x0  }
0xa1: {  	[sflag:s22] =	ssyncadd.s32 s5;
	_ =	sdelay $0x1  }
0xa2: {  	s23 =	simm.s32 $0x1B8B  }
0xa3: {  	_ =	swait.ge [sflag:s23], $0x1  }
0xa4: {  	[sflag:s23] =	ssyncset.done $0x0  }
0xa5: {  	s25 =	simm.s32 $0x1B8E;
	s24 =	sld [smem:$0x3FFE];
	[sflag:s23] =	ssyncadd.s32 $0xFFFFFFFF  }
0xa6: {  	s26 =	simm.s32 $execute0_lowered;
	[smem:$0x3FD2] =	sst s25  }
0xa7: {  	s6 =	sshll.u32 s26, $0x1;
	_ =	strace $0x80000046;
	[dreg:$0x1] =	wrdreg $0xFFFFFFFF  }
0xa8: {  	s28 =	simm.s32 $_size_execute0_lowered;
	s4 =	sadd.s32 s4, s6;
	[dreg:$0x0] =	wrdreg $0x0  }
0xa9: {  	s6 =	sshll.u32 s28, $0x1;
	[dreg:$0x2] =	wrdreg s4  }
0xaa: {  	[dreg:$0x3] =	wrdreg s6  }
0xab: {  	[dreg:$0x4] =	wrdreg $0xC0  }
0xac: {  	_ =	task [dreg:s8], $0x5FFFF  }
0xad: {  	[dreg:$0x1] =	wrdreg $0xFFFFFFFF  }
0xae: {  	[dreg:$0x0] =	wrdreg $0x60  }
0xaf: {  	[dreg:$0x2] =	wrdreg s2  }
0xb0: {  	[dreg:$0x3] =	wrdreg s18  }
0xb1: {  	[dreg:$0x4] =	wrdreg s24  }
0xb2: {  	[dreg:$0x5] =	wrdreg $0x9  }
0xb3: {  	_ =	task.clear_ibuf [dreg:s8], $0x6FFFF;
	_ =	strace $0x90000046  }
0xb4: {  	s29 =	simm.s32 $0x9;
	_ =	strace $0x80000048  }
0xb5: {  	_ =	swait.ge [sflag:s29], $0x1  }
0xb6: {  	[sflag:s29] =	ssyncadd.s32 $0xFFFFFFFF  }
0xb7: {  	_ =	strace $0x90000048  }
0xb8: {  	_ =	sfence  }
0xb9: {  	s30 =	sld [smem:$0x0];
	_ =	sdelay $0x2  }
0xba: {  	s31 =	sshll.u32 s1, $0xD;
	s1 =	sshrl.u32 s1, $0x2  }
0xbb: {  	s3 =	sand.u32 $0x4000, s31;
	s1 =	sadd.s32 s1, s30  }
0xbc: {  	s0 =	sor.u32 s3, s0;
	s1 =	sshll.u32 s1, $0x11  }
0xbd: {  	s0 =	sor.u32 s1, s0  }
0xbe: {  	s0 =	sadd.s32 $0x8F2B, s0  }
0xbf: {  	[sflag:s0] =	ssyncadd.remote.s32 $0x1  }
0xc0: {  	_ =	sfence.sel $0xFFFF  }
0xc1: {  	[dreg:$0x0] =	wrdreg $0xFFFFFFFF;
	(pc) =	sbr.abs _section_cstart, $3  }
0xc2: {  	[dreg:$0x1] =	wrdreg $0xFFFFFFFF  }
0xc3: {  	_ =	task.clear_ibuf [dreg:s8], $0x2FFFF;
	_ =	strace $0x9FFFFFFF  }
0xc4: {  	(tm) =	ssettm $0x7FFFFFFF  }
0xc5: {  	_ =	shalt  }
tec
execute0_lowered:
.L_overlay_start_1:
0x0: {  	(tag) =	ssettag $0x1  }
0x1: {  	s0 =	srdreg.scid  }
0x2: {  	s1 =	rddreg [dreg:$0x0];
	s0 =	sand.u32 $0x1, s0  }
0x3: {  	s4 =	stileid.u32;
	s3 =	rddreg [dreg:$0x1];
	s2 =	sshll.u32 s0, $0x4  }
0x4: {  	s25 =	rddreg [dreg:$0x2];
	s7 =	simm.s32 $0x0;
	s2 =	sor.u32 s4, s2  }
0x5: {  	s28 =	simm.s32 $0x1;
	s29 =	simm.s32 $0xC000;
	s5 =	smul.u32 $0x38, s2  }
0x6: {  	s30 =	simm.s32 $0x18800;
	s31 =	simm.s32 $0x19000;
	s6 =	smul.u32 $0x5000, s2  }
0x7: {  	[smem:$0x7FF] =	sst s7;
	s0 =	ssub.s32 $0x2, s0;
	s26 =	smul.u32 $0xA0, s2  }
0x8: {  	_ =	strace $0x80000047;
	s8 =	sshrl.u32 s0, $0x1;
	s2 =	smul.u32 $0xA00, s2  }
0x9: {  	s0 =	ssub.s32 s0, s8;
	s4 =	sadd.s32 s5, s25;
	s9 =	sor.u32 $0x10, s26  }
0xa: {  	s10 =	sadd.s32 s1, s6;
	s2 =	sadd.s32 s3, s2;
	s13 =	sadd.s32 $0x1000, s6  }
0xb: {  	s15 =	sadd.s32 $0x1800, s6;
	s18 =	sadd.s32 $0x2000, s6;
	s19 =	sadd.s32 $0x2800, s6  }
0xc: {  	s21 =	sadd.s32 $0x3000, s6;
	s23 =	sadd.s32 $0x3800, s6;
	[dreg:$0x4] =	wrdreg s10  }
0xd: {  	s24 =	sadd.s32 $0x4000, s6;
	s25 =	sadd.s32 $0x4800, s6;
	[dreg:$0x5] =	wrdreg s2  }
0xe: {  	s11 =	sshll.u32 s9, $0x7;
	s12 =	sshll.u32 s9, $0x4;
	s14 =	sshrl.u32 s13, $0x3  }
0xf: {  	s5 =	sadd.s32 s1, s13;
	s16 =	sshrl.u32 s15, $0x3;
	s17 =	sadd.s32 s1, s15  }
0x10: {  	s20 =	sshrl.u32 s19, $0x3;
	s13 =	sadd.s32 s1, s19;
	s22 =	sshrl.u32 s21, $0x3  }
0x11: {  	s15 =	sadd.s32 s1, s21;
	s19 =	sadd.s32 s1, s24;
	[dreg:$0x8] =	wrdreg s5  }
0x12: {  	s26 =	sshrl.u32 s25, $0x3;
	s2 =	sadd.s32 s1, s11;
	[dreg:$0xa] =	wrdreg s17  }
0x13: {  	s11 =	sadd.s32 s1, s18;
	s17 =	sadd.s32 s1, s23;
	s5 =	sshrl.u32 s24, $0x3  }
0x14: {  	s24 =	smax.u32 s0, $0x1;
	[dreg:$0x6] =	wrdreg s2;
	s2 =	sadd.s32 s3, s12  }
0x15: {  	s0 =	simm.s32 $0x18000;
	s21 =	sadd.s32 s3, s5;
	[dreg:$0x7] =	wrdreg s2  }
0x16: {  	s2 =	sadd.s32 s3, s14;
	s14 =	sadd.s32 s3, s20;
	s20 =	sadd.s32 s1, s25  }
0x17: {  	v0 =	vimm.f32 $0.0e+00;
	v1 =	vimm.s32 $0x0;
	s25 =	simm.s32 $0x4000;
	s1 =	simm.s32 $0x2;
	[dreg:$0x9] =	wrdreg s2  }
0x18: {  	v2 =	vimm.s32 $0x2;
	v3 =	vimm.s32 $0x4;
	v4 =	vimm.s32 $0x6;
	s2 =	sadd.s32 s3, s16;
	s16 =	sadd.s32 s3, s22;
	s22 =	sadd.s32 s3, s26  }
0x19: {  	v5 =	vimm.s32 $0x8;
	v6 =	vimm.s32 $0xA;
	v7 =	vimm.s32 $0xC;
	s26 =	simm.s32 $0x800000;
	[dreg:$0xb] =	wrdreg s2;
	s2 =	sshrl.u32 s18, $0x3  }
0x1a: {  	v8 =	vimm.s32 $0xE;
	v9 =	vimm.s32 $0x10;
	v11 =	vlaneseq.u32;
	s12 =	sadd.s32 s3, s2;
	s2 =	sshrl.u32 s23, $0x3;
	s23 =	sadd.s32 $0x200, s4  }
0x1b: {  	v10 =	vimm.s32 $0x12;
	v12 =	vimm.f32 $1.000000000e+00;
	v11 =	vmul.u32 $0x1C0, v11;
	s18 =	sadd.s32 s3, s2;
	s2 =	simm.s32 $0x3;
	s3 =	simm.s32 $0x0  }
.LBB2_1:
0x1c: {  	s4 =	simm.s32 $0x40;
	s5 =	simm.s32 $0x0  }
.LBB2_2:
0x1d: {  	p0 =	sne.s32 s4, $0x6FC0;
	[tilespmem:s5+$0x19000] =	vst v0;
	s5 =	smov.u32 s4;
	s4 =	sadd.s32 $0x40, s4  }
.Ltmp0:
0x1e: {  	(pc) =	sbr.rel @p0 .LBB2_2-.Ltmp0, $2  }
0x1f: {  	_ =	sdelay $0x2  }
0x20: {  	s5 =	sshra.s32 s5, $0x2  }
0x21: {  	[tilespmem:s5+$0x19000] =	vst v0;
	s4 =	simm.s32 $0x0;
	s7 =	rddreg [dreg:$0x4]  }
0x22: {  	[tilespmem:s4], [sflag:$0x1] =	stream.strided.gather [hbm4b:s7+s25], $0xC000, s26, s25, $0x38;
	[tilespmem:$0x1AE00] =	vst v63  }
0x23: {  	s5 =	simm.s32 $0x18000;
	s6 =	rddreg [dreg:$0x5]  }
0x24: {  	[tilespmem:s5], [sflag:$0x1] =	stream.linear.gather [hbm4b:s6+s4], $0x800, $0x38;
	[tilespmem:$0x1AE00] =	vst v63  }
0x25: {  	_ =	swait.ge [sflag:s28], $0xC000  }
0x26: {  	[sflag:s28] =	ssyncset.done $0x0  }
0x27: {  	[sflag:s28] =	ssyncadd.s32 $0xFFFF4000  }
0x28: {  	_ =	swait.ge [sflag:s28], $0x800  }
0x29: {  	s10 =	sand.u32 $0x70, s4;
	[sflag:s28] =	ssyncset.done $0x0  }
0x2a: {  	s7 =	sand.u32 $0x3C00, s4;
	s8 =	rddreg [dreg:$0x6];
	[sflag:s28] =	ssyncadd.s32 $0xFFFFF800  }
0x2b: {  	[tilespmem:s29], [sflag:$0x2] =	stream.strided.gather [hbm4b:s8+s25], $0xC000, s26, s25, $0x38;
	[tilespmem:$0x1AE00] =	vst v63  }
0x2c: {  	s7 =	sor.u32 s10, s7;
	s9 =	rddreg [dreg:$0x7]  }
0x2d: {  	[tilespmem:s30], [sflag:$0x2] =	stream.linear.gather [hbm4b:s9+s4], $0x800, $0x38;
	[tilespmem:$0x1AE00] =	vst v63  }
0x2e: {  	v18 =	vld [tilespmem:s7+$0x4380]  }
0x2f: {  	v13 =	vld [tilespmem:s7+$0x380]  }
0x30: {  	v15 =	vld [tilespmem:s7+$0x280]  }
0x31: {  	v19 =	vld [tilespmem:s7+$0x4180]  }
0x32: {  	v24 =	vld [tilespmem:s7+$0x100]  }
0x33: {  	v16 =	vld [tilespmem:s7+$0x300]  }
0x34: {  	v25 =	vld [tilespmem:s7+$0x4280]  }
0x35: {  	v17 =	vld [tilespmem:s7+$0x200]  }
0x36: {  	v14 =	vld [tilespmem:s7+$0x80]  }
0x37: {  	v21 =	vld [tilespmem:s7+$0x4100]  }
0x38: {  	v23 =	vld [tilespmem:s7+$0x4300]  }
0x39: {  	v27 =	vld [tilespmem:s7+$0x180]  }
0x3a: {  	v20 =	vld [tilespmem:s7+$0x0]  }
0x3b: {  	v26 =	vld [tilespmem:s7+$0x4200];
	_ =	sdelay $0x1  }
0x3c: {  	v22 =	vld [tilespmem:s7+$0x4080];
	vm1 =	vgt.f32 v13, v16;
	vm3 =	vgt.f32 v15, v17;
	vm2 =	vgt.f32 v19, v21  }
0x3d: {  	vm5 =	vgt.f32 v18, v23;
	vm6 =	vgt.f32 v27, v24;
	v13 =	vsel vm1, v13, v16;
	v16 =	vld [tilespmem:s7+$0x4000]  }
0x3e: {  	vm4 =	vgt.f32 v14, v20;
	v15 =	vsel vm3, v15, v17;
	v17 =	vsel vm1, $0x7, v4  }
0x3f: {  	v21 =	vsel vm2, v19, v21;
	v19 =	vsel vm3, $0x5, v3;
	vm3 =	vgt.f32 v25, v26  }
0x40: {  	v23 =	vsel vm5, v18, v23;
	v18 =	vld [tilespmem:s7+$0x8000];
	vm0 =	vgt.f32 v13, v15;
	v25 =	vsel vm3, v25, v26  }
0x41: {  	s6 =	simm.s32 $0x18000;
	s8 =	simm.s32 $0x10;
	v24 =	vsel vm6, v27, v24;
	v13 =	vsel vm0, v13, v15;
	v15 =	vld [tilespmem:s7+$0x8080];
	vm1 =	vgt.f32 v23, v25  }
.LBB2_4:
0x42: {  	p0 =	sne.s32 s8, $0x7F0;
	vm7 =	vgt.f32 v22, v16;
	v26 =	vsel vm2, $0xB, v6;
	v27 =	vsel vm5, $0xF, v8;
	s4 =	sadd.s32 $0x80, s4;
	s5 =	sadd.s32 $0x10, s5  }
0x43: {  	v29 =	vsel vm6, $0x3, v2;
	v31 =	vsel vm3, $0xD, v7;
	s9 =	smov.u32 s8;
	s8 =	sadd.s32 $0x10, s8;
	v28 =	vld [tilespmem:s7+$0x8100];
	v30 =	vsel vm7, $0x9, v5  }
0x44: {  	v14 =	vsel vm4, v14, v20;
	v16 =	vsel vm7, v22, v16;
	v20 =	vsel vm1, v27, v31;
	v32 =	vld [tilespmem:s7+$0x8180]  }
0x45: {  	v22 =	vsel vm4, $0x1, v1;
	vm2 =	vgt.f32 v24, v14;
	vm3 =	vgt.f32 v21, v16  }
0x46: {  	v23 =	vsel vm1, v23, v25;
	v16 =	vsel vm3, v21, v16;
	v21 =	vsel vm3, v26, v30  }
0x47: {  	v17 =	vsel vm0, v17, v19;
	vm1 =	vgt.f32 v15, v18;
	vm0 =	vgt.f32 v23, v16;
	v25 =	vld [tilespmem:s7+$0x8200]  }
0x48: {  	v14 =	vsel vm2, v24, v14;
	v19 =	vsel vm2, v29, v22;
	v16 =	vsel vm0, v23, v16  }
0x49: {  	vm3 =	vgt.f32 v13, v14;
	v15 =	vsel vm1, v15, v18;
	vm2 =	vgt.f32 v32, v28;
	v18 =	vld [tilespmem:s6+$0x0];
	s6 =	smov.u32 s5  }
0x4a: {  	v13 =	vsel vm3, v13, v14;
	v14 =	vsel vm3, v17, v19;
	v22 =	vsel vm2, v32, v28  }
0x4b: {  	v17 =	vsel vm1, $0x11, v9;
	v19 =	vsel vm2, $0x13, v10;
	vm1 =	vgt.f32 v22, v15  }
0x4c: {  	v15 =	vsel vm1, v22, v15;
	v17 =	vsel vm1, v19, v17;
	vm1 =	vgt.f32 v16, v13  }
0x4d: {  	v19 =	vsel vm0, v20, v21;
	vm0 =	vgt.f32 v25, v15;
	v13 =	vsel vm1, v16, v13  }
0x4e: {  	v14 =	vsel vm1, v19, v14;
	v15 =	vsel vm0, v25, v15;
	v16 =	vmul.u32 $0x15, v18  }
0x4f: {  	v17 =	vsel vm0, $0x14, v17;
	vm0 =	vgt.f32 v15, v13  }
0x50: {  	v13 =	vsel vm0, v17, v14  }
0x51: {  	v13 =	vadd.s32 v13, v16  }
0x52: {  	v13 =	vadd.s32 v11, v13;
	_ =	sdelay $0x2  }
0x53: {  	s7 =	sand.u32 $0x70, s9;
	s9 =	sand.u32 $0x3C00, s4  }
0x54: {  	s7 =	sor.u32 s7, s9  }
0x55: {  	[tilespmem:v13+s31+$0x0] =	vst.idx.add.f32.msk $0xffff, v12  }
0x56: {  	v18 =	vld [tilespmem:s7+$0x4380]  }
0x57: {  	v13 =	vld [tilespmem:s7+$0x380]  }
0x58: {  	v15 =	vld [tilespmem:s7+$0x280]  }
0x59: {  	v19 =	vld [tilespmem:s7+$0x4180]  }
0x5a: {  	v24 =	vld [tilespmem:s7+$0x100]  }
0x5b: {  	v17 =	vld [tilespmem:s7+$0x300]  }
0x5c: {  	v25 =	vld [tilespmem:s7+$0x4280]  }
0x5d: {  	v20 =	vld [tilespmem:s7+$0x200]  }
0x5e: {  	v14 =	vld [tilespmem:s7+$0x80]  }
0x5f: {  	v16 =	vld [tilespmem:s7+$0x4000]  }
0x60: {  	v21 =	vld [tilespmem:s7+$0x4100];
	vm1 =	vgt.f32 v13, v17  }
0x61: {  	v23 =	vld [tilespmem:s7+$0x4300];
	v13 =	vsel vm1, v13, v17  }
0x62: {  	v26 =	vld [tilespmem:s7+$0x4200];
	vm3 =	vgt.f32 v15, v20  }
0x63: {  	v27 =	vld [tilespmem:s7+$0x180];
	v15 =	vsel vm3, v15, v20  }
0x64: {  	v20 =	vld [tilespmem:s7+$0x0];
	vm0 =	vgt.f32 v13, v15  }
.Ltmp1:
0x65: {  	v22 =	vld [tilespmem:s7+$0x4080];
	vm2 =	vgt.f32 v19, v21;
	v13 =	vsel vm0, v13, v15;
	(pc) =	sbr.rel @p0 .LBB2_4-.Ltmp1, $4  }
0x66: {  	v17 =	vsel vm1, $0x7, v4;
	v21 =	vsel vm2, v19, v21;
	vm5 =	vgt.f32 v18, v23  }
0x67: {  	v19 =	vsel vm3, $0x5, v3;
	v15 =	vld [tilespmem:s7+$0x8080];
	vm3 =	vgt.f32 v25, v26;
	v23 =	vsel vm5, v18, v23  }
0x68: {  	v18 =	vld [tilespmem:s7+$0x8000];
	vm6 =	vgt.f32 v27, v24;
	v25 =	vsel vm3, v25, v26  }
0x69: {  	vm4 =	vgt.f32 v14, v20;
	v24 =	vsel vm6, v27, v24;
	vm1 =	vgt.f32 v23, v25  }
0x6a: {  	vm7 =	vgt.f32 v22, v16;
	v26 =	vsel vm2, $0xB, v6  }
0x6b: {  	v27 =	vsel vm5, $0xF, v8;
	v28 =	vld [tilespmem:s7+$0x8100];
	v29 =	vsel vm6, $0x3, v2;
	v31 =	vsel vm3, $0xD, v7  }
0x6c: {  	v32 =	vld [tilespmem:s7+$0x8180];
	v14 =	vsel vm4, v14, v20;
	v23 =	vsel vm1, v23, v25;
	v17 =	vsel vm0, v17, v19  }
0x6d: {  	v30 =	vsel vm7, $0x9, v5;
	v16 =	vsel vm7, v22, v16;
	v20 =	vsel vm1, v27, v31  }
0x6e: {  	v22 =	vsel vm4, $0x1, v1;
	vm3 =	vgt.f32 v24, v14;
	vm2 =	vgt.f32 v21, v16  }
0x6f: {  	v14 =	vsel vm3, v24, v14;
	v22 =	vsel vm3, v29, v22;
	v16 =	vsel vm2, v21, v16  }
0x70: {  	v19 =	vld [tilespmem:s7+$0x8200];
	v21 =	vsel vm2, v26, v30;
	vm1 =	vgt.f32 v15, v18;
	vm3 =	vgt.f32 v13, v14  }
0x71: {  	vm0 =	vgt.f32 v23, v16;
	v15 =	vsel vm1, v15, v18;
	vm2 =	vgt.f32 v32, v28  }
0x72: {  	v18 =	vld [tilespmem:s6+$0x0];
	v13 =	vsel vm3, v13, v14;
	v16 =	vsel vm0, v23, v16;
	v23 =	vsel vm2, v32, v28  }
0x73: {  	v14 =	vsel vm1, $0x11, v9;
	v17 =	vsel vm3, v17, v22;
	vm1 =	vgt.f32 v23, v15  }
0x74: {  	v20 =	vsel vm0, v20, v21;
	v24 =	vsel vm2, $0x13, v10;
	v15 =	vsel vm1, v23, v15  }
0x75: {  	v14 =	vsel vm1, v24, v14;
	vm1 =	vgt.f32 v16, v13;
	vm0 =	vgt.f32 v19, v15  }
0x76: {  	v13 =	vsel vm1, v16, v13;
	v16 =	vsel vm1, v20, v17;
	v15 =	vsel vm0, v19, v15  }
0x77: {  	v17 =	vmul.u32 $0x15, v18;
	v14 =	vsel vm0, $0x14, v14;
	vm0 =	vgt.f32 v15, v13  }
0x78: {  	v13 =	vsel vm0, v14, v16  }
0x79: {  	v13 =	vadd.s32 v13, v17  }
0x7a: {  	v13 =	vadd.s32 v11, v13;
	_ =	sdelay $0x4  }
0x7b: {  	[tilespmem:v13+s31+$0x0] =	vst.idx.add.f32.msk $0xffff, v12  }
0x7c: {  	_ =	swait.ge [sflag:s1], $0xC000  }
0x7d: {  	[sflag:s1] =	ssyncset.done $0x0  }
0x7e: {  	[sflag:s1] =	ssyncadd.s32 $0xFFFF4000  }
0x7f: {  	s4 =	simm.s32 $0x0;
	_ =	swait.ge [sflag:s1], $0x800  }
0x80: {  	s9 =	sand.u32 $0x70, s4;
	[sflag:s1] =	ssyncset.done $0x0  }
0x81: {  	s10 =	sand.u32 $0x3C00, s4;
	s5 =	rddreg [dreg:$0x8];
	[sflag:s1] =	ssyncadd.s32 $0xFFFFF800  }
0x82: {  	[tilespmem:s4], [sflag:$0x1] =	stream.strided.gather [hbm4b:s5+s25], $0xC000, s26, s25, $0x38;
	[tilespmem:$0x1AE00] =	vst v63  }
0x83: {  	s6 =	sor.u32 s9, s10;
	s8 =	rddreg [dreg:$0x9]  }
0x84: {  	[tilespmem:s0], [sflag:$0x1] =	stream.linear.gather [hbm4b:s8+s4], $0x800, $0x38;
	[tilespmem:$0x1AE00] =	vst v63  }
0x85: {  	v18 =	vld [tilespmem:s6+$0x10380]  }
0x86: {  	v13 =	vld [tilespmem:s6+$0xC380]  }
0x87: {  	v15 =	vld [tilespmem:s6+$0xC280]  }
0x88: {  	v19 =	vld [tilespmem:s6+$0x10180]  }
0x89: {  	v24 =	vld [tilespmem:s6+$0xC100]  }
0x8a: {  	v16 =	vld [tilespmem:s6+$0xC300]  }
0x8b: {  	v25 =	vld [tilespmem:s6+$0x10280]  }
0x8c: {  	v17 =	vld [tilespmem:s6+$0xC200]  }
0x8d: {  	v14 =	vld [tilespmem:s6+$0xC080]  }
0x8e: {  	v21 =	vld [tilespmem:s6+$0x10100]  }
0x8f: {  	v23 =	vld [tilespmem:s6+$0x10300]  }
0x90: {  	v27 =	vld [tilespmem:s6+$0xC180]  }
0x91: {  	v20 =	vld [tilespmem:s6+$0xC000]  }
0x92: {  	v26 =	vld [tilespmem:s6+$0x10200];
	_ =	sdelay $0x1  }
0x93: {  	v22 =	vld [tilespmem:s6+$0x10080];
	vm1 =	vgt.f32 v13, v16;
	vm3 =	vgt.f32 v15, v17;
	vm2 =	vgt.f32 v19, v21  }
0x94: {  	vm5 =	vgt.f32 v18, v23;
	vm6 =	vgt.f32 v27, v24;
	v13 =	vsel vm1, v13, v16;
	v16 =	vld [tilespmem:s6+$0x10000]  }
0x95: {  	vm4 =	vgt.f32 v14, v20;
	v15 =	vsel vm3, v15, v17;
	v17 =	vsel vm1, $0x7, v4  }
0x96: {  	v21 =	vsel vm2, v19, v21;
	v19 =	vsel vm3, $0x5, v3;
	vm3 =	vgt.f32 v25, v26  }
0x97: {  	v23 =	vsel vm5, v18, v23;
	v18 =	vld [tilespmem:s6+$0x14000];
	vm0 =	vgt.f32 v13, v15;
	v25 =	vsel vm3, v25, v26  }
0x98: {  	s7 =	simm.s32 $0x18800;
	s5 =	simm.s32 $0x18800;
	s8 =	simm.s32 $0x10;
	v24 =	vsel vm6, v27, v24;
	v13 =	vsel vm0, v13, v15;
	v15 =	vld [tilespmem:s6+$0x14080];
	vm1 =	vgt.f32 v23, v25  }
.LBB2_6:
0x99: {  	p0 =	sne.s32 s8, $0x7F0;
	vm7 =	vgt.f32 v22, v16;
	v26 =	vsel vm2, $0xB, v6;
	v27 =	vsel vm5, $0xF, v8;
	s4 =	sadd.s32 $0x80, s4;
	s7 =	sadd.s32 $0x10, s7  }
0x9a: {  	v29 =	vsel vm6, $0x3, v2;
	v31 =	vsel vm3, $0xD, v7;
	s9 =	smov.u32 s8;
	s8 =	sadd.s32 $0x10, s8;
	v28 =	vld [tilespmem:s6+$0x14100];
	v30 =	vsel vm7, $0x9, v5  }
0x9b: {  	v14 =	vsel vm4, v14, v20;
	v16 =	vsel vm7, v22, v16;
	v20 =	vsel vm1, v27, v31;
	v32 =	vld [tilespmem:s6+$0x14180]  }
0x9c: {  	v22 =	vsel vm4, $0x1, v1;
	vm2 =	vgt.f32 v24, v14;
	vm3 =	vgt.f32 v21, v16  }
0x9d: {  	v23 =	vsel vm1, v23, v25;
	v16 =	vsel vm3, v21, v16;
	v21 =	vsel vm3, v26, v30  }
0x9e: {  	v17 =	vsel vm0, v17, v19;
	vm1 =	vgt.f32 v15, v18;
	vm0 =	vgt.f32 v23, v16;
	v25 =	vld [tilespmem:s6+$0x14200]  }
0x9f: {  	v14 =	vsel vm2, v24, v14;
	v19 =	vsel vm2, v29, v22;
	v16 =	vsel vm0, v23, v16  }
0xa0: {  	vm3 =	vgt.f32 v13, v14;
	v15 =	vsel vm1, v15, v18;
	vm2 =	vgt.f32 v32, v28;
	v18 =	vld [tilespmem:s5+$0x0];
	s5 =	smov.u32 s7  }
0xa1: {  	v13 =	vsel vm3, v13, v14;
	v14 =	vsel vm3, v17, v19;
	v22 =	vsel vm2, v32, v28  }
0xa2: {  	v17 =	vsel vm1, $0x11, v9;
	v19 =	vsel vm2, $0x13, v10;
	vm1 =	vgt.f32 v22, v15  }
0xa3: {  	v15 =	vsel vm1, v22, v15;
	v17 =	vsel vm1, v19, v17;
	vm1 =	vgt.f32 v16, v13  }
0xa4: {  	v19 =	vsel vm0, v20, v21;
	vm0 =	vgt.f32 v25, v15;
	v13 =	vsel vm1, v16, v13  }
0xa5: {  	v14 =	vsel vm1, v19, v14;
	v15 =	vsel vm0, v25, v15;
	v16 =	vmul.u32 $0x15, v18  }
0xa6: {  	v17 =	vsel vm0, $0x14, v17;
	vm0 =	vgt.f32 v15, v13  }
0xa7: {  	v13 =	vsel vm0, v17, v14  }
0xa8: {  	v13 =	vadd.s32 v13, v16  }
0xa9: {  	v13 =	vadd.s32 v11, v13;
	_ =	sdelay $0x2  }
0xaa: {  	s6 =	sand.u32 $0x70, s9;
	s9 =	sand.u32 $0x3C00, s4  }
0xab: {  	s6 =	sor.u32 s6, s9  }
0xac: {  	[tilespmem:v13+s31+$0x0] =	vst.idx.add.f32.msk $0xffff, v12  }
0xad: {  	v18 =	vld [tilespmem:s6+$0x10380]  }
0xae: {  	v13 =	vld [tilespmem:s6+$0xC380]  }
0xaf: {  	v15 =	vld [tilespmem:s6+$0xC280]  }
0xb0: {  	v19 =	vld [tilespmem:s6+$0x10180]  }
0xb1: {  	v24 =	vld [tilespmem:s6+$0xC100]  }
0xb2: {  	v17 =	vld [tilespmem:s6+$0xC300]  }
0xb3: {  	v25 =	vld [tilespmem:s6+$0x10280]  }
0xb4: {  	v20 =	vld [tilespmem:s6+$0xC200]  }
0xb5: {  	v14 =	vld [tilespmem:s6+$0xC080]  }
0xb6: {  	v16 =	vld [tilespmem:s6+$0x10000]  }
0xb7: {  	v21 =	vld [tilespmem:s6+$0x10100];
	vm1 =	vgt.f32 v13, v17  }
0xb8: {  	v23 =	vld [tilespmem:s6+$0x10300];
	v13 =	vsel vm1, v13, v17  }
0xb9: {  	v26 =	vld [tilespmem:s6+$0x10200];
	vm3 =	vgt.f32 v15, v20  }
0xba: {  	v27 =	vld [tilespmem:s6+$0xC180];
	v15 =	vsel vm3, v15, v20  }
0xbb: {  	v20 =	vld [tilespmem:s6+$0xC000];
	vm0 =	vgt.f32 v13, v15  }
.Ltmp2:
0xbc: {  	v22 =	vld [tilespmem:s6+$0x10080];
	vm2 =	vgt.f32 v19, v21;
	v13 =	vsel vm0, v13, v15;
	(pc) =	sbr.rel @p0 .LBB2_6-.Ltmp2, $4  }
0xbd: {  	v17 =	vsel vm1, $0x7, v4;
	v21 =	vsel vm2, v19, v21;
	vm5 =	vgt.f32 v18, v23  }
0xbe: {  	v19 =	vsel vm3, $0x5, v3;
	v15 =	vld [tilespmem:s6+$0x14080];
	vm3 =	vgt.f32 v25, v26;
	v23 =	vsel vm5, v18, v23  }
0xbf: {  	v18 =	vld [tilespmem:s6+$0x14000];
	vm6 =	vgt.f32 v27, v24;
	v25 =	vsel vm3, v25, v26  }
0xc0: {  	vm4 =	vgt.f32 v14, v20;
	v24 =	vsel vm6, v27, v24;
	vm1 =	vgt.f32 v23, v25  }
0xc1: {  	vm7 =	vgt.f32 v22, v16;
	v26 =	vsel vm2, $0xB, v6  }
0xc2: {  	v27 =	vsel vm5, $0xF, v8;
	v28 =	vld [tilespmem:s6+$0x14100];
	v29 =	vsel vm6, $0x3, v2;
	v31 =	vsel vm3, $0xD, v7  }
0xc3: {  	v32 =	vld [tilespmem:s6+$0x14180];
	v14 =	vsel vm4, v14, v20;
	v23 =	vsel vm1, v23, v25;
	v17 =	vsel vm0, v17, v19  }
0xc4: {  	v30 =	vsel vm7, $0x9, v5;
	v16 =	vsel vm7, v22, v16;
	v20 =	vsel vm1, v27, v31  }
0xc5: {  	v22 =	vsel vm4, $0x1, v1;
	vm3 =	vgt.f32 v24, v14;
	vm2 =	vgt.f32 v21, v16  }
0xc6: {  	v14 =	vsel vm3, v24, v14;
	v22 =	vsel vm3, v29, v22;
	v16 =	vsel vm2, v21, v16  }
0xc7: {  	v19 =	vld [tilespmem:s6+$0x14200];
	v21 =	vsel vm2, v26, v30;
	vm1 =	vgt.f32 v15, v18;
	vm3 =	vgt.f32 v13, v14  }
0xc8: {  	vm0 =	vgt.f32 v23, v16;
	v15 =	vsel vm1, v15, v18;
	vm2 =	vgt.f32 v32, v28  }
0xc9: {  	v18 =	vld [tilespmem:s5+$0x0];
	v13 =	vsel vm3, v13, v14;
	v16 =	vsel vm0, v23, v16;
	v23 =	vsel vm2, v32, v28  }
0xca: {  	v14 =	vsel vm1, $0x11, v9;
	v17 =	vsel vm3, v17, v22;
	vm1 =	vgt.f32 v23, v15  }
0xcb: {  	v20 =	vsel vm0, v20, v21;
	v24 =	vsel vm2, $0x13, v10;
	v15 =	vsel vm1, v23, v15  }
0xcc: {  	v14 =	vsel vm1, v24, v14;
	vm1 =	vgt.f32 v16, v13;
	vm0 =	vgt.f32 v19, v15  }
0xcd: {  	v13 =	vsel vm1, v16, v13;
	v16 =	vsel vm1, v20, v17;
	v15 =	vsel vm0, v19, v15  }
0xce: {  	v17 =	vmul.u32 $0x15, v18;
	v14 =	vsel vm0, $0x14, v14;
	vm0 =	vgt.f32 v15, v13  }
0xcf: {  	v13 =	vsel vm0, v14, v16  }
0xd0: {  	v13 =	vadd.s32 v13, v17  }
0xd1: {  	v13 =	vadd.s32 v11, v13;
	_ =	sdelay $0x4  }
0xd2: {  	[tilespmem:v13+s31+$0x0] =	vst.idx.add.f32.msk $0xffff, v12  }
0xd3: {  	_ =	swait.ge [sflag:s28], $0xC000  }
0xd4: {  	[sflag:s28] =	ssyncset.done $0x0  }
0xd5: {  	[sflag:s28] =	ssyncadd.s32 $0xFFFF4000  }
0xd6: {  	_ =	swait.ge [sflag:s28], $0x800  }
0xd7: {  	[sflag:s28] =	ssyncset.done $0x0  }
0xd8: {  	s4 =	rddreg [dreg:$0xa];
	[sflag:s28] =	ssyncadd.s32 $0xFFFFF800  }
0xd9: {  	[tilespmem:s29], [sflag:$0x2] =	stream.strided.gather [hbm4b:s4+s25], $0xC000, s26, s25, $0x38;
	[tilespmem:$0x1AE00] =	vst v63  }
0xda: {  	s4 =	simm.s32 $0x0  }
0xdb: {  	s8 =	rddreg [dreg:$0xb];
	s9 =	sand.u32 $0x70, s4;
	s10 =	sand.u32 $0x3C00, s4  }
0xdc: {  	[tilespmem:s30], [sflag:$0x2] =	stream.linear.gather [hbm4b:s8+s4], $0x800, $0x38;
	[tilespmem:$0x1AE00] =	vst v63  }
0xdd: {  	s6 =	sor.u32 s9, s10  }
0xde: {  	v18 =	vld [tilespmem:s6+$0x4380]  }
0xdf: {  	v13 =	vld [tilespmem:s6+$0x380]  }
0xe0: {  	v15 =	vld [tilespmem:s6+$0x280]  }
0xe1: {  	v19 =	vld [tilespmem:s6+$0x4180]  }
0xe2: {  	v24 =	vld [tilespmem:s6+$0x100]  }
0xe3: {  	v16 =	vld [tilespmem:s6+$0x300]  }
0xe4: {  	v25 =	vld [tilespmem:s6+$0x4280]  }
0xe5: {  	v17 =	vld [tilespmem:s6+$0x200]  }
0xe6: {  	v14 =	vld [tilespmem:s6+$0x80]  }
0xe7: {  	v21 =	vld [tilespmem:s6+$0x4100]  }
0xe8: {  	v23 =	vld [tilespmem:s6+$0x4300]  }
0xe9: {  	v27 =	vld [tilespmem:s6+$0x180]  }
0xea: {  	v20 =	vld [tilespmem:s6+$0x0]  }
0xeb: {  	v26 =	vld [tilespmem:s6+$0x4200];
	_ =	sdelay $0x1  }
0xec: {  	v22 =	vld [tilespmem:s6+$0x4080];
	vm1 =	vgt.f32 v13, v16;
	vm3 =	vgt.f32 v15, v17;
	vm2 =	vgt.f32 v19, v21  }
0xed: {  	vm5 =	vgt.f32 v18, v23;
	vm6 =	vgt.f32 v27, v24;
	v13 =	vsel vm1, v13, v16;
	v16 =	vld [tilespmem:s6+$0x4000]  }
0xee: {  	vm4 =	vgt.f32 v14, v20;
	v15 =	vsel vm3, v15, v17;
	v17 =	vsel vm1, $0x7, v4  }
0xef: {  	v21 =	vsel vm2, v19, v21;
	v19 =	vsel vm3, $0x5, v3;
	vm3 =	vgt.f32 v25, v26  }
0xf0: {  	v23 =	vsel vm5, v18, v23;
	v18 =	vld [tilespmem:s6+$0x8000];
	vm0 =	vgt.f32 v13, v15;
	v25 =	vsel vm3, v25, v26  }
0xf1: {  	s7 =	simm.s32 $0x18000;
	s5 =	simm.s32 $0x18000;
	s8 =	simm.s32 $0x10;
	v24 =	vsel vm6, v27, v24;
	v13 =	vsel vm0, v13, v15;
	v15 =	vld [tilespmem:s6+$0x8080];
	vm1 =	vgt.f32 v23, v25  }
.LBB2_8:
0xf2: {  	p0 =	sne.s32 s8, $0x7F0;
	vm7 =	vgt.f32 v22, v16;
	v26 =	vsel vm2, $0xB, v6;
	v27 =	vsel vm5, $0xF, v8;
	s4 =	sadd.s32 $0x80, s4;
	s7 =	sadd.s32 $0x10, s7  }
0xf3: {  	v29 =	vsel vm6, $0x3, v2;
	v31 =	vsel vm3, $0xD, v7;
	s9 =	smov.u32 s8;
	s8 =	sadd.s32 $0x10, s8;
	v28 =	vld [tilespmem:s6+$0x8100];
	v30 =	vsel vm7, $0x9, v5  }
0xf4: {  	v14 =	vsel vm4, v14, v20;
	v16 =	vsel vm7, v22, v16;
	v20 =	vsel vm1, v27, v31;
	v32 =	vld [tilespmem:s6+$0x8180]  }
0xf5: {  	v22 =	vsel vm4, $0x1, v1;
	vm2 =	vgt.f32 v24, v14;
	vm3 =	vgt.f32 v21, v16  }
0xf6: {  	v23 =	vsel vm1, v23, v25;
	v16 =	vsel vm3, v21, v16;
	v21 =	vsel vm3, v26, v30  }
0xf7: {  	v17 =	vsel vm0, v17, v19;
	vm1 =	vgt.f32 v15, v18;
	vm0 =	vgt.f32 v23, v16;
	v25 =	vld [tilespmem:s6+$0x8200]  }
0xf8: {  	v14 =	vsel vm2, v24, v14;
	v19 =	vsel vm2, v29, v22;
	v16 =	vsel vm0, v23, v16  }
0xf9: {  	vm3 =	vgt.f32 v13, v14;
	v15 =	vsel vm1, v15, v18;
	vm2 =	vgt.f32 v32, v28;
	v18 =	vld [tilespmem:s5+$0x0];
	s5 =	smov.u32 s7  }
0xfa: {  	v13 =	vsel vm3, v13, v14;
	v14 =	vsel vm3, v17, v19;
	v22 =	vsel vm2, v32, v28  }
0xfb: {  	v17 =	vsel vm1, $0x11, v9;
	v19 =	vsel vm2, $0x13, v10;
	vm1 =	vgt.f32 v22, v15  }
0xfc: {  	v15 =	vsel vm1, v22, v15;
	v17 =	vsel vm1, v19, v17;
	vm1 =	vgt.f32 v16, v13  }
0xfd: {  	v19 =	vsel vm0, v20, v21;
	vm0 =	vgt.f32 v25, v15;
	v13 =	vsel vm1, v16, v13  }
0xfe: {  	v14 =	vsel vm1, v19, v14;
	v15 =	vsel vm0, v25, v15;
	v16 =	vmul.u32 $0x15, v18  }
0xff: {  	v17 =	vsel vm0, $0x14, v17;
	vm0 =	vgt.f32 v15, v13  }
0x100: {  	v13 =	vsel vm0, v17, v14  }
0x101: {  	v13 =	vadd.s32 v13, v16  }
0x102: {  	v13 =	vadd.s32 v11, v13;
	_ =	sdelay $0x2  }
0x103: {  	s6 =	sand.u32 $0x70, s9;
	s9 =	sand.u32 $0x3C00, s4  }
0x104: {  	s6 =	sor.u32 s6, s9  }
0x105: {  	[tilespmem:v13+s31+$0x0] =	vst.idx.add.f32.msk $0xffff, v12  }
0x106: {  	v18 =	vld [tilespmem:s6+$0x4380]  }
0x107: {  	v13 =	vld [tilespmem:s6+$0x380]  }
0x108: {  	v15 =	vld [tilespmem:s6+$0x280]  }
0x109: {  	v19 =	vld [tilespmem:s6+$0x4180]  }
0x10a: {  	v24 =	vld [tilespmem:s6+$0x100]  }
0x10b: {  	v17 =	vld [tilespmem:s6+$0x300]  }
0x10c: {  	v25 =	vld [tilespmem:s6+$0x4280]  }
0x10d: {  	v20 =	vld [tilespmem:s6+$0x200]  }
0x10e: {  	v14 =	vld [tilespmem:s6+$0x80]  }
0x10f: {  	v16 =	vld [tilespmem:s6+$0x4000]  }
0x110: {  	v21 =	vld [tilespmem:s6+$0x4100];
	vm1 =	vgt.f32 v13, v17  }
0x111: {  	v23 =	vld [tilespmem:s6+$0x4300];
	v13 =	vsel vm1, v13, v17  }
0x112: {  	v26 =	vld [tilespmem:s6+$0x4200];
	vm3 =	vgt.f32 v15, v20  }
0x113: {  	v27 =	vld [tilespmem:s6+$0x180];
	v15 =	vsel vm3, v15, v20  }
0x114: {  	v20 =	vld [tilespmem:s6+$0x0];
	vm0 =	vgt.f32 v13, v15  }
.Ltmp3:
0x115: {  	v22 =	vld [tilespmem:s6+$0x4080];
	vm2 =	vgt.f32 v19, v21;
	v13 =	vsel vm0, v13, v15;
	(pc) =	sbr.rel @p0 .LBB2_8-.Ltmp3, $4  }
0x116: {  	v17 =	vsel vm1, $0x7, v4;
	v21 =	vsel vm2, v19, v21;
	vm5 =	vgt.f32 v18, v23  }
0x117: {  	v19 =	vsel vm3, $0x5, v3;
	v15 =	vld [tilespmem:s6+$0x8080];
	vm3 =	vgt.f32 v25, v26;
	v23 =	vsel vm5, v18, v23  }
0x118: {  	v18 =	vld [tilespmem:s6+$0x8000];
	vm6 =	vgt.f32 v27, v24;
	v25 =	vsel vm3, v25, v26  }
0x119: {  	vm4 =	vgt.f32 v14, v20;
	v24 =	vsel vm6, v27, v24;
	vm1 =	vgt.f32 v23, v25  }
0x11a: {  	vm7 =	vgt.f32 v22, v16;
	v26 =	vsel vm2, $0xB, v6  }
0x11b: {  	v27 =	vsel vm5, $0xF, v8;
	v28 =	vld [tilespmem:s6+$0x8100];
	v29 =	vsel vm6, $0x3, v2;
	v31 =	vsel vm3, $0xD, v7  }
0x11c: {  	v32 =	vld [tilespmem:s6+$0x8180];
	v14 =	vsel vm4, v14, v20;
	v23 =	vsel vm1, v23, v25;
	v17 =	vsel vm0, v17, v19  }
0x11d: {  	v30 =	vsel vm7, $0x9, v5;
	v16 =	vsel vm7, v22, v16;
	v20 =	vsel vm1, v27, v31  }
0x11e: {  	v22 =	vsel vm4, $0x1, v1;
	vm3 =	vgt.f32 v24, v14;
	vm2 =	vgt.f32 v21, v16  }
0x11f: {  	v14 =	vsel vm3, v24, v14;
	v22 =	vsel vm3, v29, v22;
	v16 =	vsel vm2, v21, v16  }
0x120: {  	v19 =	vld [tilespmem:s6+$0x8200];
	v21 =	vsel vm2, v26, v30;
	vm1 =	vgt.f32 v15, v18;
	vm3 =	vgt.f32 v13, v14  }
0x121: {  	vm0 =	vgt.f32 v23, v16;
	v15 =	vsel vm1, v15, v18;
	vm2 =	vgt.f32 v32, v28  }
0x122: {  	v18 =	vld [tilespmem:s5+$0x0];
	v13 =	vsel vm3, v13, v14;
	v16 =	vsel vm0, v23, v16;
	v23 =	vsel vm2, v32, v28  }
0x123: {  	v14 =	vsel vm1, $0x11, v9;
	v17 =	vsel vm3, v17, v22;
	vm1 =	vgt.f32 v23, v15  }
0x124: {  	v20 =	vsel vm0, v20, v21;
	v24 =	vsel vm2, $0x13, v10;
	v15 =	vsel vm1, v23, v15  }
0x125: {  	v14 =	vsel vm1, v24, v14;
	vm1 =	vgt.f32 v16, v13;
	vm0 =	vgt.f32 v19, v15  }
0x126: {  	v13 =	vsel vm1, v16, v13;
	v16 =	vsel vm1, v20, v17;
	v15 =	vsel vm0, v19, v15  }
0x127: {  	v17 =	vmul.u32 $0x15, v18;
	v14 =	vsel vm0, $0x14, v14;
	vm0 =	vgt.f32 v15, v13  }
0x128: {  	v13 =	vsel vm0, v14, v16  }
0x129: {  	v13 =	vadd.s32 v13, v17  }
0x12a: {  	v13 =	vadd.s32 v11, v13;
	_ =	sdelay $0x4  }
0x12b: {  	[tilespmem:v13+s31+$0x0] =	vst.idx.add.f32.msk $0xffff, v12  }
0x12c: {  	_ =	swait.ge [sflag:s1], $0xC000  }
0x12d: {  	[sflag:s1] =	ssyncset.done $0x0  }
0x12e: {  	[sflag:s1] =	ssyncadd.s32 $0xFFFF4000  }
0x12f: {  	_ =	swait.ge [sflag:s1], $0x800  }
0x130: {  	s4 =	simm.s32 $0x0;
	[sflag:s1] =	ssyncset.done $0x0  }
0x131: {  	s9 =	sand.u32 $0x70, s4;
	s10 =	sand.u32 $0x3C00, s4;
	[sflag:s1] =	ssyncadd.s32 $0xFFFFF800  }
0x132: {  	[tilespmem:s4], [sflag:$0x1] =	stream.strided.gather [hbm4b:s11+s25], $0xC000, s26, s25, $0x38;
	[tilespmem:$0x1AE00] =	vst v63  }
0x133: {  	s6 =	sor.u32 s9, s10  }
0x134: {  	[tilespmem:s0], [sflag:$0x1] =	stream.linear.gather [hbm4b:s12+s4], $0x800, $0x38;
	[tilespmem:$0x1AE00] =	vst v63  }
0x135: {  	v18 =	vld [tilespmem:s6+$0x10380]  }
0x136: {  	v13 =	vld [tilespmem:s6+$0xC380]  }
0x137: {  	v15 =	vld [tilespmem:s6+$0xC280]  }
0x138: {  	v19 =	vld [tilespmem:s6+$0x10180]  }
0x139: {  	v24 =	vld [tilespmem:s6+$0xC100]  }
0x13a: {  	v16 =	vld [tilespmem:s6+$0xC300]  }
0x13b: {  	v25 =	vld [tilespmem:s6+$0x10280]  }
0x13c: {  	v17 =	vld [tilespmem:s6+$0xC200]  }
0x13d: {  	v14 =	vld [tilespmem:s6+$0xC080]  }
0x13e: {  	v21 =	vld [tilespmem:s6+$0x10100]  }
0x13f: {  	v23 =	vld [tilespmem:s6+$0x10300]  }
0x140: {  	v27 =	vld [tilespmem:s6+$0xC180]  }
0x141: {  	v20 =	vld [tilespmem:s6+$0xC000]  }
0x142: {  	v26 =	vld [tilespmem:s6+$0x10200];
	_ =	sdelay $0x1  }
0x143: {  	v22 =	vld [tilespmem:s6+$0x10080];
	vm1 =	vgt.f32 v13, v16;
	vm3 =	vgt.f32 v15, v17;
	vm2 =	vgt.f32 v19, v21  }
0x144: {  	vm5 =	vgt.f32 v18, v23;
	vm6 =	vgt.f32 v27, v24;
	v13 =	vsel vm1, v13, v16;
	v16 =	vld [tilespmem:s6+$0x10000]  }
0x145: {  	vm4 =	vgt.f32 v14, v20;
	v15 =	vsel vm3, v15, v17;
	v17 =	vsel vm1, $0x7, v4  }
0x146: {  	v21 =	vsel vm2, v19, v21;
	v19 =	vsel vm3, $0x5, v3;
	vm3 =	vgt.f32 v25, v26  }
0x147: {  	v23 =	vsel vm5, v18, v23;
	v18 =	vld [tilespmem:s6+$0x14000];
	vm0 =	vgt.f32 v13, v15;
	v25 =	vsel vm3, v25, v26  }
0x148: {  	s7 =	simm.s32 $0x18800;
	s8 =	simm.s32 $0x10;
	s5 =	simm.s32 $0x18800;
	v24 =	vsel vm6, v27, v24;
	v13 =	vsel vm0, v13, v15;
	v15 =	vld [tilespmem:s6+$0x14080];
	vm1 =	vgt.f32 v23, v25  }
.LBB2_10:
0x149: {  	p0 =	sne.s32 s8, $0x7F0;
	vm7 =	vgt.f32 v22, v16;
	v26 =	vsel vm2, $0xB, v6;
	v27 =	vsel vm5, $0xF, v8;
	s4 =	sadd.s32 $0x80, s4;
	s7 =	sadd.s32 $0x10, s7  }
0x14a: {  	v29 =	vsel vm6, $0x3, v2;
	v31 =	vsel vm3, $0xD, v7;
	s9 =	smov.u32 s8;
	s8 =	sadd.s32 $0x10, s8;
	v28 =	vld [tilespmem:s6+$0x14100];
	v30 =	vsel vm7, $0x9, v5  }
0x14b: {  	v14 =	vsel vm4, v14, v20;
	v16 =	vsel vm7, v22, v16;
	v20 =	vsel vm1, v27, v31;
	v32 =	vld [tilespmem:s6+$0x14180]  }
0x14c: {  	v22 =	vsel vm4, $0x1, v1;
	vm2 =	vgt.f32 v24, v14;
	vm3 =	vgt.f32 v21, v16  }
0x14d: {  	v23 =	vsel vm1, v23, v25;
	v16 =	vsel vm3, v21, v16;
	v21 =	vsel vm3, v26, v30  }
0x14e: {  	v17 =	vsel vm0, v17, v19;
	vm1 =	vgt.f32 v15, v18;
	vm0 =	vgt.f32 v23, v16;
	v25 =	vld [tilespmem:s6+$0x14200]  }
0x14f: {  	v14 =	vsel vm2, v24, v14;
	v19 =	vsel vm2, v29, v22;
	v16 =	vsel vm0, v23, v16  }
0x150: {  	vm3 =	vgt.f32 v13, v14;
	v15 =	vsel vm1, v15, v18;
	vm2 =	vgt.f32 v32, v28;
	v18 =	vld [tilespmem:s5+$0x0];
	s5 =	smov.u32 s7  }
0x151: {  	v13 =	vsel vm3, v13, v14;
	v14 =	vsel vm3, v17, v19;
	v22 =	vsel vm2, v32, v28  }
0x152: {  	v17 =	vsel vm1, $0x11, v9;
	v19 =	vsel vm2, $0x13, v10;
	vm1 =	vgt.f32 v22, v15  }
0x153: {  	v15 =	vsel vm1, v22, v15;
	v17 =	vsel vm1, v19, v17;
	vm1 =	vgt.f32 v16, v13  }
0x154: {  	v19 =	vsel vm0, v20, v21;
	vm0 =	vgt.f32 v25, v15;
	v13 =	vsel vm1, v16, v13  }
0x155: {  	v14 =	vsel vm1, v19, v14;
	v15 =	vsel vm0, v25, v15;
	v16 =	vmul.u32 $0x15, v18  }
0x156: {  	v17 =	vsel vm0, $0x14, v17;
	vm0 =	vgt.f32 v15, v13  }
0x157: {  	v13 =	vsel vm0, v17, v14  }
0x158: {  	v13 =	vadd.s32 v13, v16  }
0x159: {  	v13 =	vadd.s32 v11, v13;
	_ =	sdelay $0x2  }
0x15a: {  	s6 =	sand.u32 $0x70, s9;
	s9 =	sand.u32 $0x3C00, s4  }
0x15b: {  	s6 =	sor.u32 s6, s9  }
0x15c: {  	[tilespmem:v13+s31+$0x0] =	vst.idx.add.f32.msk $0xffff, v12  }
0x15d: {  	v18 =	vld [tilespmem:s6+$0x10380]  }
0x15e: {  	v13 =	vld [tilespmem:s6+$0xC380]  }
0x15f: {  	v15 =	vld [tilespmem:s6+$0xC280]  }
0x160: {  	v19 =	vld [tilespmem:s6+$0x10180]  }
0x161: {  	v24 =	vld [tilespmem:s6+$0xC100]  }
0x162: {  	v17 =	vld [tilespmem:s6+$0xC300]  }
0x163: {  	v25 =	vld [tilespmem:s6+$0x10280]  }
0x164: {  	v20 =	vld [tilespmem:s6+$0xC200]  }
0x165: {  	v14 =	vld [tilespmem:s6+$0xC080]  }
0x166: {  	v16 =	vld [tilespmem:s6+$0x10000]  }
0x167: {  	v21 =	vld [tilespmem:s6+$0x10100];
	vm1 =	vgt.f32 v13, v17  }
0x168: {  	v23 =	vld [tilespmem:s6+$0x10300];
	v13 =	vsel vm1, v13, v17  }
0x169: {  	v26 =	vld [tilespmem:s6+$0x10200];
	vm3 =	vgt.f32 v15, v20  }
0x16a: {  	v27 =	vld [tilespmem:s6+$0xC180];
	v15 =	vsel vm3, v15, v20  }
0x16b: {  	v20 =	vld [tilespmem:s6+$0xC000];
	vm0 =	vgt.f32 v13, v15  }
.Ltmp4:
0x16c: {  	v22 =	vld [tilespmem:s6+$0x10080];
	vm2 =	vgt.f32 v19, v21;
	v13 =	vsel vm0, v13, v15;
	(pc) =	sbr.rel @p0 .LBB2_10-.Ltmp4, $4  }
0x16d: {  	v17 =	vsel vm1, $0x7, v4;
	v21 =	vsel vm2, v19, v21;
	vm5 =	vgt.f32 v18, v23  }
0x16e: {  	v19 =	vsel vm3, $0x5, v3;
	v15 =	vld [tilespmem:s6+$0x14080];
	vm3 =	vgt.f32 v25, v26;
	v23 =	vsel vm5, v18, v23  }
0x16f: {  	v18 =	vld [tilespmem:s6+$0x14000];
	vm6 =	vgt.f32 v27, v24;
	v25 =	vsel vm3, v25, v26  }
0x170: {  	vm4 =	vgt.f32 v14, v20;
	v24 =	vsel vm6, v27, v24;
	vm1 =	vgt.f32 v23, v25  }
0x171: {  	vm7 =	vgt.f32 v22, v16;
	v26 =	vsel vm2, $0xB, v6  }
0x172: {  	v27 =	vsel vm5, $0xF, v8;
	v28 =	vld [tilespmem:s6+$0x14100];
	v29 =	vsel vm6, $0x3, v2;
	v31 =	vsel vm3, $0xD, v7  }
0x173: {  	v32 =	vld [tilespmem:s6+$0x14180];
	v14 =	vsel vm4, v14, v20;
	v23 =	vsel vm1, v23, v25;
	v17 =	vsel vm0, v17, v19  }
0x174: {  	v30 =	vsel vm7, $0x9, v5;
	v16 =	vsel vm7, v22, v16;
	v20 =	vsel vm1, v27, v31  }
0x175: {  	v22 =	vsel vm4, $0x1, v1;
	vm3 =	vgt.f32 v24, v14;
	vm2 =	vgt.f32 v21, v16  }
0x176: {  	v14 =	vsel vm3, v24, v14;
	v22 =	vsel vm3, v29, v22;
	v16 =	vsel vm2, v21, v16  }
0x177: {  	v19 =	vld [tilespmem:s6+$0x14200];
	v21 =	vsel vm2, v26, v30;
	vm1 =	vgt.f32 v15, v18;
	vm3 =	vgt.f32 v13, v14  }
0x178: {  	vm0 =	vgt.f32 v23, v16;
	v15 =	vsel vm1, v15, v18;
	vm2 =	vgt.f32 v32, v28  }
0x179: {  	v18 =	vld [tilespmem:s5+$0x0];
	v13 =	vsel vm3, v13, v14;
	v16 =	vsel vm0, v23, v16;
	v23 =	vsel vm2, v32, v28  }
0x17a: {  	v14 =	vsel vm1, $0x11, v9;
	v17 =	vsel vm3, v17, v22;
	vm1 =	vgt.f32 v23, v15  }
0x17b: {  	v20 =	vsel vm0, v20, v21;
	v24 =	vsel vm2, $0x13, v10;
	v15 =	vsel vm1, v23, v15  }
0x17c: {  	v14 =	vsel vm1, v24, v14;
	vm1 =	vgt.f32 v16, v13;
	vm0 =	vgt.f32 v19, v15  }
0x17d: {  	v13 =	vsel vm1, v16, v13;
	v16 =	vsel vm1, v20, v17;
	v15 =	vsel vm0, v19, v15  }
0x17e: {  	v17 =	vmul.u32 $0x15, v18;
	v14 =	vsel vm0, $0x14, v14;
	vm0 =	vgt.f32 v15, v13  }
0x17f: {  	v13 =	vsel vm0, v14, v16  }
0x180: {  	v13 =	vadd.s32 v13, v17  }
0x181: {  	v13 =	vadd.s32 v11, v13;
	_ =	sdelay $0x4  }
0x182: {  	[tilespmem:v13+s31+$0x0] =	vst.idx.add.f32.msk $0xffff, v12  }
0x183: {  	_ =	swait.ge [sflag:s28], $0xC000  }
0x184: {  	[sflag:s28] =	ssyncset.done $0x0  }
0x185: {  	[sflag:s28] =	ssyncadd.s32 $0xFFFF4000  }
0x186: {  	_ =	swait.ge [sflag:s28], $0x800  }
0x187: {  	s4 =	simm.s32 $0x0;
	[sflag:s28] =	ssyncset.done $0x0  }
0x188: {  	s9 =	sand.u32 $0x70, s4;
	s10 =	sand.u32 $0x3C00, s4;
	[sflag:s28] =	ssyncadd.s32 $0xFFFFF800  }
0x189: {  	[tilespmem:s29], [sflag:$0x2] =	stream.strided.gather [hbm4b:s13+s25], $0xC000, s26, s25, $0x38;
	[tilespmem:$0x1AE00] =	vst v63  }
0x18a: {  	s6 =	sor.u32 s9, s10  }
0x18b: {  	[tilespmem:s30], [sflag:$0x2] =	stream.linear.gather [hbm4b:s14+s4], $0x800, $0x38;
	[tilespmem:$0x1AE00] =	vst v63  }
0x18c: {  	v18 =	vld [tilespmem:s6+$0x4380]  }
0x18d: {  	v13 =	vld [tilespmem:s6+$0x380]  }
0x18e: {  	v15 =	vld [tilespmem:s6+$0x280]  }
0x18f: {  	v19 =	vld [tilespmem:s6+$0x4180]  }
0x190: {  	v24 =	vld [tilespmem:s6+$0x100]  }
0x191: {  	v16 =	vld [tilespmem:s6+$0x300]  }
0x192: {  	v25 =	vld [tilespmem:s6+$0x4280]  }
0x193: {  	v17 =	vld [tilespmem:s6+$0x200]  }
0x194: {  	v14 =	vld [tilespmem:s6+$0x80]  }
0x195: {  	v21 =	vld [tilespmem:s6+$0x4100]  }
0x196: {  	v23 =	vld [tilespmem:s6+$0x4300]  }
0x197: {  	v27 =	vld [tilespmem:s6+$0x180]  }
0x198: {  	v20 =	vld [tilespmem:s6+$0x0]  }
0x199: {  	v26 =	vld [tilespmem:s6+$0x4200];
	_ =	sdelay $0x1  }
0x19a: {  	v22 =	vld [tilespmem:s6+$0x4080];
	vm1 =	vgt.f32 v13, v16;
	vm3 =	vgt.f32 v15, v17;
	vm2 =	vgt.f32 v19, v21  }
0x19b: {  	vm5 =	vgt.f32 v18, v23;
	vm6 =	vgt.f32 v27, v24;
	v13 =	vsel vm1, v13, v16;
	v16 =	vld [tilespmem:s6+$0x4000]  }
0x19c: {  	vm4 =	vgt.f32 v14, v20;
	v15 =	vsel vm3, v15, v17;
	v17 =	vsel vm1, $0x7, v4  }
0x19d: {  	v21 =	vsel vm2, v19, v21;
	v19 =	vsel vm3, $0x5, v3;
	vm3 =	vgt.f32 v25, v26  }
0x19e: {  	v23 =	vsel vm5, v18, v23;
	v18 =	vld [tilespmem:s6+$0x8000];
	vm0 =	vgt.f32 v13, v15;
	v25 =	vsel vm3, v25, v26  }
0x19f: {  	s7 =	simm.s32 $0x18000;
	s8 =	simm.s32 $0x10;
	s5 =	simm.s32 $0x18000;
	v24 =	vsel vm6, v27, v24;
	v13 =	vsel vm0, v13, v15;
	v15 =	vld [tilespmem:s6+$0x8080];
	vm1 =	vgt.f32 v23, v25  }
.LBB2_12:
0x1a0: {  	p0 =	sne.s32 s8, $0x7F0;
	vm7 =	vgt.f32 v22, v16;
	v26 =	vsel vm2, $0xB, v6;
	v27 =	vsel vm5, $0xF, v8;
	s4 =	sadd.s32 $0x80, s4;
	s7 =	sadd.s32 $0x10, s7  }
0x1a1: {  	v29 =	vsel vm6, $0x3, v2;
	v31 =	vsel vm3, $0xD, v7;
	s9 =	smov.u32 s8;
	s8 =	sadd.s32 $0x10, s8;
	v28 =	vld [tilespmem:s6+$0x8100];
	v30 =	vsel vm7, $0x9, v5  }
0x1a2: {  	v14 =	vsel vm4, v14, v20;
	v16 =	vsel vm7, v22, v16;
	v20 =	vsel vm1, v27, v31;
	v32 =	vld [tilespmem:s6+$0x8180]  }
0x1a3: {  	v22 =	vsel vm4, $0x1, v1;
	vm2 =	vgt.f32 v24, v14;
	vm3 =	vgt.f32 v21, v16  }
0x1a4: {  	v23 =	vsel vm1, v23, v25;
	v16 =	vsel vm3, v21, v16;
	v21 =	vsel vm3, v26, v30  }
0x1a5: {  	v17 =	vsel vm0, v17, v19;
	vm1 =	vgt.f32 v15, v18;
	vm0 =	vgt.f32 v23, v16;
	v25 =	vld [tilespmem:s6+$0x8200]  }
0x1a6: {  	v14 =	vsel vm2, v24, v14;
	v19 =	vsel vm2, v29, v22;
	v16 =	vsel vm0, v23, v16  }
0x1a7: {  	vm3 =	vgt.f32 v13, v14;
	v15 =	vsel vm1, v15, v18;
	vm2 =	vgt.f32 v32, v28;
	v18 =	vld [tilespmem:s5+$0x0];
	s5 =	smov.u32 s7  }
0x1a8: {  	v13 =	vsel vm3, v13, v14;
	v14 =	vsel vm3, v17, v19;
	v22 =	vsel vm2, v32, v28  }
0x1a9: {  	v17 =	vsel vm1, $0x11, v9;
	v19 =	vsel vm2, $0x13, v10;
	vm1 =	vgt.f32 v22, v15  }
0x1aa: {  	v15 =	vsel vm1, v22, v15;
	v17 =	vsel vm1, v19, v17;
	vm1 =	vgt.f32 v16, v13  }
0x1ab: {  	v19 =	vsel vm0, v20, v21;
	vm0 =	vgt.f32 v25, v15;
	v13 =	vsel vm1, v16, v13  }
0x1ac: {  	v14 =	vsel vm1, v19, v14;
	v15 =	vsel vm0, v25, v15;
	v16 =	vmul.u32 $0x15, v18  }
0x1ad: {  	v17 =	vsel vm0, $0x14, v17;
	vm0 =	vgt.f32 v15, v13  }
0x1ae: {  	v13 =	vsel vm0, v17, v14  }
0x1af: {  	v13 =	vadd.s32 v13, v16  }
0x1b0: {  	v13 =	vadd.s32 v11, v13;
	_ =	sdelay $0x2  }
0x1b1: {  	s6 =	sand.u32 $0x70, s9;
	s9 =	sand.u32 $0x3C00, s4  }
0x1b2: {  	s6 =	sor.u32 s6, s9  }
0x1b3: {  	[tilespmem:v13+s31+$0x0] =	vst.idx.add.f32.msk $0xffff, v12  }
0x1b4: {  	v18 =	vld [tilespmem:s6+$0x4380]  }
0x1b5: {  	v13 =	vld [tilespmem:s6+$0x380]  }
0x1b6: {  	v15 =	vld [tilespmem:s6+$0x280]  }
0x1b7: {  	v19 =	vld [tilespmem:s6+$0x4180]  }
0x1b8: {  	v24 =	vld [tilespmem:s6+$0x100]  }
0x1b9: {  	v17 =	vld [tilespmem:s6+$0x300]  }
0x1ba: {  	v25 =	vld [tilespmem:s6+$0x4280]  }
0x1bb: {  	v20 =	vld [tilespmem:s6+$0x200]  }
0x1bc: {  	v14 =	vld [tilespmem:s6+$0x80]  }
0x1bd: {  	v16 =	vld [tilespmem:s6+$0x4000]  }
0x1be: {  	v21 =	vld [tilespmem:s6+$0x4100];
	vm1 =	vgt.f32 v13, v17  }
0x1bf: {  	v23 =	vld [tilespmem:s6+$0x4300];
	v13 =	vsel vm1, v13, v17  }
0x1c0: {  	v26 =	vld [tilespmem:s6+$0x4200];
	vm3 =	vgt.f32 v15, v20  }
0x1c1: {  	v27 =	vld [tilespmem:s6+$0x180];
	v15 =	vsel vm3, v15, v20  }
0x1c2: {  	v20 =	vld [tilespmem:s6+$0x0];
	vm0 =	vgt.f32 v13, v15  }
.Ltmp5:
0x1c3: {  	v22 =	vld [tilespmem:s6+$0x4080];
	vm2 =	vgt.f32 v19, v21;
	v13 =	vsel vm0, v13, v15;
	(pc) =	sbr.rel @p0 .LBB2_12-.Ltmp5, $4  }
0x1c4: {  	v17 =	vsel vm1, $0x7, v4;
	v21 =	vsel vm2, v19, v21;
	vm5 =	vgt.f32 v18, v23  }
0x1c5: {  	v19 =	vsel vm3, $0x5, v3;
	v15 =	vld [tilespmem:s6+$0x8080];
	vm3 =	vgt.f32 v25, v26;
	v23 =	vsel vm5, v18, v23  }
0x1c6: {  	v18 =	vld [tilespmem:s6+$0x8000];
	vm6 =	vgt.f32 v27, v24;
	v25 =	vsel vm3, v25, v26  }
0x1c7: {  	vm4 =	vgt.f32 v14, v20;
	v24 =	vsel vm6, v27, v24;
	vm1 =	vgt.f32 v23, v25  }
0x1c8: {  	vm7 =	vgt.f32 v22, v16;
	v26 =	vsel vm2, $0xB, v6  }
0x1c9: {  	v27 =	vsel vm5, $0xF, v8;
	v28 =	vld [tilespmem:s6+$0x8100];
	v29 =	vsel vm6, $0x3, v2;
	v31 =	vsel vm3, $0xD, v7  }
0x1ca: {  	v32 =	vld [tilespmem:s6+$0x8180];
	v14 =	vsel vm4, v14, v20;
	v23 =	vsel vm1, v23, v25;
	v17 =	vsel vm0, v17, v19  }
0x1cb: {  	v30 =	vsel vm7, $0x9, v5;
	v16 =	vsel vm7, v22, v16;
	v20 =	vsel vm1, v27, v31  }
0x1cc: {  	v22 =	vsel vm4, $0x1, v1;
	vm3 =	vgt.f32 v24, v14;
	vm2 =	vgt.f32 v21, v16  }
0x1cd: {  	v14 =	vsel vm3, v24, v14;
	v22 =	vsel vm3, v29, v22;
	v16 =	vsel vm2, v21, v16  }
0x1ce: {  	v19 =	vld [tilespmem:s6+$0x8200];
	v21 =	vsel vm2, v26, v30;
	vm1 =	vgt.f32 v15, v18;
	vm3 =	vgt.f32 v13, v14  }
0x1cf: {  	vm0 =	vgt.f32 v23, v16;
	v15 =	vsel vm1, v15, v18;
	vm2 =	vgt.f32 v32, v28  }
0x1d0: {  	v18 =	vld [tilespmem:s5+$0x0];
	v13 =	vsel vm3, v13, v14;
	v16 =	vsel vm0, v23, v16;
	v23 =	vsel vm2, v32, v28  }
0x1d1: {  	v14 =	vsel vm1, $0x11, v9;
	v17 =	vsel vm3, v17, v22;
	vm1 =	vgt.f32 v23, v15  }
0x1d2: {  	v20 =	vsel vm0, v20, v21;
	v24 =	vsel vm2, $0x13, v10;
	v15 =	vsel vm1, v23, v15  }
0x1d3: {  	v14 =	vsel vm1, v24, v14;
	vm1 =	vgt.f32 v16, v13;
	vm0 =	vgt.f32 v19, v15  }
0x1d4: {  	v13 =	vsel vm1, v16, v13;
	v16 =	vsel vm1, v20, v17;
	v15 =	vsel vm0, v19, v15  }
0x1d5: {  	v17 =	vmul.u32 $0x15, v18;
	v14 =	vsel vm0, $0x14, v14;
	vm0 =	vgt.f32 v15, v13  }
0x1d6: {  	v13 =	vsel vm0, v14, v16  }
0x1d7: {  	v13 =	vadd.s32 v13, v17  }
0x1d8: {  	v13 =	vadd.s32 v11, v13;
	_ =	sdelay $0x4  }
0x1d9: {  	[tilespmem:v13+s31+$0x0] =	vst.idx.add.f32.msk $0xffff, v12  }
0x1da: {  	_ =	swait.ge [sflag:s1], $0xC000  }
0x1db: {  	[sflag:s1] =	ssyncset.done $0x0  }
0x1dc: {  	[sflag:s1] =	ssyncadd.s32 $0xFFFF4000  }
0x1dd: {  	_ =	swait.ge [sflag:s1], $0x800  }
0x1de: {  	s4 =	simm.s32 $0x0;
	[sflag:s1] =	ssyncset.done $0x0  }
0x1df: {  	s9 =	sand.u32 $0x70, s4;
	s10 =	sand.u32 $0x3C00, s4;
	[sflag:s1] =	ssyncadd.s32 $0xFFFFF800  }
0x1e0: {  	[tilespmem:s4], [sflag:$0x1] =	stream.strided.gather [hbm4b:s15+s25], $0xC000, s26, s25, $0x38;
	[tilespmem:$0x1AE00] =	vst v63  }
0x1e1: {  	s6 =	sor.u32 s9, s10  }
0x1e2: {  	[tilespmem:s0], [sflag:$0x1] =	stream.linear.gather [hbm4b:s16+s4], $0x800, $0x38;
	[tilespmem:$0x1AE00] =	vst v63  }
0x1e3: {  	v18 =	vld [tilespmem:s6+$0x10380]  }
0x1e4: {  	v13 =	vld [tilespmem:s6+$0xC380]  }
0x1e5: {  	v15 =	vld [tilespmem:s6+$0xC280]  }
0x1e6: {  	v19 =	vld [tilespmem:s6+$0x10180]  }
0x1e7: {  	v24 =	vld [tilespmem:s6+$0xC100]  }
0x1e8: {  	v16 =	vld [tilespmem:s6+$0xC300]  }
0x1e9: {  	v25 =	vld [tilespmem:s6+$0x10280]  }
0x1ea: {  	v17 =	vld [tilespmem:s6+$0xC200]  }
0x1eb: {  	v14 =	vld [tilespmem:s6+$0xC080]  }
0x1ec: {  	v21 =	vld [tilespmem:s6+$0x10100]  }
0x1ed: {  	v23 =	vld [tilespmem:s6+$0x10300]  }
0x1ee: {  	v27 =	vld [tilespmem:s6+$0xC180]  }
0x1ef: {  	v20 =	vld [tilespmem:s6+$0xC000]  }
0x1f0: {  	v26 =	vld [tilespmem:s6+$0x10200];
	_ =	sdelay $0x1  }
0x1f1: {  	v22 =	vld [tilespmem:s6+$0x10080];
	vm1 =	vgt.f32 v13, v16;
	vm3 =	vgt.f32 v15, v17;
	vm2 =	vgt.f32 v19, v21  }
0x1f2: {  	vm5 =	vgt.f32 v18, v23;
	vm6 =	vgt.f32 v27, v24;
	v13 =	vsel vm1, v13, v16;
	v16 =	vld [tilespmem:s6+$0x10000]  }
0x1f3: {  	vm4 =	vgt.f32 v14, v20;
	v15 =	vsel vm3, v15, v17;
	v17 =	vsel vm1, $0x7, v4  }
0x1f4: {  	v21 =	vsel vm2, v19, v21;
	v19 =	vsel vm3, $0x5, v3;
	vm3 =	vgt.f32 v25, v26  }
0x1f5: {  	v23 =	vsel vm5, v18, v23;
	v18 =	vld [tilespmem:s6+$0x14000];
	vm0 =	vgt.f32 v13, v15;
	v25 =	vsel vm3, v25, v26  }
0x1f6: {  	s7 =	simm.s32 $0x18800;
	s8 =	simm.s32 $0x10;
	s5 =	simm.s32 $0x18800;
	v24 =	vsel vm6, v27, v24;
	v13 =	vsel vm0, v13, v15;
	v15 =	vld [tilespmem:s6+$0x14080];
	vm1 =	vgt.f32 v23, v25  }
.LBB2_14:
0x1f7: {  	p0 =	sne.s32 s8, $0x7F0;
	vm7 =	vgt.f32 v22, v16;
	v26 =	vsel vm2, $0xB, v6;
	v27 =	vsel vm5, $0xF, v8;
	s4 =	sadd.s32 $0x80, s4;
	s7 =	sadd.s32 $0x10, s7  }
0x1f8: {  	v29 =	vsel vm6, $0x3, v2;
	v31 =	vsel vm3, $0xD, v7;
	s9 =	smov.u32 s8;
	s8 =	sadd.s32 $0x10, s8;
	v28 =	vld [tilespmem:s6+$0x14100];
	v30 =	vsel vm7, $0x9, v5  }
0x1f9: {  	v14 =	vsel vm4, v14, v20;
	v16 =	vsel vm7, v22, v16;
	v20 =	vsel vm1, v27, v31;
	v32 =	vld [tilespmem:s6+$0x14180]  }
0x1fa: {  	v22 =	vsel vm4, $0x1, v1;
	vm2 =	vgt.f32 v24, v14;
	vm3 =	vgt.f32 v21, v16  }
0x1fb: {  	v23 =	vsel vm1, v23, v25;
	v16 =	vsel vm3, v21, v16;
	v21 =	vsel vm3, v26, v30  }
0x1fc: {  	v17 =	vsel vm0, v17, v19;
	vm1 =	vgt.f32 v15, v18;
	vm0 =	vgt.f32 v23, v16;
	v25 =	vld [tilespmem:s6+$0x14200]  }
0x1fd: {  	v14 =	vsel vm2, v24, v14;
	v19 =	vsel vm2, v29, v22;
	v16 =	vsel vm0, v23, v16  }
0x1fe: {  	vm3 =	vgt.f32 v13, v14;
	v15 =	vsel vm1, v15, v18;
	vm2 =	vgt.f32 v32, v28;
	v18 =	vld [tilespmem:s5+$0x0];
	s5 =	smov.u32 s7  }
0x1ff: {  	v13 =	vsel vm3, v13, v14;
	v14 =	vsel vm3, v17, v19;
	v22 =	vsel vm2, v32, v28  }
0x200: {  	v17 =	vsel vm1, $0x11, v9;
	v19 =	vsel vm2, $0x13, v10;
	vm1 =	vgt.f32 v22, v15  }
0x201: {  	v15 =	vsel vm1, v22, v15;
	v17 =	vsel vm1, v19, v17;
	vm1 =	vgt.f32 v16, v13  }
0x202: {  	v19 =	vsel vm0, v20, v21;
	vm0 =	vgt.f32 v25, v15;
	v13 =	vsel vm1, v16, v13  }
0x203: {  	v14 =	vsel vm1, v19, v14;
	v15 =	vsel vm0, v25, v15;
	v16 =	vmul.u32 $0x15, v18  }
0x204: {  	v17 =	vsel vm0, $0x14, v17;
	vm0 =	vgt.f32 v15, v13  }
0x205: {  	v13 =	vsel vm0, v17, v14  }
0x206: {  	v13 =	vadd.s32 v13, v16  }
0x207: {  	v13 =	vadd.s32 v11, v13;
	_ =	sdelay $0x2  }
0x208: {  	s6 =	sand.u32 $0x70, s9;
	s9 =	sand.u32 $0x3C00, s4  }
0x209: {  	s6 =	sor.u32 s6, s9  }
0x20a: {  	[tilespmem:v13+s31+$0x0] =	vst.idx.add.f32.msk $0xffff, v12  }
0x20b: {  	v18 =	vld [tilespmem:s6+$0x10380]  }
0x20c: {  	v13 =	vld [tilespmem:s6+$0xC380]  }
0x20d: {  	v15 =	vld [tilespmem:s6+$0xC280]  }
0x20e: {  	v19 =	vld [tilespmem:s6+$0x10180]  }
0x20f: {  	v24 =	vld [tilespmem:s6+$0xC100]  }
0x210: {  	v17 =	vld [tilespmem:s6+$0xC300]  }
0x211: {  	v25 =	vld [tilespmem:s6+$0x10280]  }
0x212: {  	v20 =	vld [tilespmem:s6+$0xC200]  }
0x213: {  	v14 =	vld [tilespmem:s6+$0xC080]  }
0x214: {  	v16 =	vld [tilespmem:s6+$0x10000]  }
0x215: {  	v21 =	vld [tilespmem:s6+$0x10100];
	vm1 =	vgt.f32 v13, v17  }
0x216: {  	v23 =	vld [tilespmem:s6+$0x10300];
	v13 =	vsel vm1, v13, v17  }
0x217: {  	v26 =	vld [tilespmem:s6+$0x10200];
	vm3 =	vgt.f32 v15, v20  }
0x218: {  	v27 =	vld [tilespmem:s6+$0xC180];
	v15 =	vsel vm3, v15, v20  }
0x219: {  	v20 =	vld [tilespmem:s6+$0xC000];
	vm0 =	vgt.f32 v13, v15  }
.Ltmp6:
0x21a: {  	v22 =	vld [tilespmem:s6+$0x10080];
	vm2 =	vgt.f32 v19, v21;
	v13 =	vsel vm0, v13, v15;
	(pc) =	sbr.rel @p0 .LBB2_14-.Ltmp6, $4  }
0x21b: {  	v17 =	vsel vm1, $0x7, v4;
	v21 =	vsel vm2, v19, v21;
	vm5 =	vgt.f32 v18, v23  }
0x21c: {  	v19 =	vsel vm3, $0x5, v3;
	v15 =	vld [tilespmem:s6+$0x14080];
	vm3 =	vgt.f32 v25, v26;
	v23 =	vsel vm5, v18, v23  }
0x21d: {  	v18 =	vld [tilespmem:s6+$0x14000];
	vm6 =	vgt.f32 v27, v24;
	v25 =	vsel vm3, v25, v26  }
0x21e: {  	vm4 =	vgt.f32 v14, v20;
	v24 =	vsel vm6, v27, v24;
	vm1 =	vgt.f32 v23, v25  }
0x21f: {  	vm7 =	vgt.f32 v22, v16;
	v26 =	vsel vm2, $0xB, v6  }
0x220: {  	v27 =	vsel vm5, $0xF, v8;
	v28 =	vld [tilespmem:s6+$0x14100];
	v29 =	vsel vm6, $0x3, v2;
	v31 =	vsel vm3, $0xD, v7  }
0x221: {  	v32 =	vld [tilespmem:s6+$0x14180];
	v14 =	vsel vm4, v14, v20;
	v23 =	vsel vm1, v23, v25;
	v17 =	vsel vm0, v17, v19  }
0x222: {  	v30 =	vsel vm7, $0x9, v5;
	v16 =	vsel vm7, v22, v16;
	v20 =	vsel vm1, v27, v31  }
0x223: {  	v22 =	vsel vm4, $0x1, v1;
	vm3 =	vgt.f32 v24, v14;
	vm2 =	vgt.f32 v21, v16  }
0x224: {  	v14 =	vsel vm3, v24, v14;
	v22 =	vsel vm3, v29, v22;
	v16 =	vsel vm2, v21, v16  }
0x225: {  	v19 =	vld [tilespmem:s6+$0x14200];
	v21 =	vsel vm2, v26, v30;
	vm1 =	vgt.f32 v15, v18;
	vm3 =	vgt.f32 v13, v14  }
0x226: {  	vm0 =	vgt.f32 v23, v16;
	v15 =	vsel vm1, v15, v18;
	vm2 =	vgt.f32 v32, v28  }
0x227: {  	v18 =	vld [tilespmem:s5+$0x0];
	v13 =	vsel vm3, v13, v14;
	v16 =	vsel vm0, v23, v16;
	v23 =	vsel vm2, v32, v28  }
0x228: {  	v14 =	vsel vm1, $0x11, v9;
	v17 =	vsel vm3, v17, v22;
	vm1 =	vgt.f32 v23, v15  }
0x229: {  	v20 =	vsel vm0, v20, v21;
	v24 =	vsel vm2, $0x13, v10;
	v15 =	vsel vm1, v23, v15  }
0x22a: {  	v14 =	vsel vm1, v24, v14;
	vm1 =	vgt.f32 v16, v13;
	vm0 =	vgt.f32 v19, v15  }
0x22b: {  	v13 =	vsel vm1, v16, v13;
	v16 =	vsel vm1, v20, v17;
	v15 =	vsel vm0, v19, v15  }
0x22c: {  	v17 =	vmul.u32 $0x15, v18;
	v14 =	vsel vm0, $0x14, v14;
	vm0 =	vgt.f32 v15, v13  }
0x22d: {  	v13 =	vsel vm0, v14, v16  }
0x22e: {  	v13 =	vadd.s32 v13, v17  }
0x22f: {  	v13 =	vadd.s32 v11, v13;
	_ =	sdelay $0x4  }
0x230: {  	[tilespmem:v13+s31+$0x0] =	vst.idx.add.f32.msk $0xffff, v12  }
0x231: {  	_ =	swait.ge [sflag:s28], $0xC000  }
0x232: {  	[sflag:s28] =	ssyncset.done $0x0  }
0x233: {  	[sflag:s28] =	ssyncadd.s32 $0xFFFF4000  }
0x234: {  	_ =	swait.ge [sflag:s28], $0x800  }
0x235: {  	s4 =	simm.s32 $0x0;
	[sflag:s28] =	ssyncset.done $0x0  }
0x236: {  	s9 =	sand.u32 $0x70, s4;
	s10 =	sand.u32 $0x3C00, s4;
	[sflag:s28] =	ssyncadd.s32 $0xFFFFF800  }
0x237: {  	[tilespmem:s29], [sflag:$0x2] =	stream.strided.gather [hbm4b:s17+s25], $0xC000, s26, s25, $0x38;
	[tilespmem:$0x1AE00] =	vst v63  }
0x238: {  	s6 =	sor.u32 s9, s10  }
0x239: {  	[tilespmem:s30], [sflag:$0x2] =	stream.linear.gather [hbm4b:s18+s4], $0x800, $0x38;
	[tilespmem:$0x1AE00] =	vst v63  }
0x23a: {  	v18 =	vld [tilespmem:s6+$0x4380]  }
0x23b: {  	v13 =	vld [tilespmem:s6+$0x380]  }
0x23c: {  	v15 =	vld [tilespmem:s6+$0x280]  }
0x23d: {  	v19 =	vld [tilespmem:s6+$0x4180]  }
0x23e: {  	v24 =	vld [tilespmem:s6+$0x100]  }
0x23f: {  	v16 =	vld [tilespmem:s6+$0x300]  }
0x240: {  	v25 =	vld [tilespmem:s6+$0x4280]  }
0x241: {  	v17 =	vld [tilespmem:s6+$0x200]  }
0x242: {  	v14 =	vld [tilespmem:s6+$0x80]  }
0x243: {  	v21 =	vld [tilespmem:s6+$0x4100]  }
0x244: {  	v23 =	vld [tilespmem:s6+$0x4300]  }
0x245: {  	v27 =	vld [tilespmem:s6+$0x180]  }
0x246: {  	v20 =	vld [tilespmem:s6+$0x0]  }
0x247: {  	v26 =	vld [tilespmem:s6+$0x4200];
	_ =	sdelay $0x1  }
0x248: {  	v22 =	vld [tilespmem:s6+$0x4080];
	vm1 =	vgt.f32 v13, v16;
	vm3 =	vgt.f32 v15, v17;
	vm2 =	vgt.f32 v19, v21  }
0x249: {  	vm5 =	vgt.f32 v18, v23;
	vm6 =	vgt.f32 v27, v24;
	v13 =	vsel vm1, v13, v16;
	v16 =	vld [tilespmem:s6+$0x4000]  }
0x24a: {  	vm4 =	vgt.f32 v14, v20;
	v15 =	vsel vm3, v15, v17;
	v17 =	vsel vm1, $0x7, v4  }
0x24b: {  	v21 =	vsel vm2, v19, v21;
	v19 =	vsel vm3, $0x5, v3;
	vm3 =	vgt.f32 v25, v26  }
0x24c: {  	v23 =	vsel vm5, v18, v23;
	v18 =	vld [tilespmem:s6+$0x8000];
	vm0 =	vgt.f32 v13, v15;
	v25 =	vsel vm3, v25, v26  }
0x24d: {  	s7 =	simm.s32 $0x18000;
	s8 =	simm.s32 $0x10;
	s5 =	simm.s32 $0x18000;
	v24 =	vsel vm6, v27, v24;
	v13 =	vsel vm0, v13, v15;
	v15 =	vld [tilespmem:s6+$0x8080];
	vm1 =	vgt.f32 v23, v25  }
.LBB2_16:
0x24e: {  	p0 =	sne.s32 s8, $0x7F0;
	vm7 =	vgt.f32 v22, v16;
	v26 =	vsel vm2, $0xB, v6;
	v27 =	vsel vm5, $0xF, v8;
	s4 =	sadd.s32 $0x80, s4;
	s7 =	sadd.s32 $0x10, s7  }
0x24f: {  	v29 =	vsel vm6, $0x3, v2;
	v31 =	vsel vm3, $0xD, v7;
	s9 =	smov.u32 s8;
	s8 =	sadd.s32 $0x10, s8;
	v28 =	vld [tilespmem:s6+$0x8100];
	v30 =	vsel vm7, $0x9, v5  }
0x250: {  	v14 =	vsel vm4, v14, v20;
	v16 =	vsel vm7, v22, v16;
	v20 =	vsel vm1, v27, v31;
	v32 =	vld [tilespmem:s6+$0x8180]  }
0x251: {  	v22 =	vsel vm4, $0x1, v1;
	vm2 =	vgt.f32 v24, v14;
	vm3 =	vgt.f32 v21, v16  }
0x252: {  	v23 =	vsel vm1, v23, v25;
	v16 =	vsel vm3, v21, v16;
	v21 =	vsel vm3, v26, v30  }
0x253: {  	v17 =	vsel vm0, v17, v19;
	vm1 =	vgt.f32 v15, v18;
	vm0 =	vgt.f32 v23, v16;
	v25 =	vld [tilespmem:s6+$0x8200]  }
0x254: {  	v14 =	vsel vm2, v24, v14;
	v19 =	vsel vm2, v29, v22;
	v16 =	vsel vm0, v23, v16  }
0x255: {  	vm3 =	vgt.f32 v13, v14;
	v15 =	vsel vm1, v15, v18;
	vm2 =	vgt.f32 v32, v28;
	v18 =	vld [tilespmem:s5+$0x0];
	s5 =	smov.u32 s7  }
0x256: {  	v13 =	vsel vm3, v13, v14;
	v14 =	vsel vm3, v17, v19;
	v22 =	vsel vm2, v32, v28  }
0x257: {  	v17 =	vsel vm1, $0x11, v9;
	v19 =	vsel vm2, $0x13, v10;
	vm1 =	vgt.f32 v22, v15  }
0x258: {  	v15 =	vsel vm1, v22, v15;
	v17 =	vsel vm1, v19, v17;
	vm1 =	vgt.f32 v16, v13  }
0x259: {  	v19 =	vsel vm0, v20, v21;
	vm0 =	vgt.f32 v25, v15;
	v13 =	vsel vm1, v16, v13  }
0x25a: {  	v14 =	vsel vm1, v19, v14;
	v15 =	vsel vm0, v25, v15;
	v16 =	vmul.u32 $0x15, v18  }
0x25b: {  	v17 =	vsel vm0, $0x14, v17;
	vm0 =	vgt.f32 v15, v13  }
0x25c: {  	v13 =	vsel vm0, v17, v14  }
0x25d: {  	v13 =	vadd.s32 v13, v16  }
0x25e: {  	v13 =	vadd.s32 v11, v13;
	_ =	sdelay $0x2  }
0x25f: {  	s6 =	sand.u32 $0x70, s9;
	s9 =	sand.u32 $0x3C00, s4  }
0x260: {  	s6 =	sor.u32 s6, s9  }
0x261: {  	[tilespmem:v13+s31+$0x0] =	vst.idx.add.f32.msk $0xffff, v12  }
0x262: {  	v18 =	vld [tilespmem:s6+$0x4380]  }
0x263: {  	v13 =	vld [tilespmem:s6+$0x380]  }
0x264: {  	v15 =	vld [tilespmem:s6+$0x280]  }
0x265: {  	v19 =	vld [tilespmem:s6+$0x4180]  }
0x266: {  	v24 =	vld [tilespmem:s6+$0x100]  }
0x267: {  	v17 =	vld [tilespmem:s6+$0x300]  }
0x268: {  	v25 =	vld [tilespmem:s6+$0x4280]  }
0x269: {  	v20 =	vld [tilespmem:s6+$0x200]  }
0x26a: {  	v14 =	vld [tilespmem:s6+$0x80]  }
0x26b: {  	v16 =	vld [tilespmem:s6+$0x4000]  }
0x26c: {  	v21 =	vld [tilespmem:s6+$0x4100];
	vm1 =	vgt.f32 v13, v17  }
0x26d: {  	v23 =	vld [tilespmem:s6+$0x4300];
	v13 =	vsel vm1, v13, v17  }
0x26e: {  	v26 =	vld [tilespmem:s6+$0x4200];
	vm3 =	vgt.f32 v15, v20  }
0x26f: {  	v27 =	vld [tilespmem:s6+$0x180];
	v15 =	vsel vm3, v15, v20  }
0x270: {  	v20 =	vld [tilespmem:s6+$0x0];
	vm0 =	vgt.f32 v13, v15  }
.Ltmp7:
0x271: {  	v22 =	vld [tilespmem:s6+$0x4080];
	vm2 =	vgt.f32 v19, v21;
	v13 =	vsel vm0, v13, v15;
	(pc) =	sbr.rel @p0 .LBB2_16-.Ltmp7, $4  }
0x272: {  	v17 =	vsel vm1, $0x7, v4;
	v21 =	vsel vm2, v19, v21;
	vm5 =	vgt.f32 v18, v23  }
0x273: {  	v19 =	vsel vm3, $0x5, v3;
	v15 =	vld [tilespmem:s6+$0x8080];
	vm3 =	vgt.f32 v25, v26;
	v23 =	vsel vm5, v18, v23  }
0x274: {  	v18 =	vld [tilespmem:s6+$0x8000];
	vm6 =	vgt.f32 v27, v24;
	v25 =	vsel vm3, v25, v26  }
0x275: {  	vm4 =	vgt.f32 v14, v20;
	v24 =	vsel vm6, v27, v24;
	vm1 =	vgt.f32 v23, v25  }
0x276: {  	vm7 =	vgt.f32 v22, v16;
	v26 =	vsel vm2, $0xB, v6  }
0x277: {  	v27 =	vsel vm5, $0xF, v8;
	v28 =	vld [tilespmem:s6+$0x8100];
	v29 =	vsel vm6, $0x3, v2;
	v31 =	vsel vm3, $0xD, v7  }
0x278: {  	v32 =	vld [tilespmem:s6+$0x8180];
	v14 =	vsel vm4, v14, v20;
	v23 =	vsel vm1, v23, v25;
	v17 =	vsel vm0, v17, v19  }
0x279: {  	v30 =	vsel vm7, $0x9, v5;
	v16 =	vsel vm7, v22, v16;
	v20 =	vsel vm1, v27, v31  }
0x27a: {  	v22 =	vsel vm4, $0x1, v1;
	vm3 =	vgt.f32 v24, v14;
	vm2 =	vgt.f32 v21, v16  }
0x27b: {  	v14 =	vsel vm3, v24, v14;
	v22 =	vsel vm3, v29, v22;
	v16 =	vsel vm2, v21, v16  }
0x27c: {  	v19 =	vld [tilespmem:s6+$0x8200];
	v21 =	vsel vm2, v26, v30;
	vm1 =	vgt.f32 v15, v18;
	vm3 =	vgt.f32 v13, v14  }
0x27d: {  	vm0 =	vgt.f32 v23, v16;
	v15 =	vsel vm1, v15, v18;
	vm2 =	vgt.f32 v32, v28  }
0x27e: {  	v18 =	vld [tilespmem:s5+$0x0];
	v13 =	vsel vm3, v13, v14;
	v16 =	vsel vm0, v23, v16;
	v23 =	vsel vm2, v32, v28  }
0x27f: {  	v14 =	vsel vm1, $0x11, v9;
	v17 =	vsel vm3, v17, v22;
	vm1 =	vgt.f32 v23, v15  }
0x280: {  	v20 =	vsel vm0, v20, v21;
	v24 =	vsel vm2, $0x13, v10;
	v15 =	vsel vm1, v23, v15  }
0x281: {  	v14 =	vsel vm1, v24, v14;
	vm1 =	vgt.f32 v16, v13;
	vm0 =	vgt.f32 v19, v15  }
0x282: {  	v13 =	vsel vm1, v16, v13;
	v16 =	vsel vm1, v20, v17;
	v15 =	vsel vm0, v19, v15  }
0x283: {  	v17 =	vmul.u32 $0x15, v18;
	v14 =	vsel vm0, $0x14, v14;
	vm0 =	vgt.f32 v15, v13  }
0x284: {  	v13 =	vsel vm0, v14, v16  }
0x285: {  	v13 =	vadd.s32 v13, v17  }
0x286: {  	v13 =	vadd.s32 v11, v13;
	_ =	sdelay $0x4  }
0x287: {  	[tilespmem:v13+s31+$0x0] =	vst.idx.add.f32.msk $0xffff, v12  }
0x288: {  	_ =	swait.ge [sflag:s1], $0xC000  }
0x289: {  	[sflag:s1] =	ssyncset.done $0x0  }
0x28a: {  	[sflag:s1] =	ssyncadd.s32 $0xFFFF4000  }
0x28b: {  	_ =	swait.ge [sflag:s1], $0x800  }
0x28c: {  	s4 =	simm.s32 $0x0;
	[sflag:s1] =	ssyncset.done $0x0  }
0x28d: {  	s9 =	sand.u32 $0x70, s4;
	s10 =	sand.u32 $0x3C00, s4;
	[sflag:s1] =	ssyncadd.s32 $0xFFFFF800  }
0x28e: {  	[tilespmem:s4], [sflag:$0x1] =	stream.strided.gather [hbm4b:s19+s25], $0xC000, s26, s25, $0x38;
	[tilespmem:$0x1AE00] =	vst v63  }
0x28f: {  	s6 =	sor.u32 s9, s10  }
0x290: {  	[tilespmem:s0], [sflag:$0x1] =	stream.linear.gather [hbm4b:s21+s4], $0x800, $0x38;
	[tilespmem:$0x1AE00] =	vst v63  }
0x291: {  	v18 =	vld [tilespmem:s6+$0x10380]  }
0x292: {  	v13 =	vld [tilespmem:s6+$0xC380]  }
0x293: {  	v15 =	vld [tilespmem:s6+$0xC280]  }
0x294: {  	v19 =	vld [tilespmem:s6+$0x10180]  }
0x295: {  	v24 =	vld [tilespmem:s6+$0xC100]  }
0x296: {  	v16 =	vld [tilespmem:s6+$0xC300]  }
0x297: {  	v25 =	vld [tilespmem:s6+$0x10280]  }
0x298: {  	v17 =	vld [tilespmem:s6+$0xC200]  }
0x299: {  	v14 =	vld [tilespmem:s6+$0xC080]  }
0x29a: {  	v21 =	vld [tilespmem:s6+$0x10100]  }
0x29b: {  	v23 =	vld [tilespmem:s6+$0x10300]  }
0x29c: {  	v27 =	vld [tilespmem:s6+$0xC180]  }
0x29d: {  	v20 =	vld [tilespmem:s6+$0xC000]  }
0x29e: {  	v26 =	vld [tilespmem:s6+$0x10200];
	_ =	sdelay $0x1  }
0x29f: {  	v22 =	vld [tilespmem:s6+$0x10080];
	vm1 =	vgt.f32 v13, v16;
	vm3 =	vgt.f32 v15, v17;
	vm2 =	vgt.f32 v19, v21  }
0x2a0: {  	vm5 =	vgt.f32 v18, v23;
	vm6 =	vgt.f32 v27, v24;
	v13 =	vsel vm1, v13, v16;
	v16 =	vld [tilespmem:s6+$0x10000]  }
0x2a1: {  	vm4 =	vgt.f32 v14, v20;
	v15 =	vsel vm3, v15, v17;
	v17 =	vsel vm1, $0x7, v4  }
0x2a2: {  	v21 =	vsel vm2, v19, v21;
	v19 =	vsel vm3, $0x5, v3;
	vm3 =	vgt.f32 v25, v26  }
0x2a3: {  	v23 =	vsel vm5, v18, v23;
	v18 =	vld [tilespmem:s6+$0x14000];
	vm0 =	vgt.f32 v13, v15;
	v25 =	vsel vm3, v25, v26  }
0x2a4: {  	s7 =	simm.s32 $0x18800;
	s8 =	simm.s32 $0x10;
	s5 =	simm.s32 $0x18800;
	v24 =	vsel vm6, v27, v24;
	v13 =	vsel vm0, v13, v15;
	v15 =	vld [tilespmem:s6+$0x14080];
	vm1 =	vgt.f32 v23, v25  }
.LBB2_18:
0x2a5: {  	p0 =	sne.s32 s8, $0x7F0;
	vm7 =	vgt.f32 v22, v16;
	v26 =	vsel vm2, $0xB, v6;
	v27 =	vsel vm5, $0xF, v8;
	s4 =	sadd.s32 $0x80, s4;
	s7 =	sadd.s32 $0x10, s7  }
0x2a6: {  	v29 =	vsel vm6, $0x3, v2;
	v31 =	vsel vm3, $0xD, v7;
	s9 =	smov.u32 s8;
	s8 =	sadd.s32 $0x10, s8;
	v28 =	vld [tilespmem:s6+$0x14100];
	v30 =	vsel vm7, $0x9, v5  }
0x2a7: {  	v14 =	vsel vm4, v14, v20;
	v16 =	vsel vm7, v22, v16;
	v20 =	vsel vm1, v27, v31;
	v32 =	vld [tilespmem:s6+$0x14180]  }
0x2a8: {  	v22 =	vsel vm4, $0x1, v1;
	vm2 =	vgt.f32 v24, v14;
	vm3 =	vgt.f32 v21, v16  }
0x2a9: {  	v23 =	vsel vm1, v23, v25;
	v16 =	vsel vm3, v21, v16;
	v21 =	vsel vm3, v26, v30  }
0x2aa: {  	v17 =	vsel vm0, v17, v19;
	vm1 =	vgt.f32 v15, v18;
	vm0 =	vgt.f32 v23, v16;
	v25 =	vld [tilespmem:s6+$0x14200]  }
0x2ab: {  	v14 =	vsel vm2, v24, v14;
	v19 =	vsel vm2, v29, v22;
	v16 =	vsel vm0, v23, v16  }
0x2ac: {  	vm3 =	vgt.f32 v13, v14;
	v15 =	vsel vm1, v15, v18;
	vm2 =	vgt.f32 v32, v28;
	v18 =	vld [tilespmem:s5+$0x0];
	s5 =	smov.u32 s7  }
0x2ad: {  	v13 =	vsel vm3, v13, v14;
	v14 =	vsel vm3, v17, v19;
	v22 =	vsel vm2, v32, v28  }
0x2ae: {  	v17 =	vsel vm1, $0x11, v9;
	v19 =	vsel vm2, $0x13, v10;
	vm1 =	vgt.f32 v22, v15  }
0x2af: {  	v15 =	vsel vm1, v22, v15;
	v17 =	vsel vm1, v19, v17;
	vm1 =	vgt.f32 v16, v13  }
0x2b0: {  	v19 =	vsel vm0, v20, v21;
	vm0 =	vgt.f32 v25, v15;
	v13 =	vsel vm1, v16, v13  }
0x2b1: {  	v14 =	vsel vm1, v19, v14;
	v15 =	vsel vm0, v25, v15;
	v16 =	vmul.u32 $0x15, v18  }
0x2b2: {  	v17 =	vsel vm0, $0x14, v17;
	vm0 =	vgt.f32 v15, v13  }
0x2b3: {  	v13 =	vsel vm0, v17, v14  }
0x2b4: {  	v13 =	vadd.s32 v13, v16  }
0x2b5: {  	v13 =	vadd.s32 v11, v13;
	_ =	sdelay $0x2  }
0x2b6: {  	s6 =	sand.u32 $0x70, s9;
	s9 =	sand.u32 $0x3C00, s4  }
0x2b7: {  	s6 =	sor.u32 s6, s9  }
0x2b8: {  	[tilespmem:v13+s31+$0x0] =	vst.idx.add.f32.msk $0xffff, v12  }
0x2b9: {  	v18 =	vld [tilespmem:s6+$0x10380]  }
0x2ba: {  	v13 =	vld [tilespmem:s6+$0xC380]  }
0x2bb: {  	v15 =	vld [tilespmem:s6+$0xC280]  }
0x2bc: {  	v19 =	vld [tilespmem:s6+$0x10180]  }
0x2bd: {  	v24 =	vld [tilespmem:s6+$0xC100]  }
0x2be: {  	v17 =	vld [tilespmem:s6+$0xC300]  }
0x2bf: {  	v25 =	vld [tilespmem:s6+$0x10280]  }
0x2c0: {  	v20 =	vld [tilespmem:s6+$0xC200]  }
0x2c1: {  	v14 =	vld [tilespmem:s6+$0xC080]  }
0x2c2: {  	v16 =	vld [tilespmem:s6+$0x10000]  }
0x2c3: {  	v21 =	vld [tilespmem:s6+$0x10100];
	vm1 =	vgt.f32 v13, v17  }
0x2c4: {  	v23 =	vld [tilespmem:s6+$0x10300];
	v13 =	vsel vm1, v13, v17  }
0x2c5: {  	v26 =	vld [tilespmem:s6+$0x10200];
	vm3 =	vgt.f32 v15, v20  }
0x2c6: {  	v27 =	vld [tilespmem:s6+$0xC180];
	v15 =	vsel vm3, v15, v20  }
0x2c7: {  	v20 =	vld [tilespmem:s6+$0xC000];
	vm0 =	vgt.f32 v13, v15  }
.Ltmp8:
0x2c8: {  	v22 =	vld [tilespmem:s6+$0x10080];
	vm2 =	vgt.f32 v19, v21;
	v13 =	vsel vm0, v13, v15;
	(pc) =	sbr.rel @p0 .LBB2_18-.Ltmp8, $4  }
0x2c9: {  	v17 =	vsel vm1, $0x7, v4;
	v21 =	vsel vm2, v19, v21;
	vm5 =	vgt.f32 v18, v23  }
0x2ca: {  	v19 =	vsel vm3, $0x5, v3;
	v15 =	vld [tilespmem:s6+$0x14080];
	vm3 =	vgt.f32 v25, v26;
	v23 =	vsel vm5, v18, v23  }
0x2cb: {  	v18 =	vld [tilespmem:s6+$0x14000];
	vm6 =	vgt.f32 v27, v24;
	v25 =	vsel vm3, v25, v26  }
0x2cc: {  	vm4 =	vgt.f32 v14, v20;
	v24 =	vsel vm6, v27, v24;
	vm1 =	vgt.f32 v23, v25  }
0x2cd: {  	vm7 =	vgt.f32 v22, v16;
	v26 =	vsel vm2, $0xB, v6  }
0x2ce: {  	v27 =	vsel vm5, $0xF, v8;
	v28 =	vld [tilespmem:s6+$0x14100];
	v29 =	vsel vm6, $0x3, v2;
	v31 =	vsel vm3, $0xD, v7  }
0x2cf: {  	v32 =	vld [tilespmem:s6+$0x14180];
	v14 =	vsel vm4, v14, v20;
	v23 =	vsel vm1, v23, v25;
	v17 =	vsel vm0, v17, v19  }
0x2d0: {  	v30 =	vsel vm7, $0x9, v5;
	v16 =	vsel vm7, v22, v16;
	v20 =	vsel vm1, v27, v31  }
0x2d1: {  	v22 =	vsel vm4, $0x1, v1;
	vm3 =	vgt.f32 v24, v14;
	vm2 =	vgt.f32 v21, v16  }
0x2d2: {  	v14 =	vsel vm3, v24, v14;
	v22 =	vsel vm3, v29, v22;
	v16 =	vsel vm2, v21, v16  }
0x2d3: {  	v19 =	vld [tilespmem:s6+$0x14200];
	v21 =	vsel vm2, v26, v30;
	vm1 =	vgt.f32 v15, v18;
	vm3 =	vgt.f32 v13, v14  }
0x2d4: {  	vm0 =	vgt.f32 v23, v16;
	v15 =	vsel vm1, v15, v18;
	vm2 =	vgt.f32 v32, v28  }
0x2d5: {  	v18 =	vld [tilespmem:s5+$0x0];
	v13 =	vsel vm3, v13, v14;
	v16 =	vsel vm0, v23, v16;
	v23 =	vsel vm2, v32, v28  }
0x2d6: {  	v14 =	vsel vm1, $0x11, v9;
	v17 =	vsel vm3, v17, v22;
	vm1 =	vgt.f32 v23, v15  }
0x2d7: {  	v20 =	vsel vm0, v20, v21;
	v24 =	vsel vm2, $0x13, v10;
	v15 =	vsel vm1, v23, v15  }
0x2d8: {  	v14 =	vsel vm1, v24, v14;
	vm1 =	vgt.f32 v16, v13;
	vm0 =	vgt.f32 v19, v15  }
0x2d9: {  	v13 =	vsel vm1, v16, v13;
	v16 =	vsel vm1, v20, v17;
	v15 =	vsel vm0, v19, v15  }
0x2da: {  	v17 =	vmul.u32 $0x15, v18;
	v14 =	vsel vm0, $0x14, v14;
	vm0 =	vgt.f32 v15, v13  }
0x2db: {  	v13 =	vsel vm0, v14, v16  }
0x2dc: {  	v13 =	vadd.s32 v13, v17  }
0x2dd: {  	v13 =	vadd.s32 v11, v13;
	_ =	sdelay $0x4  }
0x2de: {  	[tilespmem:v13+s31+$0x0] =	vst.idx.add.f32.msk $0xffff, v12  }
0x2df: {  	_ =	swait.ge [sflag:s28], $0xC000  }
0x2e0: {  	[sflag:s28] =	ssyncset.done $0x0  }
0x2e1: {  	[sflag:s28] =	ssyncadd.s32 $0xFFFF4000  }
0x2e2: {  	_ =	swait.ge [sflag:s28], $0x800  }
0x2e3: {  	s4 =	simm.s32 $0x0;
	[sflag:s28] =	ssyncset.done $0x0  }
0x2e4: {  	s9 =	sand.u32 $0x70, s4;
	s10 =	sand.u32 $0x3C00, s4;
	[sflag:s28] =	ssyncadd.s32 $0xFFFFF800  }
0x2e5: {  	[tilespmem:s29], [sflag:$0x2] =	stream.strided.gather [hbm4b:s20+s25], $0xC000, s26, s25, $0x38;
	[tilespmem:$0x1AE00] =	vst v63  }
0x2e6: {  	s6 =	sor.u32 s9, s10  }
0x2e7: {  	[tilespmem:s30], [sflag:$0x2] =	stream.linear.gather [hbm4b:s22+s4], $0x800, $0x38;
	[tilespmem:$0x1AE00] =	vst v63  }
0x2e8: {  	v18 =	vld [tilespmem:s6+$0x4380]  }
0x2e9: {  	v13 =	vld [tilespmem:s6+$0x380]  }
0x2ea: {  	v15 =	vld [tilespmem:s6+$0x280]  }
0x2eb: {  	v19 =	vld [tilespmem:s6+$0x4180]  }
0x2ec: {  	v24 =	vld [tilespmem:s6+$0x100]  }
0x2ed: {  	v16 =	vld [tilespmem:s6+$0x300]  }
0x2ee: {  	v25 =	vld [tilespmem:s6+$0x4280]  }
0x2ef: {  	v17 =	vld [tilespmem:s6+$0x200]  }
0x2f0: {  	v14 =	vld [tilespmem:s6+$0x80]  }
0x2f1: {  	v21 =	vld [tilespmem:s6+$0x4100]  }
0x2f2: {  	v23 =	vld [tilespmem:s6+$0x4300]  }
0x2f3: {  	v27 =	vld [tilespmem:s6+$0x180]  }
0x2f4: {  	v20 =	vld [tilespmem:s6+$0x0]  }
0x2f5: {  	v26 =	vld [tilespmem:s6+$0x4200];
	_ =	sdelay $0x1  }
0x2f6: {  	v22 =	vld [tilespmem:s6+$0x4080];
	vm1 =	vgt.f32 v13, v16;
	vm3 =	vgt.f32 v15, v17;
	vm2 =	vgt.f32 v19, v21  }
0x2f7: {  	vm5 =	vgt.f32 v18, v23;
	vm6 =	vgt.f32 v27, v24;
	v13 =	vsel vm1, v13, v16;
	v16 =	vld [tilespmem:s6+$0x4000]  }
0x2f8: {  	vm4 =	vgt.f32 v14, v20;
	v15 =	vsel vm3, v15, v17;
	v17 =	vsel vm1, $0x7, v4  }
0x2f9: {  	v21 =	vsel vm2, v19, v21;
	v19 =	vsel vm3, $0x5, v3;
	vm3 =	vgt.f32 v25, v26  }
0x2fa: {  	v23 =	vsel vm5, v18, v23;
	v18 =	vld [tilespmem:s6+$0x8000];
	vm0 =	vgt.f32 v13, v15;
	v25 =	vsel vm3, v25, v26  }
0x2fb: {  	s7 =	simm.s32 $0x18000;
	s8 =	simm.s32 $0x10;
	s5 =	simm.s32 $0x18000;
	v24 =	vsel vm6, v27, v24;
	v13 =	vsel vm0, v13, v15;
	v15 =	vld [tilespmem:s6+$0x8080];
	vm1 =	vgt.f32 v23, v25  }
.LBB2_20:
0x2fc: {  	p0 =	sne.s32 s8, $0x7F0;
	vm7 =	vgt.f32 v22, v16;
	v26 =	vsel vm2, $0xB, v6;
	v27 =	vsel vm5, $0xF, v8;
	s4 =	sadd.s32 $0x80, s4;
	s7 =	sadd.s32 $0x10, s7  }
0x2fd: {  	v29 =	vsel vm6, $0x3, v2;
	v31 =	vsel vm3, $0xD, v7;
	s9 =	smov.u32 s8;
	s8 =	sadd.s32 $0x10, s8;
	v28 =	vld [tilespmem:s6+$0x8100];
	v30 =	vsel vm7, $0x9, v5  }
0x2fe: {  	v14 =	vsel vm4, v14, v20;
	v16 =	vsel vm7, v22, v16;
	v20 =	vsel vm1, v27, v31;
	v32 =	vld [tilespmem:s6+$0x8180]  }
0x2ff: {  	v22 =	vsel vm4, $0x1, v1;
	vm2 =	vgt.f32 v24, v14;
	vm3 =	vgt.f32 v21, v16  }
0x300: {  	v23 =	vsel vm1, v23, v25;
	v16 =	vsel vm3, v21, v16;
	v21 =	vsel vm3, v26, v30  }
0x301: {  	v17 =	vsel vm0, v17, v19;
	vm1 =	vgt.f32 v15, v18;
	vm0 =	vgt.f32 v23, v16;
	v25 =	vld [tilespmem:s6+$0x8200]  }
0x302: {  	v14 =	vsel vm2, v24, v14;
	v19 =	vsel vm2, v29, v22;
	v16 =	vsel vm0, v23, v16  }
0x303: {  	vm3 =	vgt.f32 v13, v14;
	v15 =	vsel vm1, v15, v18;
	vm2 =	vgt.f32 v32, v28;
	v18 =	vld [tilespmem:s5+$0x0];
	s5 =	smov.u32 s7  }
0x304: {  	v13 =	vsel vm3, v13, v14;
	v14 =	vsel vm3, v17, v19;
	v22 =	vsel vm2, v32, v28  }
0x305: {  	v17 =	vsel vm1, $0x11, v9;
	v19 =	vsel vm2, $0x13, v10;
	vm1 =	vgt.f32 v22, v15  }
0x306: {  	v15 =	vsel vm1, v22, v15;
	v17 =	vsel vm1, v19, v17;
	vm1 =	vgt.f32 v16, v13  }
0x307: {  	v19 =	vsel vm0, v20, v21;
	vm0 =	vgt.f32 v25, v15;
	v13 =	vsel vm1, v16, v13  }
0x308: {  	v14 =	vsel vm1, v19, v14;
	v15 =	vsel vm0, v25, v15;
	v16 =	vmul.u32 $0x15, v18  }
0x309: {  	v17 =	vsel vm0, $0x14, v17;
	vm0 =	vgt.f32 v15, v13  }
0x30a: {  	v13 =	vsel vm0, v17, v14  }
0x30b: {  	v13 =	vadd.s32 v13, v16  }
0x30c: {  	v13 =	vadd.s32 v11, v13;
	_ =	sdelay $0x2  }
0x30d: {  	s6 =	sand.u32 $0x70, s9;
	s9 =	sand.u32 $0x3C00, s4  }
0x30e: {  	s6 =	sor.u32 s6, s9  }
0x30f: {  	[tilespmem:v13+s31+$0x0] =	vst.idx.add.f32.msk $0xffff, v12  }
0x310: {  	v18 =	vld [tilespmem:s6+$0x4380]  }
0x311: {  	v13 =	vld [tilespmem:s6+$0x380]  }
0x312: {  	v15 =	vld [tilespmem:s6+$0x280]  }
0x313: {  	v19 =	vld [tilespmem:s6+$0x4180]  }
0x314: {  	v24 =	vld [tilespmem:s6+$0x100]  }
0x315: {  	v17 =	vld [tilespmem:s6+$0x300]  }
0x316: {  	v25 =	vld [tilespmem:s6+$0x4280]  }
0x317: {  	v20 =	vld [tilespmem:s6+$0x200]  }
0x318: {  	v14 =	vld [tilespmem:s6+$0x80]  }
0x319: {  	v16 =	vld [tilespmem:s6+$0x4000]  }
0x31a: {  	v21 =	vld [tilespmem:s6+$0x4100];
	vm1 =	vgt.f32 v13, v17  }
0x31b: {  	v23 =	vld [tilespmem:s6+$0x4300];
	v13 =	vsel vm1, v13, v17  }
0x31c: {  	v26 =	vld [tilespmem:s6+$0x4200];
	vm3 =	vgt.f32 v15, v20  }
0x31d: {  	v27 =	vld [tilespmem:s6+$0x180];
	v15 =	vsel vm3, v15, v20  }
0x31e: {  	v20 =	vld [tilespmem:s6+$0x0];
	vm0 =	vgt.f32 v13, v15  }
.Ltmp9:
0x31f: {  	v22 =	vld [tilespmem:s6+$0x4080];
	vm2 =	vgt.f32 v19, v21;
	v13 =	vsel vm0, v13, v15;
	(pc) =	sbr.rel @p0 .LBB2_20-.Ltmp9, $4  }
0x320: {  	v17 =	vsel vm1, $0x7, v4;
	v21 =	vsel vm2, v19, v21;
	vm5 =	vgt.f32 v18, v23  }
0x321: {  	v19 =	vsel vm3, $0x5, v3;
	v15 =	vld [tilespmem:s6+$0x8080];
	vm3 =	vgt.f32 v25, v26;
	v23 =	vsel vm5, v18, v23  }
0x322: {  	v18 =	vld [tilespmem:s6+$0x8000];
	vm6 =	vgt.f32 v27, v24;
	v25 =	vsel vm3, v25, v26  }
0x323: {  	vm4 =	vgt.f32 v14, v20;
	v24 =	vsel vm6, v27, v24;
	vm1 =	vgt.f32 v23, v25  }
0x324: {  	vm7 =	vgt.f32 v22, v16;
	v26 =	vsel vm2, $0xB, v6  }
0x325: {  	v27 =	vsel vm5, $0xF, v8;
	v28 =	vld [tilespmem:s6+$0x8100];
	v29 =	vsel vm6, $0x3, v2;
	v31 =	vsel vm3, $0xD, v7  }
0x326: {  	v32 =	vld [tilespmem:s6+$0x8180];
	v14 =	vsel vm4, v14, v20;
	v23 =	vsel vm1, v23, v25;
	v17 =	vsel vm0, v17, v19  }
0x327: {  	v30 =	vsel vm7, $0x9, v5;
	v16 =	vsel vm7, v22, v16;
	v20 =	vsel vm1, v27, v31  }
0x328: {  	v22 =	vsel vm4, $0x1, v1;
	vm3 =	vgt.f32 v24, v14;
	vm2 =	vgt.f32 v21, v16  }
0x329: {  	v14 =	vsel vm3, v24, v14;
	v22 =	vsel vm3, v29, v22;
	v16 =	vsel vm2, v21, v16  }
0x32a: {  	v19 =	vld [tilespmem:s6+$0x8200];
	v21 =	vsel vm2, v26, v30;
	vm1 =	vgt.f32 v15, v18;
	vm3 =	vgt.f32 v13, v14  }
0x32b: {  	vm0 =	vgt.f32 v23, v16;
	v15 =	vsel vm1, v15, v18;
	vm2 =	vgt.f32 v32, v28  }
0x32c: {  	v18 =	vld [tilespmem:s5+$0x0];
	v13 =	vsel vm3, v13, v14;
	v16 =	vsel vm0, v23, v16;
	v23 =	vsel vm2, v32, v28  }
0x32d: {  	v14 =	vsel vm1, $0x11, v9;
	v17 =	vsel vm3, v17, v22;
	vm1 =	vgt.f32 v23, v15  }
0x32e: {  	v20 =	vsel vm0, v20, v21;
	v24 =	vsel vm2, $0x13, v10;
	v15 =	vsel vm1, v23, v15  }
0x32f: {  	v14 =	vsel vm1, v24, v14;
	vm1 =	vgt.f32 v16, v13;
	vm0 =	vgt.f32 v19, v15  }
0x330: {  	v13 =	vsel vm1, v16, v13;
	v16 =	vsel vm1, v20, v17;
	v15 =	vsel vm0, v19, v15  }
0x331: {  	v17 =	vmul.u32 $0x15, v18;
	v14 =	vsel vm0, $0x14, v14;
	vm0 =	vgt.f32 v15, v13  }
0x332: {  	v13 =	vsel vm0, v14, v16  }
0x333: {  	v13 =	vadd.s32 v13, v17  }
0x334: {  	v13 =	vadd.s32 v11, v13;
	_ =	sdelay $0x4  }
0x335: {  	[tilespmem:v13+s31+$0x0] =	vst.idx.add.f32.msk $0xffff, v12  }
0x336: {  	_ =	swait.ge [sflag:s1], $0xC000  }
0x337: {  	[sflag:s1] =	ssyncset.done $0x0  }
0x338: {  	[sflag:s1] =	ssyncadd.s32 $0xFFFF4000  }
0x339: {  	s4 =	simm.s32 $0x0;
	_ =	swait.ge [sflag:s1], $0x800  }
0x33a: {  	s9 =	sand.u32 $0x70, s4;
	s10 =	sand.u32 $0x3C00, s4;
	[sflag:s1] =	ssyncset.done $0x0  }
0x33b: {  	s6 =	sor.u32 s9, s10;
	[sflag:s1] =	ssyncadd.s32 $0xFFFFF800  }
0x33c: {  	v18 =	vld [tilespmem:s6+$0x10380]  }
0x33d: {  	v13 =	vld [tilespmem:s6+$0xC380]  }
0x33e: {  	v15 =	vld [tilespmem:s6+$0xC280]  }
0x33f: {  	v19 =	vld [tilespmem:s6+$0x10180]  }
0x340: {  	v24 =	vld [tilespmem:s6+$0xC100]  }
0x341: {  	v16 =	vld [tilespmem:s6+$0xC300]  }
0x342: {  	v25 =	vld [tilespmem:s6+$0x10280]  }
0x343: {  	v17 =	vld [tilespmem:s6+$0xC200]  }
0x344: {  	v14 =	vld [tilespmem:s6+$0xC080]  }
0x345: {  	v21 =	vld [tilespmem:s6+$0x10100]  }
0x346: {  	v23 =	vld [tilespmem:s6+$0x10300]  }
0x347: {  	v27 =	vld [tilespmem:s6+$0xC180]  }
0x348: {  	v20 =	vld [tilespmem:s6+$0xC000]  }
0x349: {  	v26 =	vld [tilespmem:s6+$0x10200];
	_ =	sdelay $0x1  }
0x34a: {  	v22 =	vld [tilespmem:s6+$0x10080];
	vm1 =	vgt.f32 v13, v16;
	vm3 =	vgt.f32 v15, v17;
	vm2 =	vgt.f32 v19, v21  }
0x34b: {  	vm5 =	vgt.f32 v18, v23;
	vm6 =	vgt.f32 v27, v24;
	v13 =	vsel vm1, v13, v16;
	v16 =	vld [tilespmem:s6+$0x10000]  }
0x34c: {  	vm4 =	vgt.f32 v14, v20;
	v15 =	vsel vm3, v15, v17;
	v17 =	vsel vm1, $0x7, v4  }
0x34d: {  	v21 =	vsel vm2, v19, v21;
	v19 =	vsel vm3, $0x5, v3;
	vm3 =	vgt.f32 v25, v26  }
0x34e: {  	s7 =	simm.s32 $0x18800;
	v23 =	vsel vm5, v18, v23;
	v18 =	vld [tilespmem:s6+$0x14000];
	vm0 =	vgt.f32 v13, v15;
	v25 =	vsel vm3, v25, v26  }
0x34f: {  	s8 =	simm.s32 $0x10;
	s9 =	simm.s32 $0x0;
	s5 =	simm.s32 $0x18800;
	v24 =	vsel vm6, v27, v24;
	v13 =	vsel vm0, v13, v15;
	v15 =	vld [tilespmem:s6+$0x14080];
	vm1 =	vgt.f32 v23, v25  }
.LBB2_22:
0x350: {  	p0 =	sne.s32 s8, $0x7F0;
	vm7 =	vgt.f32 v22, v16;
	v26 =	vsel vm2, $0xB, v6;
	v27 =	vsel vm5, $0xF, v8;
	s9 =	sadd.s32 $0x80, s9;
	s7 =	sadd.s32 $0x10, s7  }
0x351: {  	v29 =	vsel vm6, $0x3, v2;
	v31 =	vsel vm3, $0xD, v7;
	s10 =	smov.u32 s8;
	s8 =	sadd.s32 $0x10, s8;
	v28 =	vld [tilespmem:s6+$0x14100];
	v30 =	vsel vm7, $0x9, v5  }
0x352: {  	v14 =	vsel vm4, v14, v20;
	v16 =	vsel vm7, v22, v16;
	v20 =	vsel vm1, v27, v31;
	v32 =	vld [tilespmem:s6+$0x14180]  }
0x353: {  	v22 =	vsel vm4, $0x1, v1;
	vm2 =	vgt.f32 v24, v14;
	vm3 =	vgt.f32 v21, v16  }
0x354: {  	v23 =	vsel vm1, v23, v25;
	v16 =	vsel vm3, v21, v16;
	v21 =	vsel vm3, v26, v30  }
0x355: {  	v17 =	vsel vm0, v17, v19;
	vm1 =	vgt.f32 v15, v18;
	vm0 =	vgt.f32 v23, v16;
	v25 =	vld [tilespmem:s6+$0x14200]  }
0x356: {  	v14 =	vsel vm2, v24, v14;
	v19 =	vsel vm2, v29, v22;
	v16 =	vsel vm0, v23, v16  }
0x357: {  	vm3 =	vgt.f32 v13, v14;
	v15 =	vsel vm1, v15, v18;
	vm2 =	vgt.f32 v32, v28;
	v18 =	vld [tilespmem:s5+$0x0];
	s5 =	smov.u32 s7  }
0x358: {  	v13 =	vsel vm3, v13, v14;
	v14 =	vsel vm3, v17, v19;
	v22 =	vsel vm2, v32, v28  }
0x359: {  	v17 =	vsel vm1, $0x11, v9;
	v19 =	vsel vm2, $0x13, v10;
	vm1 =	vgt.f32 v22, v15  }
0x35a: {  	v15 =	vsel vm1, v22, v15;
	v17 =	vsel vm1, v19, v17;
	vm1 =	vgt.f32 v16, v13  }
0x35b: {  	v19 =	vsel vm0, v20, v21;
	vm0 =	vgt.f32 v25, v15;
	v13 =	vsel vm1, v16, v13  }
0x35c: {  	v14 =	vsel vm1, v19, v14;
	v15 =	vsel vm0, v25, v15;
	v16 =	vmul.u32 $0x15, v18  }
0x35d: {  	v17 =	vsel vm0, $0x14, v17;
	vm0 =	vgt.f32 v15, v13  }
0x35e: {  	v13 =	vsel vm0, v17, v14  }
0x35f: {  	v13 =	vadd.s32 v13, v16  }
0x360: {  	v13 =	vadd.s32 v11, v13;
	_ =	sdelay $0x2  }
0x361: {  	s6 =	sand.u32 $0x70, s10;
	s10 =	sand.u32 $0x3C00, s9  }
0x362: {  	s6 =	sor.u32 s6, s10  }
0x363: {  	[tilespmem:v13+s31+$0x0] =	vst.idx.add.f32.msk $0xffff, v12  }
0x364: {  	v18 =	vld [tilespmem:s6+$0x10380]  }
0x365: {  	v13 =	vld [tilespmem:s6+$0xC380]  }
0x366: {  	v15 =	vld [tilespmem:s6+$0xC280]  }
0x367: {  	v19 =	vld [tilespmem:s6+$0x10180]  }
0x368: {  	v24 =	vld [tilespmem:s6+$0xC100]  }
0x369: {  	v17 =	vld [tilespmem:s6+$0xC300]  }
0x36a: {  	v25 =	vld [tilespmem:s6+$0x10280]  }
0x36b: {  	v20 =	vld [tilespmem:s6+$0xC200]  }
0x36c: {  	v14 =	vld [tilespmem:s6+$0xC080]  }
0x36d: {  	v16 =	vld [tilespmem:s6+$0x10000]  }
0x36e: {  	v21 =	vld [tilespmem:s6+$0x10100];
	vm1 =	vgt.f32 v13, v17  }
0x36f: {  	v23 =	vld [tilespmem:s6+$0x10300];
	v13 =	vsel vm1, v13, v17  }
0x370: {  	v26 =	vld [tilespmem:s6+$0x10200];
	vm3 =	vgt.f32 v15, v20  }
0x371: {  	v27 =	vld [tilespmem:s6+$0xC180];
	v15 =	vsel vm3, v15, v20  }
0x372: {  	v20 =	vld [tilespmem:s6+$0xC000];
	vm0 =	vgt.f32 v13, v15  }
.Ltmp10:
0x373: {  	v22 =	vld [tilespmem:s6+$0x10080];
	vm2 =	vgt.f32 v19, v21;
	v13 =	vsel vm0, v13, v15;
	(pc) =	sbr.rel @p0 .LBB2_22-.Ltmp10, $4  }
0x374: {  	v17 =	vsel vm1, $0x7, v4;
	v21 =	vsel vm2, v19, v21;
	vm5 =	vgt.f32 v18, v23  }
0x375: {  	v19 =	vsel vm3, $0x5, v3;
	v15 =	vld [tilespmem:s6+$0x14080];
	vm3 =	vgt.f32 v25, v26;
	v23 =	vsel vm5, v18, v23  }
0x376: {  	v18 =	vld [tilespmem:s6+$0x14000];
	vm6 =	vgt.f32 v27, v24;
	v25 =	vsel vm3, v25, v26  }
0x377: {  	vm4 =	vgt.f32 v14, v20;
	v24 =	vsel vm6, v27, v24;
	vm1 =	vgt.f32 v23, v25  }
0x378: {  	vm7 =	vgt.f32 v22, v16;
	v26 =	vsel vm2, $0xB, v6  }
0x379: {  	v27 =	vsel vm5, $0xF, v8;
	v28 =	vld [tilespmem:s6+$0x14100];
	v29 =	vsel vm6, $0x3, v2;
	v31 =	vsel vm3, $0xD, v7  }
0x37a: {  	v32 =	vld [tilespmem:s6+$0x14180];
	v14 =	vsel vm4, v14, v20;
	v51 =	vsel vm4, $0x1, v1;
	v23 =	vsel vm1, v23, v25  }
0x37b: {  	v17 =	vsel vm0, v17, v19;
	v30 =	vsel vm7, $0x9, v5;
	v16 =	vsel vm7, v22, v16  }
0x37c: {  	v50 =	vsel vm1, v27, v31;
	vm7 =	vgt.f32 v24, v14;
	vm6 =	vgt.f32 v21, v16  }
0x37d: {  	v54 =	vld [tilespmem:s5+$0x0];
	v14 =	vsel vm7, v24, v14;
	v22 =	vsel vm7, v29, v51;
	v16 =	vsel vm6, v21, v16  }
0x37e: {  	v53 =	vld [tilespmem:s6+$0x14200];
	v52 =	vsel vm6, v26, v30;
	vm8 =	vgt.f32 v15, v18;
	vm11 =	vgt.f32 v13, v14  }
0x37f: {  	vm9 =	vgt.f32 v23, v16;
	v15 =	vsel vm8, v15, v18;
	vm10 =	vgt.f32 v32, v28  }
0x380: {  	v13 =	vsel vm11, v13, v14;
	v14 =	vsel vm8, $0x11, v9;
	v55 =	vsel vm10, v32, v28  }
0x381: {  	v17 =	vsel vm11, v17, v22;
	v16 =	vsel vm9, v23, v16;
	vm12 =	vgt.f32 v55, v15  }
0x382: {  	v20 =	vsel vm9, v50, v52;
	v58 =	vmul.u32 $0x15, v54;
	v15 =	vsel vm12, v55, v15  }
0x383: {  	v56 =	vsel vm10, $0x13, v10;
	vm13 =	vgt.f32 v16, v13;
	vm14 =	vgt.f32 v53, v15  }
0x384: {  	v13 =	vsel vm13, v16, v13;
	v14 =	vsel vm12, v56, v14;
	v15 =	vsel vm14, v53, v15  }
0x385: {  	v57 =	vsel vm13, v20, v17;
	v14 =	vsel vm14, $0x14, v14;
	vm15 =	vgt.f32 v15, v13  }
0x386: {  	v13 =	vsel vm15, v14, v57  }
0x387: {  	v13 =	vadd.s32 v13, v58  }
0x388: {  	v13 =	vadd.s32 v11, v13;
	_ =	sdelay $0x4  }
0x389: {  	s10 =	simm.s32 $0x19FC0;
	[tilespmem:v13+s31+$0x0] =	vst.idx.add.f32.msk $0xffff, v12  }
0x38a: {  	v13 =	vld [tilespmem:s10+$0xFFFFF040];
	_ =	sdelay $0x1  }
0x38b: {  	v14 =	vld [tilespmem:s10+$0xFFFFF200]  }
0x38c: {  	s4 =	sand.u32 $0x1F0, s4  }
0x38d: {  	v15 =	vld [tilespmem:s4+$0x19380]  }
0x38e: {  	v13 =	vadd.f32 $0.0e+00, v13  }
0x38f: {  	v59 =	vld [tilespmem:s10+$0xFFFFF580]  }
0x390: {  	v13 =	vadd.f32 v14, v13  }
0x391: {  	v14 =	vld [tilespmem:s4+$0x19700]  }
0x392: {  	v13 =	vadd.f32 v15, v13  }
0x393: {  	v15 =	vld [tilespmem:s10+$0xFFFFF900]  }
0x394: {  	v13 =	vadd.f32 v59, v13  }
0x395: {  	v60 =	vld [tilespmem:s4+$0x19A80]  }
0x396: {  	v13 =	vadd.f32 v14, v13  }
0x397: {  	v14 =	vld [tilespmem:s10+$0xFFFFFC80]  }
0x398: {  	v13 =	vadd.f32 v15, v13  }
0x399: {  	v15 =	vld [tilespmem:s4+$0x19E00]  }
0x39a: {  	v13 =	vadd.f32 v60, v13  }
0x39b: {  	v61 =	vld [tilespmem:s10+$0x0]  }
0x39c: {  	v13 =	vadd.f32 v14, v13  }
0x39d: {  	v14 =	vld [tilespmem:s4+$0x1A180]  }
0x39e: {  	v13 =	vadd.f32 v15, v13  }
0x39f: {  	v15 =	vld [tilespmem:s10+$0x380]  }
0x3a0: {  	v13 =	vadd.f32 v61, v13  }
0x3a1: {  	v62 =	vld [tilespmem:s4+$0x1A500]  }
0x3a2: {  	v13 =	vadd.f32 v14, v13  }
0x3a3: {  	v14 =	vld [tilespmem:s10+$0x700]  }
0x3a4: {  	v13 =	vadd.f32 v15, v13  }
0x3a5: {  	v15 =	vld [tilespmem:s4+$0x1A880]  }
0x3a6: {  	v13 =	vadd.f32 v62, v13  }
0x3a7: {  	v63 =	vld [tilespmem:s10+$0xA80]  }
0x3a8: {  	v13 =	vadd.f32 v14, v13;
	_ =	sdelay $0x1  }
0x3a9: {  	v13 =	vadd.f32 v15, v13;
	_ =	sdelay $0x1  }
0x3aa: {  	v13 =	vadd.f32 v63, v13  }
0x3ab: {  	s4 =	simm.s32 $0x1AC00  }
0x3ac: {  	s5 =	simm.s32 $0x19FD0;
	[tilespmem:s4+$0x0] =	vst v13  }
0x3ad: {  	s6 =	simm.s32 $0x10;
	s7 =	simm.s32 $0x20;
	v13 =	vld [tilespmem:s5+$0xFFFFF040]  }
.LBB2_24:
0x3ae: {  	p0 =	sne.s32 s7, $0x1B0  }
0x3af: {  	v14 =	vld [tilespmem:s5+$0xFFFFF200]  }
0x3b0: {  	s8 =	sand.u32 $0x1F0, s6;
	s6 =	smov.u32 s7  }
0x3b1: {  	v15 =	vld [tilespmem:s8+$0x19380]  }
0x3b2: {  	v13 =	vadd.f32 $0.0e+00, v13  }
0x3b3: {  	v16 =	vld [tilespmem:s5+$0xFFFFF580]  }
0x3b4: {  	v13 =	vadd.f32 v14, v13  }
0x3b5: {  	v14 =	vld [tilespmem:s8+$0x19700]  }
0x3b6: {  	v13 =	vadd.f32 v15, v13  }
0x3b7: {  	v15 =	vld [tilespmem:s5+$0xFFFFF900]  }
0x3b8: {  	v13 =	vadd.f32 v16, v13  }
0x3b9: {  	v16 =	vld [tilespmem:s8+$0x19A80]  }
0x3ba: {  	v13 =	vadd.f32 v14, v13  }
0x3bb: {  	v14 =	vld [tilespmem:s5+$0xFFFFFC80]  }
0x3bc: {  	v13 =	vadd.f32 v15, v13  }
0x3bd: {  	v15 =	vld [tilespmem:s8+$0x19E00]  }
0x3be: {  	v13 =	vadd.f32 v16, v13  }
0x3bf: {  	v16 =	vld [tilespmem:s5+$0x0]  }
0x3c0: {  	v13 =	vadd.f32 v14, v13  }
0x3c1: {  	v14 =	vld [tilespmem:s8+$0x1A180]  }
0x3c2: {  	v13 =	vadd.f32 v15, v13  }
0x3c3: {  	v15 =	vld [tilespmem:s5+$0x380]  }
0x3c4: {  	v13 =	vadd.f32 v16, v13  }
0x3c5: {  	v16 =	vld [tilespmem:s8+$0x1A500]  }
0x3c6: {  	v13 =	vadd.f32 v14, v13  }
0x3c7: {  	v14 =	vld [tilespmem:s5+$0x700]  }
0x3c8: {  	v13 =	vadd.f32 v15, v13  }
0x3c9: {  	v15 =	vld [tilespmem:s8+$0x1A880]  }
0x3ca: {  	v13 =	vadd.f32 v16, v13  }
0x3cb: {  	v16 =	vld [tilespmem:s5+$0xA80]  }
0x3cc: {  	v13 =	vadd.f32 v14, v13;
	_ =	sdelay $0x1  }
0x3cd: {  	v13 =	vadd.f32 v15, v13  }
.Ltmp11:
0x3ce: {  	(pc) =	sbr.rel @p0 .LBB2_24-.Ltmp11, $4  }
0x3cf: {  	v13 =	vadd.f32 v16, v13  }
0x3d0: {  	s4 =	sadd.s32 $0x10, s4  }
0x3d1: {  	s5 =	sadd.s32 $0x10, s5;
	[tilespmem:s4+$0x0] =	vst v13  }
0x3d2: {  	s7 =	sadd.s32 $0x10, s7;
	v13 =	vld [tilespmem:s5+$0xFFFFF040]  }
0x3d3: {  	_ = 	snop  }
0x3d4: {  	v14 =	vld [tilespmem:s5+$0xFFFFF200]  }
0x3d5: {  	s6 =	sand.u32 $0x1F0, s6  }
0x3d6: {  	v15 =	vld [tilespmem:s6+$0x19380]  }
0x3d7: {  	v13 =	vadd.f32 $0.0e+00, v13  }
0x3d8: {  	v16 =	vld [tilespmem:s5+$0xFFFFF580]  }
0x3d9: {  	v13 =	vadd.f32 v14, v13  }
0x3da: {  	v14 =	vld [tilespmem:s6+$0x19700]  }
0x3db: {  	v13 =	vadd.f32 v15, v13  }
0x3dc: {  	v15 =	vld [tilespmem:s5+$0xFFFFF900]  }
0x3dd: {  	v13 =	vadd.f32 v16, v13  }
0x3de: {  	v60 =	vld [tilespmem:s6+$0x19A80]  }
0x3df: {  	v13 =	vadd.f32 v14, v13  }
0x3e0: {  	v14 =	vld [tilespmem:s5+$0xFFFFFC80]  }
0x3e1: {  	v13 =	vadd.f32 v15, v13  }
0x3e2: {  	v15 =	vld [tilespmem:s6+$0x19E00]  }
0x3e3: {  	v13 =	vadd.f32 v60, v13  }
0x3e4: {  	v61 =	vld [tilespmem:s5+$0x0]  }
0x3e5: {  	v13 =	vadd.f32 v14, v13  }
0x3e6: {  	v14 =	vld [tilespmem:s6+$0x1A180]  }
0x3e7: {  	v13 =	vadd.f32 v15, v13  }
0x3e8: {  	v15 =	vld [tilespmem:s5+$0x380]  }
0x3e9: {  	v13 =	vadd.f32 v61, v13  }
0x3ea: {  	v62 =	vld [tilespmem:s6+$0x1A500]  }
0x3eb: {  	v13 =	vadd.f32 v14, v13  }
0x3ec: {  	v14 =	vld [tilespmem:s5+$0x700]  }
0x3ed: {  	v13 =	vadd.f32 v15, v13  }
0x3ee: {  	v15 =	vld [tilespmem:s6+$0x1A880]  }
0x3ef: {  	v13 =	vadd.f32 v62, v13  }
0x3f0: {  	v63 =	vld [tilespmem:s5+$0xA80]  }
0x3f1: {  	v13 =	vadd.f32 v14, v13;
	_ =	sdelay $0x1  }
0x3f2: {  	v13 =	vadd.f32 v15, v13;
	_ =	sdelay $0x1  }
0x3f3: {  	s3 =	sadd.s32 $0x1, s3;
	v13 =	vadd.f32 v63, v13  }
0x3f4: {  	s4 =	sadd.s32 $0x10, s4;
	p0 =	sne.s32 s3, s24  }
.Ltmp12:
0x3f5: {  	s9 =	simm.s32 $0x0;
	s10 =	simm.s32 $0x1AC00;
	[tilespmem:s4+$0x0] =	vst v13;
	(pc) =	sbr.rel @p0 .LBB2_1-.Ltmp12, $4  }
0x3f6: {  	[hbm4b:s23+s9] =	stream.linear.scatter [tilespmem:s10], [sflag:$0x3], $0x1C0, $0x38;
	[tilespmem:$0x1AE00] =	vst v63  }
0x3f7: {  	_ =	swait.ge [sflag:s2], $0x1C0  }
0x3f8: {  	[sflag:s2] =	ssyncset.done $0x0  }
0x3f9: {  	[sflag:s2] =	ssyncadd.s32 $0xFFFFFE40  }
0x3fa: {  	_ =	sfence.sel $0x180000  }
0x3fb: {  	[bflag:$0x0] =	sbarrier.arrive $0xFFFF  }
0x3fc: {  	_ =	strace $0x90000047  }
0x3fd: {  	s0 =	stileid.u32;
	[bflag:$0x2] =	sbarrier.arrive $0xFFFF  }
0x3fe: {  	p0 =	sne.s32 s0, $0x0;
	s0 =	rddreg [dreg:$0x3]  }
0x3ff: {  	s0 =	sadd.s32 @!p0 $0x100000, s0  }
0x400: {  	[sflag:s0] =	ssyncadd.tile.s32 @!p0 $0x1;
	_ =	shalt  }
.Lfunc_end2:
_tile_overlayer_lowered:
.L_overlay_start_2:
0x401: {  	(tag) =	ssettag $0x2  }
0x402: {  	s0 =	rddreg [dreg:$0x0];
	s2 =	stileid.u32  }
0x403: {  	s1 =	rddreg [dreg:$0x1];
	p0 =	sne.s32 s2, $0x0  }
0x404: {  	s3 =	rddreg [dreg:$0x2];
	[bflag:$0x3] =	sbarrier.arrive $0xFFFF;
	s2 =	simm.s32 @!p0 $0x1C03  }
0x405: {  	[timem:s3], [sflag:s2] =	dma.local @!p0 [hbm:s0], s1  }
0x406: {  	s0 =	simm.s32 @!p0 $0x3  }
0x407: {  	_ =	swait.ge @!p0 [sflag:s0], s1  }
0x408: {  	s1 =	ssub.s32 @!p0 $0x0, s1;
	[sflag:s0] =	ssyncset.done @!p0 $0x0  }
0x409: {  	[sflag:s0] =	ssyncadd.s32 @!p0 s1  }
0x40a: {  	[bflag:$0x3] =	sbarrier.arrive $0xFFFF  }
0x40b: {  	_ =	shalt  }

</sc_bundles>
